<compile_context>
chip_gen: v7x
topology: tpu7x:2x2x1
jax: 0.10.2.dev20260603
libtpu: 0.0.44.dev20260713+nightly
codegen_flags: <defaults>
</compile_context>

<pallas_src>
import functools

import jax
import jax.numpy as jnp
from jax import lax
from jax.experimental import pallas as pl
from jax.experimental.pallas import tpu as pltpu, tpu_sc as plsc


def _k1_body(x_ref, w_ref, atts_ref, attd_ref, e8_ref, h2_ref, asrc_ref, adst_ref, hs_ref):
    h = jnp.dot(x_ref[...], w_ref[...], preferred_element_type=jnp.float32, precision=jax.lax.Precision.HIGHEST)
    e8 = e8_ref[...]
    asrc_ref[...] = jnp.dot(h * atts_ref[...], e8, preferred_element_type=jnp.float32, precision=jax.lax.Precision.HIGHEST)
    adst_ref[...] = jnp.dot(h * attd_ref[...], e8, preferred_element_type=jnp.float32, precision=jax.lax.Precision.HIGHEST)
    hs_ref[...] = jnp.dot(h, e8, preferred_element_type=jnp.float32, precision=jax.lax.Precision.HIGHEST)
    h2_ref[...] = h


def _k5_body(fuse_ref, x_ref, cb_ref, w_ref, b_ref, out_ref):
    hf = jnp.maximum(fuse_ref[...] + cb_ref[...] + x_ref[...], 0.0)
    out_ref[...] = jnp.dot(hf, w_ref[...], preferred_element_type=jnp.float32, precision=jax.lax.Precision.HIGHEST) + b_ref[...]


def _k2_body(E_PAD, E_ALL, srci, dsti, asrc, adst, hst, zn,
             ex_out, hss_out, denp_out,
             sidx, didx, gsa, gda, ghs, exb, den):
    cid = lax.axis_index("c")
    sid = lax.axis_index("s")
    wid = cid * 16 + sid
    q = E_PAD // 32
    base = wid * q
    it = lax.iota(jnp.int32, 16)
    row0 = it // 8
    col = it % 8

    @pl.when(sid == 0)
    def _():
        pltpu.sync_copy(zn, den)

    for r in range(16):
        exb[r, :] = jnp.zeros((16,), jnp.float32)
    plsc.subcore_barrier()

    @pl.loop(0, q // 16)
    def _(j):
        off = base + j * 16
        pltpu.sync_copy(srci.at[pl.ds(off, 16)], sidx)
        pltpu.sync_copy(dsti.at[pl.ds(off, 16)], didx)
        pltpu.sync_copy(asrc.at[sidx], gsa)
        pltpu.sync_copy(adst.at[didx], gda)
        pltpu.sync_copy(hst.at[sidx], ghs)
        for p in range(8):
            rowp = row0 + 2 * p
            va = plsc.load_gather(gsa, [rowp, col])
            vd = plsc.load_gather(gda, [rowp, col])
            al = va + vd
            al = jnp.maximum(al, 0.2 * al)
            ex = jnp.exp(al)
            glob = off + 2 * p + row0
            ex = jnp.where(glob < E_ALL, ex, 0.0)
            plsc.store_scatter(exb, [rowp, col], ex)
        pltpu.sync_copy(exb, ex_out.at[pl.ds(off, 16)])
        pltpu.sync_copy(ghs, hss_out.at[pl.ds(off, 16)])
        pltpu.sync_copy(exb, den.at[didx], add=True)

    plsc.subcore_barrier()

    @pl.when(sid == 0)
    def _():
        pltpu.sync_copy(den, denp_out.at[cid])


def _k3_body(E_PAD, ex_in, hss_in, dsti, den0, den1,
             coef_out, ms_out,
             didx, exb, hsb, g0, g1, cfb, msb):
    cid = lax.axis_index("c")
    sid = lax.axis_index("s")
    wid = cid * 16 + sid
    q = E_PAD // 32
    base = wid * q
    it = lax.iota(jnp.int32, 16)
    row0 = it // 8
    col = it % 8

    acc_fin = pl.loop(0, q // 16, init_carry=jnp.zeros((16,), jnp.float32))(
        lambda j, acc: _k3_chunk(base + j * 16, acc, ex_in, hss_in, dsti, den0, den1,
                                 coef_out, didx, exb, hsb, g0, g1, cfb, row0, col))
    msb[...] = acc_fin
    pltpu.sync_copy(msb, ms_out.at[wid])


def _k3_chunk(off, acc, ex_in, hss_in, dsti, den0, den1, coef_out,
              didx, exb, hsb, g0, g1, cfb, row0, col):
    pltpu.sync_copy(dsti.at[pl.ds(off, 16)], didx)
    pltpu.sync_copy(ex_in.at[pl.ds(off, 16)], exb)
    pltpu.sync_copy(hss_in.at[pl.ds(off, 16)], hsb)
    pltpu.sync_copy(den0.at[didx], g0)
    pltpu.sync_copy(den1.at[didx], g1)
    for p in range(8):
        rowp = row0 + 2 * p
        ve = plsc.load_gather(exb, [rowp, col])
        vh = plsc.load_gather(hsb, [rowp, col])
        v0 = plsc.load_gather(g0, [rowp, col])
        v1 = plsc.load_gather(g1, [rowp, col])
        cf = ve / (v0 + v1 + 1e-16)
        acc = acc + cf * vh
        plsc.store_scatter(cfb, [rowp, col], cf)
    pltpu.sync_copy(cfb, coef_out.at[pl.ds(off, 16)])
    return acc


def _k4_body(E_PAD, N, B, coef, gsrc32, dsti, h3f, st, fuse_out,
             sidxv, didxv, hb, cfb, stb, facc, sem):
    cid = lax.axis_index("c")
    sid = lax.axis_index("s")
    wid = cid * 16 + sid
    it = lax.iota(jnp.int32, 16)
    row0 = it // 8
    col8 = it % 8
    z16 = jnp.zeros((16,), jnp.float32)

    pltpu.sync_copy(st, stb)

    @pl.loop(0, N * 8 // 16)
    def _(i):
        facc[pl.ds(i * 16, 16)] = z16

    sv = [stb[h, :] for h in range(8)]

    @pl.loop(0, E_PAD // B)
    def _(j):
        off = j * B
        pltpu.sync_copy(gsrc32.at[wid].at[pl.ds(off, B)], sidxv)
        pltpu.sync_copy(dsti.at[pl.ds(off, B)], didxv)
        cp = pltpu.async_copy(h3f.at[sidxv], hb, sem)
        pltpu.sync_copy(coef.at[pl.ds(off, B)], cfb)
        cp.wait()

        @pl.loop(0, B // 16)
        def _(g):
            for kk in range(8):
                rp = g * 16 + 2 * kk + row0
                acc = z16
                for h in range(8):
                    uv = plsc.load_gather(cfb, [rp, jnp.full((16,), h, jnp.int32)]) * sv[h]
                    hv = plsc.load_gather(hb, [rp, col8 + 8 * h])
                    acc = acc + uv * hv
                dsel = plsc.load_gather(didxv, [rp])
                plsc.addupdate_scatter(facc, [dsel * 8 + col8], acc)

    pltpu.sync_copy(facc, fuse_out.at[wid])


def kernel(x, edge_index, W_gat, att_src, att_dst, bias_gat, conv_w, conv_b, lin_w, lin_b):
    N, IN_C = x.shape
    E = edge_index.shape[1]
    HEADS = att_src.shape[1]
    C = att_src.shape[2]
    HC = HEADS * C
    CH = C // 2
    HALF = HEADS * CH
    E_ALL = E + N
    E_PAD = ((E_ALL + 511) // 512) * 512
    OUT = lin_w.shape[0]

    f32 = jnp.float32
    loop = jnp.arange(N, dtype=edge_index.dtype)
    pad = jnp.zeros((E_PAD - E_ALL,), dtype=edge_index.dtype)
    src_p = jnp.concatenate([edge_index[0], loop, pad])
    dst_p = jnp.concatenate([edge_index[1], loop, pad])

    att_s = att_src.reshape(1, HC)
    att_d = att_dst.reshape(1, HC)
    e8 = jnp.repeat(jnp.eye(HEADS, dtype=f32), C, axis=0)

    BLK = 400
    h2, asrc8, adst8, hs8 = pl.pallas_call(
        _k1_body,
        grid=(N // BLK,),
        in_specs=[
            pl.BlockSpec((BLK, IN_C), lambda i: (i, 0)),
            pl.BlockSpec((IN_C, HC), lambda i: (0, 0)),
            pl.BlockSpec((1, HC), lambda i: (0, 0)),
            pl.BlockSpec((1, HC), lambda i: (0, 0)),
            pl.BlockSpec((HC, HEADS), lambda i: (0, 0)),
        ],
        out_specs=[
            pl.BlockSpec((BLK, HC), lambda i: (i, 0)),
            pl.BlockSpec((BLK, HEADS), lambda i: (i, 0)),
            pl.BlockSpec((BLK, HEADS), lambda i: (i, 0)),
            pl.BlockSpec((BLK, HEADS), lambda i: (i, 0)),
        ],
        out_shape=[
            jax.ShapeDtypeStruct((N, HC), f32),
            jax.ShapeDtypeStruct((N, HEADS), f32),
            jax.ShapeDtypeStruct((N, HEADS), f32),
            jax.ShapeDtypeStruct((N, HEADS), f32),
        ],
    )(x, W_gat, att_s, att_d, e8)

    zpad = jnp.zeros((N, 16 - HEADS), f32)
    asrc_t = jnp.concatenate([asrc8, zpad], axis=1)
    adst_t = jnp.concatenate([adst8, zpad], axis=1)
    hs_t = jnp.concatenate([hs8, zpad], axis=1)
    zn = jnp.zeros((N, 16), f32)

    mesh = plsc.VectorSubcoreMesh(core_axis_name="c", subcore_axis_name="s")

    ex_a, hss_a, denp = pl.kernel(
        functools.partial(_k2_body, E_PAD, E_ALL),
        out_type=[
            jax.ShapeDtypeStruct((E_PAD, 16), f32),
            jax.ShapeDtypeStruct((E_PAD, 16), f32),
            jax.ShapeDtypeStruct((2, N, 16), f32),
        ],
        mesh=mesh,
        compiler_params=pltpu.CompilerParams(use_tc_tiling_on_sc=False, needs_layout_passes=False),
        scratch_types=[
            pltpu.VMEM((16,), jnp.int32),
            pltpu.VMEM((16,), jnp.int32),
            pltpu.VMEM((16, 16), f32),
            pltpu.VMEM((16, 16), f32),
            pltpu.VMEM((16, 16), f32),
            pltpu.VMEM((16, 16), f32),
            pltpu.VMEM_SHARED((N, 16), f32),
        ],
    )(src_p, dst_p, asrc_t, adst_t, hs_t, zn)

    coef_a, ms = pl.kernel(
        functools.partial(_k3_body, E_PAD),
        out_type=[
            jax.ShapeDtypeStruct((E_PAD, 16), f32),
            jax.ShapeDtypeStruct((32, 16), f32),
        ],
        mesh=mesh,
        compiler_params=pltpu.CompilerParams(use_tc_tiling_on_sc=False, needs_layout_passes=False),
        scratch_types=[
            pltpu.VMEM((16,), jnp.int32),
            pltpu.VMEM((16, 16), f32),
            pltpu.VMEM((16, 16), f32),
            pltpu.VMEM((16, 16), f32),
            pltpu.VMEM((16, 16), f32),
            pltpu.VMEM((16, 16), f32),
            pltpu.VMEM((16,), f32),
        ],
    )(ex_a, hss_a, dst_p, denp[0], denp[1])

    ms2 = ms.sum(0)
    msum = ms2[:HEADS] + ms2[HEADS:2 * HEADS]
    bias2 = bias_gat.reshape(HEADS, C)
    mean = msum / (N * C) + bias2.mean(axis=1)
    t = jnp.maximum(conv_w[0, 0, 0, 0] * mean + conv_b[0], 0.0)
    s = jax.nn.softmax(t)
    st = jnp.tile(s[:, None], (1, 16)).astype(f32)
    cb = (s[:, None] * bias2).sum(0)

    h3f = h2.reshape(N, HEADS, 32, 8).transpose(2, 0, 1, 3).reshape(32 * N, 64)
    woff = (jnp.arange(32, dtype=jnp.int32) * N)[:, None]
    gsrc32 = woff + src_p[None, :]
    B4 = 256

    fuse2 = pl.kernel(
        functools.partial(_k4_body, E_PAD, N, B4),
        out_type=jax.ShapeDtypeStruct((32, N * 8), f32),
        mesh=mesh,
        compiler_params=pltpu.CompilerParams(use_tc_tiling_on_sc=False, needs_layout_passes=False),
        scratch_types=[
            pltpu.VMEM((B4,), jnp.int32),
            pltpu.VMEM((B4,), jnp.int32),
            pltpu.VMEM((B4, 64), f32),
            pltpu.VMEM((B4, 16), f32),
            pltpu.VMEM((8, 16), f32),
            pltpu.VMEM((N * 8,), f32),
            pltpu.SemaphoreType.DMA,
        ],
    )(coef_a, gsrc32, dst_p, h3f, st)

    fuse = fuse2.reshape(32, N, 8).transpose(1, 0, 2).reshape(N, C)

    out = pl.pallas_call(
        _k5_body,
        grid=(N // BLK,),
        in_specs=[
            pl.BlockSpec((BLK, C), lambda i: (i, 0)),
            pl.BlockSpec((BLK, IN_C), lambda i: (i, 0)),
            pl.BlockSpec((1, C), lambda i: (0, 0)),
            pl.BlockSpec((IN_C, OUT), lambda i: (0, 0)),
            pl.BlockSpec((1, OUT), lambda i: (0, 0)),
        ],
        out_specs=pl.BlockSpec((BLK, OUT), lambda i: (i, 0)),
        out_shape=jax.ShapeDtypeStruct((N, OUT), f32),
    )(fuse, x, cb.reshape(1, C), lin_w.T, lin_b.reshape(1, OUT))

    return out[None]

# --- scband reference (transcript-rebuilt; emitter-appended) ---
"""Pipeline reference for scband-temporal-relation-graph-48344151884421 (READ-ONLY COPY).

The authoritative reference and input builder live on the scoring server;
editing this copy changes nothing except your own understanding.
"""

import jax, jax.numpy as jnp
import numpy as np

HEADS = 8
OUT_C = 256
IN_C = 256
N_NODES = 10000
N_EDGES = 160000


def setup_inputs(seed: int = 0) -> dict:
    key = jax.random.key(seed)
    ks = jax.random.split(key, 10)
    x = jax.random.normal(ks[0], (N_NODES, IN_C), dtype=jnp.float32)
    edge_index = jax.random.randint(ks[1], (2, N_EDGES), 0, N_NODES, dtype=jnp.int32)
    W_gat = jax.random.normal(ks[2], (IN_C, HEADS * OUT_C), dtype=jnp.float32) / np.sqrt(IN_C)
    att_src = jax.random.normal(ks[3], (1, HEADS, OUT_C), dtype=jnp.float32) / np.sqrt(OUT_C)
    att_dst = jax.random.normal(ks[4], (1, HEADS, OUT_C), dtype=jnp.float32) / np.sqrt(OUT_C)
    bias_gat = jnp.zeros((HEADS * OUT_C,), dtype=jnp.float32)
    conv_w = jax.random.normal(ks[5], (1, 1, 1, 1), dtype=jnp.float32)
    conv_b = jnp.zeros((1,), dtype=jnp.float32)
    lin_w = jax.random.normal(ks[6], (250, IN_C), dtype=jnp.float32) / np.sqrt(IN_C)
    lin_b = jnp.zeros((250,), dtype=jnp.float32)
    return {"x": x, "edge_index": edge_index, "W_gat": W_gat, "att_src": att_src,
            "att_dst": att_dst, "bias_gat": bias_gat, "conv_w": conv_w, "conv_b": conv_b,
            "lin_w": lin_w, "lin_b": lin_b}


def _gat(x, src, dst, W_gat, att_src, att_dst, bias_gat):
    # PyG-style GATConv, concat=True, negative_slope=0.2, dropout=0 (eval)
    N = x.shape[0]
    h = (x @ W_gat).reshape(N, HEADS, OUT_C)
    a_src = (h * att_src).sum(-1)  # [N, H]
    a_dst = (h * att_dst).sum(-1)  # [N, H]
    alpha = jax.nn.leaky_relu(a_src[src] + a_dst[dst], 0.2)  # [E, H]
    amax = jax.lax.stop_gradient(jax.ops.segment_max(alpha, dst, num_segments=N))
    ex = jnp.exp(alpha - amax[dst])
    denom = jax.ops.segment_sum(ex, dst, num_segments=N)
    coef = ex / (denom[dst] + 1e-16)
    out = jax.ops.segment_sum(h[src] * coef[:, :, None], dst, num_segments=N)  # [N, H, C]
    return out.reshape(N, HEADS * OUT_C) + bias_gat


def reference(x, edge_index, W_gat, att_src, att_dst, bias_gat, conv_w, conv_b, lin_w, lin_b):
    N = x.shape[0]
    # GATConv adds self loops by default
    loop = jnp.arange(N, dtype=edge_index.dtype)
    src = jnp.concatenate([edge_index[0], loop])
    dst = jnp.concatenate([edge_index[1], loop])
    out = _gat(x, src, dst, W_gat, att_src, att_dst, bias_gat)  # [N, H*C]
    # split over dim=1 into heads, stack on dim 0, unsqueeze(1) -> [H, 1, N, C]
    z = out.reshape(N, HEADS, OUT_C).transpose(1, 0, 2)[:, None, :, :]
    # AdaptiveAvgPool2d((1,1)) -> mean over (N, C)
    s = jnp.mean(z, axis=(2, 3), keepdims=True)  # [H,1,1,1]
    # Conv2d(1,1,1): scalar affine
    s = s * conv_w[0, 0, 0, 0] + conv_b[0]
    s = jax.nn.relu(s)
    s = jax.nn.softmax(s, axis=0)
    fuse = jnp.sum(z * s, axis=0)  # [1, N, C]
    Hf = jax.nn.relu(fuse + x)  # broadcast -> [1, N, C]
    return Hf @ lin_w.T + lin_b  # [1, N, 250]

if __name__ == "__main__":
    import jax
    _d = setup_inputs()
    print(jax.jit(kernel)(*tuple(_d.values())))

</pallas_src>

<mosaic_0001>
#map = affine_map<(d0, d1) -> (0)>
#map1 = affine_map<(d0, d1) -> (0, 0)>
#map2 = affine_map<(d0, d1) -> (0, 0, 0)>
module attributes {stable_mosaic.version = 14 : i64} {
  func.func @_k2_body(%arg0: i32, %arg1: i32, %arg2: memref<170496xi32, #tpu.memory_space<hbm>>, %arg3: memref<170496xi32, #tpu.memory_space<hbm>>, %arg4: memref<10000x16xf32, #tpu.memory_space<hbm>>, %arg5: memref<10000x16xf32, #tpu.memory_space<hbm>>, %arg6: memref<10000x16xf32, #tpu.memory_space<hbm>>, %arg7: memref<10000x16xf32, #tpu.memory_space<hbm>>, %arg8: memref<170496x16xf32, #tpu.memory_space<hbm>>, %arg9: memref<170496x16xf32, #tpu.memory_space<hbm>>, %arg10: memref<2x10000x16xf32, #tpu.memory_space<hbm>>, %arg11: memref<16xi32, #tpu.memory_space<vmem>>, %arg12: memref<16xi32, #tpu.memory_space<vmem>>, %arg13: memref<16x16xf32, #tpu.memory_space<vmem>>, %arg14: memref<16x16xf32, #tpu.memory_space<vmem>>, %arg15: memref<16x16xf32, #tpu.memory_space<vmem>>, %arg16: memref<16x16xf32, #tpu.memory_space<vmem>>, %arg17: memref<10000x16xf32, #tpu.memory_space<vmem_shared>>) attributes {dimension_semantics = [#tpu.dimension_semantics<core_parallel>, #tpu.dimension_semantics<subcore_parallel>], iteration_bounds = array<i64: 2, 16>, scalar_prefetch = 0 : i64, scratch_operands = 7 : i64, tpu.core_type = #tpu.core_type<sc_vector_subcore>, window_params = [{transform_indices = #map}, {transform_indices = #map}, {transform_indices = #map1}, {transform_indices = #map1}, {transform_indices = #map1}, {transform_indices = #map1}, {transform_indices = #map1}, {transform_indices = #map1}, {transform_indices = #map2}]} {
    %mul3A = arith.constant 16 : i32
    %mul3A_0 = arith.muli %arg0, %mul3A : i32
    %add3A = arith.addi %mul3A_0, %arg1 : i32
    %mul3A_1 = arith.constant 5328 : i32
    %mul3A_2 = arith.muli %add3A, %mul3A_1 : i32
    %iota3A = tpu.iota {dimensions = array<i32: 0>} : vector<16xi32>
    %jit3A = arith.constant 8 : i32
    %div3A = vector.broadcast %jit3A : i32 to vector<16xi32>
    %div3A_3 = arith.divsi %iota3A, %div3A : vector<16xi32>
    %sign3A = arith.constant 0 : i32
    %sign3A_4 = vector.broadcast %sign3A : i32 to vector<16xi32>
    %sign3A_5 = arith.cmpi sgt, %iota3A, %sign3A_4 : vector<16xi32>
    %sign3A_6 = arith.extui %sign3A_5 : vector<16xi1> to vector<16xi32>
    %sign3A_7 = arith.constant 0 : i32
    %sign3A_8 = vector.broadcast %sign3A_7 : i32 to vector<16xi32>
    %sign3A_9 = arith.cmpi slt, %iota3A, %sign3A_8 : vector<16xi32>
    %sign3A_10 = arith.extui %sign3A_9 : vector<16xi1> to vector<16xi32>
    %sign3A_11 = arith.subi %sign3A_6, %sign3A_10 : vector<16xi32>
    %sign3A_12 = arith.constant 0 : i32
    %sign3A_13 = arith.cmpi sgt, %jit3A, %sign3A_12 : i32
    %sign3A_14 = arith.extui %sign3A_13 : i1 to i32
    %sign3A_15 = arith.constant 0 : i32
    %sign3A_16 = arith.cmpi slt, %jit3A, %sign3A_15 : i32
    %sign3A_17 = arith.extui %sign3A_16 : i1 to i32
    %sign3A_18 = arith.subi %sign3A_14, %sign3A_17 : i32
    %ne3A = vector.broadcast %sign3A_18 : i32 to vector<16xi32>
    %ne3A_19 = arith.cmpi ne, %sign3A_11, %ne3A : vector<16xi32>
    %rem3A = vector.broadcast %jit3A : i32 to vector<16xi32>
    %rem3A_20 = arith.remsi %iota3A, %rem3A : vector<16xi32>
    %ne3A_21 = arith.constant 0 : i32
    %ne3A_22 = vector.broadcast %ne3A_21 : i32 to vector<16xi32>
    %ne3A_23 = arith.cmpi ne, %rem3A_20, %ne3A_22 : vector<16xi32>
    %and3A = arith.andi %ne3A_19, %ne3A_23 : vector<16xi1>
    %sub3A = arith.constant 1 : i32
    %sub3A_24 = vector.broadcast %sub3A : i32 to vector<16xi32>
    %sub3A_25 = arith.subi %div3A_3, %sub3A_24 : vector<16xi32>
    %select_n3A = arith.select %and3A, %sub3A_25, %div3A_3 : vector<16xi1>, vector<16xi32>
    %jit3A_26 = arith.constant 8 : i32
    %eq3A = arith.constant 0 : i32
    %eq3A_27 = arith.cmpi eq, %jit3A_26, %eq3A : i32
    %jit3A_28 = arith.constant 1 : i32
    %select_n3A_29 = arith.select %eq3A_27, %jit3A_28, %jit3A_26 : i32
    %rem3A_30 = vector.broadcast %select_n3A_29 : i32 to vector<16xi32>
    %rem3A_31 = arith.remsi %iota3A, %rem3A_30 : vector<16xi32>
    %ne3A_32 = arith.constant 0 : i32
    %ne3A_33 = vector.broadcast %ne3A_32 : i32 to vector<16xi32>
    %ne3A_34 = arith.cmpi ne, %rem3A_31, %ne3A_33 : vector<16xi32>
    %lt3A = arith.constant 0 : i32
    %lt3A_35 = vector.broadcast %lt3A : i32 to vector<16xi32>
    %lt3A_36 = arith.cmpi slt, %rem3A_31, %lt3A_35 : vector<16xi32>
    %lt3A_37 = arith.constant 0 : i32
    %lt3A_38 = arith.cmpi slt, %select_n3A_29, %lt3A_37 : i32
    %ne3A_39 = vector.broadcast %lt3A_38 : i1 to vector<16xi1>
    %ne3A_40 = vector.broadcast %ne3A_39 : vector<16xi1> to vector<16xi1>
    %ne3A_41 = arith.xori %lt3A_36, %ne3A_40 : vector<16xi1>
    %and3A_42 = arith.andi %ne3A_41, %ne3A_34 : vector<16xi1>
    %add3A_43 = vector.broadcast %select_n3A_29 : i32 to vector<16xi32>
    %add3A_44 = arith.addi %rem3A_31, %add3A_43 : vector<16xi32>
    %select_n3A_45 = arith.select %and3A_42, %add3A_44, %rem3A_31 : vector<16xi1>, vector<16xi32>
    %eq3A_46 = arith.constant 0 : i32
    %eq3A_47 = arith.cmpi eq, %arg1, %eq3A_46 : i32
    %convert_element_type3A = arith.extui %eq3A_47 : i1 to i32
    %cond3A = arith.constant 0 : i32
    %cond3A_48 = arith.cmpi ne, %convert_element_type3A, %cond3A : i32
    scf.if %cond3A_48 {
      "tpu.region"() ({
        %run_scoped3A = tpu.sem_alloc : memref<!tpu.dma_semaphore, #tpu.memory_space<semaphore_mem>>
        tpu.enqueue_dma source(%arg7 : memref<10000x16xf32, #tpu.memory_space<hbm>>) target(%arg17 : memref<10000x16xf32, #tpu.memory_space<vmem_shared>>) target_semaphore(%run_scoped3A : memref<!tpu.dma_semaphore, #tpu.memory_space<semaphore_mem>>)
        tpu.wait_dma2 semaphore(%run_scoped3A : memref<!tpu.dma_semaphore, #tpu.memory_space<semaphore_mem>>) src(%arg7 : memref<10000x16xf32, #tpu.memory_space<hbm>>) dst(%arg17 : memref<10000x16xf32, #tpu.memory_space<vmem_shared>>)
        tpu.yield
      }) : () -> ()
    } else {
    }
    %broadcast_in_dim3A = arith.constant 0.000000e+00 : f32
    %broadcast_in_dim3A_49 = vector.broadcast %broadcast_in_dim3A : f32 to vector<16xf32>
    %swap3A = arith.constant 0 : i32
    %swap3A_50 = arith.index_cast %swap3A : i32 to index
    %swap3A_51 = arith.constant 0 : index
    %swap3A_52 = tpu.vector_load %arg16[%swap3A_50, %swap3A_51] {strides = array<i32>} : memref<16x16xf32, #tpu.memory_space<vmem>>, vector<16xf32>,
    tpu.vector_store %arg16[%swap3A_50, %swap3A_51], %broadcast_in_dim3A_49 {strides = array<i32>} : memref<16x16xf32, #tpu.memory_space<vmem>>, vector<16xf32>,
    %broadcast_in_dim3A_53 = arith.constant 0.000000e+00 : f32
    %broadcast_in_dim3A_54 = vector.broadcast %broadcast_in_dim3A_53 : f32 to vector<16xf32>
    %swap3A_55 = arith.constant 1 : i32
    %swap3A_56 = arith.index_cast %swap3A_55 : i32 to index
    %swap3A_57 = arith.constant 0 : index
    %swap3A_58 = tpu.vector_load %arg16[%swap3A_56, %swap3A_57] {strides = array<i32>} : memref<16x16xf32, #tpu.memory_space<vmem>>, vector<16xf32>,
    tpu.vector_store %arg16[%swap3A_56, %swap3A_57], %broadcast_in_dim3A_54 {strides = array<i32>} : memref<16x16xf32, #tpu.memory_space<vmem>>, vector<16xf32>,
    %broadcast_in_dim3A_59 = arith.constant 0.000000e+00 : f32
    %broadcast_in_dim3A_60 = vector.broadcast %broadcast_in_dim3A_59 : f32 to vector<16xf32>
    %swap3A_61 = arith.constant 2 : i32
    %swap3A_62 = arith.index_cast %swap3A_61 : i32 to index
    %swap3A_63 = arith.constant 0 : index
    %swap3A_64 = tpu.vector_load %arg16[%swap3A_62, %swap3A_63] {strides = array<i32>} : memref<16x16xf32, #tpu.memory_space<vmem>>, vector<16xf32>,
    tpu.vector_store %arg16[%swap3A_62, %swap3A_63], %broadcast_in_dim3A_60 {strides = array<i32>} : memref<16x16xf32, #tpu.memory_space<vmem>>, vector<16xf32>,
    %broadcast_in_dim3A_65 = arith.constant 0.000000e+00 : f32
    %broadcast_in_dim3A_66 = vector.broadcast %broadcast_in_dim3A_65 : f32 to vector<16xf32>
    %swap3A_67 = arith.constant 3 : i32
    %swap3A_68 = arith.index_cast %swap3A_67 : i32 to index
    %swap3A_69 = arith.constant 0 : index
    %swap3A_70 = tpu.vector_load %arg16[%swap3A_68, %swap3A_69] {strides = array<i32>} : memref<16x16xf32, #tpu.memory_space<vmem>>, vector<16xf32>,
    tpu.vector_store %arg16[%swap3A_68, %swap3A_69], %broadcast_in_dim3A_66 {strides = array<i32>} : memref<16x16xf32, #tpu.memory_space<vmem>>, vector<16xf32>,
    %broadcast_in_dim3A_71 = arith.constant 0.000000e+00 : f32
    %broadcast_in_dim3A_72 = vector.broadcast %broadcast_in_dim3A_71 : f32 to vector<16xf32>
    %swap3A_73 = arith.constant 4 : i32
    %swap3A_74 = arith.index_cast %swap3A_73 : i32 to index
    %swap3A_75 = arith.constant 0 : index
    %swap3A_76 = tpu.vector_load %arg16[%swap3A_74, %swap3A_75] {strides = array<i32>} : memref<16x16xf32, #tpu.memory_space<vmem>>, vector<16xf32>,
    tpu.vector_store %arg16[%swap3A_74, %swap3A_75], %broadcast_in_dim3A_72 {strides = array<i32>} : memref<16x16xf32, #tpu.memory_space<vmem>>, vector<16xf32>,
    %broadcast_in_dim3A_77 = arith.constant 0.000000e+00 : f32
    %broadcast_in_dim3A_78 = vector.broadcast %broadcast_in_dim3A_77 : f32 to vector<16xf32>
    %swap3A_79 = arith.constant 5 : i32
    %swap3A_80 = arith.index_cast %swap3A_79 : i32 to index
    %swap3A_81 = arith.constant 0 : index
    %swap3A_82 = tpu.vector_load %arg16[%swap3A_80, %swap3A_81] {strides = array<i32>} : memref<16x16xf32, #tpu.memory_space<vmem>>, vector<16xf32>,
    tpu.vector_store %arg16[%swap3A_80, %swap3A_81], %broadcast_in_dim3A_78 {strides = array<i32>} : memref<16x16xf32, #tpu.memory_space<vmem>>, vector<16xf32>,
    %broadcast_in_dim3A_83 = arith.constant 0.000000e+00 : f32
    %broadcast_in_dim3A_84 = vector.broadcast %broadcast_in_dim3A_83 : f32 to vector<16xf32>
    %swap3A_85 = arith.constant 6 : i32
    %swap3A_86 = arith.index_cast %swap3A_85 : i32 to index
    %swap3A_87 = arith.constant 0 : index
    %swap3A_88 = tpu.vector_load %arg16[%swap3A_86, %swap3A_87] {strides = array<i32>} : memref<16x16xf32, #tpu.memory_space<vmem>>, vector<16xf32>,
    tpu.vector_store %arg16[%swap3A_86, %swap3A_87], %broadcast_in_dim3A_84 {strides = array<i32>} : memref<16x16xf32, #tpu.memory_space<vmem>>, vector<16xf32>,
    %broadcast_in_dim3A_89 = arith.constant 0.000000e+00 : f32
    %broadcast_in_dim3A_90 = vector.broadcast %broadcast_in_dim3A_89 : f32 to vector<16xf32>
    %swap3A_91 = arith.constant 7 : i32
    %swap3A_92 = arith.index_cast %swap3A_91 : i32 to index
    %swap3A_93 = arith.constant 0 : index
    %swap3A_94 = tpu.vector_load %arg16[%swap3A_92, %swap3A_93] {strides = array<i32>} : memref<16x16xf32, #tpu.memory_space<vmem>>, vector<16xf32>,
    tpu.vector_store %arg16[%swap3A_92, %swap3A_93], %broadcast_in_dim3A_90 {strides = array<i32>} : memref<16x16xf32, #tpu.memory_space<vmem>>, vector<16xf32>,
    %broadcast_in_dim3A_95 = arith.constant 0.000000e+00 : f32
    %broadcast_in_dim3A_96 = vector.broadcast %broadcast_in_dim3A_95 : f32 to vector<16xf32>
    %swap3A_97 = arith.constant 8 : i32
    %swap3A_98 = arith.index_cast %swap3A_97 : i32 to index
    %swap3A_99 = arith.constant 0 : index
    %swap3A_100 = tpu.vector_load %arg16[%swap3A_98, %swap3A_99] {strides = array<i32>} : memref<16x16xf32, #tpu.memory_space<vmem>>, vector<16xf32>,
    tpu.vector_store %arg16[%swap3A_98, %swap3A_99], %broadcast_in_dim3A_96 {strides = array<i32>} : memref<16x16xf32, #tpu.memory_space<vmem>>, vector<16xf32>,
    %broadcast_in_dim3A_101 = arith.constant 0.000000e+00 : f32
    %broadcast_in_dim3A_102 = vector.broadcast %broadcast_in_dim3A_101 : f32 to vector<16xf32>
    %swap3A_103 = arith.constant 9 : i32
    %swap3A_104 = arith.index_cast %swap3A_103 : i32 to index
    %swap3A_105 = arith.constant 0 : index
    %swap3A_106 = tpu.vector_load %arg16[%swap3A_104, %swap3A_105] {strides = array<i32>} : memref<16x16xf32, #tpu.memory_space<vmem>>, vector<16xf32>,
    tpu.vector_store %arg16[%swap3A_104, %swap3A_105], %broadcast_in_dim3A_102 {strides = array<i32>} : memref<16x16xf32, #tpu.memory_space<vmem>>, vector<16xf32>,
    %broadcast_in_dim3A_107 = arith.constant 0.000000e+00 : f32
    %broadcast_in_dim3A_108 = vector.broadcast %broadcast_in_dim3A_107 : f32 to vector<16xf32>
    %swap3A_109 = arith.constant 10 : i32
    %swap3A_110 = arith.index_cast %swap3A_109 : i32 to index
    %swap3A_111 = arith.constant 0 : index
    %swap3A_112 = tpu.vector_load %arg16[%swap3A_110, %swap3A_111] {strides = array<i32>} : memref<16x16xf32, #tpu.memory_space<vmem>>, vector<16xf32>,
    tpu.vector_store %arg16[%swap3A_110, %swap3A_111], %broadcast_in_dim3A_108 {strides = array<i32>} : memref<16x16xf32, #tpu.memory_space<vmem>>, vector<16xf32>,
    %broadcast_in_dim3A_113 = arith.constant 0.000000e+00 : f32
    %broadcast_in_dim3A_114 = vector.broadcast %broadcast_in_dim3A_113 : f32 to vector<16xf32>
    %swap3A_115 = arith.constant 11 : i32
    %swap3A_116 = arith.index_cast %swap3A_115 : i32 to index
    %swap3A_117 = arith.constant 0 : index
    %swap3A_118 = tpu.vector_load %arg16[%swap3A_116, %swap3A_117] {strides = array<i32>} : memref<16x16xf32, #tpu.memory_space<vmem>>, vector<16xf32>,
    tpu.vector_store %arg16[%swap3A_116, %swap3A_117], %broadcast_in_dim3A_114 {strides = array<i32>} : memref<16x16xf32, #tpu.memory_space<vmem>>, vector<16xf32>,
    %broadcast_in_dim3A_119 = arith.constant 0.000000e+00 : f32
    %broadcast_in_dim3A_120 = vector.broadcast %broadcast_in_dim3A_119 : f32 to vector<16xf32>
    %swap3A_121 = arith.constant 12 : i32
    %swap3A_122 = arith.index_cast %swap3A_121 : i32 to index
    %swap3A_123 = arith.constant 0 : index
    %swap3A_124 = tpu.vector_load %arg16[%swap3A_122, %swap3A_123] {strides = array<i32>} : memref<16x16xf32, #tpu.memory_space<vmem>>, vector<16xf32>,
    tpu.vector_store %arg16[%swap3A_122, %swap3A_123], %broadcast_in_dim3A_120 {strides = array<i32>} : memref<16x16xf32, #tpu.memory_space<vmem>>, vector<16xf32>,
    %broadcast_in_dim3A_125 = arith.constant 0.000000e+00 : f32
    %broadcast_in_dim3A_126 = vector.broadcast %broadcast_in_dim3A_125 : f32 to vector<16xf32>
    %swap3A_127 = arith.constant 13 : i32
    %swap3A_128 = arith.index_cast %swap3A_127 : i32 to index
    %swap3A_129 = arith.constant 0 : index
    %swap3A_130 = tpu.vector_load %arg16[%swap3A_128, %swap3A_129] {strides = array<i32>} : memref<16x16xf32, #tpu.memory_space<vmem>>, vector<16xf32>,
    tpu.vector_store %arg16[%swap3A_128, %swap3A_129], %broadcast_in_dim3A_126 {strides = array<i32>} : memref<16x16xf32, #tpu.memory_space<vmem>>, vector<16xf32>,
    %broadcast_in_dim3A_131 = arith.constant 0.000000e+00 : f32
    %broadcast_in_dim3A_132 = vector.broadcast %broadcast_in_dim3A_131 : f32 to vector<16xf32>
    %swap3A_133 = arith.constant 14 : i32
    %swap3A_134 = arith.index_cast %swap3A_133 : i32 to index
    %swap3A_135 = arith.constant 0 : index
    %swap3A_136 = tpu.vector_load %arg16[%swap3A_134, %swap3A_135] {strides = array<i32>} : memref<16x16xf32, #tpu.memory_space<vmem>>, vector<16xf32>,
    tpu.vector_store %arg16[%swap3A_134, %swap3A_135], %broadcast_in_dim3A_132 {strides = array<i32>} : memref<16x16xf32, #tpu.memory_space<vmem>>, vector<16xf32>,
    %broadcast_in_dim3A_137 = arith.constant 0.000000e+00 : f32
    %broadcast_in_dim3A_138 = vector.broadcast %broadcast_in_dim3A_137 : f32 to vector<16xf32>
    %swap3A_139 = arith.constant 15 : i32
    %swap3A_140 = arith.index_cast %swap3A_139 : i32 to index
    %swap3A_141 = arith.constant 0 : index
    %swap3A_142 = tpu.vector_load %arg16[%swap3A_140, %swap3A_141] {strides = array<i32>} : memref<16x16xf32, #tpu.memory_space<vmem>>, vector<16xf32>,
    tpu.vector_store %arg16[%swap3A_140, %swap3A_141], %broadcast_in_dim3A_138 {strides = array<i32>} : memref<16x16xf32, #tpu.memory_space<vmem>>, vector<16xf32>,
    %barrier3A = arith.constant 0 : index
    tpu.barrier barrier_id(%barrier3A)
    %scan3A = arith.constant 0 : i32
    %scan3A_143 = arith.constant 333 : i32
    %scan3A_144 = arith.addi %scan3A, %scan3A_143 : i32
    %scan3A_145 = arith.constant 1 : i32
    scf.for %scan3A_153 = %scan3A to %scan3A_144 step %scan3A_145  : i32 {
      %mul3A_154 = arith.constant 1 : i32
      %mul3A_155 = arith.muli %scan3A_153, %mul3A_154 : i32
      %add3A_156 = arith.constant 0 : i32
      %add3A_157 = arith.addi %add3A_156, %mul3A_155 : i32
      %mul3A_158 = arith.constant 16 : i32
      %mul3A_159 = arith.muli %add3A_157, %mul3A_158 : i32
      %add3A_160 = arith.addi %mul3A_2, %mul3A_159 : i32
      "tpu.region"() ({
        %run_scoped3A = tpu.sem_alloc : memref<!tpu.dma_semaphore, #tpu.memory_space<semaphore_mem>>
        %dma_start3A = tpu.memref_slice %arg2[%add3A_160] : memref<170496xi32, #tpu.memory_space<hbm>> -> memref<16xi32, #tpu.memory_space<hbm>>
        %dma_start3A_326 = tpu.memref_slice %arg2[%add3A_160] : memref<170496xi32, #tpu.memory_space<hbm>> -> memref<16xi32, #tpu.memory_space<hbm>>
        tpu.enqueue_dma source(%dma_start3A_326 : memref<16xi32, #tpu.memory_space<hbm>>) target(%arg11 : memref<16xi32, #tpu.memory_space<vmem>>) target_semaphore(%run_scoped3A : memref<!tpu.dma_semaphore, #tpu.memory_space<semaphore_mem>>)
        %dma_wait3A = tpu.memref_slice %arg2[%add3A_160] : memref<170496xi32, #tpu.memory_space<hbm>> -> memref<16xi32, #tpu.memory_space<hbm>>
        %dma_wait3A_327 = tpu.memref_slice %arg2[%add3A_160] : memref<170496xi32, #tpu.memory_space<hbm>> -> memref<16xi32, #tpu.memory_space<hbm>>
        tpu.wait_dma2 semaphore(%run_scoped3A : memref<!tpu.dma_semaphore, #tpu.memory_space<semaphore_mem>>) src(%dma_wait3A_327 : memref<16xi32, #tpu.memory_space<hbm>>) dst(%arg11 : memref<16xi32, #tpu.memory_space<vmem>>)
        tpu.yield
      }) : () -> ()
      "tpu.region"() ({
        %run_scoped3A = tpu.sem_alloc : memref<!tpu.dma_semaphore, #tpu.memory_space<semaphore_mem>>
        %dma_start3A = tpu.memref_slice %arg3[%add3A_160] : memref<170496xi32, #tpu.memory_space<hbm>> -> memref<16xi32, #tpu.memory_space<hbm>>
        %dma_start3A_326 = tpu.memref_slice %arg3[%add3A_160] : memref<170496xi32, #tpu.memory_space<hbm>> -> memref<16xi32, #tpu.memory_space<hbm>>
        tpu.enqueue_dma source(%dma_start3A_326 : memref<16xi32, #tpu.memory_space<hbm>>) target(%arg12 : memref<16xi32, #tpu.memory_space<vmem>>) target_semaphore(%run_scoped3A : memref<!tpu.dma_semaphore, #tpu.memory_space<semaphore_mem>>)
        %dma_wait3A = tpu.memref_slice %arg3[%add3A_160] : memref<170496xi32, #tpu.memory_space<hbm>> -> memref<16xi32, #tpu.memory_space<hbm>>
        %dma_wait3A_327 = tpu.memref_slice %arg3[%add3A_160] : memref<170496xi32, #tpu.memory_space<hbm>> -> memref<16xi32, #tpu.memory_space<hbm>>
        tpu.wait_dma2 semaphore(%run_scoped3A : memref<!tpu.dma_semaphore, #tpu.memory_space<semaphore_mem>>) src(%dma_wait3A_327 : memref<16xi32, #tpu.memory_space<hbm>>) dst(%arg12 : memref<16xi32, #tpu.memory_space<vmem>>)
        tpu.yield
      }) : () -> ()
      "tpu.region"() ({
        %run_scoped3A = tpu.sem_alloc : memref<!tpu.dma_semaphore, #tpu.memory_space<semaphore_mem>>
        %dma_start3A = arith.constant 0 : i32
        %dma_start3A_326 = arith.constant 0 : i32
        %dma_start3A_327 = tpu.memref_slice %arg4[%dma_start3A, %dma_start3A_326] : memref<10000x16xf32, #tpu.memory_space<hbm>> -> memref<10000x16xf32, #tpu.memory_space<hbm>>
        tpu.enqueue_indirect_dma source(%dma_start3A_327 : memref<10000x16xf32, #tpu.memory_space<hbm>>) target(%arg13 : memref<16x16xf32, #tpu.memory_space<vmem>>) offsets(%arg11 : memref<16xi32, #tpu.memory_space<vmem>>) semaphore(%run_scoped3A : memref<!tpu.dma_semaphore, #tpu.memory_space<semaphore_mem>>)
        %dma_wait3A = arith.constant 0 : i32
        %dma_wait3A_328 = arith.constant 0 : i32
        %dma_wait3A_329 = tpu.memref_slice %arg4[%dma_wait3A, %dma_wait3A_328] : memref<10000x16xf32, #tpu.memory_space<hbm>> -> memref<10000x16xf32, #tpu.memory_space<hbm>>
        tpu.wait_indirect_dma semaphore(%run_scoped3A : memref<!tpu.dma_semaphore, #tpu.memory_space<semaphore_mem>>) src(%dma_wait3A_329 : memref<10000x16xf32, #tpu.memory_space<hbm>>) dst(%arg13 : memref<16x16xf32, #tpu.memory_space<vmem>>)
        tpu.yield
      }) : () -> ()
      "tpu.region"() ({
        %run_scoped3A = tpu.sem_alloc : memref<!tpu.dma_semaphore, #tpu.memory_space<semaphore_mem>>
        %dma_start3A = arith.constant 0 : i32
        %dma_start3A_326 = arith.constant 0 : i32
        %dma_start3A_327 = tpu.memref_slice %arg5[%dma_start3A, %dma_start3A_326] : memref<10000x16xf32, #tpu.memory_space<hbm>> -> memref<10000x16xf32, #tpu.memory_space<hbm>>
        tpu.enqueue_indirect_dma source(%dma_start3A_327 : memref<10000x16xf32, #tpu.memory_space<hbm>>) target(%arg14 : memref<16x16xf32, #tpu.memory_space<vmem>>) offsets(%arg12 : memref<16xi32, #tpu.memory_space<vmem>>) semaphore(%run_scoped3A : memref<!tpu.dma_semaphore, #tpu.memory_space<semaphore_mem>>)
        %dma_wait3A = arith.constant 0 : i32
        %dma_wait3A_328 = arith.constant 0 : i32
        %dma_wait3A_329 = tpu.memref_slice %arg5[%dma_wait3A, %dma_wait3A_328] : memref<10000x16xf32, #tpu.memory_space<hbm>> -> memref<10000x16xf32, #tpu.memory_space<hbm>>
        tpu.wait_indirect_dma semaphore(%run_scoped3A : memref<!tpu.dma_semaphore, #tpu.memory_space<semaphore_mem>>) src(%dma_wait3A_329 : memref<10000x16xf32, #tpu.memory_space<hbm>>) dst(%arg14 : memref<16x16xf32, #tpu.memory_space<vmem>>)
        tpu.yield
      }) : () -> ()
      "tpu.region"() ({
        %run_scoped3A = tpu.sem_alloc : memref<!tpu.dma_semaphore, #tpu.memory_space<semaphore_mem>>
        %dma_start3A = arith.constant 0 : i32
        %dma_start3A_326 = arith.constant 0 : i32
        %dma_start3A_327 = tpu.memref_slice %arg6[%dma_start3A, %dma_start3A_326] : memref<10000x16xf32, #tpu.memory_space<hbm>> -> memref<10000x16xf32, #tpu.memory_space<hbm>>
        tpu.enqueue_indirect_dma source(%dma_start3A_327 : memref<10000x16xf32, #tpu.memory_space<hbm>>) target(%arg15 : memref<16x16xf32, #tpu.memory_space<vmem>>) offsets(%arg11 : memref<16xi32, #tpu.memory_space<vmem>>) semaphore(%run_scoped3A : memref<!tpu.dma_semaphore, #tpu.memory_space<semaphore_mem>>)
        %dma_wait3A = arith.constant 0 : i32
        %dma_wait3A_328 = arith.constant 0 : i32
        %dma_wait3A_329 = tpu.memref_slice %arg6[%dma_wait3A, %dma_wait3A_328] : memref<10000x16xf32, #tpu.memory_space<hbm>> -> memref<10000x16xf32, #tpu.memory_space<hbm>>
        tpu.wait_indirect_dma semaphore(%run_scoped3A : memref<!tpu.dma_semaphore, #tpu.memory_space<semaphore_mem>>) src(%dma_wait3A_329 : memref<10000x16xf32, #tpu.memory_space<hbm>>) dst(%arg15 : memref<16x16xf32, #tpu.memory_space<vmem>>)
        tpu.yield
      }) : () -> ()
      %add3A_161 = arith.constant 0 : i32
      %add3A_162 = vector.broadcast %add3A_161 : i32 to vector<16xi32>
      %add3A_163 = arith.addi %select_n3A, %add3A_162 : vector<16xi32>
      %gather3A = tpu.vector_load_idx %arg13[%add3A_163, %select_n3A_45] : memref<16x16xf32, #tpu.memory_space<vmem>>[vector<16xi32>, vector<16xi32>], vector<16xf32>,
      %gather3A_164 = tpu.vector_load_idx %arg14[%add3A_163, %select_n3A_45] : memref<16x16xf32, #tpu.memory_space<vmem>>[vector<16xi32>, vector<16xi32>], vector<16xf32>,
      %add3A_165 = arith.addf %gather3A, %gather3A_164 : vector<16xf32>
      %mul3A_166 = arith.constant 2.000000e-01 : f32
      %mul3A_167 = vector.broadcast %mul3A_166 : f32 to vector<16xf32>
      %mul3A_168 = arith.mulf %mul3A_167, %add3A_165 : vector<16xf32>
      %max3A = arith.maximumf %add3A_165, %mul3A_168 : vector<16xf32>
      %exp3A = math.exp %max3A : vector<16xf32>
      %add3A_169 = arith.constant 0 : i32
      %add3A_170 = arith.addi %add3A_160, %add3A_169 : i32
      %add3A_171 = vector.broadcast %add3A_170 : i32 to vector<16xi32>
      %add3A_172 = arith.addi %add3A_171, %select_n3A : vector<16xi32>
      %lt3A_173 = arith.constant 170000 : i32
      %lt3A_174 = vector.broadcast %lt3A_173 : i32 to vector<16xi32>
      %lt3A_175 = arith.cmpi slt, %add3A_172, %lt3A_174 : vector<16xi32>
      %jit3A_176 = arith.constant 0.000000e+00 : f32
      %broadcast_in_dim3A_177 = vector.broadcast %jit3A_176 : f32 to vector<16xf32>
      %select_n3A_178 = arith.select %lt3A_175, %exp3A, %broadcast_in_dim3A_177 : vector<16xi1>, vector<16xf32>
      tpu.vector_store_idx %arg16[%add3A_163, %select_n3A_45], %select_n3A_178 : memref<16x16xf32, #tpu.memory_space<vmem>>[vector<16xi32>, vector<16xi32>], vector<16xf32>,
      %add3A_179 = arith.constant 2 : i32
      %add3A_180 = vector.broadcast %add3A_179 : i32 to vector<16xi32>
      %add3A_181 = arith.addi %select_n3A, %add3A_180 : vector<16xi32>
      %gather3A_182 = tpu.vector_load_idx %arg13[%add3A_181, %select_n3A_45] : memref<16x16xf32, #tpu.memory_space<vmem>>[vector<16xi32>, vector<16xi32>], vector<16xf32>,
      %gather3A_183 = tpu.vector_load_idx %arg14[%add3A_181, %select_n3A_45] : memref<16x16xf32, #tpu.memory_space<vmem>>[vector<16xi32>, vector<16xi32>], vector<16xf32>,
      %add3A_184 = arith.addf %gather3A_182, %gather3A_183 : vector<16xf32>
      %mul3A_185 = arith.constant 2.000000e-01 : f32
      %mul3A_186 = vector.broadcast %mul3A_185 : f32 to vector<16xf32>
      %mul3A_187 = arith.mulf %mul3A_186, %add3A_184 : vector<16xf32>
      %max3A_188 = arith.maximumf %add3A_184, %mul3A_187 : vector<16xf32>
      %exp3A_189 = math.exp %max3A_188 : vector<16xf32>
      %add3A_190 = arith.constant 2 : i32
      %add3A_191 = arith.addi %add3A_160, %add3A_190 : i32
      %add3A_192 = vector.broadcast %add3A_191 : i32 to vector<16xi32>
      %add3A_193 = arith.addi %add3A_192, %select_n3A : vector<16xi32>
      %lt3A_194 = arith.constant 170000 : i32
      %lt3A_195 = vector.broadcast %lt3A_194 : i32 to vector<16xi32>
      %lt3A_196 = arith.cmpi slt, %add3A_193, %lt3A_195 : vector<16xi32>
      %jit3A_197 = arith.constant 0.000000e+00 : f32
      %broadcast_in_dim3A_198 = vector.broadcast %jit3A_197 : f32 to vector<16xf32>
      %select_n3A_199 = arith.select %lt3A_196, %exp3A_189, %broadcast_in_dim3A_198 : vector<16xi1>, vector<16xf32>
      tpu.vector_store_idx %arg16[%add3A_181, %select_n3A_45], %select_n3A_199 : memref<16x16xf32, #tpu.memory_space<vmem>>[vector<16xi32>, vector<16xi32>], vector<16xf32>,
      %add3A_200 = arith.constant 4 : i32
      %add3A_201 = vector.broadcast %add3A_200 : i32 to vector<16xi32>
      %add3A_202 = arith.addi %select_n3A, %add3A_201 : vector<16xi32>
      %gather3A_203 = tpu.vector_load_idx %arg13[%add3A_202, %select_n3A_45] : memref<16x16xf32, #tpu.memory_space<vmem>>[vector<16xi32>, vector<16xi32>], vector<16xf32>,
      %gather3A_204 = tpu.vector_load_idx %arg14[%add3A_202, %select_n3A_45] : memref<16x16xf32, #tpu.memory_space<vmem>>[vector<16xi32>, vector<16xi32>], vector<16xf32>,
      %add3A_205 = arith.addf %gather3A_203, %gather3A_204 : vector<16xf32>
      %mul3A_206 = arith.constant 2.000000e-01 : f32
      %mul3A_207 = vector.broadcast %mul3A_206 : f32 to vector<16xf32>
      %mul3A_208 = arith.mulf %mul3A_207, %add3A_205 : vector<16xf32>
      %max3A_209 = arith.maximumf %add3A_205, %mul3A_208 : vector<16xf32>
      %exp3A_210 = math.exp %max3A_209 : vector<16xf32>
      %add3A_211 = arith.constant 4 : i32
      %add3A_212 = arith.addi %add3A_160, %add3A_211 : i32
      %add3A_213 = vector.broadcast %add3A_212 : i32 to vector<16xi32>
      %add3A_214 = arith.addi %add3A_213, %select_n3A : vector<16xi32>
      %lt3A_215 = arith.constant 170000 : i32
      %lt3A_216 = vector.broadcast %lt3A_215 : i32 to vector<16xi32>
      %lt3A_217 = arith.cmpi slt, %add3A_214, %lt3A_216 : vector<16xi32>
      %jit3A_218 = arith.constant 0.000000e+00 : f32
      %broadcast_in_dim3A_219 = vector.broadcast %jit3A_218 : f32 to vector<16xf32>
      %select_n3A_220 = arith.select %lt3A_217, %exp3A_210, %broadcast_in_dim3A_219 : vector<16xi1>, vector<16xf32>
      tpu.vector_store_idx %arg16[%add3A_202, %select_n3A_45], %select_n3A_220 : memref<16x16xf32, #tpu.memory_space<vmem>>[vector<16xi32>, vector<16xi32>], vector<16xf32>,
      %add3A_221 = arith.constant 6 : i32
      %add3A_222 = vector.broadcast %add3A_221 : i32 to vector<16xi32>
      %add3A_223 = arith.addi %select_n3A, %add3A_222 : vector<16xi32>
      %gather3A_224 = tpu.vector_load_idx %arg13[%add3A_223, %select_n3A_45] : memref<16x16xf32, #tpu.memory_space<vmem>>[vector<16xi32>, vector<16xi32>], vector<16xf32>,
      %gather3A_225 = tpu.vector_load_idx %arg14[%add3A_223, %select_n3A_45] : memref<16x16xf32, #tpu.memory_space<vmem>>[vector<16xi32>, vector<16xi32>], vector<16xf32>,
      %add3A_226 = arith.addf %gather3A_224, %gather3A_225 : vector<16xf32>
      %mul3A_227 = arith.constant 2.000000e-01 : f32
      %mul3A_228 = vector.broadcast %mul3A_227 : f32 to vector<16xf32>
      %mul3A_229 = arith.mulf %mul3A_228, %add3A_226 : vector<16xf32>
      %max3A_230 = arith.maximumf %add3A_226, %mul3A_229 : vector<16xf32>
      %exp3A_231 = math.exp %max3A_230 : vector<16xf32>
      %add3A_232 = arith.constant 6 : i32
      %add3A_233 = arith.addi %add3A_160, %add3A_232 : i32
      %add3A_234 = vector.broadcast %add3A_233 : i32 to vector<16xi32>
      %add3A_235 = arith.addi %add3A_234, %select_n3A : vector<16xi32>
      %lt3A_236 = arith.constant 170000 : i32
      %lt3A_237 = vector.broadcast %lt3A_236 : i32 to vector<16xi32>
      %lt3A_238 = arith.cmpi slt, %add3A_235, %lt3A_237 : vector<16xi32>
      %jit3A_239 = arith.constant 0.000000e+00 : f32
      %broadcast_in_dim3A_240 = vector.broadcast %jit3A_239 : f32 to vector<16xf32>
      %select_n3A_241 = arith.select %lt3A_238, %exp3A_231, %broadcast_in_dim3A_240 : vector<16xi1>, vector<16xf32>
      tpu.vector_store_idx %arg16[%add3A_223, %select_n3A_45], %select_n3A_241 : memref<16x16xf32, #tpu.memory_space<vmem>>[vector<16xi32>, vector<16xi32>], vector<16xf32>,
      %add3A_242 = arith.constant 8 : i32
      %add3A_243 = vector.broadcast %add3A_242 : i32 to vector<16xi32>
      %add3A_244 = arith.addi %select_n3A, %add3A_243 : vector<16xi32>
      %gather3A_245 = tpu.vector_load_idx %arg13[%add3A_244, %select_n3A_45] : memref<16x16xf32, #tpu.memory_space<vmem>>[vector<16xi32>, vector<16xi32>], vector<16xf32>,
      %gather3A_246 = tpu.vector_load_idx %arg14[%add3A_244, %select_n3A_45] : memref<16x16xf32, #tpu.memory_space<vmem>>[vector<16xi32>, vector<16xi32>], vector<16xf32>,
      %add3A_247 = arith.addf %gather3A_245, %gather3A_246 : vector<16xf32>
      %mul3A_248 = arith.constant 2.000000e-01 : f32
      %mul3A_249 = vector.broadcast %mul3A_248 : f32 to vector<16xf32>
      %mul3A_250 = arith.mulf %mul3A_249, %add3A_247 : vector<16xf32>
      %max3A_251 = arith.maximumf %add3A_247, %mul3A_250 : vector<16xf32>
      %exp3A_252 = math.exp %max3A_251 : vector<16xf32>
      %add3A_253 = arith.constant 8 : i32
      %add3A_254 = arith.addi %add3A_160, %add3A_253 : i32
      %add3A_255 = vector.broadcast %add3A_254 : i32 to vector<16xi32>
      %add3A_256 = arith.addi %add3A_255, %select_n3A : vector<16xi32>
      %lt3A_257 = arith.constant 170000 : i32
      %lt3A_258 = vector.broadcast %lt3A_257 : i32 to vector<16xi32>
      %lt3A_259 = arith.cmpi slt, %add3A_256, %lt3A_258 : vector<16xi32>
      %jit3A_260 = arith.constant 0.000000e+00 : f32
      %broadcast_in_dim3A_261 = vector.broadcast %jit3A_260 : f32 to vector<16xf32>
      %select_n3A_262 = arith.select %lt3A_259, %exp3A_252, %broadcast_in_dim3A_261 : vector<16xi1>, vector<16xf32>
      tpu.vector_store_idx %arg16[%add3A_244, %select_n3A_45], %select_n3A_262 : memref<16x16xf32, #tpu.memory_space<vmem>>[vector<16xi32>, vector<16xi32>], vector<16xf32>,
      %add3A_263 = arith.constant 10 : i32
      %add3A_264 = vector.broadcast %add3A_263 : i32 to vector<16xi32>
      %add3A_265 = arith.addi %select_n3A, %add3A_264 : vector<16xi32>
      %gather3A_266 = tpu.vector_load_idx %arg13[%add3A_265, %select_n3A_45] : memref<16x16xf32, #tpu.memory_space<vmem>>[vector<16xi32>, vector<16xi32>], vector<16xf32>,
      %gather3A_267 = tpu.vector_load_idx %arg14[%add3A_265, %select_n3A_45] : memref<16x16xf32, #tpu.memory_space<vmem>>[vector<16xi32>, vector<16xi32>], vector<16xf32>,
      %add3A_268 = arith.addf %gather3A_266, %gather3A_267 : vector<16xf32>
      %mul3A_269 = arith.constant 2.000000e-01 : f32
      %mul3A_270 = vector.broadcast %mul3A_269 : f32 to vector<16xf32>
      %mul3A_271 = arith.mulf %mul3A_270, %add3A_268 : vector<16xf32>
      %max3A_272 = arith.maximumf %add3A_268, %mul3A_271 : vector<16xf32>
      %exp3A_273 = math.exp %max3A_272 : vector<16xf32>
      %add3A_274 = arith.constant 10 : i32
      %add3A_275 = arith.addi %add3A_160, %add3A_274 : i32
      %add3A_276 = vector.broadcast %add3A_275 : i32 to vector<16xi32>
      %add3A_277 = arith.addi %add3A_276, %select_n3A : vector<16xi32>
      %lt3A_278 = arith.constant 170000 : i32
      %lt3A_279 = vector.broadcast %lt3A_278 : i32 to vector<16xi32>
      %lt3A_280 = arith.cmpi slt, %add3A_277, %lt3A_279 : vector<16xi32>
      %jit3A_281 = arith.constant 0.000000e+00 : f32
      %broadcast_in_dim3A_282 = vector.broadcast %jit3A_281 : f32 to vector<16xf32>
      %select_n3A_283 = arith.select %lt3A_280, %exp3A_273, %broadcast_in_dim3A_282 : vector<16xi1>, vector<16xf32>
      tpu.vector_store_idx %arg16[%add3A_265, %select_n3A_45], %select_n3A_283 : memref<16x16xf32, #tpu.memory_space<vmem>>[vector<16xi32>, vector<16xi32>], vector<16xf32>,
      %add3A_284 = arith.constant 12 : i32
      %add3A_285 = vector.broadcast %add3A_284 : i32 to vector<16xi32>
      %add3A_286 = arith.addi %select_n3A, %add3A_285 : vector<16xi32>
      %gather3A_287 = tpu.vector_load_idx %arg13[%add3A_286, %select_n3A_45] : memref<16x16xf32, #tpu.memory_space<vmem>>[vector<16xi32>, vector<16xi32>], vector<16xf32>,
      %gather3A_288 = tpu.vector_load_idx %arg14[%add3A_286, %select_n3A_45] : memref<16x16xf32, #tpu.memory_space<vmem>>[vector<16xi32>, vector<16xi32>], vector<16xf32>,
      %add3A_289 = arith.addf %gather3A_287, %gather3A_288 : vector<16xf32>
      %mul3A_290 = arith.constant 2.000000e-01 : f32
      %mul3A_291 = vector.broadcast %mul3A_290 : f32 to vector<16xf32>
      %mul3A_292 = arith.mulf %mul3A_291, %add3A_289 : vector<16xf32>
      %max3A_293 = arith.maximumf %add3A_289, %mul3A_292 : vector<16xf32>
      %exp3A_294 = math.exp %max3A_293 : vector<16xf32>
      %add3A_295 = arith.constant 12 : i32
      %add3A_296 = arith.addi %add3A_160, %add3A_295 : i32
      %add3A_297 = vector.broadcast %add3A_296 : i32 to vector<16xi32>
      %add3A_298 = arith.addi %add3A_297, %select_n3A : vector<16xi32>
      %lt3A_299 = arith.constant 170000 : i32
      %lt3A_300 = vector.broadcast %lt3A_299 : i32 to vector<16xi32>
      %lt3A_301 = arith.cmpi slt, %add3A_298, %lt3A_300 : vector<16xi32>
      %jit3A_302 = arith.constant 0.000000e+00 : f32
      %broadcast_in_dim3A_303 = vector.broadcast %jit3A_302 : f32 to vector<16xf32>
      %select_n3A_304 = arith.select %lt3A_301, %exp3A_294, %broadcast_in_dim3A_303 : vector<16xi1>, vector<16xf32>
      tpu.vector_store_idx %arg16[%add3A_286, %select_n3A_45], %select_n3A_304 : memref<16x16xf32, #tpu.memory_space<vmem>>[vector<16xi32>, vector<16xi32>], vector<16xf32>,
      %add3A_305 = arith.constant 14 : i32
      %add3A_306 = vector.broadcast %add3A_305 : i32 to vector<16xi32>
      %add3A_307 = arith.addi %select_n3A, %add3A_306 : vector<16xi32>
      %gather3A_308 = tpu.vector_load_idx %arg13[%add3A_307, %select_n3A_45] : memref<16x16xf32, #tpu.memory_space<vmem>>[vector<16xi32>, vector<16xi32>], vector<16xf32>,
      %gather3A_309 = tpu.vector_load_idx %arg14[%add3A_307, %select_n3A_45] : memref<16x16xf32, #tpu.memory_space<vmem>>[vector<16xi32>, vector<16xi32>], vector<16xf32>,
      %add3A_310 = arith.addf %gather3A_308, %gather3A_309 : vector<16xf32>
      %mul3A_311 = arith.constant 2.000000e-01 : f32
      %mul3A_312 = vector.broadcast %mul3A_311 : f32 to vector<16xf32>
      %mul3A_313 = arith.mulf %mul3A_312, %add3A_310 : vector<16xf32>
      %max3A_314 = arith.maximumf %add3A_310, %mul3A_313 : vector<16xf32>
      %exp3A_315 = math.exp %max3A_314 : vector<16xf32>
      %add3A_316 = arith.constant 14 : i32
      %add3A_317 = arith.addi %add3A_160, %add3A_316 : i32
      %add3A_318 = vector.broadcast %add3A_317 : i32 to vector<16xi32>
      %add3A_319 = arith.addi %add3A_318, %select_n3A : vector<16xi32>
      %lt3A_320 = arith.constant 170000 : i32
      %lt3A_321 = vector.broadcast %lt3A_320 : i32 to vector<16xi32>
      %lt3A_322 = arith.cmpi slt, %add3A_319, %lt3A_321 : vector<16xi32>
      %jit3A_323 = arith.constant 0.000000e+00 : f32
      %broadcast_in_dim3A_324 = vector.broadcast %jit3A_323 : f32 to vector<16xf32>
      %select_n3A_325 = arith.select %lt3A_322, %exp3A_315, %broadcast_in_dim3A_324 : vector<16xi1>, vector<16xf32>
      tpu.vector_store_idx %arg16[%add3A_307, %select_n3A_45], %select_n3A_325 : memref<16x16xf32, #tpu.memory_space<vmem>>[vector<16xi32>, vector<16xi32>], vector<16xf32>,
      "tpu.region"() ({
        %run_scoped3A = tpu.sem_alloc : memref<!tpu.dma_semaphore, #tpu.memory_space<semaphore_mem>>
        %dma_start3A = arith.constant 0 : i32
        %dma_start3A_326 = tpu.memref_slice %arg8[%add3A_160, %dma_start3A] : memref<170496x16xf32, #tpu.memory_space<hbm>> -> memref<16x16xf32, #tpu.memory_space<hbm>>
        %dma_start3A_327 = arith.constant 0 : i32
        %dma_start3A_328 = tpu.memref_slice %arg8[%add3A_160, %dma_start3A_327] : memref<170496x16xf32, #tpu.memory_space<hbm>> -> memref<16x16xf32, #tpu.memory_space<hbm>>
        tpu.enqueue_dma source(%arg16 : memref<16x16xf32, #tpu.memory_space<vmem>>) target(%dma_start3A_328 : memref<16x16xf32, #tpu.memory_space<hbm>>) target_semaphore(%run_scoped3A : memref<!tpu.dma_semaphore, #tpu.memory_space<semaphore_mem>>)
        %dma_wait3A = arith.constant 0 : i32
        %dma_wait3A_329 = tpu.memref_slice %arg8[%add3A_160, %dma_wait3A] : memref<170496x16xf32, #tpu.memory_space<hbm>> -> memref<16x16xf32, #tpu.memory_space<hbm>>
        %dma_wait3A_330 = arith.constant 0 : i32
        %dma_wait3A_331 = tpu.memref_slice %arg8[%add3A_160, %dma_wait3A_330] : memref<170496x16xf32, #tpu.memory_space<hbm>> -> memref<16x16xf32, #tpu.memory_space<hbm>>
        tpu.wait_dma2 semaphore(%run_scoped3A : memref<!tpu.dma_semaphore, #tpu.memory_space<semaphore_mem>>) src(%arg16 : memref<16x16xf32, #tpu.memory_space<vmem>>) dst(%dma_wait3A_331 : memref<16x16xf32, #tpu.memory_space<hbm>>)
        tpu.yield
      }) : () -> ()
      "tpu.region"() ({
        %run_scoped3A = tpu.sem_alloc : memref<!tpu.dma_semaphore, #tpu.memory_space<semaphore_mem>>
        %dma_start3A = arith.constant 0 : i32
        %dma_start3A_326 = tpu.memref_slice %arg9[%add3A_160, %dma_start3A] : memref<170496x16xf32, #tpu.memory_space<hbm>> -> memref<16x16xf32, #tpu.memory_space<hbm>>
        %dma_start3A_327 = arith.constant 0 : i32
        %dma_start3A_328 = tpu.memref_slice %arg9[%add3A_160, %dma_start3A_327] : memref<170496x16xf32, #tpu.memory_space<hbm>> -> memref<16x16xf32, #tpu.memory_space<hbm>>
        tpu.enqueue_dma source(%arg15 : memref<16x16xf32, #tpu.memory_space<vmem>>) target(%dma_start3A_328 : memref<16x16xf32, #tpu.memory_space<hbm>>) target_semaphore(%run_scoped3A : memref<!tpu.dma_semaphore, #tpu.memory_space<semaphore_mem>>)
        %dma_wait3A = arith.constant 0 : i32
        %dma_wait3A_329 = tpu.memref_slice %arg9[%add3A_160, %dma_wait3A] : memref<170496x16xf32, #tpu.memory_space<hbm>> -> memref<16x16xf32, #tpu.memory_space<hbm>>
        %dma_wait3A_330 = arith.constant 0 : i32
        %dma_wait3A_331 = tpu.memref_slice %arg9[%add3A_160, %dma_wait3A_330] : memref<170496x16xf32, #tpu.memory_space<hbm>> -> memref<16x16xf32, #tpu.memory_space<hbm>>
        tpu.wait_dma2 semaphore(%run_scoped3A : memref<!tpu.dma_semaphore, #tpu.memory_space<semaphore_mem>>) src(%arg15 : memref<16x16xf32, #tpu.memory_space<vmem>>) dst(%dma_wait3A_331 : memref<16x16xf32, #tpu.memory_space<hbm>>)
        tpu.yield
      }) : () -> ()
      "tpu.region"() ({
        %run_scoped3A = tpu.sem_alloc : memref<!tpu.dma_semaphore, #tpu.memory_space<semaphore_mem>>
        %dma_start3A = arith.constant 0 : i32
        %dma_start3A_326 = arith.constant 0 : i32
        %dma_start3A_327 = tpu.memref_slice %arg17[%dma_start3A, %dma_start3A_326] : memref<10000x16xf32, #tpu.memory_space<vmem_shared>> -> memref<10000x16xf32, #tpu.memory_space<vmem_shared>>
        tpu.enqueue_indirect_dma source(%arg16 : memref<16x16xf32, #tpu.memory_space<vmem>>) target(%dma_start3A_327 : memref<10000x16xf32, #tpu.memory_space<vmem_shared>>) offsets(%arg12 : memref<16xi32, #tpu.memory_space<vmem>>) semaphore(%run_scoped3A : memref<!tpu.dma_semaphore, #tpu.memory_space<semaphore_mem>>) {add = true}
        %dma_wait3A = arith.constant 0 : i32
        %dma_wait3A_328 = arith.constant 0 : i32
        %dma_wait3A_329 = tpu.memref_slice %arg17[%dma_wait3A, %dma_wait3A_328] : memref<10000x16xf32, #tpu.memory_space<vmem_shared>> -> memref<10000x16xf32, #tpu.memory_space<vmem_shared>>
        tpu.wait_indirect_dma semaphore(%run_scoped3A : memref<!tpu.dma_semaphore, #tpu.memory_space<semaphore_mem>>) src(%arg16 : memref<16x16xf32, #tpu.memory_space<vmem>>) dst(%dma_wait3A_329 : memref<10000x16xf32, #tpu.memory_space<vmem_shared>>)
        tpu.yield
      }) : () -> ()
    }
    %scan3A_146 = arith.constant 333 : i32
    %barrier3A_147 = arith.constant 0 : index
    tpu.barrier barrier_id(%barrier3A_147)
    %eq3A_148 = arith.constant 0 : i32
    %eq3A_149 = arith.cmpi eq, %arg1, %eq3A_148 : i32
    %convert_element_type3A_150 = arith.extui %eq3A_149 : i1 to i32
    %cond3A_151 = arith.constant 0 : i32
    %cond3A_152 = arith.cmpi ne, %convert_element_type3A_150, %cond3A_151 : i32
    scf.if %cond3A_152 {
      "tpu.region"() ({
        %run_scoped3A = tpu.sem_alloc : memref<!tpu.dma_semaphore, #tpu.memory_space<semaphore_mem>>
        %dma_start3A = arith.constant 0 : i32
        %dma_start3A_153 = arith.constant 0 : i32
        %dma_start3A_154 = tpu.memref_slice %arg10[%arg0, %dma_start3A, %dma_start3A_153] : memref<2x10000x16xf32, #tpu.memory_space<hbm>> -> memref<1x10000x16xf32, #tpu.memory_space<hbm>>
        %dma_start3A_155 = tpu.memref_squeeze %dma_start3A_154 : memref<1x10000x16xf32, #tpu.memory_space<hbm>> -> memref<10000x16xf32, #tpu.memory_space<hbm>>
        tpu.enqueue_dma source(%arg17 : memref<10000x16xf32, #tpu.memory_space<vmem_shared>>) target(%dma_start3A_155 : memref<10000x16xf32, #tpu.memory_space<hbm>>) target_semaphore(%run_scoped3A : memref<!tpu.dma_semaphore, #tpu.memory_space<semaphore_mem>>)
        %dma_wait3A = arith.constant 0 : i32
        %dma_wait3A_156 = arith.constant 0 : i32
        %dma_wait3A_157 = tpu.memref_slice %arg10[%arg0, %dma_wait3A, %dma_wait3A_156] : memref<2x10000x16xf32, #tpu.memory_space<hbm>> -> memref<1x10000x16xf32, #tpu.memory_space<hbm>>
        %dma_wait3A_158 = tpu.memref_squeeze %dma_wait3A_157 : memref<1x10000x16xf32, #tpu.memory_space<hbm>> -> memref<10000x16xf32, #tpu.memory_space<hbm>>
        tpu.wait_dma2 semaphore(%run_scoped3A : memref<!tpu.dma_semaphore, #tpu.memory_space<semaphore_mem>>) src(%arg17 : memref<10000x16xf32, #tpu.memory_space<vmem_shared>>) dst(%dma_wait3A_158 : memref<10000x16xf32, #tpu.memory_space<hbm>>)
        tpu.yield
      }) : () -> ()
    } else {
    }
    return
  }
}

#map = affine_map<(d0, d1) -> (0, 0)>
#map1 = affine_map<(d0, d1) -> (0)>
module attributes {stable_mosaic.version = 14 : i64} {
  func.func @_k3_body(%arg0: i32, %arg1: i32, %arg2: memref<170496x16xf32, #tpu.memory_space<hbm>>, %arg3: memref<170496x16xf32, #tpu.memory_space<hbm>>, %arg4: memref<170496xi32, #tpu.memory_space<hbm>>, %arg5: memref<10000x16xf32, #tpu.memory_space<hbm>>, %arg6: memref<10000x16xf32, #tpu.memory_space<hbm>>, %arg7: memref<170496x16xf32, #tpu.memory_space<hbm>>, %arg8: memref<32x16xf32, #tpu.memory_space<hbm>>, %arg9: memref<16xi32, #tpu.memory_space<vmem>>, %arg10: memref<16x16xf32, #tpu.memory_space<vmem>>, %arg11: memref<16x16xf32, #tpu.memory_space<vmem>>, %arg12: memref<16x16xf32, #tpu.memory_space<vmem>>, %arg13: memref<16x16xf32, #tpu.memory_space<vmem>>, %arg14: memref<16x16xf32, #tpu.memory_space<vmem>>, %arg15: memref<16xf32, #tpu.memory_space<vmem>>) attributes {dimension_semantics = [#tpu.dimension_semantics<core_parallel>, #tpu.dimension_semantics<subcore_parallel>], iteration_bounds = array<i64: 2, 16>, scalar_prefetch = 0 : i64, scratch_operands = 7 : i64, tpu.core_type = #tpu.core_type<sc_vector_subcore>, window_params = [{transform_indices = #map}, {transform_indices = #map}, {transform_indices = #map1}, {transform_indices = #map}, {transform_indices = #map}, {transform_indices = #map}, {transform_indices = #map}]} {
    %mul3A = arith.constant 16 : i32
    %mul3A_0 = arith.muli %arg0, %mul3A : i32
    %add3A = arith.addi %mul3A_0, %arg1 : i32
    %mul3A_1 = arith.constant 5328 : i32
    %mul3A_2 = arith.muli %add3A, %mul3A_1 : i32
    %iota3A = tpu.iota {dimensions = array<i32: 0>} : vector<16xi32>
    %jit3A = arith.constant 8 : i32
    %div3A = vector.broadcast %jit3A : i32 to vector<16xi32>
    %div3A_3 = arith.divsi %iota3A, %div3A : vector<16xi32>
    %sign3A = arith.constant 0 : i32
    %sign3A_4 = vector.broadcast %sign3A : i32 to vector<16xi32>
    %sign3A_5 = arith.cmpi sgt, %iota3A, %sign3A_4 : vector<16xi32>
    %sign3A_6 = arith.extui %sign3A_5 : vector<16xi1> to vector<16xi32>
    %sign3A_7 = arith.constant 0 : i32
    %sign3A_8 = vector.broadcast %sign3A_7 : i32 to vector<16xi32>
    %sign3A_9 = arith.cmpi slt, %iota3A, %sign3A_8 : vector<16xi32>
    %sign3A_10 = arith.extui %sign3A_9 : vector<16xi1> to vector<16xi32>
    %sign3A_11 = arith.subi %sign3A_6, %sign3A_10 : vector<16xi32>
    %sign3A_12 = arith.constant 0 : i32
    %sign3A_13 = arith.cmpi sgt, %jit3A, %sign3A_12 : i32
    %sign3A_14 = arith.extui %sign3A_13 : i1 to i32
    %sign3A_15 = arith.constant 0 : i32
    %sign3A_16 = arith.cmpi slt, %jit3A, %sign3A_15 : i32
    %sign3A_17 = arith.extui %sign3A_16 : i1 to i32
    %sign3A_18 = arith.subi %sign3A_14, %sign3A_17 : i32
    %ne3A = vector.broadcast %sign3A_18 : i32 to vector<16xi32>
    %ne3A_19 = arith.cmpi ne, %sign3A_11, %ne3A : vector<16xi32>
    %rem3A = vector.broadcast %jit3A : i32 to vector<16xi32>
    %rem3A_20 = arith.remsi %iota3A, %rem3A : vector<16xi32>
    %ne3A_21 = arith.constant 0 : i32
    %ne3A_22 = vector.broadcast %ne3A_21 : i32 to vector<16xi32>
    %ne3A_23 = arith.cmpi ne, %rem3A_20, %ne3A_22 : vector<16xi32>
    %and3A = arith.andi %ne3A_19, %ne3A_23 : vector<16xi1>
    %sub3A = arith.constant 1 : i32
    %sub3A_24 = vector.broadcast %sub3A : i32 to vector<16xi32>
    %sub3A_25 = arith.subi %div3A_3, %sub3A_24 : vector<16xi32>
    %select_n3A = arith.select %and3A, %sub3A_25, %div3A_3 : vector<16xi1>, vector<16xi32>
    %jit3A_26 = arith.constant 8 : i32
    %eq3A = arith.constant 0 : i32
    %eq3A_27 = arith.cmpi eq, %jit3A_26, %eq3A : i32
    %jit3A_28 = arith.constant 1 : i32
    %select_n3A_29 = arith.select %eq3A_27, %jit3A_28, %jit3A_26 : i32
    %rem3A_30 = vector.broadcast %select_n3A_29 : i32 to vector<16xi32>
    %rem3A_31 = arith.remsi %iota3A, %rem3A_30 : vector<16xi32>
    %ne3A_32 = arith.constant 0 : i32
    %ne3A_33 = vector.broadcast %ne3A_32 : i32 to vector<16xi32>
    %ne3A_34 = arith.cmpi ne, %rem3A_31, %ne3A_33 : vector<16xi32>
    %lt3A = arith.constant 0 : i32
    %lt3A_35 = vector.broadcast %lt3A : i32 to vector<16xi32>
    %lt3A_36 = arith.cmpi slt, %rem3A_31, %lt3A_35 : vector<16xi32>
    %lt3A_37 = arith.constant 0 : i32
    %lt3A_38 = arith.cmpi slt, %select_n3A_29, %lt3A_37 : i32
    %ne3A_39 = vector.broadcast %lt3A_38 : i1 to vector<16xi1>
    %ne3A_40 = vector.broadcast %ne3A_39 : vector<16xi1> to vector<16xi1>
    %ne3A_41 = arith.xori %lt3A_36, %ne3A_40 : vector<16xi1>
    %and3A_42 = arith.andi %ne3A_41, %ne3A_34 : vector<16xi1>
    %add3A_43 = vector.broadcast %select_n3A_29 : i32 to vector<16xi32>
    %add3A_44 = arith.addi %rem3A_31, %add3A_43 : vector<16xi32>
    %select_n3A_45 = arith.select %and3A_42, %add3A_44, %rem3A_31 : vector<16xi1>, vector<16xi32>
    %broadcast_in_dim3A = arith.constant 0.000000e+00 : f32
    %broadcast_in_dim3A_46 = vector.broadcast %broadcast_in_dim3A : f32 to vector<16xf32>
    %scan3A = arith.constant 0 : i32
    %scan3A_47 = arith.constant 333 : i32
    %scan3A_48 = arith.addi %scan3A, %scan3A_47 : i32
    %scan3A_49 = arith.constant 1 : i32
    %scan3A_50 = scf.for %scan3A_53 = %scan3A to %scan3A_48 step %scan3A_49 iter_args(%scan3A_54 = %broadcast_in_dim3A_46) -> (vector<16xf32>)  : i32 {
      %mul3A_55 = arith.constant 1 : i32
      %mul3A_56 = arith.muli %scan3A_53, %mul3A_55 : i32
      %add3A_57 = arith.constant 0 : i32
      %add3A_58 = arith.addi %add3A_57, %mul3A_56 : i32
      %mul3A_59 = arith.constant 16 : i32
      %mul3A_60 = arith.muli %add3A_58, %mul3A_59 : i32
      %add3A_61 = arith.addi %mul3A_2, %mul3A_60 : i32
      "tpu.region"() ({
        %run_scoped3A = tpu.sem_alloc : memref<!tpu.dma_semaphore, #tpu.memory_space<semaphore_mem>>
        %dma_start3A = tpu.memref_slice %arg4[%add3A_61] : memref<170496xi32, #tpu.memory_space<hbm>> -> memref<16xi32, #tpu.memory_space<hbm>>
        %dma_start3A_173 = tpu.memref_slice %arg4[%add3A_61] : memref<170496xi32, #tpu.memory_space<hbm>> -> memref<16xi32, #tpu.memory_space<hbm>>
        tpu.enqueue_dma source(%dma_start3A_173 : memref<16xi32, #tpu.memory_space<hbm>>) target(%arg9 : memref<16xi32, #tpu.memory_space<vmem>>) target_semaphore(%run_scoped3A : memref<!tpu.dma_semaphore, #tpu.memory_space<semaphore_mem>>)
        %dma_wait3A = tpu.memref_slice %arg4[%add3A_61] : memref<170496xi32, #tpu.memory_space<hbm>> -> memref<16xi32, #tpu.memory_space<hbm>>
        %dma_wait3A_174 = tpu.memref_slice %arg4[%add3A_61] : memref<170496xi32, #tpu.memory_space<hbm>> -> memref<16xi32, #tpu.memory_space<hbm>>
        tpu.wait_dma2 semaphore(%run_scoped3A : memref<!tpu.dma_semaphore, #tpu.memory_space<semaphore_mem>>) src(%dma_wait3A_174 : memref<16xi32, #tpu.memory_space<hbm>>) dst(%arg9 : memref<16xi32, #tpu.memory_space<vmem>>)
        tpu.yield
      }) : () -> ()
      "tpu.region"() ({
        %run_scoped3A = tpu.sem_alloc : memref<!tpu.dma_semaphore, #tpu.memory_space<semaphore_mem>>
        %dma_start3A = arith.constant 0 : i32
        %dma_start3A_173 = tpu.memref_slice %arg2[%add3A_61, %dma_start3A] : memref<170496x16xf32, #tpu.memory_space<hbm>> -> memref<16x16xf32, #tpu.memory_space<hbm>>
        %dma_start3A_174 = arith.constant 0 : i32
        %dma_start3A_175 = tpu.memref_slice %arg2[%add3A_61, %dma_start3A_174] : memref<170496x16xf32, #tpu.memory_space<hbm>> -> memref<16x16xf32, #tpu.memory_space<hbm>>
        tpu.enqueue_dma source(%dma_start3A_175 : memref<16x16xf32, #tpu.memory_space<hbm>>) target(%arg10 : memref<16x16xf32, #tpu.memory_space<vmem>>) target_semaphore(%run_scoped3A : memref<!tpu.dma_semaphore, #tpu.memory_space<semaphore_mem>>)
        %dma_wait3A = arith.constant 0 : i32
        %dma_wait3A_176 = tpu.memref_slice %arg2[%add3A_61, %dma_wait3A] : memref<170496x16xf32, #tpu.memory_space<hbm>> -> memref<16x16xf32, #tpu.memory_space<hbm>>
        %dma_wait3A_177 = arith.constant 0 : i32
        %dma_wait3A_178 = tpu.memref_slice %arg2[%add3A_61, %dma_wait3A_177] : memref<170496x16xf32, #tpu.memory_space<hbm>> -> memref<16x16xf32, #tpu.memory_space<hbm>>
        tpu.wait_dma2 semaphore(%run_scoped3A : memref<!tpu.dma_semaphore, #tpu.memory_space<semaphore_mem>>) src(%dma_wait3A_178 : memref<16x16xf32, #tpu.memory_space<hbm>>) dst(%arg10 : memref<16x16xf32, #tpu.memory_space<vmem>>)
        tpu.yield
      }) : () -> ()
      "tpu.region"() ({
        %run_scoped3A = tpu.sem_alloc : memref<!tpu.dma_semaphore, #tpu.memory_space<semaphore_mem>>
        %dma_start3A = arith.constant 0 : i32
        %dma_start3A_173 = tpu.memref_slice %arg3[%add3A_61, %dma_start3A] : memref<170496x16xf32, #tpu.memory_space<hbm>> -> memref<16x16xf32, #tpu.memory_space<hbm>>
        %dma_start3A_174 = arith.constant 0 : i32
        %dma_start3A_175 = tpu.memref_slice %arg3[%add3A_61, %dma_start3A_174] : memref<170496x16xf32, #tpu.memory_space<hbm>> -> memref<16x16xf32, #tpu.memory_space<hbm>>
        tpu.enqueue_dma source(%dma_start3A_175 : memref<16x16xf32, #tpu.memory_space<hbm>>) target(%arg11 : memref<16x16xf32, #tpu.memory_space<vmem>>) target_semaphore(%run_scoped3A : memref<!tpu.dma_semaphore, #tpu.memory_space<semaphore_mem>>)
        %dma_wait3A = arith.constant 0 : i32
        %dma_wait3A_176 = tpu.memref_slice %arg3[%add3A_61, %dma_wait3A] : memref<170496x16xf32, #tpu.memory_space<hbm>> -> memref<16x16xf32, #tpu.memory_space<hbm>>
        %dma_wait3A_177 = arith.constant 0 : i32
        %dma_wait3A_178 = tpu.memref_slice %arg3[%add3A_61, %dma_wait3A_177] : memref<170496x16xf32, #tpu.memory_space<hbm>> -> memref<16x16xf32, #tpu.memory_space<hbm>>
        tpu.wait_dma2 semaphore(%run_scoped3A : memref<!tpu.dma_semaphore, #tpu.memory_space<semaphore_mem>>) src(%dma_wait3A_178 : memref<16x16xf32, #tpu.memory_space<hbm>>) dst(%arg11 : memref<16x16xf32, #tpu.memory_space<vmem>>)
        tpu.yield
      }) : () -> ()
      "tpu.region"() ({
        %run_scoped3A = tpu.sem_alloc : memref<!tpu.dma_semaphore, #tpu.memory_space<semaphore_mem>>
        %dma_start3A = arith.constant 0 : i32
        %dma_start3A_173 = arith.constant 0 : i32
        %dma_start3A_174 = tpu.memref_slice %arg5[%dma_start3A, %dma_start3A_173] : memref<10000x16xf32, #tpu.memory_space<hbm>> -> memref<10000x16xf32, #tpu.memory_space<hbm>>
        tpu.enqueue_indirect_dma source(%dma_start3A_174 : memref<10000x16xf32, #tpu.memory_space<hbm>>) target(%arg12 : memref<16x16xf32, #tpu.memory_space<vmem>>) offsets(%arg9 : memref<16xi32, #tpu.memory_space<vmem>>) semaphore(%run_scoped3A : memref<!tpu.dma_semaphore, #tpu.memory_space<semaphore_mem>>)
        %dma_wait3A = arith.constant 0 : i32
        %dma_wait3A_175 = arith.constant 0 : i32
        %dma_wait3A_176 = tpu.memref_slice %arg5[%dma_wait3A, %dma_wait3A_175] : memref<10000x16xf32, #tpu.memory_space<hbm>> -> memref<10000x16xf32, #tpu.memory_space<hbm>>
        tpu.wait_indirect_dma semaphore(%run_scoped3A : memref<!tpu.dma_semaphore, #tpu.memory_space<semaphore_mem>>) src(%dma_wait3A_176 : memref<10000x16xf32, #tpu.memory_space<hbm>>) dst(%arg12 : memref<16x16xf32, #tpu.memory_space<vmem>>)
        tpu.yield
      }) : () -> ()
      "tpu.region"() ({
        %run_scoped3A = tpu.sem_alloc : memref<!tpu.dma_semaphore, #tpu.memory_space<semaphore_mem>>
        %dma_start3A = arith.constant 0 : i32
        %dma_start3A_173 = arith.constant 0 : i32
        %dma_start3A_174 = tpu.memref_slice %arg6[%dma_start3A, %dma_start3A_173] : memref<10000x16xf32, #tpu.memory_space<hbm>> -> memref<10000x16xf32, #tpu.memory_space<hbm>>
        tpu.enqueue_indirect_dma source(%dma_start3A_174 : memref<10000x16xf32, #tpu.memory_space<hbm>>) target(%arg13 : memref<16x16xf32, #tpu.memory_space<vmem>>) offsets(%arg9 : memref<16xi32, #tpu.memory_space<vmem>>) semaphore(%run_scoped3A : memref<!tpu.dma_semaphore, #tpu.memory_space<semaphore_mem>>)
        %dma_wait3A = arith.constant 0 : i32
        %dma_wait3A_175 = arith.constant 0 : i32
        %dma_wait3A_176 = tpu.memref_slice %arg6[%dma_wait3A, %dma_wait3A_175] : memref<10000x16xf32, #tpu.memory_space<hbm>> -> memref<10000x16xf32, #tpu.memory_space<hbm>>
        tpu.wait_indirect_dma semaphore(%run_scoped3A : memref<!tpu.dma_semaphore, #tpu.memory_space<semaphore_mem>>) src(%dma_wait3A_176 : memref<10000x16xf32, #tpu.memory_space<hbm>>) dst(%arg13 : memref<16x16xf32, #tpu.memory_space<vmem>>)
        tpu.yield
      }) : () -> ()
      %add3A_62 = arith.constant 0 : i32
      %add3A_63 = vector.broadcast %add3A_62 : i32 to vector<16xi32>
      %add3A_64 = arith.addi %select_n3A, %add3A_63 : vector<16xi32>
      %gather3A = tpu.vector_load_idx %arg10[%add3A_64, %select_n3A_45] : memref<16x16xf32, #tpu.memory_space<vmem>>[vector<16xi32>, vector<16xi32>], vector<16xf32>,
      %gather3A_65 = tpu.vector_load_idx %arg11[%add3A_64, %select_n3A_45] : memref<16x16xf32, #tpu.memory_space<vmem>>[vector<16xi32>, vector<16xi32>], vector<16xf32>,
      %gather3A_66 = tpu.vector_load_idx %arg12[%add3A_64, %select_n3A_45] : memref<16x16xf32, #tpu.memory_space<vmem>>[vector<16xi32>, vector<16xi32>], vector<16xf32>,
      %gather3A_67 = tpu.vector_load_idx %arg13[%add3A_64, %select_n3A_45] : memref<16x16xf32, #tpu.memory_space<vmem>>[vector<16xi32>, vector<16xi32>], vector<16xf32>,
      %add3A_68 = arith.addf %gather3A_66, %gather3A_67 : vector<16xf32>
      %add3A_69 = arith.constant 1.000000e-16 : f32
      %add3A_70 = vector.broadcast %add3A_69 : f32 to vector<16xf32>
      %add3A_71 = arith.addf %add3A_68, %add3A_70 : vector<16xf32>
      %div3A_72 = arith.divf %gather3A, %add3A_71 : vector<16xf32>
      %mul3A_73 = arith.mulf %div3A_72, %gather3A_65 : vector<16xf32>
      %add3A_74 = arith.addf %scan3A_54, %mul3A_73 : vector<16xf32>
      tpu.vector_store_idx %arg14[%add3A_64, %select_n3A_45], %div3A_72 : memref<16x16xf32, #tpu.memory_space<vmem>>[vector<16xi32>, vector<16xi32>], vector<16xf32>,
      %add3A_75 = arith.constant 2 : i32
      %add3A_76 = vector.broadcast %add3A_75 : i32 to vector<16xi32>
      %add3A_77 = arith.addi %select_n3A, %add3A_76 : vector<16xi32>
      %gather3A_78 = tpu.vector_load_idx %arg10[%add3A_77, %select_n3A_45] : memref<16x16xf32, #tpu.memory_space<vmem>>[vector<16xi32>, vector<16xi32>], vector<16xf32>,
      %gather3A_79 = tpu.vector_load_idx %arg11[%add3A_77, %select_n3A_45] : memref<16x16xf32, #tpu.memory_space<vmem>>[vector<16xi32>, vector<16xi32>], vector<16xf32>,
      %gather3A_80 = tpu.vector_load_idx %arg12[%add3A_77, %select_n3A_45] : memref<16x16xf32, #tpu.memory_space<vmem>>[vector<16xi32>, vector<16xi32>], vector<16xf32>,
      %gather3A_81 = tpu.vector_load_idx %arg13[%add3A_77, %select_n3A_45] : memref<16x16xf32, #tpu.memory_space<vmem>>[vector<16xi32>, vector<16xi32>], vector<16xf32>,
      %add3A_82 = arith.addf %gather3A_80, %gather3A_81 : vector<16xf32>
      %add3A_83 = arith.constant 1.000000e-16 : f32
      %add3A_84 = vector.broadcast %add3A_83 : f32 to vector<16xf32>
      %add3A_85 = arith.addf %add3A_82, %add3A_84 : vector<16xf32>
      %div3A_86 = arith.divf %gather3A_78, %add3A_85 : vector<16xf32>
      %mul3A_87 = arith.mulf %div3A_86, %gather3A_79 : vector<16xf32>
      %add3A_88 = arith.addf %add3A_74, %mul3A_87 : vector<16xf32>
      tpu.vector_store_idx %arg14[%add3A_77, %select_n3A_45], %div3A_86 : memref<16x16xf32, #tpu.memory_space<vmem>>[vector<16xi32>, vector<16xi32>], vector<16xf32>,
      %add3A_89 = arith.constant 4 : i32
      %add3A_90 = vector.broadcast %add3A_89 : i32 to vector<16xi32>
      %add3A_91 = arith.addi %select_n3A, %add3A_90 : vector<16xi32>
      %gather3A_92 = tpu.vector_load_idx %arg10[%add3A_91, %select_n3A_45] : memref<16x16xf32, #tpu.memory_space<vmem>>[vector<16xi32>, vector<16xi32>], vector<16xf32>,
      %gather3A_93 = tpu.vector_load_idx %arg11[%add3A_91, %select_n3A_45] : memref<16x16xf32, #tpu.memory_space<vmem>>[vector<16xi32>, vector<16xi32>], vector<16xf32>,
      %gather3A_94 = tpu.vector_load_idx %arg12[%add3A_91, %select_n3A_45] : memref<16x16xf32, #tpu.memory_space<vmem>>[vector<16xi32>, vector<16xi32>], vector<16xf32>,
      %gather3A_95 = tpu.vector_load_idx %arg13[%add3A_91, %select_n3A_45] : memref<16x16xf32, #tpu.memory_space<vmem>>[vector<16xi32>, vector<16xi32>], vector<16xf32>,
      %add3A_96 = arith.addf %gather3A_94, %gather3A_95 : vector<16xf32>
      %add3A_97 = arith.constant 1.000000e-16 : f32
      %add3A_98 = vector.broadcast %add3A_97 : f32 to vector<16xf32>
      %add3A_99 = arith.addf %add3A_96, %add3A_98 : vector<16xf32>
      %div3A_100 = arith.divf %gather3A_92, %add3A_99 : vector<16xf32>
      %mul3A_101 = arith.mulf %div3A_100, %gather3A_93 : vector<16xf32>
      %add3A_102 = arith.addf %add3A_88, %mul3A_101 : vector<16xf32>
      tpu.vector_store_idx %arg14[%add3A_91, %select_n3A_45], %div3A_100 : memref<16x16xf32, #tpu.memory_space<vmem>>[vector<16xi32>, vector<16xi32>], vector<16xf32>,
      %add3A_103 = arith.constant 6 : i32
      %add3A_104 = vector.broadcast %add3A_103 : i32 to vector<16xi32>
      %add3A_105 = arith.addi %select_n3A, %add3A_104 : vector<16xi32>
      %gather3A_106 = tpu.vector_load_idx %arg10[%add3A_105, %select_n3A_45] : memref<16x16xf32, #tpu.memory_space<vmem>>[vector<16xi32>, vector<16xi32>], vector<16xf32>,
      %gather3A_107 = tpu.vector_load_idx %arg11[%add3A_105, %select_n3A_45] : memref<16x16xf32, #tpu.memory_space<vmem>>[vector<16xi32>, vector<16xi32>], vector<16xf32>,
      %gather3A_108 = tpu.vector_load_idx %arg12[%add3A_105, %select_n3A_45] : memref<16x16xf32, #tpu.memory_space<vmem>>[vector<16xi32>, vector<16xi32>], vector<16xf32>,
      %gather3A_109 = tpu.vector_load_idx %arg13[%add3A_105, %select_n3A_45] : memref<16x16xf32, #tpu.memory_space<vmem>>[vector<16xi32>, vector<16xi32>], vector<16xf32>,
      %add3A_110 = arith.addf %gather3A_108, %gather3A_109 : vector<16xf32>
      %add3A_111 = arith.constant 1.000000e-16 : f32
      %add3A_112 = vector.broadcast %add3A_111 : f32 to vector<16xf32>
      %add3A_113 = arith.addf %add3A_110, %add3A_112 : vector<16xf32>
      %div3A_114 = arith.divf %gather3A_106, %add3A_113 : vector<16xf32>
      %mul3A_115 = arith.mulf %div3A_114, %gather3A_107 : vector<16xf32>
      %add3A_116 = arith.addf %add3A_102, %mul3A_115 : vector<16xf32>
      tpu.vector_store_idx %arg14[%add3A_105, %select_n3A_45], %div3A_114 : memref<16x16xf32, #tpu.memory_space<vmem>>[vector<16xi32>, vector<16xi32>], vector<16xf32>,
      %add3A_117 = arith.constant 8 : i32
      %add3A_118 = vector.broadcast %add3A_117 : i32 to vector<16xi32>
      %add3A_119 = arith.addi %select_n3A, %add3A_118 : vector<16xi32>
      %gather3A_120 = tpu.vector_load_idx %arg10[%add3A_119, %select_n3A_45] : memref<16x16xf32, #tpu.memory_space<vmem>>[vector<16xi32>, vector<16xi32>], vector<16xf32>,
      %gather3A_121 = tpu.vector_load_idx %arg11[%add3A_119, %select_n3A_45] : memref<16x16xf32, #tpu.memory_space<vmem>>[vector<16xi32>, vector<16xi32>], vector<16xf32>,
      %gather3A_122 = tpu.vector_load_idx %arg12[%add3A_119, %select_n3A_45] : memref<16x16xf32, #tpu.memory_space<vmem>>[vector<16xi32>, vector<16xi32>], vector<16xf32>,
      %gather3A_123 = tpu.vector_load_idx %arg13[%add3A_119, %select_n3A_45] : memref<16x16xf32, #tpu.memory_space<vmem>>[vector<16xi32>, vector<16xi32>], vector<16xf32>,
      %add3A_124 = arith.addf %gather3A_122, %gather3A_123 : vector<16xf32>
      %add3A_125 = arith.constant 1.000000e-16 : f32
      %add3A_126 = vector.broadcast %add3A_125 : f32 to vector<16xf32>
      %add3A_127 = arith.addf %add3A_124, %add3A_126 : vector<16xf32>
      %div3A_128 = arith.divf %gather3A_120, %add3A_127 : vector<16xf32>
      %mul3A_129 = arith.mulf %div3A_128, %gather3A_121 : vector<16xf32>
      %add3A_130 = arith.addf %add3A_116, %mul3A_129 : vector<16xf32>
      tpu.vector_store_idx %arg14[%add3A_119, %select_n3A_45], %div3A_128 : memref<16x16xf32, #tpu.memory_space<vmem>>[vector<16xi32>, vector<16xi32>], vector<16xf32>,
      %add3A_131 = arith.constant 10 : i32
      %add3A_132 = vector.broadcast %add3A_131 : i32 to vector<16xi32>
      %add3A_133 = arith.addi %select_n3A, %add3A_132 : vector<16xi32>
      %gather3A_134 = tpu.vector_load_idx %arg10[%add3A_133, %select_n3A_45] : memref<16x16xf32, #tpu.memory_space<vmem>>[vector<16xi32>, vector<16xi32>], vector<16xf32>,
      %gather3A_135 = tpu.vector_load_idx %arg11[%add3A_133, %select_n3A_45] : memref<16x16xf32, #tpu.memory_space<vmem>>[vector<16xi32>, vector<16xi32>], vector<16xf32>,
      %gather3A_136 = tpu.vector_load_idx %arg12[%add3A_133, %select_n3A_45] : memref<16x16xf32, #tpu.memory_space<vmem>>[vector<16xi32>, vector<16xi32>], vector<16xf32>,
      %gather3A_137 = tpu.vector_load_idx %arg13[%add3A_133, %select_n3A_45] : memref<16x16xf32, #tpu.memory_space<vmem>>[vector<16xi32>, vector<16xi32>], vector<16xf32>,
      %add3A_138 = arith.addf %gather3A_136, %gather3A_137 : vector<16xf32>
      %add3A_139 = arith.constant 1.000000e-16 : f32
      %add3A_140 = vector.broadcast %add3A_139 : f32 to vector<16xf32>
      %add3A_141 = arith.addf %add3A_138, %add3A_140 : vector<16xf32>
      %div3A_142 = arith.divf %gather3A_134, %add3A_141 : vector<16xf32>
      %mul3A_143 = arith.mulf %div3A_142, %gather3A_135 : vector<16xf32>
      %add3A_144 = arith.addf %add3A_130, %mul3A_143 : vector<16xf32>
      tpu.vector_store_idx %arg14[%add3A_133, %select_n3A_45], %div3A_142 : memref<16x16xf32, #tpu.memory_space<vmem>>[vector<16xi32>, vector<16xi32>], vector<16xf32>,
      %add3A_145 = arith.constant 12 : i32
      %add3A_146 = vector.broadcast %add3A_145 : i32 to vector<16xi32>
      %add3A_147 = arith.addi %select_n3A, %add3A_146 : vector<16xi32>
      %gather3A_148 = tpu.vector_load_idx %arg10[%add3A_147, %select_n3A_45] : memref<16x16xf32, #tpu.memory_space<vmem>>[vector<16xi32>, vector<16xi32>], vector<16xf32>,
      %gather3A_149 = tpu.vector_load_idx %arg11[%add3A_147, %select_n3A_45] : memref<16x16xf32, #tpu.memory_space<vmem>>[vector<16xi32>, vector<16xi32>], vector<16xf32>,
      %gather3A_150 = tpu.vector_load_idx %arg12[%add3A_147, %select_n3A_45] : memref<16x16xf32, #tpu.memory_space<vmem>>[vector<16xi32>, vector<16xi32>], vector<16xf32>,
      %gather3A_151 = tpu.vector_load_idx %arg13[%add3A_147, %select_n3A_45] : memref<16x16xf32, #tpu.memory_space<vmem>>[vector<16xi32>, vector<16xi32>], vector<16xf32>,
      %add3A_152 = arith.addf %gather3A_150, %gather3A_151 : vector<16xf32>
      %add3A_153 = arith.constant 1.000000e-16 : f32
      %add3A_154 = vector.broadcast %add3A_153 : f32 to vector<16xf32>
      %add3A_155 = arith.addf %add3A_152, %add3A_154 : vector<16xf32>
      %div3A_156 = arith.divf %gather3A_148, %add3A_155 : vector<16xf32>
      %mul3A_157 = arith.mulf %div3A_156, %gather3A_149 : vector<16xf32>
      %add3A_158 = arith.addf %add3A_144, %mul3A_157 : vector<16xf32>
      tpu.vector_store_idx %arg14[%add3A_147, %select_n3A_45], %div3A_156 : memref<16x16xf32, #tpu.memory_space<vmem>>[vector<16xi32>, vector<16xi32>], vector<16xf32>,
      %add3A_159 = arith.constant 14 : i32
      %add3A_160 = vector.broadcast %add3A_159 : i32 to vector<16xi32>
      %add3A_161 = arith.addi %select_n3A, %add3A_160 : vector<16xi32>
      %gather3A_162 = tpu.vector_load_idx %arg10[%add3A_161, %select_n3A_45] : memref<16x16xf32, #tpu.memory_space<vmem>>[vector<16xi32>, vector<16xi32>], vector<16xf32>,
      %gather3A_163 = tpu.vector_load_idx %arg11[%add3A_161, %select_n3A_45] : memref<16x16xf32, #tpu.memory_space<vmem>>[vector<16xi32>, vector<16xi32>], vector<16xf32>,
      %gather3A_164 = tpu.vector_load_idx %arg12[%add3A_161, %select_n3A_45] : memref<16x16xf32, #tpu.memory_space<vmem>>[vector<16xi32>, vector<16xi32>], vector<16xf32>,
      %gather3A_165 = tpu.vector_load_idx %arg13[%add3A_161, %select_n3A_45] : memref<16x16xf32, #tpu.memory_space<vmem>>[vector<16xi32>, vector<16xi32>], vector<16xf32>,
      %add3A_166 = arith.addf %gather3A_164, %gather3A_165 : vector<16xf32>
      %add3A_167 = arith.constant 1.000000e-16 : f32
      %add3A_168 = vector.broadcast %add3A_167 : f32 to vector<16xf32>
      %add3A_169 = arith.addf %add3A_166, %add3A_168 : vector<16xf32>
      %div3A_170 = arith.divf %gather3A_162, %add3A_169 : vector<16xf32>
      %mul3A_171 = arith.mulf %div3A_170, %gather3A_163 : vector<16xf32>
      %add3A_172 = arith.addf %add3A_158, %mul3A_171 : vector<16xf32>
      tpu.vector_store_idx %arg14[%add3A_161, %select_n3A_45], %div3A_170 : memref<16x16xf32, #tpu.memory_space<vmem>>[vector<16xi32>, vector<16xi32>], vector<16xf32>,
      "tpu.region"() ({
        %run_scoped3A = tpu.sem_alloc : memref<!tpu.dma_semaphore, #tpu.memory_space<semaphore_mem>>
        %dma_start3A = arith.constant 0 : i32
        %dma_start3A_173 = tpu.memref_slice %arg7[%add3A_61, %dma_start3A] : memref<170496x16xf32, #tpu.memory_space<hbm>> -> memref<16x16xf32, #tpu.memory_space<hbm>>
        %dma_start3A_174 = arith.constant 0 : i32
        %dma_start3A_175 = tpu.memref_slice %arg7[%add3A_61, %dma_start3A_174] : memref<170496x16xf32, #tpu.memory_space<hbm>> -> memref<16x16xf32, #tpu.memory_space<hbm>>
        tpu.enqueue_dma source(%arg14 : memref<16x16xf32, #tpu.memory_space<vmem>>) target(%dma_start3A_175 : memref<16x16xf32, #tpu.memory_space<hbm>>) target_semaphore(%run_scoped3A : memref<!tpu.dma_semaphore, #tpu.memory_space<semaphore_mem>>)
        %dma_wait3A = arith.constant 0 : i32
        %dma_wait3A_176 = tpu.memref_slice %arg7[%add3A_61, %dma_wait3A] : memref<170496x16xf32, #tpu.memory_space<hbm>> -> memref<16x16xf32, #tpu.memory_space<hbm>>
        %dma_wait3A_177 = arith.constant 0 : i32
        %dma_wait3A_178 = tpu.memref_slice %arg7[%add3A_61, %dma_wait3A_177] : memref<170496x16xf32, #tpu.memory_space<hbm>> -> memref<16x16xf32, #tpu.memory_space<hbm>>
        tpu.wait_dma2 semaphore(%run_scoped3A : memref<!tpu.dma_semaphore, #tpu.memory_space<semaphore_mem>>) src(%arg14 : memref<16x16xf32, #tpu.memory_space<vmem>>) dst(%dma_wait3A_178 : memref<16x16xf32, #tpu.memory_space<hbm>>)
        tpu.yield
      }) : () -> ()
      scf.yield %add3A_172 : vector<16xf32>
    }
    %scan3A_51 = arith.constant 333 : i32
    %swap3A = arith.constant 0 : index
    %swap3A_52 = tpu.vector_load %arg15[%swap3A] {strides = array<i32>} : memref<16xf32, #tpu.memory_space<vmem>>, vector<16xf32>,
    tpu.vector_store %arg15[%swap3A], %scan3A_50 {strides = array<i32>} : memref<16xf32, #tpu.memory_space<vmem>>, vector<16xf32>,
    "tpu.region"() ({
      %run_scoped3A = tpu.sem_alloc : memref<!tpu.dma_semaphore, #tpu.memory_space<semaphore_mem>>
      %dma_start3A = arith.constant 0 : i32
      %dma_start3A_53 = tpu.memref_slice %arg8[%add3A, %dma_start3A] : memref<32x16xf32, #tpu.memory_space<hbm>> -> memref<1x16xf32, #tpu.memory_space<hbm>>
      %dma_start3A_54 = tpu.memref_squeeze %dma_start3A_53 : memref<1x16xf32, #tpu.memory_space<hbm>> -> memref<16xf32, #tpu.memory_space<hbm>>
      %dma_start3A_55 = arith.constant 0 : i32
      %dma_start3A_56 = tpu.memref_slice %arg8[%add3A, %dma_start3A_55] : memref<32x16xf32, #tpu.memory_space<hbm>> -> memref<1x16xf32, #tpu.memory_space<hbm>>
      %dma_start3A_57 = tpu.memref_squeeze %dma_start3A_56 : memref<1x16xf32, #tpu.memory_space<hbm>> -> memref<16xf32, #tpu.memory_space<hbm>>
      tpu.enqueue_dma source(%arg15 : memref<16xf32, #tpu.memory_space<vmem>>) target(%dma_start3A_57 : memref<16xf32, #tpu.memory_space<hbm>>) target_semaphore(%run_scoped3A : memref<!tpu.dma_semaphore, #tpu.memory_space<semaphore_mem>>)
      %dma_wait3A = arith.constant 0 : i32
      %dma_wait3A_58 = tpu.memref_slice %arg8[%add3A, %dma_wait3A] : memref<32x16xf32, #tpu.memory_space<hbm>> -> memref<1x16xf32, #tpu.memory_space<hbm>>
      %dma_wait3A_59 = tpu.memref_squeeze %dma_wait3A_58 : memref<1x16xf32, #tpu.memory_space<hbm>> -> memref<16xf32, #tpu.memory_space<hbm>>
      %dma_wait3A_60 = arith.constant 0 : i32
      %dma_wait3A_61 = tpu.memref_slice %arg8[%add3A, %dma_wait3A_60] : memref<32x16xf32, #tpu.memory_space<hbm>> -> memref<1x16xf32, #tpu.memory_space<hbm>>
      %dma_wait3A_62 = tpu.memref_squeeze %dma_wait3A_61 : memref<1x16xf32, #tpu.memory_space<hbm>> -> memref<16xf32, #tpu.memory_space<hbm>>
      tpu.wait_dma2 semaphore(%run_scoped3A : memref<!tpu.dma_semaphore, #tpu.memory_space<semaphore_mem>>) src(%arg15 : memref<16xf32, #tpu.memory_space<vmem>>) dst(%dma_wait3A_62 : memref<16xf32, #tpu.memory_space<hbm>>)
      tpu.yield
    }) : () -> ()
    return
  }
}

#map = affine_map<(d0, d1) -> (0, 0)>
#map1 = affine_map<(d0, d1) -> (0)>
module attributes {stable_mosaic.version = 14 : i64} {
  func.func @_k4_body(%arg0: i32, %arg1: i32, %arg2: memref<170496x16xf32, #tpu.memory_space<hbm>>, %arg3: memref<32x170496xi32, #tpu.memory_space<hbm>>, %arg4: memref<170496xi32, #tpu.memory_space<hbm>>, %arg5: memref<320000x64xf32, #tpu.memory_space<hbm>>, %arg6: memref<8x16xf32, #tpu.memory_space<hbm>>, %arg7: memref<32x80000xf32, #tpu.memory_space<hbm>>, %arg8: memref<256xi32, #tpu.memory_space<vmem>>, %arg9: memref<256xi32, #tpu.memory_space<vmem>>, %arg10: memref<256x64xf32, #tpu.memory_space<vmem>>, %arg11: memref<256x16xf32, #tpu.memory_space<vmem>>, %arg12: memref<8x16xf32, #tpu.memory_space<vmem>>, %arg13: memref<80000xf32, #tpu.memory_space<vmem>>, %arg14: memref<!tpu.dma_semaphore, #tpu.memory_space<semaphore_mem>>) attributes {dimension_semantics = [#tpu.dimension_semantics<core_parallel>, #tpu.dimension_semantics<subcore_parallel>], iteration_bounds = array<i64: 2, 16>, scalar_prefetch = 0 : i64, scratch_operands = 7 : i64, tpu.core_type = #tpu.core_type<sc_vector_subcore>, window_params = [{transform_indices = #map}, {transform_indices = #map}, {transform_indices = #map1}, {transform_indices = #map}, {transform_indices = #map}, {transform_indices = #map}]} {
    %mul3A = arith.constant 16 : i32
    %mul3A_0 = arith.muli %arg0, %mul3A : i32
    %add3A = arith.addi %mul3A_0, %arg1 : i32
    %iota3A = tpu.iota {dimensions = array<i32: 0>} : vector<16xi32>
    %jit3A = arith.constant 8 : i32
    %div3A = vector.broadcast %jit3A : i32 to vector<16xi32>
    %div3A_1 = arith.divsi %iota3A, %div3A : vector<16xi32>
    %sign3A = arith.constant 0 : i32
    %sign3A_2 = vector.broadcast %sign3A : i32 to vector<16xi32>
    %sign3A_3 = arith.cmpi sgt, %iota3A, %sign3A_2 : vector<16xi32>
    %sign3A_4 = arith.extui %sign3A_3 : vector<16xi1> to vector<16xi32>
    %sign3A_5 = arith.constant 0 : i32
    %sign3A_6 = vector.broadcast %sign3A_5 : i32 to vector<16xi32>
    %sign3A_7 = arith.cmpi slt, %iota3A, %sign3A_6 : vector<16xi32>
    %sign3A_8 = arith.extui %sign3A_7 : vector<16xi1> to vector<16xi32>
    %sign3A_9 = arith.subi %sign3A_4, %sign3A_8 : vector<16xi32>
    %sign3A_10 = arith.constant 0 : i32
    %sign3A_11 = arith.cmpi sgt, %jit3A, %sign3A_10 : i32
    %sign3A_12 = arith.extui %sign3A_11 : i1 to i32
    %sign3A_13 = arith.constant 0 : i32
    %sign3A_14 = arith.cmpi slt, %jit3A, %sign3A_13 : i32
    %sign3A_15 = arith.extui %sign3A_14 : i1 to i32
    %sign3A_16 = arith.subi %sign3A_12, %sign3A_15 : i32
    %ne3A = vector.broadcast %sign3A_16 : i32 to vector<16xi32>
    %ne3A_17 = arith.cmpi ne, %sign3A_9, %ne3A : vector<16xi32>
    %rem3A = vector.broadcast %jit3A : i32 to vector<16xi32>
    %rem3A_18 = arith.remsi %iota3A, %rem3A : vector<16xi32>
    %ne3A_19 = arith.constant 0 : i32
    %ne3A_20 = vector.broadcast %ne3A_19 : i32 to vector<16xi32>
    %ne3A_21 = arith.cmpi ne, %rem3A_18, %ne3A_20 : vector<16xi32>
    %and3A = arith.andi %ne3A_17, %ne3A_21 : vector<16xi1>
    %sub3A = arith.constant 1 : i32
    %sub3A_22 = vector.broadcast %sub3A : i32 to vector<16xi32>
    %sub3A_23 = arith.subi %div3A_1, %sub3A_22 : vector<16xi32>
    %select_n3A = arith.select %and3A, %sub3A_23, %div3A_1 : vector<16xi1>, vector<16xi32>
    %jit3A_24 = arith.constant 8 : i32
    %eq3A = arith.constant 0 : i32
    %eq3A_25 = arith.cmpi eq, %jit3A_24, %eq3A : i32
    %jit3A_26 = arith.constant 1 : i32
    %select_n3A_27 = arith.select %eq3A_25, %jit3A_26, %jit3A_24 : i32
    %rem3A_28 = vector.broadcast %select_n3A_27 : i32 to vector<16xi32>
    %rem3A_29 = arith.remsi %iota3A, %rem3A_28 : vector<16xi32>
    %ne3A_30 = arith.constant 0 : i32
    %ne3A_31 = vector.broadcast %ne3A_30 : i32 to vector<16xi32>
    %ne3A_32 = arith.cmpi ne, %rem3A_29, %ne3A_31 : vector<16xi32>
    %lt3A = arith.constant 0 : i32
    %lt3A_33 = vector.broadcast %lt3A : i32 to vector<16xi32>
    %lt3A_34 = arith.cmpi slt, %rem3A_29, %lt3A_33 : vector<16xi32>
    %lt3A_35 = arith.constant 0 : i32
    %lt3A_36 = arith.cmpi slt, %select_n3A_27, %lt3A_35 : i32
    %ne3A_37 = vector.broadcast %lt3A_36 : i1 to vector<16xi1>
    %ne3A_38 = vector.broadcast %ne3A_37 : vector<16xi1> to vector<16xi1>
    %ne3A_39 = arith.xori %lt3A_34, %ne3A_38 : vector<16xi1>
    %and3A_40 = arith.andi %ne3A_39, %ne3A_32 : vector<16xi1>
    %add3A_41 = vector.broadcast %select_n3A_27 : i32 to vector<16xi32>
    %add3A_42 = arith.addi %rem3A_29, %add3A_41 : vector<16xi32>
    %select_n3A_43 = arith.select %and3A_40, %add3A_42, %rem3A_29 : vector<16xi1>, vector<16xi32>
    %broadcast_in_dim3A = arith.constant 0.000000e+00 : f32
    %broadcast_in_dim3A_44 = vector.broadcast %broadcast_in_dim3A : f32 to vector<16xf32>
    "tpu.region"() ({
      %run_scoped3A = tpu.sem_alloc : memref<!tpu.dma_semaphore, #tpu.memory_space<semaphore_mem>>
      tpu.enqueue_dma source(%arg6 : memref<8x16xf32, #tpu.memory_space<hbm>>) target(%arg12 : memref<8x16xf32, #tpu.memory_space<vmem>>) target_semaphore(%run_scoped3A : memref<!tpu.dma_semaphore, #tpu.memory_space<semaphore_mem>>)
      tpu.wait_dma2 semaphore(%run_scoped3A : memref<!tpu.dma_semaphore, #tpu.memory_space<semaphore_mem>>) src(%arg6 : memref<8x16xf32, #tpu.memory_space<hbm>>) dst(%arg12 : memref<8x16xf32, #tpu.memory_space<vmem>>)
      tpu.yield
    }) : () -> ()
    %scan3A = arith.constant 0 : i32
    %scan3A_45 = arith.constant 5000 : i32
    %scan3A_46 = arith.addi %scan3A, %scan3A_45 : i32
    %scan3A_47 = arith.constant 1 : i32
    scf.for %scan3A_85 = %scan3A to %scan3A_46 step %scan3A_47  : i32 {
      %mul3A_86 = arith.constant 1 : i32
      %mul3A_87 = arith.muli %scan3A_85, %mul3A_86 : i32
      %add3A_88 = arith.constant 0 : i32
      %add3A_89 = arith.addi %add3A_88, %mul3A_87 : i32
      %mul3A_90 = arith.constant 16 : i32
      %mul3A_91 = arith.muli %add3A_89, %mul3A_90 : i32
      %swap3A = arith.index_cast %mul3A_91 : i32 to index
      %swap3A_92 = tpu.vector_load %arg13[%swap3A] {strides = array<i32>} : memref<80000xf32, #tpu.memory_space<vmem>>, vector<16xf32>,
      tpu.vector_store %arg13[%swap3A], %broadcast_in_dim3A_44 {strides = array<i32>} : memref<80000xf32, #tpu.memory_space<vmem>>, vector<16xf32>,
    }
    %scan3A_48 = arith.constant 5000 : i32
    %get3A = arith.constant 0 : i32
    %get3A_49 = arith.index_cast %get3A : i32 to index
    %get3A_50 = arith.constant 0 : index
    %get3A_51 = tpu.vector_load %arg12[%get3A_49, %get3A_50] {strides = array<i32>} : memref<8x16xf32, #tpu.memory_space<vmem>>, vector<16xf32>,
    %get3A_52 = arith.constant 1 : i32
    %get3A_53 = arith.index_cast %get3A_52 : i32 to index
    %get3A_54 = arith.constant 0 : index
    %get3A_55 = tpu.vector_load %arg12[%get3A_53, %get3A_54] {strides = array<i32>} : memref<8x16xf32, #tpu.memory_space<vmem>>, vector<16xf32>,
    %get3A_56 = arith.constant 2 : i32
    %get3A_57 = arith.index_cast %get3A_56 : i32 to index
    %get3A_58 = arith.constant 0 : index
    %get3A_59 = tpu.vector_load %arg12[%get3A_57, %get3A_58] {strides = array<i32>} : memref<8x16xf32, #tpu.memory_space<vmem>>, vector<16xf32>,
    %get3A_60 = arith.constant 3 : i32
    %get3A_61 = arith.index_cast %get3A_60 : i32 to index
    %get3A_62 = arith.constant 0 : index
    %get3A_63 = tpu.vector_load %arg12[%get3A_61, %get3A_62] {strides = array<i32>} : memref<8x16xf32, #tpu.memory_space<vmem>>, vector<16xf32>,
    %get3A_64 = arith.constant 4 : i32
    %get3A_65 = arith.index_cast %get3A_64 : i32 to index
    %get3A_66 = arith.constant 0 : index
    %get3A_67 = tpu.vector_load %arg12[%get3A_65, %get3A_66] {strides = array<i32>} : memref<8x16xf32, #tpu.memory_space<vmem>>, vector<16xf32>,
    %get3A_68 = arith.constant 5 : i32
    %get3A_69 = arith.index_cast %get3A_68 : i32 to index
    %get3A_70 = arith.constant 0 : index
    %get3A_71 = tpu.vector_load %arg12[%get3A_69, %get3A_70] {strides = array<i32>} : memref<8x16xf32, #tpu.memory_space<vmem>>, vector<16xf32>,
    %get3A_72 = arith.constant 6 : i32
    %get3A_73 = arith.index_cast %get3A_72 : i32 to index
    %get3A_74 = arith.constant 0 : index
    %get3A_75 = tpu.vector_load %arg12[%get3A_73, %get3A_74] {strides = array<i32>} : memref<8x16xf32, #tpu.memory_space<vmem>>, vector<16xf32>,
    %get3A_76 = arith.constant 7 : i32
    %get3A_77 = arith.index_cast %get3A_76 : i32 to index
    %get3A_78 = arith.constant 0 : index
    %get3A_79 = tpu.vector_load %arg12[%get3A_77, %get3A_78] {strides = array<i32>} : memref<8x16xf32, #tpu.memory_space<vmem>>, vector<16xf32>,
    %scan3A_80 = arith.constant 0 : i32
    %scan3A_81 = arith.constant 666 : i32
    %scan3A_82 = arith.addi %scan3A_80, %scan3A_81 : i32
    %scan3A_83 = arith.constant 1 : i32
    scf.for %scan3A_85 = %scan3A_80 to %scan3A_82 step %scan3A_83  : i32 {
      %mul3A_86 = arith.constant 1 : i32
      %mul3A_87 = arith.muli %scan3A_85, %mul3A_86 : i32
      %add3A_88 = arith.constant 0 : i32
      %add3A_89 = arith.addi %add3A_88, %mul3A_87 : i32
      %mul3A_90 = arith.constant 256 : i32
      %mul3A_91 = arith.muli %add3A_89, %mul3A_90 : i32
      "tpu.region"() ({
        %run_scoped3A = tpu.sem_alloc : memref<!tpu.dma_semaphore, #tpu.memory_space<semaphore_mem>>
        %dma_start3A_101 = arith.constant 0 : i32
        %dma_start3A_102 = tpu.memref_slice %arg3[%add3A, %dma_start3A_101] : memref<32x170496xi32, #tpu.memory_space<hbm>> -> memref<1x170496xi32, #tpu.memory_space<hbm>>
        %dma_start3A_103 = tpu.memref_squeeze %dma_start3A_102 : memref<1x170496xi32, #tpu.memory_space<hbm>> -> memref<170496xi32, #tpu.memory_space<hbm>>
        %dma_start3A_104 = tpu.memref_slice %dma_start3A_103[%mul3A_91] : memref<170496xi32, #tpu.memory_space<hbm>> -> memref<256xi32, #tpu.memory_space<hbm>>
        %dma_start3A_105 = arith.constant 0 : i32
        %dma_start3A_106 = tpu.memref_slice %arg3[%add3A, %dma_start3A_105] : memref<32x170496xi32, #tpu.memory_space<hbm>> -> memref<1x170496xi32, #tpu.memory_space<hbm>>
        %dma_start3A_107 = tpu.memref_squeeze %dma_start3A_106 : memref<1x170496xi32, #tpu.memory_space<hbm>> -> memref<170496xi32, #tpu.memory_space<hbm>>
        %dma_start3A_108 = tpu.memref_slice %dma_start3A_107[%mul3A_91] : memref<170496xi32, #tpu.memory_space<hbm>> -> memref<256xi32, #tpu.memory_space<hbm>>
        tpu.enqueue_dma source(%dma_start3A_108 : memref<256xi32, #tpu.memory_space<hbm>>) target(%arg8 : memref<256xi32, #tpu.memory_space<vmem>>) target_semaphore(%run_scoped3A : memref<!tpu.dma_semaphore, #tpu.memory_space<semaphore_mem>>)
        %dma_wait3A_109 = arith.constant 0 : i32
        %dma_wait3A_110 = tpu.memref_slice %arg3[%add3A, %dma_wait3A_109] : memref<32x170496xi32, #tpu.memory_space<hbm>> -> memref<1x170496xi32, #tpu.memory_space<hbm>>
        %dma_wait3A_111 = tpu.memref_squeeze %dma_wait3A_110 : memref<1x170496xi32, #tpu.memory_space<hbm>> -> memref<170496xi32, #tpu.memory_space<hbm>>
        %dma_wait3A_112 = tpu.memref_slice %dma_wait3A_111[%mul3A_91] : memref<170496xi32, #tpu.memory_space<hbm>> -> memref<256xi32, #tpu.memory_space<hbm>>
        %dma_wait3A_113 = arith.constant 0 : i32
        %dma_wait3A_114 = tpu.memref_slice %arg3[%add3A, %dma_wait3A_113] : memref<32x170496xi32, #tpu.memory_space<hbm>> -> memref<1x170496xi32, #tpu.memory_space<hbm>>
        %dma_wait3A_115 = tpu.memref_squeeze %dma_wait3A_114 : memref<1x170496xi32, #tpu.memory_space<hbm>> -> memref<170496xi32, #tpu.memory_space<hbm>>
        %dma_wait3A_116 = tpu.memref_slice %dma_wait3A_115[%mul3A_91] : memref<170496xi32, #tpu.memory_space<hbm>> -> memref<256xi32, #tpu.memory_space<hbm>>
        tpu.wait_dma2 semaphore(%run_scoped3A : memref<!tpu.dma_semaphore, #tpu.memory_space<semaphore_mem>>) src(%dma_wait3A_116 : memref<256xi32, #tpu.memory_space<hbm>>) dst(%arg8 : memref<256xi32, #tpu.memory_space<vmem>>)
        tpu.yield
      }) : () -> ()
      "tpu.region"() ({
        %run_scoped3A = tpu.sem_alloc : memref<!tpu.dma_semaphore, #tpu.memory_space<semaphore_mem>>
        %dma_start3A_101 = tpu.memref_slice %arg4[%mul3A_91] : memref<170496xi32, #tpu.memory_space<hbm>> -> memref<256xi32, #tpu.memory_space<hbm>>
        %dma_start3A_102 = tpu.memref_slice %arg4[%mul3A_91] : memref<170496xi32, #tpu.memory_space<hbm>> -> memref<256xi32, #tpu.memory_space<hbm>>
        tpu.enqueue_dma source(%dma_start3A_102 : memref<256xi32, #tpu.memory_space<hbm>>) target(%arg9 : memref<256xi32, #tpu.memory_space<vmem>>) target_semaphore(%run_scoped3A : memref<!tpu.dma_semaphore, #tpu.memory_space<semaphore_mem>>)
        %dma_wait3A_103 = tpu.memref_slice %arg4[%mul3A_91] : memref<170496xi32, #tpu.memory_space<hbm>> -> memref<256xi32, #tpu.memory_space<hbm>>
        %dma_wait3A_104 = tpu.memref_slice %arg4[%mul3A_91] : memref<170496xi32, #tpu.memory_space<hbm>> -> memref<256xi32, #tpu.memory_space<hbm>>
        tpu.wait_dma2 semaphore(%run_scoped3A : memref<!tpu.dma_semaphore, #tpu.memory_space<semaphore_mem>>) src(%dma_wait3A_104 : memref<256xi32, #tpu.memory_space<hbm>>) dst(%arg9 : memref<256xi32, #tpu.memory_space<vmem>>)
        tpu.yield
      }) : () -> ()
      %dma_start3A = arith.constant 0 : i32
      %dma_start3A_92 = arith.constant 0 : i32
      %dma_start3A_93 = tpu.memref_slice %arg5[%dma_start3A, %dma_start3A_92] : memref<320000x64xf32, #tpu.memory_space<hbm>> -> memref<320000x64xf32, #tpu.memory_space<hbm>>
      tpu.enqueue_indirect_dma source(%dma_start3A_93 : memref<320000x64xf32, #tpu.memory_space<hbm>>) target(%arg10 : memref<256x64xf32, #tpu.memory_space<vmem>>) offsets(%arg8 : memref<256xi32, #tpu.memory_space<vmem>>) semaphore(%arg14 : memref<!tpu.dma_semaphore, #tpu.memory_space<semaphore_mem>>)
      "tpu.region"() ({
        %run_scoped3A = tpu.sem_alloc : memref<!tpu.dma_semaphore, #tpu.memory_space<semaphore_mem>>
        %dma_start3A_101 = arith.constant 0 : i32
        %dma_start3A_102 = tpu.memref_slice %arg2[%mul3A_91, %dma_start3A_101] : memref<170496x16xf32, #tpu.memory_space<hbm>> -> memref<256x16xf32, #tpu.memory_space<hbm>>
        %dma_start3A_103 = arith.constant 0 : i32
        %dma_start3A_104 = tpu.memref_slice %arg2[%mul3A_91, %dma_start3A_103] : memref<170496x16xf32, #tpu.memory_space<hbm>> -> memref<256x16xf32, #tpu.memory_space<hbm>>
        tpu.enqueue_dma source(%dma_start3A_104 : memref<256x16xf32, #tpu.memory_space<hbm>>) target(%arg11 : memref<256x16xf32, #tpu.memory_space<vmem>>) target_semaphore(%run_scoped3A : memref<!tpu.dma_semaphore, #tpu.memory_space<semaphore_mem>>)
        %dma_wait3A_105 = arith.constant 0 : i32
        %dma_wait3A_106 = tpu.memref_slice %arg2[%mul3A_91, %dma_wait3A_105] : memref<170496x16xf32, #tpu.memory_space<hbm>> -> memref<256x16xf32, #tpu.memory_space<hbm>>
        %dma_wait3A_107 = arith.constant 0 : i32
        %dma_wait3A_108 = tpu.memref_slice %arg2[%mul3A_91, %dma_wait3A_107] : memref<170496x16xf32, #tpu.memory_space<hbm>> -> memref<256x16xf32, #tpu.memory_space<hbm>>
        tpu.wait_dma2 semaphore(%run_scoped3A : memref<!tpu.dma_semaphore, #tpu.memory_space<semaphore_mem>>) src(%dma_wait3A_108 : memref<256x16xf32, #tpu.memory_space<hbm>>) dst(%arg11 : memref<256x16xf32, #tpu.memory_space<vmem>>)
        tpu.yield
      }) : () -> ()
      %dma_wait3A = arith.constant 0 : i32
      %dma_wait3A_94 = arith.constant 0 : i32
      %dma_wait3A_95 = tpu.memref_slice %arg5[%dma_wait3A, %dma_wait3A_94] : memref<320000x64xf32, #tpu.memory_space<hbm>> -> memref<320000x64xf32, #tpu.memory_space<hbm>>
      tpu.wait_indirect_dma semaphore(%arg14 : memref<!tpu.dma_semaphore, #tpu.memory_space<semaphore_mem>>) src(%dma_wait3A_95 : memref<320000x64xf32, #tpu.memory_space<hbm>>) dst(%arg10 : memref<256x64xf32, #tpu.memory_space<vmem>>)
      %scan3A_96 = arith.constant 0 : i32
      %scan3A_97 = arith.constant 16 : i32
      %scan3A_98 = arith.addi %scan3A_96, %scan3A_97 : i32
      %scan3A_99 = arith.constant 1 : i32
      scf.for %scan3A_101 = %scan3A_96 to %scan3A_98 step %scan3A_99  : i32 {
        %mul3A_102 = arith.constant 1 : i32
        %mul3A_103 = arith.muli %scan3A_101, %mul3A_102 : i32
        %add3A_104 = arith.constant 0 : i32
        %add3A_105 = arith.addi %add3A_104, %mul3A_103 : i32
        %mul3A_106 = arith.constant 16 : i32
        %mul3A_107 = arith.muli %add3A_105, %mul3A_106 : i32
        %add3A_108 = arith.constant 0 : i32
        %add3A_109 = arith.addi %mul3A_107, %add3A_108 : i32
        %add3A_110 = vector.broadcast %add3A_109 : i32 to vector<16xi32>
        %add3A_111 = arith.addi %add3A_110, %select_n3A : vector<16xi32>
        %broadcast_in_dim3A_112 = arith.constant 0 : i32
        %broadcast_in_dim3A_113 = vector.broadcast %broadcast_in_dim3A_112 : i32 to vector<16xi32>
        %gather3A = tpu.vector_load_idx %arg11[%add3A_111, %broadcast_in_dim3A_113] : memref<256x16xf32, #tpu.memory_space<vmem>>[vector<16xi32>, vector<16xi32>], vector<16xf32>,
        %mul3A_114 = arith.mulf %gather3A, %get3A_51 : vector<16xf32>
        %add3A_115 = arith.constant 0 : i32
        %add3A_116 = vector.broadcast %add3A_115 : i32 to vector<16xi32>
        %add3A_117 = arith.addi %select_n3A_43, %add3A_116 : vector<16xi32>
        %gather3A_118 = tpu.vector_load_idx %arg10[%add3A_111, %add3A_117] : memref<256x64xf32, #tpu.memory_space<vmem>>[vector<16xi32>, vector<16xi32>], vector<16xf32>,
        %mul3A_119 = arith.mulf %mul3A_114, %gather3A_118 : vector<16xf32>
        %add3A_120 = arith.addf %broadcast_in_dim3A_44, %mul3A_119 : vector<16xf32>
        %broadcast_in_dim3A_121 = arith.constant 1 : i32
        %broadcast_in_dim3A_122 = vector.broadcast %broadcast_in_dim3A_121 : i32 to vector<16xi32>
        %gather3A_123 = tpu.vector_load_idx %arg11[%add3A_111, %broadcast_in_dim3A_122] : memref<256x16xf32, #tpu.memory_space<vmem>>[vector<16xi32>, vector<16xi32>], vector<16xf32>,
        %mul3A_124 = arith.mulf %gather3A_123, %get3A_55 : vector<16xf32>
        %add3A_125 = arith.constant 8 : i32
        %add3A_126 = vector.broadcast %add3A_125 : i32 to vector<16xi32>
        %add3A_127 = arith.addi %select_n3A_43, %add3A_126 : vector<16xi32>
        %gather3A_128 = tpu.vector_load_idx %arg10[%add3A_111, %add3A_127] : memref<256x64xf32, #tpu.memory_space<vmem>>[vector<16xi32>, vector<16xi32>], vector<16xf32>,
        %mul3A_129 = arith.mulf %mul3A_124, %gather3A_128 : vector<16xf32>
        %add3A_130 = arith.addf %add3A_120, %mul3A_129 : vector<16xf32>
        %broadcast_in_dim3A_131 = arith.constant 2 : i32
        %broadcast_in_dim3A_132 = vector.broadcast %broadcast_in_dim3A_131 : i32 to vector<16xi32>
        %gather3A_133 = tpu.vector_load_idx %arg11[%add3A_111, %broadcast_in_dim3A_132] : memref<256x16xf32, #tpu.memory_space<vmem>>[vector<16xi32>, vector<16xi32>], vector<16xf32>,
        %mul3A_134 = arith.mulf %gather3A_133, %get3A_59 : vector<16xf32>
        %add3A_135 = arith.constant 16 : i32
        %add3A_136 = vector.broadcast %add3A_135 : i32 to vector<16xi32>
        %add3A_137 = arith.addi %select_n3A_43, %add3A_136 : vector<16xi32>
        %gather3A_138 = tpu.vector_load_idx %arg10[%add3A_111, %add3A_137] : memref<256x64xf32, #tpu.memory_space<vmem>>[vector<16xi32>, vector<16xi32>], vector<16xf32>,
        %mul3A_139 = arith.mulf %mul3A_134, %gather3A_138 : vector<16xf32>
        %add3A_140 = arith.addf %add3A_130, %mul3A_139 : vector<16xf32>
        %broadcast_in_dim3A_141 = arith.constant 3 : i32
        %broadcast_in_dim3A_142 = vector.broadcast %broadcast_in_dim3A_141 : i32 to vector<16xi32>
        %gather3A_143 = tpu.vector_load_idx %arg11[%add3A_111, %broadcast_in_dim3A_142] : memref<256x16xf32, #tpu.memory_space<vmem>>[vector<16xi32>, vector<16xi32>], vector<16xf32>,
        %mul3A_144 = arith.mulf %gather3A_143, %get3A_63 : vector<16xf32>
        %add3A_145 = arith.constant 24 : i32
        %add3A_146 = vector.broadcast %add3A_145 : i32 to vector<16xi32>
        %add3A_147 = arith.addi %select_n3A_43, %add3A_146 : vector<16xi32>
        %gather3A_148 = tpu.vector_load_idx %arg10[%add3A_111, %add3A_147] : memref<256x64xf32, #tpu.memory_space<vmem>>[vector<16xi32>, vector<16xi32>], vector<16xf32>,
        %mul3A_149 = arith.mulf %mul3A_144, %gather3A_148 : vector<16xf32>
        %add3A_150 = arith.addf %add3A_140, %mul3A_149 : vector<16xf32>
        %broadcast_in_dim3A_151 = arith.constant 4 : i32
        %broadcast_in_dim3A_152 = vector.broadcast %broadcast_in_dim3A_151 : i32 to vector<16xi32>
        %gather3A_153 = tpu.vector_load_idx %arg11[%add3A_111, %broadcast_in_dim3A_152] : memref<256x16xf32, #tpu.memory_space<vmem>>[vector<16xi32>, vector<16xi32>], vector<16xf32>,
        %mul3A_154 = arith.mulf %gather3A_153, %get3A_67 : vector<16xf32>
        %add3A_155 = arith.constant 32 : i32
        %add3A_156 = vector.broadcast %add3A_155 : i32 to vector<16xi32>
        %add3A_157 = arith.addi %select_n3A_43, %add3A_156 : vector<16xi32>
        %gather3A_158 = tpu.vector_load_idx %arg10[%add3A_111, %add3A_157] : memref<256x64xf32, #tpu.memory_space<vmem>>[vector<16xi32>, vector<16xi32>], vector<16xf32>,
        %mul3A_159 = arith.mulf %mul3A_154, %gather3A_158 : vector<16xf32>
        %add3A_160 = arith.addf %add3A_150, %mul3A_159 : vector<16xf32>
        %broadcast_in_dim3A_161 = arith.constant 5 : i32
        %broadcast_in_dim3A_162 = vector.broadcast %broadcast_in_dim3A_161 : i32 to vector<16xi32>
        %gather3A_163 = tpu.vector_load_idx %arg11[%add3A_111, %broadcast_in_dim3A_162] : memref<256x16xf32, #tpu.memory_space<vmem>>[vector<16xi32>, vector<16xi32>], vector<16xf32>,
        %mul3A_164 = arith.mulf %gather3A_163, %get3A_71 : vector<16xf32>
        %add3A_165 = arith.constant 40 : i32
        %add3A_166 = vector.broadcast %add3A_165 : i32 to vector<16xi32>
        %add3A_167 = arith.addi %select_n3A_43, %add3A_166 : vector<16xi32>
        %gather3A_168 = tpu.vector_load_idx %arg10[%add3A_111, %add3A_167] : memref<256x64xf32, #tpu.memory_space<vmem>>[vector<16xi32>, vector<16xi32>], vector<16xf32>,
        %mul3A_169 = arith.mulf %mul3A_164, %gather3A_168 : vector<16xf32>
        %add3A_170 = arith.addf %add3A_160, %mul3A_169 : vector<16xf32>
        %broadcast_in_dim3A_171 = arith.constant 6 : i32
        %broadcast_in_dim3A_172 = vector.broadcast %broadcast_in_dim3A_171 : i32 to vector<16xi32>
        %gather3A_173 = tpu.vector_load_idx %arg11[%add3A_111, %broadcast_in_dim3A_172] : memref<256x16xf32, #tpu.memory_space<vmem>>[vector<16xi32>, vector<16xi32>], vector<16xf32>,
        %mul3A_174 = arith.mulf %gather3A_173, %get3A_75 : vector<16xf32>
        %add3A_175 = arith.constant 48 : i32
        %add3A_176 = vector.broadcast %add3A_175 : i32 to vector<16xi32>
        %add3A_177 = arith.addi %select_n3A_43, %add3A_176 : vector<16xi32>
        %gather3A_178 = tpu.vector_load_idx %arg10[%add3A_111, %add3A_177] : memref<256x64xf32, #tpu.memory_space<vmem>>[vector<16xi32>, vector<16xi32>], vector<16xf32>,
        %mul3A_179 = arith.mulf %mul3A_174, %gather3A_178 : vector<16xf32>
        %add3A_180 = arith.addf %add3A_170, %mul3A_179 : vector<16xf32>
        %broadcast_in_dim3A_181 = arith.constant 7 : i32
        %broadcast_in_dim3A_182 = vector.broadcast %broadcast_in_dim3A_181 : i32 to vector<16xi32>
        %gather3A_183 = tpu.vector_load_idx %arg11[%add3A_111, %broadcast_in_dim3A_182] : memref<256x16xf32, #tpu.memory_space<vmem>>[vector<16xi32>, vector<16xi32>], vector<16xf32>,
        %mul3A_184 = arith.mulf %gather3A_183, %get3A_79 : vector<16xf32>
        %add3A_185 = arith.constant 56 : i32
        %add3A_186 = vector.broadcast %add3A_185 : i32 to vector<16xi32>
        %add3A_187 = arith.addi %select_n3A_43, %add3A_186 : vector<16xi32>
        %gather3A_188 = tpu.vector_load_idx %arg10[%add3A_111, %add3A_187] : memref<256x64xf32, #tpu.memory_space<vmem>>[vector<16xi32>, vector<16xi32>], vector<16xf32>,
        %mul3A_189 = arith.mulf %mul3A_184, %gather3A_188 : vector<16xf32>
        %add3A_190 = arith.addf %add3A_180, %mul3A_189 : vector<16xf32>
        %gather3A_191 = tpu.vector_load_idx %arg9[%add3A_111] : memref<256xi32, #tpu.memory_space<vmem>>[vector<16xi32>], vector<16xi32>,
        %mul3A_192 = arith.constant 8 : i32
        %mul3A_193 = vector.broadcast %mul3A_192 : i32 to vector<16xi32>
        %mul3A_194 = arith.muli %gather3A_191, %mul3A_193 : vector<16xi32>
        %add3A_195 = arith.addi %mul3A_194, %select_n3A_43 : vector<16xi32>
        tpu.vector_store_idx %arg13[%add3A_195], %add3A_190 {add = true} : memref<80000xf32, #tpu.memory_space<vmem>>[vector<16xi32>], vector<16xf32>,
        %mul3A_196 = arith.constant 16 : i32
        %mul3A_197 = arith.muli %add3A_105, %mul3A_196 : i32
        %add3A_198 = arith.constant 2 : i32
        %add3A_199 = arith.addi %mul3A_197, %add3A_198 : i32
        %add3A_200 = vector.broadcast %add3A_199 : i32 to vector<16xi32>
        %add3A_201 = arith.addi %add3A_200, %select_n3A : vector<16xi32>
        %broadcast_in_dim3A_202 = arith.constant 0 : i32
        %broadcast_in_dim3A_203 = vector.broadcast %broadcast_in_dim3A_202 : i32 to vector<16xi32>
        %gather3A_204 = tpu.vector_load_idx %arg11[%add3A_201, %broadcast_in_dim3A_203] : memref<256x16xf32, #tpu.memory_space<vmem>>[vector<16xi32>, vector<16xi32>], vector<16xf32>,
        %mul3A_205 = arith.mulf %gather3A_204, %get3A_51 : vector<16xf32>
        %add3A_206 = arith.constant 0 : i32
        %add3A_207 = vector.broadcast %add3A_206 : i32 to vector<16xi32>
        %add3A_208 = arith.addi %select_n3A_43, %add3A_207 : vector<16xi32>
        %gather3A_209 = tpu.vector_load_idx %arg10[%add3A_201, %add3A_208] : memref<256x64xf32, #tpu.memory_space<vmem>>[vector<16xi32>, vector<16xi32>], vector<16xf32>,
        %mul3A_210 = arith.mulf %mul3A_205, %gather3A_209 : vector<16xf32>
        %add3A_211 = arith.addf %broadcast_in_dim3A_44, %mul3A_210 : vector<16xf32>
        %broadcast_in_dim3A_212 = arith.constant 1 : i32
        %broadcast_in_dim3A_213 = vector.broadcast %broadcast_in_dim3A_212 : i32 to vector<16xi32>
        %gather3A_214 = tpu.vector_load_idx %arg11[%add3A_201, %broadcast_in_dim3A_213] : memref<256x16xf32, #tpu.memory_space<vmem>>[vector<16xi32>, vector<16xi32>], vector<16xf32>,
        %mul3A_215 = arith.mulf %gather3A_214, %get3A_55 : vector<16xf32>
        %add3A_216 = arith.constant 8 : i32
        %add3A_217 = vector.broadcast %add3A_216 : i32 to vector<16xi32>
        %add3A_218 = arith.addi %select_n3A_43, %add3A_217 : vector<16xi32>
        %gather3A_219 = tpu.vector_load_idx %arg10[%add3A_201, %add3A_218] : memref<256x64xf32, #tpu.memory_space<vmem>>[vector<16xi32>, vector<16xi32>], vector<16xf32>,
        %mul3A_220 = arith.mulf %mul3A_215, %gather3A_219 : vector<16xf32>
        %add3A_221 = arith.addf %add3A_211, %mul3A_220 : vector<16xf32>
        %broadcast_in_dim3A_222 = arith.constant 2 : i32
        %broadcast_in_dim3A_223 = vector.broadcast %broadcast_in_dim3A_222 : i32 to vector<16xi32>
        %gather3A_224 = tpu.vector_load_idx %arg11[%add3A_201, %broadcast_in_dim3A_223] : memref<256x16xf32, #tpu.memory_space<vmem>>[vector<16xi32>, vector<16xi32>], vector<16xf32>,
        %mul3A_225 = arith.mulf %gather3A_224, %get3A_59 : vector<16xf32>
        %add3A_226 = arith.constant 16 : i32
        %add3A_227 = vector.broadcast %add3A_226 : i32 to vector<16xi32>
        %add3A_228 = arith.addi %select_n3A_43, %add3A_227 : vector<16xi32>
        %gather3A_229 = tpu.vector_load_idx %arg10[%add3A_201, %add3A_228] : memref<256x64xf32, #tpu.memory_space<vmem>>[vector<16xi32>, vector<16xi32>], vector<16xf32>,
        %mul3A_230 = arith.mulf %mul3A_225, %gather3A_229 : vector<16xf32>
        %add3A_231 = arith.addf %add3A_221, %mul3A_230 : vector<16xf32>
        %broadcast_in_dim3A_232 = arith.constant 3 : i32
        %broadcast_in_dim3A_233 = vector.broadcast %broadcast_in_dim3A_232 : i32 to vector<16xi32>
        %gather3A_234 = tpu.vector_load_idx %arg11[%add3A_201, %broadcast_in_dim3A_233] : memref<256x16xf32, #tpu.memory_space<vmem>>[vector<16xi32>, vector<16xi32>], vector<16xf32>,
        %mul3A_235 = arith.mulf %gather3A_234, %get3A_63 : vector<16xf32>
        %add3A_236 = arith.constant 24 : i32
        %add3A_237 = vector.broadcast %add3A_236 : i32 to vector<16xi32>
        %add3A_238 = arith.addi %select_n3A_43, %add3A_237 : vector<16xi32>
        %gather3A_239 = tpu.vector_load_idx %arg10[%add3A_201, %add3A_238] : memref<256x64xf32, #tpu.memory_space<vmem>>[vector<16xi32>, vector<16xi32>], vector<16xf32>,
        %mul3A_240 = arith.mulf %mul3A_235, %gather3A_239 : vector<16xf32>
        %add3A_241 = arith.addf %add3A_231, %mul3A_240 : vector<16xf32>
        %broadcast_in_dim3A_242 = arith.constant 4 : i32
        %broadcast_in_dim3A_243 = vector.broadcast %broadcast_in_dim3A_242 : i32 to vector<16xi32>
        %gather3A_244 = tpu.vector_load_idx %arg11[%add3A_201, %broadcast_in_dim3A_243] : memref<256x16xf32, #tpu.memory_space<vmem>>[vector<16xi32>, vector<16xi32>], vector<16xf32>,
        %mul3A_245 = arith.mulf %gather3A_244, %get3A_67 : vector<16xf32>
        %add3A_246 = arith.constant 32 : i32
        %add3A_247 = vector.broadcast %add3A_246 : i32 to vector<16xi32>
        %add3A_248 = arith.addi %select_n3A_43, %add3A_247 : vector<16xi32>
        %gather3A_249 = tpu.vector_load_idx %arg10[%add3A_201, %add3A_248] : memref<256x64xf32, #tpu.memory_space<vmem>>[vector<16xi32>, vector<16xi32>], vector<16xf32>,
        %mul3A_250 = arith.mulf %mul3A_245, %gather3A_249 : vector<16xf32>
        %add3A_251 = arith.addf %add3A_241, %mul3A_250 : vector<16xf32>
        %broadcast_in_dim3A_252 = arith.constant 5 : i32
        %broadcast_in_dim3A_253 = vector.broadcast %broadcast_in_dim3A_252 : i32 to vector<16xi32>
        %gather3A_254 = tpu.vector_load_idx %arg11[%add3A_201, %broadcast_in_dim3A_253] : memref<256x16xf32, #tpu.memory_space<vmem>>[vector<16xi32>, vector<16xi32>], vector<16xf32>,
        %mul3A_255 = arith.mulf %gather3A_254, %get3A_71 : vector<16xf32>
        %add3A_256 = arith.constant 40 : i32
        %add3A_257 = vector.broadcast %add3A_256 : i32 to vector<16xi32>
        %add3A_258 = arith.addi %select_n3A_43, %add3A_257 : vector<16xi32>
        %gather3A_259 = tpu.vector_load_idx %arg10[%add3A_201, %add3A_258] : memref<256x64xf32, #tpu.memory_space<vmem>>[vector<16xi32>, vector<16xi32>], vector<16xf32>,
        %mul3A_260 = arith.mulf %mul3A_255, %gather3A_259 : vector<16xf32>
        %add3A_261 = arith.addf %add3A_251, %mul3A_260 : vector<16xf32>
        %broadcast_in_dim3A_262 = arith.constant 6 : i32
        %broadcast_in_dim3A_263 = vector.broadcast %broadcast_in_dim3A_262 : i32 to vector<16xi32>
        %gather3A_264 = tpu.vector_load_idx %arg11[%add3A_201, %broadcast_in_dim3A_263] : memref<256x16xf32, #tpu.memory_space<vmem>>[vector<16xi32>, vector<16xi32>], vector<16xf32>,
        %mul3A_265 = arith.mulf %gather3A_264, %get3A_75 : vector<16xf32>
        %add3A_266 = arith.constant 48 : i32
        %add3A_267 = vector.broadcast %add3A_266 : i32 to vector<16xi32>
        %add3A_268 = arith.addi %select_n3A_43, %add3A_267 : vector<16xi32>
        %gather3A_269 = tpu.vector_load_idx %arg10[%add3A_201, %add3A_268] : memref<256x64xf32, #tpu.memory_space<vmem>>[vector<16xi32>, vector<16xi32>], vector<16xf32>,
        %mul3A_270 = arith.mulf %mul3A_265, %gather3A_269 : vector<16xf32>
        %add3A_271 = arith.addf %add3A_261, %mul3A_270 : vector<16xf32>
        %broadcast_in_dim3A_272 = arith.constant 7 : i32
        %broadcast_in_dim3A_273 = vector.broadcast %broadcast_in_dim3A_272 : i32 to vector<16xi32>
        %gather3A_274 = tpu.vector_load_idx %arg11[%add3A_201, %broadcast_in_dim3A_273] : memref<256x16xf32, #tpu.memory_space<vmem>>[vector<16xi32>, vector<16xi32>], vector<16xf32>,
        %mul3A_275 = arith.mulf %gather3A_274, %get3A_79 : vector<16xf32>
        %add3A_276 = arith.constant 56 : i32
        %add3A_277 = vector.broadcast %add3A_276 : i32 to vector<16xi32>
        %add3A_278 = arith.addi %select_n3A_43, %add3A_277 : vector<16xi32>
        %gather3A_279 = tpu.vector_load_idx %arg10[%add3A_201, %add3A_278] : memref<256x64xf32, #tpu.memory_space<vmem>>[vector<16xi32>, vector<16xi32>], vector<16xf32>,
        %mul3A_280 = arith.mulf %mul3A_275, %gather3A_279 : vector<16xf32>
        %add3A_281 = arith.addf %add3A_271, %mul3A_280 : vector<16xf32>
        %gather3A_282 = tpu.vector_load_idx %arg9[%add3A_201] : memref<256xi32, #tpu.memory_space<vmem>>[vector<16xi32>], vector<16xi32>,
        %mul3A_283 = arith.constant 8 : i32
        %mul3A_284 = vector.broadcast %mul3A_283 : i32 to vector<16xi32>
        %mul3A_285 = arith.muli %gather3A_282, %mul3A_284 : vector<16xi32>
        %add3A_286 = arith.addi %mul3A_285, %select_n3A_43 : vector<16xi32>
        tpu.vector_store_idx %arg13[%add3A_286], %add3A_281 {add = true} : memref<80000xf32, #tpu.memory_space<vmem>>[vector<16xi32>], vector<16xf32>,
        %mul3A_287 = arith.constant 16 : i32
        %mul3A_288 = arith.muli %add3A_105, %mul3A_287 : i32
        %add3A_289 = arith.constant 4 : i32
        %add3A_290 = arith.addi %mul3A_288, %add3A_289 : i32
        %add3A_291 = vector.broadcast %add3A_290 : i32 to vector<16xi32>
        %add3A_292 = arith.addi %add3A_291, %select_n3A : vector<16xi32>
        %broadcast_in_dim3A_293 = arith.constant 0 : i32
        %broadcast_in_dim3A_294 = vector.broadcast %broadcast_in_dim3A_293 : i32 to vector<16xi32>
        %gather3A_295 = tpu.vector_load_idx %arg11[%add3A_292, %broadcast_in_dim3A_294] : memref<256x16xf32, #tpu.memory_space<vmem>>[vector<16xi32>, vector<16xi32>], vector<16xf32>,
        %mul3A_296 = arith.mulf %gather3A_295, %get3A_51 : vector<16xf32>
        %add3A_297 = arith.constant 0 : i32
        %add3A_298 = vector.broadcast %add3A_297 : i32 to vector<16xi32>
        %add3A_299 = arith.addi %select_n3A_43, %add3A_298 : vector<16xi32>
        %gather3A_300 = tpu.vector_load_idx %arg10[%add3A_292, %add3A_299] : memref<256x64xf32, #tpu.memory_space<vmem>>[vector<16xi32>, vector<16xi32>], vector<16xf32>,
        %mul3A_301 = arith.mulf %mul3A_296, %gather3A_300 : vector<16xf32>
        %add3A_302 = arith.addf %broadcast_in_dim3A_44, %mul3A_301 : vector<16xf32>
        %broadcast_in_dim3A_303 = arith.constant 1 : i32
        %broadcast_in_dim3A_304 = vector.broadcast %broadcast_in_dim3A_303 : i32 to vector<16xi32>
        %gather3A_305 = tpu.vector_load_idx %arg11[%add3A_292, %broadcast_in_dim3A_304] : memref<256x16xf32, #tpu.memory_space<vmem>>[vector<16xi32>, vector<16xi32>], vector<16xf32>,
        %mul3A_306 = arith.mulf %gather3A_305, %get3A_55 : vector<16xf32>
        %add3A_307 = arith.constant 8 : i32
        %add3A_308 = vector.broadcast %add3A_307 : i32 to vector<16xi32>
        %add3A_309 = arith.addi %select_n3A_43, %add3A_308 : vector<16xi32>
        %gather3A_310 = tpu.vector_load_idx %arg10[%add3A_292, %add3A_309] : memref<256x64xf32, #tpu.memory_space<vmem>>[vector<16xi32>, vector<16xi32>], vector<16xf32>,
        %mul3A_311 = arith.mulf %mul3A_306, %gather3A_310 : vector<16xf32>
        %add3A_312 = arith.addf %add3A_302, %mul3A_311 : vector<16xf32>
        %broadcast_in_dim3A_313 = arith.constant 2 : i32
        %broadcast_in_dim3A_314 = vector.broadcast %broadcast_in_dim3A_313 : i32 to vector<16xi32>
        %gather3A_315 = tpu.vector_load_idx %arg11[%add3A_292, %broadcast_in_dim3A_314] : memref<256x16xf32, #tpu.memory_space<vmem>>[vector<16xi32>, vector<16xi32>], vector<16xf32>,
        %mul3A_316 = arith.mulf %gather3A_315, %get3A_59 : vector<16xf32>
        %add3A_317 = arith.constant 16 : i32
        %add3A_318 = vector.broadcast %add3A_317 : i32 to vector<16xi32>
        %add3A_319 = arith.addi %select_n3A_43, %add3A_318 : vector<16xi32>
        %gather3A_320 = tpu.vector_load_idx %arg10[%add3A_292, %add3A_319] : memref<256x64xf32, #tpu.memory_space<vmem>>[vector<16xi32>, vector<16xi32>], vector<16xf32>,
        %mul3A_321 = arith.mulf %mul3A_316, %gather3A_320 : vector<16xf32>
        %add3A_322 = arith.addf %add3A_312, %mul3A_321 : vector<16xf32>
        %broadcast_in_dim3A_323 = arith.constant 3 : i32
        %broadcast_in_dim3A_324 = vector.broadcast %broadcast_in_dim3A_323 : i32 to vector<16xi32>
        %gather3A_325 = tpu.vector_load_idx %arg11[%add3A_292, %broadcast_in_dim3A_324] : memref<256x16xf32, #tpu.memory_space<vmem>>[vector<16xi32>, vector<16xi32>], vector<16xf32>,
        %mul3A_326 = arith.mulf %gather3A_325, %get3A_63 : vector<16xf32>
        %add3A_327 = arith.constant 24 : i32
        %add3A_328 = vector.broadcast %add3A_327 : i32 to vector<16xi32>
        %add3A_329 = arith.addi %select_n3A_43, %add3A_328 : vector<16xi32>
        %gather3A_330 = tpu.vector_load_idx %arg10[%add3A_292, %add3A_329] : memref<256x64xf32, #tpu.memory_space<vmem>>[vector<16xi32>, vector<16xi32>], vector<16xf32>,
        %mul3A_331 = arith.mulf %mul3A_326, %gather3A_330 : vector<16xf32>
        %add3A_332 = arith.addf %add3A_322, %mul3A_331 : vector<16xf32>
        %broadcast_in_dim3A_333 = arith.constant 4 : i32
        %broadcast_in_dim3A_334 = vector.broadcast %broadcast_in_dim3A_333 : i32 to vector<16xi32>
        %gather3A_335 = tpu.vector_load_idx %arg11[%add3A_292, %broadcast_in_dim3A_334] : memref<256x16xf32, #tpu.memory_space<vmem>>[vector<16xi32>, vector<16xi32>], vector<16xf32>,
        %mul3A_336 = arith.mulf %gather3A_335, %get3A_67 : vector<16xf32>
        %add3A_337 = arith.constant 32 : i32
        %add3A_338 = vector.broadcast %add3A_337 : i32 to vector<16xi32>
        %add3A_339 = arith.addi %select_n3A_43, %add3A_338 : vector<16xi32>
        %gather3A_340 = tpu.vector_load_idx %arg10[%add3A_292, %add3A_339] : memref<256x64xf32, #tpu.memory_space<vmem>>[vector<16xi32>, vector<16xi32>], vector<16xf32>,
        %mul3A_341 = arith.mulf %mul3A_336, %gather3A_340 : vector<16xf32>
        %add3A_342 = arith.addf %add3A_332, %mul3A_341 : vector<16xf32>
        %broadcast_in_dim3A_343 = arith.constant 5 : i32
        %broadcast_in_dim3A_344 = vector.broadcast %broadcast_in_dim3A_343 : i32 to vector<16xi32>
        %gather3A_345 = tpu.vector_load_idx %arg11[%add3A_292, %broadcast_in_dim3A_344] : memref<256x16xf32, #tpu.memory_space<vmem>>[vector<16xi32>, vector<16xi32>], vector<16xf32>,
        %mul3A_346 = arith.mulf %gather3A_345, %get3A_71 : vector<16xf32>
        %add3A_347 = arith.constant 40 : i32
        %add3A_348 = vector.broadcast %add3A_347 : i32 to vector<16xi32>
        %add3A_349 = arith.addi %select_n3A_43, %add3A_348 : vector<16xi32>
        %gather3A_350 = tpu.vector_load_idx %arg10[%add3A_292, %add3A_349] : memref<256x64xf32, #tpu.memory_space<vmem>>[vector<16xi32>, vector<16xi32>], vector<16xf32>,
        %mul3A_351 = arith.mulf %mul3A_346, %gather3A_350 : vector<16xf32>
        %add3A_352 = arith.addf %add3A_342, %mul3A_351 : vector<16xf32>
        %broadcast_in_dim3A_353 = arith.constant 6 : i32
        %broadcast_in_dim3A_354 = vector.broadcast %broadcast_in_dim3A_353 : i32 to vector<16xi32>
        %gather3A_355 = tpu.vector_load_idx %arg11[%add3A_292, %broadcast_in_dim3A_354] : memref<256x16xf32, #tpu.memory_space<vmem>>[vector<16xi32>, vector<16xi32>], vector<16xf32>,
        %mul3A_356 = arith.mulf %gather3A_355, %get3A_75 : vector<16xf32>
        %add3A_357 = arith.constant 48 : i32
        %add3A_358 = vector.broadcast %add3A_357 : i32 to vector<16xi32>
        %add3A_359 = arith.addi %select_n3A_43, %add3A_358 : vector<16xi32>
        %gather3A_360 = tpu.vector_load_idx %arg10[%add3A_292, %add3A_359] : memref<256x64xf32, #tpu.memory_space<vmem>>[vector<16xi32>, vector<16xi32>], vector<16xf32>,
        %mul3A_361 = arith.mulf %mul3A_356, %gather3A_360 : vector<16xf32>
        %add3A_362 = arith.addf %add3A_352, %mul3A_361 : vector<16xf32>
        %broadcast_in_dim3A_363 = arith.constant 7 : i32
        %broadcast_in_dim3A_364 = vector.broadcast %broadcast_in_dim3A_363 : i32 to vector<16xi32>
        %gather3A_365 = tpu.vector_load_idx %arg11[%add3A_292, %broadcast_in_dim3A_364] : memref<256x16xf32, #tpu.memory_space<vmem>>[vector<16xi32>, vector<16xi32>], vector<16xf32>,
        %mul3A_366 = arith.mulf %gather3A_365, %get3A_79 : vector<16xf32>
        %add3A_367 = arith.constant 56 : i32
        %add3A_368 = vector.broadcast %add3A_367 : i32 to vector<16xi32>
        %add3A_369 = arith.addi %select_n3A_43, %add3A_368 : vector<16xi32>
        %gather3A_370 = tpu.vector_load_idx %arg10[%add3A_292, %add3A_369] : memref<256x64xf32, #tpu.memory_space<vmem>>[vector<16xi32>, vector<16xi32>], vector<16xf32>,
        %mul3A_371 = arith.mulf %mul3A_366, %gather3A_370 : vector<16xf32>
        %add3A_372 = arith.addf %add3A_362, %mul3A_371 : vector<16xf32>
        %gather3A_373 = tpu.vector_load_idx %arg9[%add3A_292] : memref<256xi32, #tpu.memory_space<vmem>>[vector<16xi32>], vector<16xi32>,
        %mul3A_374 = arith.constant 8 : i32
        %mul3A_375 = vector.broadcast %mul3A_374 : i32 to vector<16xi32>
        %mul3A_376 = arith.muli %gather3A_373, %mul3A_375 : vector<16xi32>
        %add3A_377 = arith.addi %mul3A_376, %select_n3A_43 : vector<16xi32>
        tpu.vector_store_idx %arg13[%add3A_377], %add3A_372 {add = true} : memref<80000xf32, #tpu.memory_space<vmem>>[vector<16xi32>], vector<16xf32>,
        %mul3A_378 = arith.constant 16 : i32
        %mul3A_379 = arith.muli %add3A_105, %mul3A_378 : i32
        %add3A_380 = arith.constant 6 : i32
        %add3A_381 = arith.addi %mul3A_379, %add3A_380 : i32
        %add3A_382 = vector.broadcast %add3A_381 : i32 to vector<16xi32>
        %add3A_383 = arith.addi %add3A_382, %select_n3A : vector<16xi32>
        %broadcast_in_dim3A_384 = arith.constant 0 : i32
        %broadcast_in_dim3A_385 = vector.broadcast %broadcast_in_dim3A_384 : i32 to vector<16xi32>
        %gather3A_386 = tpu.vector_load_idx %arg11[%add3A_383, %broadcast_in_dim3A_385] : memref<256x16xf32, #tpu.memory_space<vmem>>[vector<16xi32>, vector<16xi32>], vector<16xf32>,
        %mul3A_387 = arith.mulf %gather3A_386, %get3A_51 : vector<16xf32>
        %add3A_388 = arith.constant 0 : i32
        %add3A_389 = vector.broadcast %add3A_388 : i32 to vector<16xi32>
        %add3A_390 = arith.addi %select_n3A_43, %add3A_389 : vector<16xi32>
        %gather3A_391 = tpu.vector_load_idx %arg10[%add3A_383, %add3A_390] : memref<256x64xf32, #tpu.memory_space<vmem>>[vector<16xi32>, vector<16xi32>], vector<16xf32>,
        %mul3A_392 = arith.mulf %mul3A_387, %gather3A_391 : vector<16xf32>
        %add3A_393 = arith.addf %broadcast_in_dim3A_44, %mul3A_392 : vector<16xf32>
        %broadcast_in_dim3A_394 = arith.constant 1 : i32
        %broadcast_in_dim3A_395 = vector.broadcast %broadcast_in_dim3A_394 : i32 to vector<16xi32>
        %gather3A_396 = tpu.vector_load_idx %arg11[%add3A_383, %broadcast_in_dim3A_395] : memref<256x16xf32, #tpu.memory_space<vmem>>[vector<16xi32>, vector<16xi32>], vector<16xf32>,
        %mul3A_397 = arith.mulf %gather3A_396, %get3A_55 : vector<16xf32>
        %add3A_398 = arith.constant 8 : i32
        %add3A_399 = vector.broadcast %add3A_398 : i32 to vector<16xi32>
        %add3A_400 = arith.addi %select_n3A_43, %add3A_399 : vector<16xi32>
        %gather3A_401 = tpu.vector_load_idx %arg10[%add3A_383, %add3A_400] : memref<256x64xf32, #tpu.memory_space<vmem>>[vector<16xi32>, vector<16xi32>], vector<16xf32>,
        %mul3A_402 = arith.mulf %mul3A_397, %gather3A_401 : vector<16xf32>
        %add3A_403 = arith.addf %add3A_393, %mul3A_402 : vector<16xf32>
        %broadcast_in_dim3A_404 = arith.constant 2 : i32
        %broadcast_in_dim3A_405 = vector.broadcast %broadcast_in_dim3A_404 : i32 to vector<16xi32>
        %gather3A_406 = tpu.vector_load_idx %arg11[%add3A_383, %broadcast_in_dim3A_405] : memref<256x16xf32, #tpu.memory_space<vmem>>[vector<16xi32>, vector<16xi32>], vector<16xf32>,
        %mul3A_407 = arith.mulf %gather3A_406, %get3A_59 : vector<16xf32>
        %add3A_408 = arith.constant 16 : i32
        %add3A_409 = vector.broadcast %add3A_408 : i32 to vector<16xi32>
        %add3A_410 = arith.addi %select_n3A_43, %add3A_409 : vector<16xi32>
        %gather3A_411 = tpu.vector_load_idx %arg10[%add3A_383, %add3A_410] : memref<256x64xf32, #tpu.memory_space<vmem>>[vector<16xi32>, vector<16xi32>], vector<16xf32>,
        %mul3A_412 = arith.mulf %mul3A_407, %gather3A_411 : vector<16xf32>
        %add3A_413 = arith.addf %add3A_403, %mul3A_412 : vector<16xf32>
        %broadcast_in_dim3A_414 = arith.constant 3 : i32
        %broadcast_in_dim3A_415 = vector.broadcast %broadcast_in_dim3A_414 : i32 to vector<16xi32>
        %gather3A_416 = tpu.vector_load_idx %arg11[%add3A_383, %broadcast_in_dim3A_415] : memref<256x16xf32, #tpu.memory_space<vmem>>[vector<16xi32>, vector<16xi32>], vector<16xf32>,
        %mul3A_417 = arith.mulf %gather3A_416, %get3A_63 : vector<16xf32>
        %add3A_418 = arith.constant 24 : i32
        %add3A_419 = vector.broadcast %add3A_418 : i32 to vector<16xi32>
        %add3A_420 = arith.addi %select_n3A_43, %add3A_419 : vector<16xi32>
        %gather3A_421 = tpu.vector_load_idx %arg10[%add3A_383, %add3A_420] : memref<256x64xf32, #tpu.memory_space<vmem>>[vector<16xi32>, vector<16xi32>], vector<16xf32>,
        %mul3A_422 = arith.mulf %mul3A_417, %gather3A_421 : vector<16xf32>
        %add3A_423 = arith.addf %add3A_413, %mul3A_422 : vector<16xf32>
        %broadcast_in_dim3A_424 = arith.constant 4 : i32
        %broadcast_in_dim3A_425 = vector.broadcast %broadcast_in_dim3A_424 : i32 to vector<16xi32>
        %gather3A_426 = tpu.vector_load_idx %arg11[%add3A_383, %broadcast_in_dim3A_425] : memref<256x16xf32, #tpu.memory_space<vmem>>[vector<16xi32>, vector<16xi32>], vector<16xf32>,
        %mul3A_427 = arith.mulf %gather3A_426, %get3A_67 : vector<16xf32>
        %add3A_428 = arith.constant 32 : i32
        %add3A_429 = vector.broadcast %add3A_428 : i32 to vector<16xi32>
        %add3A_430 = arith.addi %select_n3A_43, %add3A_429 : vector<16xi32>
        %gather3A_431 = tpu.vector_load_idx %arg10[%add3A_383, %add3A_430] : memref<256x64xf32, #tpu.memory_space<vmem>>[vector<16xi32>, vector<16xi32>], vector<16xf32>,
        %mul3A_432 = arith.mulf %mul3A_427, %gather3A_431 : vector<16xf32>
        %add3A_433 = arith.addf %add3A_423, %mul3A_432 : vector<16xf32>
        %broadcast_in_dim3A_434 = arith.constant 5 : i32
        %broadcast_in_dim3A_435 = vector.broadcast %broadcast_in_dim3A_434 : i32 to vector<16xi32>
        %gather3A_436 = tpu.vector_load_idx %arg11[%add3A_383, %broadcast_in_dim3A_435] : memref<256x16xf32, #tpu.memory_space<vmem>>[vector<16xi32>, vector<16xi32>], vector<16xf32>,
        %mul3A_437 = arith.mulf %gather3A_436, %get3A_71 : vector<16xf32>
        %add3A_438 = arith.constant 40 : i32
        %add3A_439 = vector.broadcast %add3A_438 : i32 to vector<16xi32>
        %add3A_440 = arith.addi %select_n3A_43, %add3A_439 : vector<16xi32>
        %gather3A_441 = tpu.vector_load_idx %arg10[%add3A_383, %add3A_440] : memref<256x64xf32, #tpu.memory_space<vmem>>[vector<16xi32>, vector<16xi32>], vector<16xf32>,
        %mul3A_442 = arith.mulf %mul3A_437, %gather3A_441 : vector<16xf32>
        %add3A_443 = arith.addf %add3A_433, %mul3A_442 : vector<16xf32>
        %broadcast_in_dim3A_444 = arith.constant 6 : i32
        %broadcast_in_dim3A_445 = vector.broadcast %broadcast_in_dim3A_444 : i32 to vector<16xi32>
        %gather3A_446 = tpu.vector_load_idx %arg11[%add3A_383, %broadcast_in_dim3A_445] : memref<256x16xf32, #tpu.memory_space<vmem>>[vector<16xi32>, vector<16xi32>], vector<16xf32>,
        %mul3A_447 = arith.mulf %gather3A_446, %get3A_75 : vector<16xf32>
        %add3A_448 = arith.constant 48 : i32
        %add3A_449 = vector.broadcast %add3A_448 : i32 to vector<16xi32>
        %add3A_450 = arith.addi %select_n3A_43, %add3A_449 : vector<16xi32>
        %gather3A_451 = tpu.vector_load_idx %arg10[%add3A_383, %add3A_450] : memref<256x64xf32, #tpu.memory_space<vmem>>[vector<16xi32>, vector<16xi32>], vector<16xf32>,
        %mul3A_452 = arith.mulf %mul3A_447, %gather3A_451 : vector<16xf32>
        %add3A_453 = arith.addf %add3A_443, %mul3A_452 : vector<16xf32>
        %broadcast_in_dim3A_454 = arith.constant 7 : i32
        %broadcast_in_dim3A_455 = vector.broadcast %broadcast_in_dim3A_454 : i32 to vector<16xi32>
        %gather3A_456 = tpu.vector_load_idx %arg11[%add3A_383, %broadcast_in_dim3A_455] : memref<256x16xf32, #tpu.memory_space<vmem>>[vector<16xi32>, vector<16xi32>], vector<16xf32>,
        %mul3A_457 = arith.mulf %gather3A_456, %get3A_79 : vector<16xf32>
        %add3A_458 = arith.constant 56 : i32
        %add3A_459 = vector.broadcast %add3A_458 : i32 to vector<16xi32>
        %add3A_460 = arith.addi %select_n3A_43, %add3A_459 : vector<16xi32>
        %gather3A_461 = tpu.vector_load_idx %arg10[%add3A_383, %add3A_460] : memref<256x64xf32, #tpu.memory_space<vmem>>[vector<16xi32>, vector<16xi32>], vector<16xf32>,
        %mul3A_462 = arith.mulf %mul3A_457, %gather3A_461 : vector<16xf32>
        %add3A_463 = arith.addf %add3A_453, %mul3A_462 : vector<16xf32>
        %gather3A_464 = tpu.vector_load_idx %arg9[%add3A_383] : memref<256xi32, #tpu.memory_space<vmem>>[vector<16xi32>], vector<16xi32>,
        %mul3A_465 = arith.constant 8 : i32
        %mul3A_466 = vector.broadcast %mul3A_465 : i32 to vector<16xi32>
        %mul3A_467 = arith.muli %gather3A_464, %mul3A_466 : vector<16xi32>
        %add3A_468 = arith.addi %mul3A_467, %select_n3A_43 : vector<16xi32>
        tpu.vector_store_idx %arg13[%add3A_468], %add3A_463 {add = true} : memref<80000xf32, #tpu.memory_space<vmem>>[vector<16xi32>], vector<16xf32>,
        %mul3A_469 = arith.constant 16 : i32
        %mul3A_470 = arith.muli %add3A_105, %mul3A_469 : i32
        %add3A_471 = arith.constant 8 : i32
        %add3A_472 = arith.addi %mul3A_470, %add3A_471 : i32
        %add3A_473 = vector.broadcast %add3A_472 : i32 to vector<16xi32>
        %add3A_474 = arith.addi %add3A_473, %select_n3A : vector<16xi32>
        %broadcast_in_dim3A_475 = arith.constant 0 : i32
        %broadcast_in_dim3A_476 = vector.broadcast %broadcast_in_dim3A_475 : i32 to vector<16xi32>
        %gather3A_477 = tpu.vector_load_idx %arg11[%add3A_474, %broadcast_in_dim3A_476] : memref<256x16xf32, #tpu.memory_space<vmem>>[vector<16xi32>, vector<16xi32>], vector<16xf32>,
        %mul3A_478 = arith.mulf %gather3A_477, %get3A_51 : vector<16xf32>
        %add3A_479 = arith.constant 0 : i32
        %add3A_480 = vector.broadcast %add3A_479 : i32 to vector<16xi32>
        %add3A_481 = arith.addi %select_n3A_43, %add3A_480 : vector<16xi32>
        %gather3A_482 = tpu.vector_load_idx %arg10[%add3A_474, %add3A_481] : memref<256x64xf32, #tpu.memory_space<vmem>>[vector<16xi32>, vector<16xi32>], vector<16xf32>,
        %mul3A_483 = arith.mulf %mul3A_478, %gather3A_482 : vector<16xf32>
        %add3A_484 = arith.addf %broadcast_in_dim3A_44, %mul3A_483 : vector<16xf32>
        %broadcast_in_dim3A_485 = arith.constant 1 : i32
        %broadcast_in_dim3A_486 = vector.broadcast %broadcast_in_dim3A_485 : i32 to vector<16xi32>
        %gather3A_487 = tpu.vector_load_idx %arg11[%add3A_474, %broadcast_in_dim3A_486] : memref<256x16xf32, #tpu.memory_space<vmem>>[vector<16xi32>, vector<16xi32>], vector<16xf32>,
        %mul3A_488 = arith.mulf %gather3A_487, %get3A_55 : vector<16xf32>
        %add3A_489 = arith.constant 8 : i32
        %add3A_490 = vector.broadcast %add3A_489 : i32 to vector<16xi32>
        %add3A_491 = arith.addi %select_n3A_43, %add3A_490 : vector<16xi32>
        %gather3A_492 = tpu.vector_load_idx %arg10[%add3A_474, %add3A_491] : memref<256x64xf32, #tpu.memory_space<vmem>>[vector<16xi32>, vector<16xi32>], vector<16xf32>,
        %mul3A_493 = arith.mulf %mul3A_488, %gather3A_492 : vector<16xf32>
        %add3A_494 = arith.addf %add3A_484, %mul3A_493 : vector<16xf32>
        %broadcast_in_dim3A_495 = arith.constant 2 : i32
        %broadcast_in_dim3A_496 = vector.broadcast %broadcast_in_dim3A_495 : i32 to vector<16xi32>
        %gather3A_497 = tpu.vector_load_idx %arg11[%add3A_474, %broadcast_in_dim3A_496] : memref<256x16xf32, #tpu.memory_space<vmem>>[vector<16xi32>, vector<16xi32>], vector<16xf32>,
        %mul3A_498 = arith.mulf %gather3A_497, %get3A_59 : vector<16xf32>
        %add3A_499 = arith.constant 16 : i32
        %add3A_500 = vector.broadcast %add3A_499 : i32 to vector<16xi32>
        %add3A_501 = arith.addi %select_n3A_43, %add3A_500 : vector<16xi32>
        %gather3A_502 = tpu.vector_load_idx %arg10[%add3A_474, %add3A_501] : memref<256x64xf32, #tpu.memory_space<vmem>>[vector<16xi32>, vector<16xi32>], vector<16xf32>,
        %mul3A_503 = arith.mulf %mul3A_498, %gather3A_502 : vector<16xf32>
        %add3A_504 = arith.addf %add3A_494, %mul3A_503 : vector<16xf32>
        %broadcast_in_dim3A_505 = arith.constant 3 : i32
        %broadcast_in_dim3A_506 = vector.broadcast %broadcast_in_dim3A_505 : i32 to vector<16xi32>
        %gather3A_507 = tpu.vector_load_idx %arg11[%add3A_474, %broadcast_in_dim3A_506] : memref<256x16xf32, #tpu.memory_space<vmem>>[vector<16xi32>, vector<16xi32>], vector<16xf32>,
        %mul3A_508 = arith.mulf %gather3A_507, %get3A_63 : vector<16xf32>
        %add3A_509 = arith.constant 24 : i32
        %add3A_510 = vector.broadcast %add3A_509 : i32 to vector<16xi32>
        %add3A_511 = arith.addi %select_n3A_43, %add3A_510 : vector<16xi32>
        %gather3A_512 = tpu.vector_load_idx %arg10[%add3A_474, %add3A_511] : memref<256x64xf32, #tpu.memory_space<vmem>>[vector<16xi32>, vector<16xi32>], vector<16xf32>,
        %mul3A_513 = arith.mulf %mul3A_508, %gather3A_512 : vector<16xf32>
        %add3A_514 = arith.addf %add3A_504, %mul3A_513 : vector<16xf32>
        %broadcast_in_dim3A_515 = arith.constant 4 : i32
        %broadcast_in_dim3A_516 = vector.broadcast %broadcast_in_dim3A_515 : i32 to vector<16xi32>
        %gather3A_517 = tpu.vector_load_idx %arg11[%add3A_474, %broadcast_in_dim3A_516] : memref<256x16xf32, #tpu.memory_space<vmem>>[vector<16xi32>, vector<16xi32>], vector<16xf32>,
        %mul3A_518 = arith.mulf %gather3A_517, %get3A_67 : vector<16xf32>
        %add3A_519 = arith.constant 32 : i32
        %add3A_520 = vector.broadcast %add3A_519 : i32 to vector<16xi32>
        %add3A_521 = arith.addi %select_n3A_43, %add3A_520 : vector<16xi32>
        %gather3A_522 = tpu.vector_load_idx %arg10[%add3A_474, %add3A_521] : memref<256x64xf32, #tpu.memory_space<vmem>>[vector<16xi32>, vector<16xi32>], vector<16xf32>,
        %mul3A_523 = arith.mulf %mul3A_518, %gather3A_522 : vector<16xf32>
        %add3A_524 = arith.addf %add3A_514, %mul3A_523 : vector<16xf32>
        %broadcast_in_dim3A_525 = arith.constant 5 : i32
        %broadcast_in_dim3A_526 = vector.broadcast %broadcast_in_dim3A_525 : i32 to vector<16xi32>
        %gather3A_527 = tpu.vector_load_idx %arg11[%add3A_474, %broadcast_in_dim3A_526] : memref<256x16xf32, #tpu.memory_space<vmem>>[vector<16xi32>, vector<16xi32>], vector<16xf32>,
        %mul3A_528 = arith.mulf %gather3A_527, %get3A_71 : vector<16xf32>
        %add3A_529 = arith.constant 40 : i32
        %add3A_530 = vector.broadcast %add3A_529 : i32 to vector<16xi32>
        %add3A_531 = arith.addi %select_n3A_43, %add3A_530 : vector<16xi32>
        %gather3A_532 = tpu.vector_load_idx %arg10[%add3A_474, %add3A_531] : memref<256x64xf32, #tpu.memory_space<vmem>>[vector<16xi32>, vector<16xi32>], vector<16xf32>,
        %mul3A_533 = arith.mulf %mul3A_528, %gather3A_532 : vector<16xf32>
        %add3A_534 = arith.addf %add3A_524, %mul3A_533 : vector<16xf32>
        %broadcast_in_dim3A_535 = arith.constant 6 : i32
        %broadcast_in_dim3A_536 = vector.broadcast %broadcast_in_dim3A_535 : i32 to vector<16xi32>
        %gather3A_537 = tpu.vector_load_idx %arg11[%add3A_474, %broadcast_in_dim3A_536] : memref<256x16xf32, #tpu.memory_space<vmem>>[vector<16xi32>, vector<16xi32>], vector<16xf32>,
        %mul3A_538 = arith.mulf %gather3A_537, %get3A_75 : vector<16xf32>
        %add3A_539 = arith.constant 48 : i32
        %add3A_540 = vector.broadcast %add3A_539 : i32 to vector<16xi32>
        %add3A_541 = arith.addi %select_n3A_43, %add3A_540 : vector<16xi32>
        %gather3A_542 = tpu.vector_load_idx %arg10[%add3A_474, %add3A_541] : memref<256x64xf32, #tpu.memory_space<vmem>>[vector<16xi32>, vector<16xi32>], vector<16xf32>,
        %mul3A_543 = arith.mulf %mul3A_538, %gather3A_542 : vector<16xf32>
        %add3A_544 = arith.addf %add3A_534, %mul3A_543 : vector<16xf32>
        %broadcast_in_dim3A_545 = arith.constant 7 : i32
        %broadcast_in_dim3A_546 = vector.broadcast %broadcast_in_dim3A_545 : i32 to vector<16xi32>
        %gather3A_547 = tpu.vector_load_idx %arg11[%add3A_474, %broadcast_in_dim3A_546] : memref<256x16xf32, #tpu.memory_space<vmem>>[vector<16xi32>, vector<16xi32>], vector<16xf32>,
        %mul3A_548 = arith.mulf %gather3A_547, %get3A_79 : vector<16xf32>
        %add3A_549 = arith.constant 56 : i32
        %add3A_550 = vector.broadcast %add3A_549 : i32 to vector<16xi32>
        %add3A_551 = arith.addi %select_n3A_43, %add3A_550 : vector<16xi32>
        %gather3A_552 = tpu.vector_load_idx %arg10[%add3A_474, %add3A_551] : memref<256x64xf32, #tpu.memory_space<vmem>>[vector<16xi32>, vector<16xi32>], vector<16xf32>,
        %mul3A_553 = arith.mulf %mul3A_548, %gather3A_552 : vector<16xf32>
        %add3A_554 = arith.addf %add3A_544, %mul3A_553 : vector<16xf32>
        %gather3A_555 = tpu.vector_load_idx %arg9[%add3A_474] : memref<256xi32, #tpu.memory_space<vmem>>[vector<16xi32>], vector<16xi32>,
        %mul3A_556 = arith.constant 8 : i32
        %mul3A_557 = vector.broadcast %mul3A_556 : i32 to vector<16xi32>
        %mul3A_558 = arith.muli %gather3A_555, %mul3A_557 : vector<16xi32>
        %add3A_559 = arith.addi %mul3A_558, %select_n3A_43 : vector<16xi32>
        tpu.vector_store_idx %arg13[%add3A_559], %add3A_554 {add = true} : memref<80000xf32, #tpu.memory_space<vmem>>[vector<16xi32>], vector<16xf32>,
        %mul3A_560 = arith.constant 16 : i32
        %mul3A_561 = arith.muli %add3A_105, %mul3A_560 : i32
        %add3A_562 = arith.constant 10 : i32
        %add3A_563 = arith.addi %mul3A_561, %add3A_562 : i32
        %add3A_564 = vector.broadcast %add3A_563 : i32 to vector<16xi32>
        %add3A_565 = arith.addi %add3A_564, %select_n3A : vector<16xi32>
        %broadcast_in_dim3A_566 = arith.constant 0 : i32
        %broadcast_in_dim3A_567 = vector.broadcast %broadcast_in_dim3A_566 : i32 to vector<16xi32>
        %gather3A_568 = tpu.vector_load_idx %arg11[%add3A_565, %broadcast_in_dim3A_567] : memref<256x16xf32, #tpu.memory_space<vmem>>[vector<16xi32>, vector<16xi32>], vector<16xf32>,
        %mul3A_569 = arith.mulf %gather3A_568, %get3A_51 : vector<16xf32>
        %add3A_570 = arith.constant 0 : i32
        %add3A_571 = vector.broadcast %add3A_570 : i32 to vector<16xi32>
        %add3A_572 = arith.addi %select_n3A_43, %add3A_571 : vector<16xi32>
        %gather3A_573 = tpu.vector_load_idx %arg10[%add3A_565, %add3A_572] : memref<256x64xf32, #tpu.memory_space<vmem>>[vector<16xi32>, vector<16xi32>], vector<16xf32>,
        %mul3A_574 = arith.mulf %mul3A_569, %gather3A_573 : vector<16xf32>
        %add3A_575 = arith.addf %broadcast_in_dim3A_44, %mul3A_574 : vector<16xf32>
        %broadcast_in_dim3A_576 = arith.constant 1 : i32
        %broadcast_in_dim3A_577 = vector.broadcast %broadcast_in_dim3A_576 : i32 to vector<16xi32>
        %gather3A_578 = tpu.vector_load_idx %arg11[%add3A_565, %broadcast_in_dim3A_577] : memref<256x16xf32, #tpu.memory_space<vmem>>[vector<16xi32>, vector<16xi32>], vector<16xf32>,
        %mul3A_579 = arith.mulf %gather3A_578, %get3A_55 : vector<16xf32>
        %add3A_580 = arith.constant 8 : i32
        %add3A_581 = vector.broadcast %add3A_580 : i32 to vector<16xi32>
        %add3A_582 = arith.addi %select_n3A_43, %add3A_581 : vector<16xi32>
        %gather3A_583 = tpu.vector_load_idx %arg10[%add3A_565, %add3A_582] : memref<256x64xf32, #tpu.memory_space<vmem>>[vector<16xi32>, vector<16xi32>], vector<16xf32>,
        %mul3A_584 = arith.mulf %mul3A_579, %gather3A_583 : vector<16xf32>
        %add3A_585 = arith.addf %add3A_575, %mul3A_584 : vector<16xf32>
        %broadcast_in_dim3A_586 = arith.constant 2 : i32
        %broadcast_in_dim3A_587 = vector.broadcast %broadcast_in_dim3A_586 : i32 to vector<16xi32>
        %gather3A_588 = tpu.vector_load_idx %arg11[%add3A_565, %broadcast_in_dim3A_587] : memref<256x16xf32, #tpu.memory_space<vmem>>[vector<16xi32>, vector<16xi32>], vector<16xf32>,
        %mul3A_589 = arith.mulf %gather3A_588, %get3A_59 : vector<16xf32>
        %add3A_590 = arith.constant 16 : i32
        %add3A_591 = vector.broadcast %add3A_590 : i32 to vector<16xi32>
        %add3A_592 = arith.addi %select_n3A_43, %add3A_591 : vector<16xi32>
        %gather3A_593 = tpu.vector_load_idx %arg10[%add3A_565, %add3A_592] : memref<256x64xf32, #tpu.memory_space<vmem>>[vector<16xi32>, vector<16xi32>], vector<16xf32>,
        %mul3A_594 = arith.mulf %mul3A_589, %gather3A_593 : vector<16xf32>
        %add3A_595 = arith.addf %add3A_585, %mul3A_594 : vector<16xf32>
        %broadcast_in_dim3A_596 = arith.constant 3 : i32
        %broadcast_in_dim3A_597 = vector.broadcast %broadcast_in_dim3A_596 : i32 to vector<16xi32>
        %gather3A_598 = tpu.vector_load_idx %arg11[%add3A_565, %broadcast_in_dim3A_597] : memref<256x16xf32, #tpu.memory_space<vmem>>[vector<16xi32>, vector<16xi32>], vector<16xf32>,
        %mul3A_599 = arith.mulf %gather3A_598, %get3A_63 : vector<16xf32>
        %add3A_600 = arith.constant 24 : i32
        %add3A_601 = vector.broadcast %add3A_600 : i32 to vector<16xi32>
        %add3A_602 = arith.addi %select_n3A_43, %add3A_601 : vector<16xi32>
        %gather3A_603 = tpu.vector_load_idx %arg10[%add3A_565, %add3A_602] : memref<256x64xf32, #tpu.memory_space<vmem>>[vector<16xi32>, vector<16xi32>], vector<16xf32>,
        %mul3A_604 = arith.mulf %mul3A_599, %gather3A_603 : vector<16xf32>
        %add3A_605 = arith.addf %add3A_595, %mul3A_604 : vector<16xf32>
        %broadcast_in_dim3A_606 = arith.constant 4 : i32
        %broadcast_in_dim3A_607 = vector.broadcast %broadcast_in_dim3A_606 : i32 to vector<16xi32>
        %gather3A_608 = tpu.vector_load_idx %arg11[%add3A_565, %broadcast_in_dim3A_607] : memref<256x16xf32, #tpu.memory_space<vmem>>[vector<16xi32>, vector<16xi32>], vector<16xf32>,
        %mul3A_609 = arith.mulf %gather3A_608, %get3A_67 : vector<16xf32>
        %add3A_610 = arith.constant 32 : i32
        %add3A_611 = vector.broadcast %add3A_610 : i32 to vector<16xi32>
        %add3A_612 = arith.addi %select_n3A_43, %add3A_611 : vector<16xi32>
        %gather3A_613 = tpu.vector_load_idx %arg10[%add3A_565, %add3A_612] : memref<256x64xf32, #tpu.memory_space<vmem>>[vector<16xi32>, vector<16xi32>], vector<16xf32>,
        %mul3A_614 = arith.mulf %mul3A_609, %gather3A_613 : vector<16xf32>
        %add3A_615 = arith.addf %add3A_605, %mul3A_614 : vector<16xf32>
        %broadcast_in_dim3A_616 = arith.constant 5 : i32
        %broadcast_in_dim3A_617 = vector.broadcast %broadcast_in_dim3A_616 : i32 to vector<16xi32>
        %gather3A_618 = tpu.vector_load_idx %arg11[%add3A_565, %broadcast_in_dim3A_617] : memref<256x16xf32, #tpu.memory_space<vmem>>[vector<16xi32>, vector<16xi32>], vector<16xf32>,
        %mul3A_619 = arith.mulf %gather3A_618, %get3A_71 : vector<16xf32>
        %add3A_620 = arith.constant 40 : i32
        %add3A_621 = vector.broadcast %add3A_620 : i32 to vector<16xi32>
        %add3A_622 = arith.addi %select_n3A_43, %add3A_621 : vector<16xi32>
        %gather3A_623 = tpu.vector_load_idx %arg10[%add3A_565, %add3A_622] : memref<256x64xf32, #tpu.memory_space<vmem>>[vector<16xi32>, vector<16xi32>], vector<16xf32>,
        %mul3A_624 = arith.mulf %mul3A_619, %gather3A_623 : vector<16xf32>
        %add3A_625 = arith.addf %add3A_615, %mul3A_624 : vector<16xf32>
        %broadcast_in_dim3A_626 = arith.constant 6 : i32
        %broadcast_in_dim3A_627 = vector.broadcast %broadcast_in_dim3A_626 : i32 to vector<16xi32>
        %gather3A_628 = tpu.vector_load_idx %arg11[%add3A_565, %broadcast_in_dim3A_627] : memref<256x16xf32, #tpu.memory_space<vmem>>[vector<16xi32>, vector<16xi32>], vector<16xf32>,
        %mul3A_629 = arith.mulf %gather3A_628, %get3A_75 : vector<16xf32>
        %add3A_630 = arith.constant 48 : i32
        %add3A_631 = vector.broadcast %add3A_630 : i32 to vector<16xi32>
        %add3A_632 = arith.addi %select_n3A_43, %add3A_631 : vector<16xi32>
        %gather3A_633 = tpu.vector_load_idx %arg10[%add3A_565, %add3A_632] : memref<256x64xf32, #tpu.memory_space<vmem>>[vector<16xi32>, vector<16xi32>], vector<16xf32>,
        %mul3A_634 = arith.mulf %mul3A_629, %gather3A_633 : vector<16xf32>
        %add3A_635 = arith.addf %add3A_625, %mul3A_634 : vector<16xf32>
        %broadcast_in_dim3A_636 = arith.constant 7 : i32
        %broadcast_in_dim3A_637 = vector.broadcast %broadcast_in_dim3A_636 : i32 to vector<16xi32>
        %gather3A_638 = tpu.vector_load_idx %arg11[%add3A_565, %broadcast_in_dim3A_637] : memref<256x16xf32, #tpu.memory_space<vmem>>[vector<16xi32>, vector<16xi32>], vector<16xf32>,
        %mul3A_639 = arith.mulf %gather3A_638, %get3A_79 : vector<16xf32>
        %add3A_640 = arith.constant 56 : i32
        %add3A_641 = vector.broadcast %add3A_640 : i32 to vector<16xi32>
        %add3A_642 = arith.addi %select_n3A_43, %add3A_641 : vector<16xi32>
        %gather3A_643 = tpu.vector_load_idx %arg10[%add3A_565, %add3A_642] : memref<256x64xf32, #tpu.memory_space<vmem>>[vector<16xi32>, vector<16xi32>], vector<16xf32>,
        %mul3A_644 = arith.mulf %mul3A_639, %gather3A_643 : vector<16xf32>
        %add3A_645 = arith.addf %add3A_635, %mul3A_644 : vector<16xf32>
        %gather3A_646 = tpu.vector_load_idx %arg9[%add3A_565] : memref<256xi32, #tpu.memory_space<vmem>>[vector<16xi32>], vector<16xi32>,
        %mul3A_647 = arith.constant 8 : i32
        %mul3A_648 = vector.broadcast %mul3A_647 : i32 to vector<16xi32>
        %mul3A_649 = arith.muli %gather3A_646, %mul3A_648 : vector<16xi32>
        %add3A_650 = arith.addi %mul3A_649, %select_n3A_43 : vector<16xi32>
        tpu.vector_store_idx %arg13[%add3A_650], %add3A_645 {add = true} : memref<80000xf32, #tpu.memory_space<vmem>>[vector<16xi32>], vector<16xf32>,
        %mul3A_651 = arith.constant 16 : i32
        %mul3A_652 = arith.muli %add3A_105, %mul3A_651 : i32
        %add3A_653 = arith.constant 12 : i32
        %add3A_654 = arith.addi %mul3A_652, %add3A_653 : i32
        %add3A_655 = vector.broadcast %add3A_654 : i32 to vector<16xi32>
        %add3A_656 = arith.addi %add3A_655, %select_n3A : vector<16xi32>
        %broadcast_in_dim3A_657 = arith.constant 0 : i32
        %broadcast_in_dim3A_658 = vector.broadcast %broadcast_in_dim3A_657 : i32 to vector<16xi32>
        %gather3A_659 = tpu.vector_load_idx %arg11[%add3A_656, %broadcast_in_dim3A_658] : memref<256x16xf32, #tpu.memory_space<vmem>>[vector<16xi32>, vector<16xi32>], vector<16xf32>,
        %mul3A_660 = arith.mulf %gather3A_659, %get3A_51 : vector<16xf32>
        %add3A_661 = arith.constant 0 : i32
        %add3A_662 = vector.broadcast %add3A_661 : i32 to vector<16xi32>
        %add3A_663 = arith.addi %select_n3A_43, %add3A_662 : vector<16xi32>
        %gather3A_664 = tpu.vector_load_idx %arg10[%add3A_656, %add3A_663] : memref<256x64xf32, #tpu.memory_space<vmem>>[vector<16xi32>, vector<16xi32>], vector<16xf32>,
        %mul3A_665 = arith.mulf %mul3A_660, %gather3A_664 : vector<16xf32>
        %add3A_666 = arith.addf %broadcast_in_dim3A_44, %mul3A_665 : vector<16xf32>
        %broadcast_in_dim3A_667 = arith.constant 1 : i32
        %broadcast_in_dim3A_668 = vector.broadcast %broadcast_in_dim3A_667 : i32 to vector<16xi32>
        %gather3A_669 = tpu.vector_load_idx %arg11[%add3A_656, %broadcast_in_dim3A_668] : memref<256x16xf32, #tpu.memory_space<vmem>>[vector<16xi32>, vector<16xi32>], vector<16xf32>,
        %mul3A_670 = arith.mulf %gather3A_669, %get3A_55 : vector<16xf32>
        %add3A_671 = arith.constant 8 : i32
        %add3A_672 = vector.broadcast %add3A_671 : i32 to vector<16xi32>
        %add3A_673 = arith.addi %select_n3A_43, %add3A_672 : vector<16xi32>
        %gather3A_674 = tpu.vector_load_idx %arg10[%add3A_656, %add3A_673] : memref<256x64xf32, #tpu.memory_space<vmem>>[vector<16xi32>, vector<16xi32>], vector<16xf32>,
        %mul3A_675 = arith.mulf %mul3A_670, %gather3A_674 : vector<16xf32>
        %add3A_676 = arith.addf %add3A_666, %mul3A_675 : vector<16xf32>
        %broadcast_in_dim3A_677 = arith.constant 2 : i32
        %broadcast_in_dim3A_678 = vector.broadcast %broadcast_in_dim3A_677 : i32 to vector<16xi32>
        %gather3A_679 = tpu.vector_load_idx %arg11[%add3A_656, %broadcast_in_dim3A_678] : memref<256x16xf32, #tpu.memory_space<vmem>>[vector<16xi32>, vector<16xi32>], vector<16xf32>,
        %mul3A_680 = arith.mulf %gather3A_679, %get3A_59 : vector<16xf32>
        %add3A_681 = arith.constant 16 : i32
        %add3A_682 = vector.broadcast %add3A_681 : i32 to vector<16xi32>
        %add3A_683 = arith.addi %select_n3A_43, %add3A_682 : vector<16xi32>
        %gather3A_684 = tpu.vector_load_idx %arg10[%add3A_656, %add3A_683] : memref<256x64xf32, #tpu.memory_space<vmem>>[vector<16xi32>, vector<16xi32>], vector<16xf32>,
        %mul3A_685 = arith.mulf %mul3A_680, %gather3A_684 : vector<16xf32>
        %add3A_686 = arith.addf %add3A_676, %mul3A_685 : vector<16xf32>
        %broadcast_in_dim3A_687 = arith.constant 3 : i32
        %broadcast_in_dim3A_688 = vector.broadcast %broadcast_in_dim3A_687 : i32 to vector<16xi32>
        %gather3A_689 = tpu.vector_load_idx %arg11[%add3A_656, %broadcast_in_dim3A_688] : memref<256x16xf32, #tpu.memory_space<vmem>>[vector<16xi32>, vector<16xi32>], vector<16xf32>,
        %mul3A_690 = arith.mulf %gather3A_689, %get3A_63 : vector<16xf32>
        %add3A_691 = arith.constant 24 : i32
        %add3A_692 = vector.broadcast %add3A_691 : i32 to vector<16xi32>
        %add3A_693 = arith.addi %select_n3A_43, %add3A_692 : vector<16xi32>
        %gather3A_694 = tpu.vector_load_idx %arg10[%add3A_656, %add3A_693] : memref<256x64xf32, #tpu.memory_space<vmem>>[vector<16xi32>, vector<16xi32>], vector<16xf32>,
        %mul3A_695 = arith.mulf %mul3A_690, %gather3A_694 : vector<16xf32>
        %add3A_696 = arith.addf %add3A_686, %mul3A_695 : vector<16xf32>
        %broadcast_in_dim3A_697 = arith.constant 4 : i32
        %broadcast_in_dim3A_698 = vector.broadcast %broadcast_in_dim3A_697 : i32 to vector<16xi32>
        %gather3A_699 = tpu.vector_load_idx %arg11[%add3A_656, %broadcast_in_dim3A_698] : memref<256x16xf32, #tpu.memory_space<vmem>>[vector<16xi32>, vector<16xi32>], vector<16xf32>,
        %mul3A_700 = arith.mulf %gather3A_699, %get3A_67 : vector<16xf32>
        %add3A_701 = arith.constant 32 : i32
        %add3A_702 = vector.broadcast %add3A_701 : i32 to vector<16xi32>
        %add3A_703 = arith.addi %select_n3A_43, %add3A_702 : vector<16xi32>
        %gather3A_704 = tpu.vector_load_idx %arg10[%add3A_656, %add3A_703] : memref<256x64xf32, #tpu.memory_space<vmem>>[vector<16xi32>, vector<16xi32>], vector<16xf32>,
        %mul3A_705 = arith.mulf %mul3A_700, %gather3A_704 : vector<16xf32>
        %add3A_706 = arith.addf %add3A_696, %mul3A_705 : vector<16xf32>
        %broadcast_in_dim3A_707 = arith.constant 5 : i32
        %broadcast_in_dim3A_708 = vector.broadcast %broadcast_in_dim3A_707 : i32 to vector<16xi32>
        %gather3A_709 = tpu.vector_load_idx %arg11[%add3A_656, %broadcast_in_dim3A_708] : memref<256x16xf32, #tpu.memory_space<vmem>>[vector<16xi32>, vector<16xi32>], vector<16xf32>,
        %mul3A_710 = arith.mulf %gather3A_709, %get3A_71 : vector<16xf32>
        %add3A_711 = arith.constant 40 : i32
        %add3A_712 = vector.broadcast %add3A_711 : i32 to vector<16xi32>
        %add3A_713 = arith.addi %select_n3A_43, %add3A_712 : vector<16xi32>
        %gather3A_714 = tpu.vector_load_idx %arg10[%add3A_656, %add3A_713] : memref<256x64xf32, #tpu.memory_space<vmem>>[vector<16xi32>, vector<16xi32>], vector<16xf32>,
        %mul3A_715 = arith.mulf %mul3A_710, %gather3A_714 : vector<16xf32>
        %add3A_716 = arith.addf %add3A_706, %mul3A_715 : vector<16xf32>
        %broadcast_in_dim3A_717 = arith.constant 6 : i32
        %broadcast_in_dim3A_718 = vector.broadcast %broadcast_in_dim3A_717 : i32 to vector<16xi32>
        %gather3A_719 = tpu.vector_load_idx %arg11[%add3A_656, %broadcast_in_dim3A_718] : memref<256x16xf32, #tpu.memory_space<vmem>>[vector<16xi32>, vector<16xi32>], vector<16xf32>,
        %mul3A_720 = arith.mulf %gather3A_719, %get3A_75 : vector<16xf32>
        %add3A_721 = arith.constant 48 : i32
        %add3A_722 = vector.broadcast %add3A_721 : i32 to vector<16xi32>
        %add3A_723 = arith.addi %select_n3A_43, %add3A_722 : vector<16xi32>
        %gather3A_724 = tpu.vector_load_idx %arg10[%add3A_656, %add3A_723] : memref<256x64xf32, #tpu.memory_space<vmem>>[vector<16xi32>, vector<16xi32>], vector<16xf32>,
        %mul3A_725 = arith.mulf %mul3A_720, %gather3A_724 : vector<16xf32>
        %add3A_726 = arith.addf %add3A_716, %mul3A_725 : vector<16xf32>
        %broadcast_in_dim3A_727 = arith.constant 7 : i32
        %broadcast_in_dim3A_728 = vector.broadcast %broadcast_in_dim3A_727 : i32 to vector<16xi32>
        %gather3A_729 = tpu.vector_load_idx %arg11[%add3A_656, %broadcast_in_dim3A_728] : memref<256x16xf32, #tpu.memory_space<vmem>>[vector<16xi32>, vector<16xi32>], vector<16xf32>,
        %mul3A_730 = arith.mulf %gather3A_729, %get3A_79 : vector<16xf32>
        %add3A_731 = arith.constant 56 : i32
        %add3A_732 = vector.broadcast %add3A_731 : i32 to vector<16xi32>
        %add3A_733 = arith.addi %select_n3A_43, %add3A_732 : vector<16xi32>
        %gather3A_734 = tpu.vector_load_idx %arg10[%add3A_656, %add3A_733] : memref<256x64xf32, #tpu.memory_space<vmem>>[vector<16xi32>, vector<16xi32>], vector<16xf32>,
        %mul3A_735 = arith.mulf %mul3A_730, %gather3A_734 : vector<16xf32>
        %add3A_736 = arith.addf %add3A_726, %mul3A_735 : vector<16xf32>
        %gather3A_737 = tpu.vector_load_idx %arg9[%add3A_656] : memref<256xi32, #tpu.memory_space<vmem>>[vector<16xi32>], vector<16xi32>,
        %mul3A_738 = arith.constant 8 : i32
        %mul3A_739 = vector.broadcast %mul3A_738 : i32 to vector<16xi32>
        %mul3A_740 = arith.muli %gather3A_737, %mul3A_739 : vector<16xi32>
        %add3A_741 = arith.addi %mul3A_740, %select_n3A_43 : vector<16xi32>
        tpu.vector_store_idx %arg13[%add3A_741], %add3A_736 {add = true} : memref<80000xf32, #tpu.memory_space<vmem>>[vector<16xi32>], vector<16xf32>,
        %mul3A_742 = arith.constant 16 : i32
        %mul3A_743 = arith.muli %add3A_105, %mul3A_742 : i32
        %add3A_744 = arith.constant 14 : i32
        %add3A_745 = arith.addi %mul3A_743, %add3A_744 : i32
        %add3A_746 = vector.broadcast %add3A_745 : i32 to vector<16xi32>
        %add3A_747 = arith.addi %add3A_746, %select_n3A : vector<16xi32>
        %broadcast_in_dim3A_748 = arith.constant 0 : i32
        %broadcast_in_dim3A_749 = vector.broadcast %broadcast_in_dim3A_748 : i32 to vector<16xi32>
        %gather3A_750 = tpu.vector_load_idx %arg11[%add3A_747, %broadcast_in_dim3A_749] : memref<256x16xf32, #tpu.memory_space<vmem>>[vector<16xi32>, vector<16xi32>], vector<16xf32>,
        %mul3A_751 = arith.mulf %gather3A_750, %get3A_51 : vector<16xf32>
        %add3A_752 = arith.constant 0 : i32
        %add3A_753 = vector.broadcast %add3A_752 : i32 to vector<16xi32>
        %add3A_754 = arith.addi %select_n3A_43, %add3A_753 : vector<16xi32>
        %gather3A_755 = tpu.vector_load_idx %arg10[%add3A_747, %add3A_754] : memref<256x64xf32, #tpu.memory_space<vmem>>[vector<16xi32>, vector<16xi32>], vector<16xf32>,
        %mul3A_756 = arith.mulf %mul3A_751, %gather3A_755 : vector<16xf32>
        %add3A_757 = arith.addf %broadcast_in_dim3A_44, %mul3A_756 : vector<16xf32>
        %broadcast_in_dim3A_758 = arith.constant 1 : i32
        %broadcast_in_dim3A_759 = vector.broadcast %broadcast_in_dim3A_758 : i32 to vector<16xi32>
        %gather3A_760 = tpu.vector_load_idx %arg11[%add3A_747, %broadcast_in_dim3A_759] : memref<256x16xf32, #tpu.memory_space<vmem>>[vector<16xi32>, vector<16xi32>], vector<16xf32>,
        %mul3A_761 = arith.mulf %gather3A_760, %get3A_55 : vector<16xf32>
        %add3A_762 = arith.constant 8 : i32
        %add3A_763 = vector.broadcast %add3A_762 : i32 to vector<16xi32>
        %add3A_764 = arith.addi %select_n3A_43, %add3A_763 : vector<16xi32>
        %gather3A_765 = tpu.vector_load_idx %arg10[%add3A_747, %add3A_764] : memref<256x64xf32, #tpu.memory_space<vmem>>[vector<16xi32>, vector<16xi32>], vector<16xf32>,
        %mul3A_766 = arith.mulf %mul3A_761, %gather3A_765 : vector<16xf32>
        %add3A_767 = arith.addf %add3A_757, %mul3A_766 : vector<16xf32>
        %broadcast_in_dim3A_768 = arith.constant 2 : i32
        %broadcast_in_dim3A_769 = vector.broadcast %broadcast_in_dim3A_768 : i32 to vector<16xi32>
        %gather3A_770 = tpu.vector_load_idx %arg11[%add3A_747, %broadcast_in_dim3A_769] : memref<256x16xf32, #tpu.memory_space<vmem>>[vector<16xi32>, vector<16xi32>], vector<16xf32>,
        %mul3A_771 = arith.mulf %gather3A_770, %get3A_59 : vector<16xf32>
        %add3A_772 = arith.constant 16 : i32
        %add3A_773 = vector.broadcast %add3A_772 : i32 to vector<16xi32>
        %add3A_774 = arith.addi %select_n3A_43, %add3A_773 : vector<16xi32>
        %gather3A_775 = tpu.vector_load_idx %arg10[%add3A_747, %add3A_774] : memref<256x64xf32, #tpu.memory_space<vmem>>[vector<16xi32>, vector<16xi32>], vector<16xf32>,
        %mul3A_776 = arith.mulf %mul3A_771, %gather3A_775 : vector<16xf32>
        %add3A_777 = arith.addf %add3A_767, %mul3A_776 : vector<16xf32>
        %broadcast_in_dim3A_778 = arith.constant 3 : i32
        %broadcast_in_dim3A_779 = vector.broadcast %broadcast_in_dim3A_778 : i32 to vector<16xi32>
        %gather3A_780 = tpu.vector_load_idx %arg11[%add3A_747, %broadcast_in_dim3A_779] : memref<256x16xf32, #tpu.memory_space<vmem>>[vector<16xi32>, vector<16xi32>], vector<16xf32>,
        %mul3A_781 = arith.mulf %gather3A_780, %get3A_63 : vector<16xf32>
        %add3A_782 = arith.constant 24 : i32
        %add3A_783 = vector.broadcast %add3A_782 : i32 to vector<16xi32>
        %add3A_784 = arith.addi %select_n3A_43, %add3A_783 : vector<16xi32>
        %gather3A_785 = tpu.vector_load_idx %arg10[%add3A_747, %add3A_784] : memref<256x64xf32, #tpu.memory_space<vmem>>[vector<16xi32>, vector<16xi32>], vector<16xf32>,
        %mul3A_786 = arith.mulf %mul3A_781, %gather3A_785 : vector<16xf32>
        %add3A_787 = arith.addf %add3A_777, %mul3A_786 : vector<16xf32>
        %broadcast_in_dim3A_788 = arith.constant 4 : i32
        %broadcast_in_dim3A_789 = vector.broadcast %broadcast_in_dim3A_788 : i32 to vector<16xi32>
        %gather3A_790 = tpu.vector_load_idx %arg11[%add3A_747, %broadcast_in_dim3A_789] : memref<256x16xf32, #tpu.memory_space<vmem>>[vector<16xi32>, vector<16xi32>], vector<16xf32>,
        %mul3A_791 = arith.mulf %gather3A_790, %get3A_67 : vector<16xf32>
        %add3A_792 = arith.constant 32 : i32
        %add3A_793 = vector.broadcast %add3A_792 : i32 to vector<16xi32>
        %add3A_794 = arith.addi %select_n3A_43, %add3A_793 : vector<16xi32>
        %gather3A_795 = tpu.vector_load_idx %arg10[%add3A_747, %add3A_794] : memref<256x64xf32, #tpu.memory_space<vmem>>[vector<16xi32>, vector<16xi32>], vector<16xf32>,
        %mul3A_796 = arith.mulf %mul3A_791, %gather3A_795 : vector<16xf32>
        %add3A_797 = arith.addf %add3A_787, %mul3A_796 : vector<16xf32>
        %broadcast_in_dim3A_798 = arith.constant 5 : i32
        %broadcast_in_dim3A_799 = vector.broadcast %broadcast_in_dim3A_798 : i32 to vector<16xi32>
        %gather3A_800 = tpu.vector_load_idx %arg11[%add3A_747, %broadcast_in_dim3A_799] : memref<256x16xf32, #tpu.memory_space<vmem>>[vector<16xi32>, vector<16xi32>], vector<16xf32>,
        %mul3A_801 = arith.mulf %gather3A_800, %get3A_71 : vector<16xf32>
        %add3A_802 = arith.constant 40 : i32
        %add3A_803 = vector.broadcast %add3A_802 : i32 to vector<16xi32>
        %add3A_804 = arith.addi %select_n3A_43, %add3A_803 : vector<16xi32>
        %gather3A_805 = tpu.vector_load_idx %arg10[%add3A_747, %add3A_804] : memref<256x64xf32, #tpu.memory_space<vmem>>[vector<16xi32>, vector<16xi32>], vector<16xf32>,
        %mul3A_806 = arith.mulf %mul3A_801, %gather3A_805 : vector<16xf32>
        %add3A_807 = arith.addf %add3A_797, %mul3A_806 : vector<16xf32>
        %broadcast_in_dim3A_808 = arith.constant 6 : i32
        %broadcast_in_dim3A_809 = vector.broadcast %broadcast_in_dim3A_808 : i32 to vector<16xi32>
        %gather3A_810 = tpu.vector_load_idx %arg11[%add3A_747, %broadcast_in_dim3A_809] : memref<256x16xf32, #tpu.memory_space<vmem>>[vector<16xi32>, vector<16xi32>], vector<16xf32>,
        %mul3A_811 = arith.mulf %gather3A_810, %get3A_75 : vector<16xf32>
        %add3A_812 = arith.constant 48 : i32
        %add3A_813 = vector.broadcast %add3A_812 : i32 to vector<16xi32>
        %add3A_814 = arith.addi %select_n3A_43, %add3A_813 : vector<16xi32>
        %gather3A_815 = tpu.vector_load_idx %arg10[%add3A_747, %add3A_814] : memref<256x64xf32, #tpu.memory_space<vmem>>[vector<16xi32>, vector<16xi32>], vector<16xf32>,
        %mul3A_816 = arith.mulf %mul3A_811, %gather3A_815 : vector<16xf32>
        %add3A_817 = arith.addf %add3A_807, %mul3A_816 : vector<16xf32>
        %broadcast_in_dim3A_818 = arith.constant 7 : i32
        %broadcast_in_dim3A_819 = vector.broadcast %broadcast_in_dim3A_818 : i32 to vector<16xi32>
        %gather3A_820 = tpu.vector_load_idx %arg11[%add3A_747, %broadcast_in_dim3A_819] : memref<256x16xf32, #tpu.memory_space<vmem>>[vector<16xi32>, vector<16xi32>], vector<16xf32>,
        %mul3A_821 = arith.mulf %gather3A_820, %get3A_79 : vector<16xf32>
        %add3A_822 = arith.constant 56 : i32
        %add3A_823 = vector.broadcast %add3A_822 : i32 to vector<16xi32>
        %add3A_824 = arith.addi %select_n3A_43, %add3A_823 : vector<16xi32>
        %gather3A_825 = tpu.vector_load_idx %arg10[%add3A_747, %add3A_824] : memref<256x64xf32, #tpu.memory_space<vmem>>[vector<16xi32>, vector<16xi32>], vector<16xf32>,
        %mul3A_826 = arith.mulf %mul3A_821, %gather3A_825 : vector<16xf32>
        %add3A_827 = arith.addf %add3A_817, %mul3A_826 : vector<16xf32>
        %gather3A_828 = tpu.vector_load_idx %arg9[%add3A_747] : memref<256xi32, #tpu.memory_space<vmem>>[vector<16xi32>], vector<16xi32>,
        %mul3A_829 = arith.constant 8 : i32
        %mul3A_830 = vector.broadcast %mul3A_829 : i32 to vector<16xi32>
        %mul3A_831 = arith.muli %gather3A_828, %mul3A_830 : vector<16xi32>
        %add3A_832 = arith.addi %mul3A_831, %select_n3A_43 : vector<16xi32>
        tpu.vector_store_idx %arg13[%add3A_832], %add3A_827 {add = true} : memref<80000xf32, #tpu.memory_space<vmem>>[vector<16xi32>], vector<16xf32>,
      }
      %scan3A_100 = arith.constant 16 : i32
    }
    %scan3A_84 = arith.constant 666 : i32
    "tpu.region"() ({
      %run_scoped3A = tpu.sem_alloc : memref<!tpu.dma_semaphore, #tpu.memory_space<semaphore_mem>>
      %dma_start3A = arith.constant 0 : i32
      %dma_start3A_85 = tpu.memref_slice %arg7[%add3A, %dma_start3A] : memref<32x80000xf32, #tpu.memory_space<hbm>> -> memref<1x80000xf32, #tpu.memory_space<hbm>>
      %dma_start3A_86 = tpu.memref_squeeze %dma_start3A_85 : memref<1x80000xf32, #tpu.memory_space<hbm>> -> memref<80000xf32, #tpu.memory_space<hbm>>
      %dma_start3A_87 = arith.constant 0 : i32
      %dma_start3A_88 = tpu.memref_slice %arg7[%add3A, %dma_start3A_87] : memref<32x80000xf32, #tpu.memory_space<hbm>> -> memref<1x80000xf32, #tpu.memory_space<hbm>>
      %dma_start3A_89 = tpu.memref_squeeze %dma_start3A_88 : memref<1x80000xf32, #tpu.memory_space<hbm>> -> memref<80000xf32, #tpu.memory_space<hbm>>
      tpu.enqueue_dma source(%arg13 : memref<80000xf32, #tpu.memory_space<vmem>>) target(%dma_start3A_89 : memref<80000xf32, #tpu.memory_space<hbm>>) target_semaphore(%run_scoped3A : memref<!tpu.dma_semaphore, #tpu.memory_space<semaphore_mem>>)
      %dma_wait3A = arith.constant 0 : i32
      %dma_wait3A_90 = tpu.memref_slice %arg7[%add3A, %dma_wait3A] : memref<32x80000xf32, #tpu.memory_space<hbm>> -> memref<1x80000xf32, #tpu.memory_space<hbm>>
      %dma_wait3A_91 = tpu.memref_squeeze %dma_wait3A_90 : memref<1x80000xf32, #tpu.memory_space<hbm>> -> memref<80000xf32, #tpu.memory_space<hbm>>
      %dma_wait3A_92 = arith.constant 0 : i32
      %dma_wait3A_93 = tpu.memref_slice %arg7[%add3A, %dma_wait3A_92] : memref<32x80000xf32, #tpu.memory_space<hbm>> -> memref<1x80000xf32, #tpu.memory_space<hbm>>
      %dma_wait3A_94 = tpu.memref_squeeze %dma_wait3A_93 : memref<1x80000xf32, #tpu.memory_space<hbm>> -> memref<80000xf32, #tpu.memory_space<hbm>>
      tpu.wait_dma2 semaphore(%run_scoped3A : memref<!tpu.dma_semaphore, #tpu.memory_space<semaphore_mem>>) src(%arg13 : memref<80000xf32, #tpu.memory_space<vmem>>) dst(%dma_wait3A_94 : memref<80000xf32, #tpu.memory_space<hbm>>)
      tpu.yield
    }) : () -> ()
    return
  }
}

module attributes {stable_mosaic.version = 14 : i64} {
  func.func @_k1_body(%arg0: i32, %arg1: memref<400x256xf32, #tpu.memory_space<vmem>>, %arg2: memref<256x2048xf32, #tpu.memory_space<vmem>>, %arg3: memref<1x2048xf32, #tpu.memory_space<vmem>>, %arg4: memref<1x2048xf32, #tpu.memory_space<vmem>>, %arg5: memref<2048x8xf32, #tpu.memory_space<vmem>>, %arg6: memref<400x2048xf32, #tpu.memory_space<vmem>>, %arg7: memref<400x8xf32, #tpu.memory_space<vmem>>, %arg8: memref<400x8xf32, #tpu.memory_space<vmem>>, %arg9: memref<400x8xf32, #tpu.memory_space<vmem>>) attributes {dimension_semantics = [#tpu.dimension_semantics<arbitrary>], iteration_bounds = array<i64: 25>, scalar_prefetch = 0 : i64, scratch_operands = 0 : i64, tpu.core_type = #tpu.core_type<tc>, window_params = [{transform_indices = @transform_0, window_bounds = array<i64: 400, 256>}, {pipeline_mode = #tpu.pipeline_mode<synchronous>, transform_indices = @transform_1, window_bounds = array<i64: 256, 2048>}, {pipeline_mode = #tpu.pipeline_mode<synchronous>, transform_indices = @transform_2, window_bounds = array<i64: 1, 2048>}, {pipeline_mode = #tpu.pipeline_mode<synchronous>, transform_indices = @transform_3, window_bounds = array<i64: 1, 2048>}, {pipeline_mode = #tpu.pipeline_mode<synchronous>, transform_indices = @transform_4, window_bounds = array<i64: 2048, 8>}, {transform_indices = @transform_5, window_bounds = array<i64: 400, 2048>}, {transform_indices = @transform_6, window_bounds = array<i64: 400, 8>}, {transform_indices = @transform_7, window_bounds = array<i64: 400, 8>}, {transform_indices = @transform_8, window_bounds = array<i64: 400, 8>}]} {
    %get3A = arith.constant 0 : index
    %get3A_0 = arith.constant 0 : index
    %get3A_1 = vector.load %arg1[%get3A, %get3A_0] : memref<400x256xf32, #tpu.memory_space<vmem>>, vector<400x256xf32>
    %get3A_2 = arith.constant 0 : index
    %get3A_3 = arith.constant 0 : index
    %get3A_4 = vector.load %arg2[%get3A_2, %get3A_3] : memref<256x2048xf32, #tpu.memory_space<vmem>>, vector<256x2048xf32>
    %dot_general3A = arith.constant dense<0.000000e+00> : vector<400x2048xf32>
    %dot_general3A_5 = tpu.matmul %get3A_1, %get3A_4, %dot_general3A {dimension_numbers = #tpu.dot_dimension_numbers<[1], [0], [0], [1], [0, 0, 1, 1], [], []>, precision = #tpu.contract_precision<fp32>, transpose_lhs_hint = false} : vector<400x256xf32>, vector<256x2048xf32>, vector<400x2048xf32> -> vector<400x2048xf32>
    %get3A_6 = arith.constant 0 : index
    %get3A_7 = arith.constant 0 : index
    %get3A_8 = vector.load %arg5[%get3A_6, %get3A_7] : memref<2048x8xf32, #tpu.memory_space<vmem>>, vector<2048x8xf32>
    %get3A_9 = arith.constant 0 : index
    %get3A_10 = arith.constant 0 : index
    %get3A_11 = vector.load %arg3[%get3A_9, %get3A_10] : memref<1x2048xf32, #tpu.memory_space<vmem>>, vector<1x2048xf32>
    %mul3A = vector.broadcast %get3A_11 : vector<1x2048xf32> to vector<400x2048xf32>
    %mul3A_12 = arith.mulf %dot_general3A_5, %mul3A : vector<400x2048xf32>
    %dot_general3A_13 = arith.constant dense<0.000000e+00> : vector<400x8xf32>
    %dot_general3A_14 = tpu.matmul %mul3A_12, %get3A_8, %dot_general3A_13 {dimension_numbers = #tpu.dot_dimension_numbers<[1], [0], [0], [1], [0, 0, 1, 1], [], []>, precision = #tpu.contract_precision<fp32>, transpose_lhs_hint = false} : vector<400x2048xf32>, vector<2048x8xf32>, vector<400x8xf32> -> vector<400x8xf32>
    %swap3A = arith.constant 0 : index
    %swap3A_15 = arith.constant 0 : index
    %swap3A_16 = vector.load %arg7[%swap3A, %swap3A_15] : memref<400x8xf32, #tpu.memory_space<vmem>>, vector<400x8xf32>
    tpu.vector_store %arg7[%swap3A, %swap3A_15], %dot_general3A_14 {strides = array<i32>} : memref<400x8xf32, #tpu.memory_space<vmem>>, vector<400x8xf32>,
    %get3A_17 = arith.constant 0 : index
    %get3A_18 = arith.constant 0 : index
    %get3A_19 = vector.load %arg4[%get3A_17, %get3A_18] : memref<1x2048xf32, #tpu.memory_space<vmem>>, vector<1x2048xf32>
    %mul3A_20 = vector.broadcast %get3A_19 : vector<1x2048xf32> to vector<400x2048xf32>
    %mul3A_21 = arith.mulf %dot_general3A_5, %mul3A_20 : vector<400x2048xf32>
    %dot_general3A_22 = arith.constant dense<0.000000e+00> : vector<400x8xf32>
    %dot_general3A_23 = tpu.matmul %mul3A_21, %get3A_8, %dot_general3A_22 {dimension_numbers = #tpu.dot_dimension_numbers<[1], [0], [0], [1], [0, 0, 1, 1], [], []>, precision = #tpu.contract_precision<fp32>, transpose_lhs_hint = false} : vector<400x2048xf32>, vector<2048x8xf32>, vector<400x8xf32> -> vector<400x8xf32>
    %swap3A_24 = arith.constant 0 : index
    %swap3A_25 = arith.constant 0 : index
    %swap3A_26 = vector.load %arg8[%swap3A_24, %swap3A_25] : memref<400x8xf32, #tpu.memory_space<vmem>>, vector<400x8xf32>
    tpu.vector_store %arg8[%swap3A_24, %swap3A_25], %dot_general3A_23 {strides = array<i32>} : memref<400x8xf32, #tpu.memory_space<vmem>>, vector<400x8xf32>,
    %dot_general3A_27 = arith.constant dense<0.000000e+00> : vector<400x8xf32>
    %dot_general3A_28 = tpu.matmul %dot_general3A_5, %get3A_8, %dot_general3A_27 {dimension_numbers = #tpu.dot_dimension_numbers<[1], [0], [0], [1], [0, 0, 1, 1], [], []>, precision = #tpu.contract_precision<fp32>, transpose_lhs_hint = false} : vector<400x2048xf32>, vector<2048x8xf32>, vector<400x8xf32> -> vector<400x8xf32>
    %swap3A_29 = arith.constant 0 : index
    %swap3A_30 = arith.constant 0 : index
    %swap3A_31 = vector.load %arg9[%swap3A_29, %swap3A_30] : memref<400x8xf32, #tpu.memory_space<vmem>>, vector<400x8xf32>
    tpu.vector_store %arg9[%swap3A_29, %swap3A_30], %dot_general3A_28 {strides = array<i32>} : memref<400x8xf32, #tpu.memory_space<vmem>>, vector<400x8xf32>,
    %swap3A_32 = arith.constant 0 : index
    %swap3A_33 = arith.constant 0 : index
    %swap3A_34 = vector.load %arg6[%swap3A_32, %swap3A_33] : memref<400x2048xf32, #tpu.memory_space<vmem>>, vector<400x2048xf32>
    tpu.vector_store %arg6[%swap3A_32, %swap3A_33], %dot_general3A_5 {strides = array<i32>} : memref<400x2048xf32, #tpu.memory_space<vmem>>, vector<400x2048xf32>,
    return
  }
  func.func @transform_0(%arg0: i32) -> (i32, i32) {
    %c0_i32 = arith.constant 0 : i32
    %c0_i32_0 = arith.constant 0 : i32
    return %arg0, %c0_i32 : i32, i32
  }
  func.func @transform_1(%arg0: i32) -> (i32, i32) {
    %c0_i32 = arith.constant 0 : i32
    %c0_i32_0 = arith.constant 0 : i32
    %c0_i32_1 = arith.constant 0 : i32
    return %c0_i32, %c0_i32_0 : i32, i32
  }
  func.func @transform_2(%arg0: i32) -> (i32, i32) {
    %c0_i32 = arith.constant 0 : i32
    %c0_i32_0 = arith.constant 0 : i32
    %c0_i32_1 = arith.constant 0 : i32
    return %c0_i32, %c0_i32_0 : i32, i32
  }
  func.func @transform_3(%arg0: i32) -> (i32, i32) {
    %c0_i32 = arith.constant 0 : i32
    %c0_i32_0 = arith.constant 0 : i32
    %c0_i32_1 = arith.constant 0 : i32
    return %c0_i32, %c0_i32_0 : i32, i32
  }
  func.func @transform_4(%arg0: i32) -> (i32, i32) {
    %c0_i32 = arith.constant 0 : i32
    %c0_i32_0 = arith.constant 0 : i32
    %c0_i32_1 = arith.constant 0 : i32
    return %c0_i32, %c0_i32_0 : i32, i32
  }
  func.func @transform_5(%arg0: i32) -> (i32, i32) {
    %c0_i32 = arith.constant 0 : i32
    %c0_i32_0 = arith.constant 0 : i32
    return %arg0, %c0_i32 : i32, i32
  }
  func.func @transform_6(%arg0: i32) -> (i32, i32) {
    %c0_i32 = arith.constant 0 : i32
    %c0_i32_0 = arith.constant 0 : i32
    return %arg0, %c0_i32 : i32, i32
  }
  func.func @transform_7(%arg0: i32) -> (i32, i32) {
    %c0_i32 = arith.constant 0 : i32
    %c0_i32_0 = arith.constant 0 : i32
    return %arg0, %c0_i32 : i32, i32
  }
  func.func @transform_8(%arg0: i32) -> (i32, i32) {
    %c0_i32 = arith.constant 0 : i32
    %c0_i32_0 = arith.constant 0 : i32
    return %arg0, %c0_i32 : i32, i32
  }
}

module attributes {stable_mosaic.version = 14 : i64} {
  func.func @_k5_body(%arg0: i32, %arg1: memref<400x256xf32, #tpu.memory_space<vmem>>, %arg2: memref<400x256xf32, #tpu.memory_space<vmem>>, %arg3: memref<1x256xf32, #tpu.memory_space<vmem>>, %arg4: memref<256x250xf32, #tpu.memory_space<vmem>>, %arg5: memref<1x250xf32, #tpu.memory_space<vmem>>, %arg6: memref<400x250xf32, #tpu.memory_space<vmem>>) attributes {dimension_semantics = [#tpu.dimension_semantics<arbitrary>], iteration_bounds = array<i64: 25>, scalar_prefetch = 0 : i64, scratch_operands = 0 : i64, tpu.core_type = #tpu.core_type<tc>, window_params = [{transform_indices = @transform_0, window_bounds = array<i64: 400, 256>}, {transform_indices = @transform_1, window_bounds = array<i64: 400, 256>}, {pipeline_mode = #tpu.pipeline_mode<synchronous>, transform_indices = @transform_2, window_bounds = array<i64: 1, 256>}, {pipeline_mode = #tpu.pipeline_mode<synchronous>, transform_indices = @transform_3, window_bounds = array<i64: 256, 250>}, {pipeline_mode = #tpu.pipeline_mode<synchronous>, transform_indices = @transform_4, window_bounds = array<i64: 1, 250>}, {transform_indices = @transform_5, window_bounds = array<i64: 400, 250>}]} {
    %get3A = arith.constant 0 : index
    %get3A_0 = arith.constant 0 : index
    %get3A_1 = vector.load %arg1[%get3A, %get3A_0] : memref<400x256xf32, #tpu.memory_space<vmem>>, vector<400x256xf32>
    %get3A_2 = arith.constant 0 : index
    %get3A_3 = arith.constant 0 : index
    %get3A_4 = vector.load %arg3[%get3A_2, %get3A_3] : memref<1x256xf32, #tpu.memory_space<vmem>>, vector<1x256xf32>
    %add3A = vector.broadcast %get3A_4 : vector<1x256xf32> to vector<400x256xf32>
    %add3A_5 = arith.addf %get3A_1, %add3A : vector<400x256xf32>
    %get3A_6 = arith.constant 0 : index
    %get3A_7 = arith.constant 0 : index
    %get3A_8 = vector.load %arg2[%get3A_6, %get3A_7] : memref<400x256xf32, #tpu.memory_space<vmem>>, vector<400x256xf32>
    %add3A_9 = arith.addf %add3A_5, %get3A_8 : vector<400x256xf32>
    %max3A = arith.constant 0.000000e+00 : f32
    %max3A_10 = vector.broadcast %max3A : f32 to vector<400x256xf32>
    %max3A_11 = arith.maximumf %add3A_9, %max3A_10 : vector<400x256xf32>
    %get3A_12 = arith.constant 0 : index
    %get3A_13 = arith.constant 0 : index
    %get3A_14 = vector.load %arg4[%get3A_12, %get3A_13] : memref<256x250xf32, #tpu.memory_space<vmem>>, vector<256x250xf32>
    %dot_general3A = arith.constant dense<0.000000e+00> : vector<400x250xf32>
    %dot_general3A_15 = tpu.matmul %max3A_11, %get3A_14, %dot_general3A {dimension_numbers = #tpu.dot_dimension_numbers<[1], [0], [0], [1], [0, 0, 1, 1], [], []>, precision = #tpu.contract_precision<fp32>, transpose_lhs_hint = false} : vector<400x256xf32>, vector<256x250xf32>, vector<400x250xf32> -> vector<400x250xf32>
    %get3A_16 = arith.constant 0 : index
    %get3A_17 = arith.constant 0 : index
    %get3A_18 = vector.load %arg5[%get3A_16, %get3A_17] : memref<1x250xf32, #tpu.memory_space<vmem>>, vector<1x250xf32>
    %add3A_19 = vector.broadcast %get3A_18 : vector<1x250xf32> to vector<400x250xf32>
    %add3A_20 = arith.addf %dot_general3A_15, %add3A_19 : vector<400x250xf32>
    %swap3A = arith.constant 0 : index
    %swap3A_21 = arith.constant 0 : index
    %swap3A_22 = vector.load %arg6[%swap3A, %swap3A_21] : memref<400x250xf32, #tpu.memory_space<vmem>>, vector<400x250xf32>
    tpu.vector_store %arg6[%swap3A, %swap3A_21], %add3A_20 {strides = array<i32>} : memref<400x250xf32, #tpu.memory_space<vmem>>, vector<400x250xf32>,
    return
  }
  func.func @transform_0(%arg0: i32) -> (i32, i32) {
    %c0_i32 = arith.constant 0 : i32
    %c0_i32_0 = arith.constant 0 : i32
    return %arg0, %c0_i32 : i32, i32
  }
  func.func @transform_1(%arg0: i32) -> (i32, i32) {
    %c0_i32 = arith.constant 0 : i32
    %c0_i32_0 = arith.constant 0 : i32
    return %arg0, %c0_i32 : i32, i32
  }
  func.func @transform_2(%arg0: i32) -> (i32, i32) {
    %c0_i32 = arith.constant 0 : i32
    %c0_i32_0 = arith.constant 0 : i32
    %c0_i32_1 = arith.constant 0 : i32
    return %c0_i32, %c0_i32_0 : i32, i32
  }
  func.func @transform_3(%arg0: i32) -> (i32, i32) {
    %c0_i32 = arith.constant 0 : i32
    %c0_i32_0 = arith.constant 0 : i32
    %c0_i32_1 = arith.constant 0 : i32
    return %c0_i32, %c0_i32_0 : i32, i32
  }
  func.func @transform_4(%arg0: i32) -> (i32, i32) {
    %c0_i32 = arith.constant 0 : i32
    %c0_i32_0 = arith.constant 0 : i32
    %c0_i32_1 = arith.constant 0 : i32
    return %c0_i32, %c0_i32_0 : i32, i32
  }
  func.func @transform_5(%arg0: i32) -> (i32, i32) {
    %c0_i32 = arith.constant 0 : i32
    %c0_i32_0 = arith.constant 0 : i32
    return %arg0, %c0_i32 : i32, i32
  }
}

</mosaic_0001>

<sc_bundles>
// kernel: kernel.10.cloned.1.call-start
scs
__scs_entry_jumppad:
0x0: {  	(pc) =	sbr.rel $0x88, $3  }
0x1: {  	(tag) =	ssettag $0x0;
	lr =	simm.s32 $0x1  }
0x2: {  	[smem:$0x3F97] =	sst lr;
	_ =	strace $0xD0000000  }
0x3: {  	_ = 	snop  }
0x4: {  	_ = 	snop  }
0x5: {  	_ = 	snop  }
0x6: {  	_ = 	snop  }
0x7: {  	_ = 	snop  }
__scs_overlays_trampoline_lowered:
0x8: {  	[smem:$0x3FA6] =	sst s0  }
0x9: {  	[smem:$0x3FA7] =	sst s1  }
0xa: {  	[smem:$0x3FA8] =	sst s2  }
0xb: {  	[smem:$0x3FA9] =	sst s3  }
0xc: {  	[smem:$0x3FAA] =	sst s4  }
0xd: {  	[smem:$0x3FAB] =	sst s5  }
0xe: {  	[smem:$0x3FAC] =	sst s6  }
0xf: {  	[smem:$0x3FAD] =	sst s7  }
0x10: {  	[smem:$0x3FAE] =	sst s8  }
0x11: {  	[smem:$0x3FAF] =	sst s9;
	s0 =	simm.s32 @!p0 $0x0  }
0x12: {  	s1 =	sld [smem:$0x3F95];
	s0 =	simm.s32 @p0 $0x1  }
0x13: {  	[smem:$0x3FB0] =	sst s0;
	s0 =	simm.s32 @!p1 $0x0  }
0x14: {  	s2 =	sld [smem:$0x3F94];
	s0 =	simm.s32 @p1 $0x1  }
0x15: {  	[smem:$0x3FB1] =	sst s0;
	s0 =	simm.s32 @!p2 $0x0  }
0x16: {  	s3 =	sld [smem:$0x3FDB];
	s0 =	simm.s32 @p2 $0x1  }
0x17: {  	s4 =	simm.s32 $0x1BF5;
	[smem:$0x3FB3] =	sst s0  }
0x18: {  	s0 =	sld [smem:$0x3F96];
	_ =	swait.ge [sflag:s4], $0x0  }
0x19: {  	s7 =	sld [smem:$0x3F97]  }
0x1a: {  	s8 =	sadd.s32 $0xFFFFE003, lr  }
0x1b: {  	s9 =	sadd.s32 $0xFFFFFEF7, lr;
	s5 =	simm.s32 $0xFFFFFFFF;
	p2 =	slt.u32 s8, $0xFFFFF086  }
0x1c: {  	p1 =	slt.u32 s9, $0xF7A;
	s5 =	simm.s32 @!p2 $0x0  }
0x1d: {  	s5 =	simm.s32 @p1 $0x1;
	p0 =	seq.s32 s7, s2  }
0x1e: {  	s7 =	smul.u32 @!p0 $0xF7A, s2;
	p2 =	seq.s32 @!p0 s5, $0x0  }
0x1f: {  	s9 =	smul.u32 $0xF7A, s1;
	s8 =	simm.s32 @!p0 $0x1BF5;
	p2 =	por !p2, p0  }
0x20: {  	[sflag:s8] =	ssyncset.s32 @!p0 $0xFFFFF086;
	s6 =	sadd.s32 @!p0 s3, s7;
	s7 =	simm.s32 @!p0 $0x108  }
0x21: {  	s3 =	sadd.s32 s3, s9;
	s6 =	sadd.s32 @!p0 $0x88, s6;
	s7 =	simm.s32 @p2 $0x1082  }
0x22: {  	[simem:s7], [sflag:s8] =	dma.local @!p0 [hbm:s6], $0xF7A  }
0x23: {  	s9 =	sor.u32 $0xD0000000, s2;
	s6 =	simm.s32 $0x108;
	_ =	swait.ge @!p0 [sflag:s8], $0x0  }
0x24: {  	s3 =	sadd.s32 $0x88, s3;
	s6 =	simm.s32 @!p1 $0x1082;
	[sflag:s4] =	ssyncset.s32 $0xFFFFF086  }
0x25: {  	[simem:s6], [sflag:s4] =	dma.local [hbm:s3], $0xF7A  }
0x26: {  	[smem:$0x3F97] =	sst s1;
	(tag) =	ssettag s2;
	_ =	strace s9  }
0x27: {  	s1 =	sld [smem:$0x3FA7]  }
0x28: {  	s2 =	sld [smem:$0x3FA8]  }
0x29: {  	s4 =	sld [smem:$0x3FAA]  }
0x2a: {  	p0 =	seq.s32 s5, $0x0;
	s5 =	sld [smem:$0x3FAB]  }
0x2b: {  	s6 =	sld [smem:$0x3FAC]  }
0x2c: {  	s7 =	sld [smem:$0x3FAD]  }
0x2d: {  	s3 =	simm.s32 $0x108;
	s8 =	sld [smem:$0x3FAE]  }
0x2e: {  	s3 =	simm.s32 @!p0 $0x1082;
	s9 =	sld [smem:$0x3FAF]  }
0x2f: {  	lr =	sadd.s32 s0, s3;
	s0 =	sld [smem:$0x3FA6]  }
0x30: {  	s3 =	sld [smem:$0x3FA9]  }
0x31: {  	[smem:$0x3FB2] =	sst s10  }
0x32: {  	s10 =	sld [smem:$0x3FB0];
	_ =	sdelay $0x3  }
0x33: {  	p0 =	seq.s32 s10, $0x1;
	s10 =	sld [smem:$0x3FB2];
	_ =	sdelay $0x3  }
0x34: {  	[smem:$0x3FB2] =	sst s10  }
0x35: {  	s10 =	sld [smem:$0x3FB1];
	_ =	sdelay $0x3  }
0x36: {  	p1 =	seq.s32 s10, $0x1;
	s10 =	sld [smem:$0x3FB2];
	_ =	sdelay $0x3  }
0x37: {  	[smem:$0x3FB2] =	sst s10  }
0x38: {  	s10 =	sld [smem:$0x3FB3]  }
0x39: {  	_ = 	snop;
	(pc) =	sbr.ind lr, $3  }
0x3a: {  	_ = 	snop  }
0x3b: {  	_ = 	snop  }
0x3c: {  	p2 =	seq.s32 s10, $0x1;
	s10 =	sld [smem:$0x3FB2]  }
0x3d: {  	_ =	shalt  }
0x3e: {  	_ =	shalt  }
0x3f: {  	_ =	shalt  }
0x40: {  	_ =	shalt  }
0x41: {  	_ =	shalt  }
0x42: {  	_ =	shalt  }
0x43: {  	_ =	shalt  }
0x44: {  	_ =	shalt  }
0x45: {  	_ =	shalt  }
0x46: {  	_ =	shalt  }
0x47: {  	_ =	shalt  }
0x48: {  	_ =	shalt  }
0x49: {  	_ =	shalt  }
0x4a: {  	_ =	shalt  }
0x4b: {  	_ =	shalt  }
0x4c: {  	_ =	shalt  }
0x4d: {  	_ =	shalt  }
0x4e: {  	_ =	shalt  }
0x4f: {  	_ =	shalt  }
0x50: {  	_ =	shalt  }
0x51: {  	_ =	shalt  }
0x52: {  	_ =	shalt  }
0x53: {  	_ =	shalt  }
0x54: {  	_ =	shalt  }
0x55: {  	_ =	shalt  }
0x56: {  	_ =	shalt  }
0x57: {  	_ =	shalt  }
0x58: {  	_ =	shalt  }
0x59: {  	_ =	shalt  }
0x5a: {  	_ =	shalt  }
0x5b: {  	_ =	shalt  }
0x5c: {  	_ =	shalt  }
0x5d: {  	_ =	shalt  }
0x5e: {  	_ =	shalt  }
0x5f: {  	_ =	shalt  }
0x60: {  	_ =	shalt  }
0x61: {  	_ =	shalt  }
0x62: {  	_ =	shalt  }
0x63: {  	_ =	shalt  }
0x64: {  	_ =	shalt  }
0x65: {  	_ =	shalt  }
0x66: {  	_ =	shalt  }
0x67: {  	_ =	shalt  }
0x68: {  	_ =	shalt  }
0x69: {  	_ =	shalt  }
0x6a: {  	_ =	shalt  }
0x6b: {  	_ =	shalt  }
0x6c: {  	_ =	shalt  }
0x6d: {  	_ =	shalt  }
0x6e: {  	_ =	shalt  }
0x6f: {  	_ =	shalt  }
0x70: {  	_ =	shalt  }
0x71: {  	_ =	shalt  }
0x72: {  	_ =	shalt  }
0x73: {  	_ =	shalt  }
0x74: {  	_ =	shalt  }
0x75: {  	_ =	shalt  }
0x76: {  	_ =	shalt  }
0x77: {  	_ =	shalt  }
0x78: {  	_ =	shalt  }
0x79: {  	_ =	shalt  }
0x7a: {  	_ =	shalt  }
0x7b: {  	_ =	shalt  }
0x7c: {  	_ =	shalt  }
0x7d: {  	_ =	shalt  }
0x7e: {  	_ =	shalt  }
0x7f: {  	_ =	shalt  }
0x80: {  	_ =	shalt  }
0x81: {  	_ =	shalt  }
0x82: {  	_ =	shalt  }
0x83: {  	_ =	shalt  }
0x84: {  	_ =	shalt  }
0x85: {  	_ =	shalt  }
0x86: {  	_ =	shalt  }
0x87: {  	_ =	shalt  }
.Lfunc_end0:
.L_simem_size_0:
called_computation.3_lowered:
.L_overlay_start_0:
0x88: {  	s2 =	sld [smem:$0x3FD9]  }
0x89: {  	s3 =	sld [smem:$0x3FFE];
	_ =	sdelay $0x1  }
0x8a: {  	s1 =	srdreg.scid  }
0x8b: {  	s0 =	sand.u32 $0x1, s1  }
0x8c: {  	s17 =	sshll.u32 s0, $0xA;
	s2 =	sadd.s32 s3, s2  }
0x8d: {  	s2 =	sadd.s32 s2, s17  }
0x8e: {  	[smem:$0x3FBE] =	sst s2  }
0x8f: {  	_ = 	snop  }
0x90: {  	s18 =	sld [smem:$0x3FD0];
	(tm) =	ssettm $0x1  }
0x91: {  	s19 =	sld [smem:$0x3FFB];
	_ =	sdelay $0x3  }
0x92: {  	_ =	strace s19  }
0x93: {  	s2 =	sld [smem:$0x3FFC];
	_ =	sdelay $0x3  }
0x94: {  	_ =	strace s2  }
0x95: {  	s2 =	sld [smem:$0x3FFD];
	_ =	sdelay $0x3  }
0x96: {  	_ =	strace s2  }
0x97: {  	_ =	strace $0x8FFFFFFF  }
0x98: {  	s20 =	sld [smem:$0x3FDB];
	_ =	sdelay $0x1  }
0x99: {  	s4 =	simm.s32 $_scs_section_size  }
0x9a: {  	s5 =	simm.s32 $_size__tile_overlayer_lowered;
	s6 =	simm.s32 $_tile_overlayer_lowered  }
0x9b: {  	s7 =	simm.s32 $0x1BFF;
	s21 =	sshll.u32 s6, $0x1;
	s4 =	sadd.s32 s4, s20  }
0x9c: {  	s22 =	simm.s32 $0x0;
	s5 =	sshll.u32 s5, $0x1;
	s6 =	sadd.s32 s21, s4  }
0x9d: {  	[timem:s22], [sflag:s7] =	dma.local [hbm:s6], s5  }
0x9e: {  	_ =	swait.ge [sflag:s7], s5  }
0x9f: {  	s5 =	ssub.s32 $0x0, s5;
	[sflag:s7] =	ssyncset.done $0x0  }
0xa0: {  	[sflag:s7] =	ssyncadd.s32 s5;
	_ =	sdelay $0x1  }
0xa1: {  	s23 =	simm.s32 $0x1B8B  }
0xa2: {  	_ =	swait.ge [sflag:s23], $0x1  }
0xa3: {  	[sflag:s23] =	ssyncset.done $0x0  }
0xa4: {  	[sflag:s23] =	ssyncadd.s32 $0xFFFFFFFF  }
0xa5: {  	s5 =	sld [smem:$0x0]  }
0xa6: {  	s6 =	sand.u32 $0xFFFFFFFE, s1  }
0xa7: {  	p0 =	sne.s32 s1, s6  }
0xa8: {  	s6 =	sshll.u32 @p0 s6, $0xE  }
0xa9: {  	s6 =	sadd.s32 @p0 $0x11B8D, s6;
	s7 =	sshll.u32 @p0 s5, $0x11  }
0xaa: {  	s6 =	sor.u32 @p0 s7, s6  }
0xab: {  	[sflag:s6] =	ssyncadd.remote.s32 @p0 $0x1;
	_ =	sdelay $0x1  }
0xac: {  	s6 =	simm.s32 @p0 $0x1B8D  }
0xad: {  	_ =	swait.eq @p0 [sflag:s6], $0x1  }
0xae: {  	[sflag:s6] =	ssyncadd.s32 @p0 $0xFFFFFFFF  }
0xaf: {  	s7 =	sshll.u32 @!p0 s1, $0xE  }
0xb0: {  	s7 =	sor.u32 @!p0 $0x4000, s7;
	s6 =	simm.s32 @!p0 $0x1B8D  }
0xb1: {  	s5 =	sshll.u32 @!p0 s5, $0x11;
	s7 =	sadd.s32 @!p0 $0x11B8D, s7;
	_ =	swait.eq @!p0 [sflag:s6], $0x1  }
0xb2: {  	s5 =	sor.u32 @!p0 s5, s7;
	[sflag:s6] =	ssyncadd.s32 @!p0 $0xFFFFFFFF  }
0xb3: {  	s25 =	simm.s32 $0x1B8E;
	s24 =	sld [smem:$0x3FFE];
	[sflag:s5] =	ssyncadd.remote.s32 @!p0 $0x1  }
0xb4: {  	s26 =	simm.s32 $execute0_lowered;
	[smem:$0x3FD2] =	sst s25  }
0xb5: {  	s6 =	sshll.u32 s26, $0x1;
	_ =	strace $0x8000004F;
	[dreg:$0x1] =	wrdreg $0xFFFFFFFF  }
0xb6: {  	s28 =	simm.s32 $_size_execute0_lowered;
	s4 =	sadd.s32 s4, s6;
	[dreg:$0x0] =	wrdreg $0x0  }
0xb7: {  	s6 =	sshll.u32 s28, $0x1;
	[dreg:$0x2] =	wrdreg s4  }
0xb8: {  	[dreg:$0x3] =	wrdreg s6  }
0xb9: {  	[dreg:$0x4] =	wrdreg $0xC0  }
0xba: {  	_ =	task [dreg:s22], $0x5FFFF  }
0xbb: {  	[dreg:$0x1] =	wrdreg $0xFFFFFFFF  }
0xbc: {  	[dreg:$0x0] =	wrdreg $0x60  }
0xbd: {  	[dreg:$0x2] =	wrdreg s24  }
0xbe: {  	[dreg:$0x3] =	wrdreg s18  }
0xbf: {  	[dreg:$0x4] =	wrdreg $0xA  }
0xc0: {  	_ =	task.clear_ibuf [dreg:s22], $0x5FFFF;
	_ =	strace $0x9000004F  }
0xc1: {  	s29 =	simm.s32 $0xA;
	_ =	strace $0x80000051  }
0xc2: {  	_ =	swait.ge [sflag:s29], $0x1  }
0xc3: {  	[sflag:s29] =	ssyncadd.s32 $0xFFFFFFFF  }
0xc4: {  	_ =	strace $0x90000051  }
0xc5: {  	_ =	sfence  }
0xc6: {  	s30 =	sld [smem:$0x0];
	_ =	sdelay $0x2  }
0xc7: {  	s31 =	sshll.u32 s1, $0xD;
	s1 =	sshrl.u32 s1, $0x2  }
0xc8: {  	s4 =	sand.u32 $0x4000, s31;
	s1 =	sadd.s32 s1, s30  }
0xc9: {  	s0 =	sor.u32 s4, s0;
	s1 =	sshll.u32 s1, $0x11  }
0xca: {  	s0 =	sor.u32 s1, s0  }
0xcb: {  	s0 =	sadd.s32 $0x8F2B, s0  }
0xcc: {  	[sflag:s0] =	ssyncadd.remote.s32 $0x1  }
0xcd: {  	_ =	sfence.sel $0xFFFF  }
0xce: {  	[dreg:$0x0] =	wrdreg $0xFFFFFFFF;
	(pc) =	sbr.abs _section_cstart, $3  }
0xcf: {  	[dreg:$0x1] =	wrdreg $0xFFFFFFFF  }
0xd0: {  	_ =	task.clear_ibuf [dreg:s22], $0x2FFFF;
	_ =	strace $0x9FFFFFFF  }
0xd1: {  	(tm) =	ssettm $0x7FFFFFFF  }
tec
execute0_lowered:
.L_overlay_start_1:
0x0: {  	(tag) =	ssettag $0x1  }
0x1: {  	v0 =	vimm.s32 $0x13121110  }
0x2: {  	v1 =	vimm.s32 $0x76543210;
	v2 =	vimm.s32 $0x17161514;
	vm0 =	vcmask $0x1F10  }
0x3: {  	v3 =	vimm.s32 $0x33323130;
	v4 =	vimm.s32 $0x37363534;
	v5 =	vimm.s32 $0x23222120  }
0x4: {  	v6 =	vimm.s32 $0x27262524;
	v7 =	vimm.s32 $0x73727170;
	v8 =	vimm.s32 $0x77767574  }
0x5: {  	v9 =	vimm.s32 $0x93929190;
	v10 =	vimm.s32 $0x97969594;
	v50 =	vimm.s32 $0xB3B2B1B0  }
0x6: {  	v51 =	vimm.s32 $0xB7B6B5B4;
	v11 =	vimm.s32 $0xA3A2A1A0;
	v12 =	vimm.s32 $0xA7A6A5A4  }
0x7: {  	v53 =	vimm.s32 $0x67666564;
	v54 =	vimm.s32 $0xD3D2D1D0;
	v55 =	vimm.s32 $0xD7D6D5D4  }
0x8: {  	v57 =	vimm.s32 $0xC3C2C1C0;
	v58 =	vimm.s32 $0xC7C6C5C4;
	v13 =	vimm.s32 $0xF3F2F1F0  }
0x9: {  	v14 =	vimm.s32 $0xF7F6F5F4;
	v15 =	vimm.s32 $0xE3E2E1E0;
	v16 =	vimm.s32 $0xE7E6E5E4  }
0xa: {  	v0 =	vunpack.c.0.s8.s32 v0;
	v1 =	vunpack.c.l.s4.s8 v1;
	v2 =	vunpack.c.0.s8.s32 v2  }
0xb: {  	v3 =	vunpack.c.0.s8.s32 v3;
	v4 =	vunpack.c.0.s8.s32 v4;
	v7 =	vunpack.c.0.s8.s32 v7  }
0xc: {  	v8 =	vunpack.c.0.s8.s32 v8;
	v1 =	vunpack.c.0.s8.s32 v1;
	v0 =	vsel vm0, v2, v0  }
0xd: {  	v2 =	vunpack.c.0.s8.s32 v5;
	v5 =	vunpack.c.0.s8.s32 v6;
	v6 =	vimm.s32 $0x47464544  }
0xe: {  	v49 =	vunpack.c.0.s8.s32 v10;
	v10 =	vunpack.c.0.s8.s32 v51;
	v6 =	vunpack.c.0.s8.s32 v6  }
0xf: {  	v0 =	vcombine.low v1, v0;
	v1 =	vsel vm0, v4, v3;
	v2 =	vsel vm0, v5, v2  }
0x10: {  	v3 =	vimm.s32 $0x53525150;
	v4 =	vimm.s32 $0x57565554;
	v5 =	vimm.s32 $0x43424140  }
0x11: {  	s5 =	rddreg [dreg:$0x0];
	v3 =	vunpack.c.0.s8.s32 v3;
	v4 =	vunpack.c.0.s8.s32 v4;
	v5 =	vunpack.c.0.s8.s32 v5  }
0x12: {  	s0 =	rddreg [dreg:$0x1];
	v52 =	vunpack.c.0.s8.s32 v12;
	v56 =	vunpack.c.0.s8.s32 v55;
	v13 =	vunpack.c.0.s8.s32 v13  }
0x13: {  	s1 =	srdreg.scid;
	s2 =	rddreg [dreg:$0x2];
	v14 =	vunpack.c.0.s8.s32 v14;
	v3 =	vsel vm0, v4, v3;
	v4 =	vsel vm0, v6, v5  }
0x14: {  	s3 =	simm.s32 $0x0;
	s13 =	simm.s32 $0x110;
	s14 =	simm.s32 $0x210;
	v5 =	vsel vm0, v8, v7;
	v7 =	vimm.s32 $0x83828180;
	v8 =	vimm.s32 $0x87868584  }
0x15: {  	s15 =	simm.s32 $0x310;
	s16 =	simm.s32 $0x410;
	s4 =	sand.u32 $0x1, s1;
	v15 =	vunpack.c.0.s8.s32 v15;
	v7 =	vunpack.c.0.s8.s32 v7;
	v8 =	vunpack.c.0.s8.s32 v8  }
0x16: {  	s17 =	simm.s32 $0x510;
	s1 =	stileid.u32;
	v16 =	vunpack.c.0.s8.s32 v16;
	s6 =	smul.u32 $0x14D00, s4;
	v1 =	vcombine.low v2, v1;
	v2 =	vunpack.c.0.s8.s32 v9  }
0x17: {  	s18 =	simm.s32 $0x0;
	[smem:$0x7FF] =	sst s3;
	s7 =	smul.u32 $0x14D0, s1;
	v9 =	vunpack.c.0.s8.s32 v50;
	v7 =	vsel vm0, v8, v7;
	v8 =	vunpack.c.0.s8.s32 v11  }
0x18: {  	s8 =	smul.u32 $0x29A00, s4;
	_ =	strace $0x80000050;
	s26 =	sshll.u32 s1, $0x1;
	v6 =	vimm.s32 $0x63626160;
	v2 =	vsel vm0, v49, v2;
	v11 =	vunpack.c.0.s8.s32 v58  }
0x19: {  	s9 =	sshll.u32 s4, $0x5;
	s10 =	ssub.s32 $0x2, s4;
	s11 =	smul.u32 $0x29A0, s1;
	v7 =	vcombine.low v7, v2;
	v2 =	vsel vm0, v10, v9;
	v8 =	vsel vm0, v52, v8  }
0x1a: {  	s4 =	sadd.s32 $0xCC00, s5;
	s28 =	sor.u32 s26, s9;
	s29 =	sshrl.u32 s10, $0x1;
	v10 =	vunpack.c.0.s8.s32 v57;
	v8 =	vcombine.low v8, v2;
	v2 =	vunpack.c.0.s8.s32 v54  }
0x1b: {  	v59 =	vunpack.c.0.s8.s32 v53;
	v60 =	vsel vm0, v14, v13;
	s6 =	sadd.s32 s7, s6;
	s25 =	sadd.s32 s8, s5;
	s30 =	ssub.s32 s10, s29;
	v6 =	vunpack.c.0.s8.s32 v6  }
0x1c: {  	v61 =	vsel vm0, v16, v15;
	s6 =	sshrl.u32 s6, $0x3;
	s31 =	sadd.s32 s11, s25;
	s11 =	simm.s32 $0x1;
	v10 =	vsel vm0, v11, v10;
	v2 =	vsel vm0, v56, v2  }
0x1d: {  	v63 =	vcombine.low v61, v60;
	s12 =	sadd.s32 s6, s5;
	s5 =	sadd.s32 s28, s5;
	s6 =	smax.u32 s30, $0x1;
	v6 =	vsel vm0, v59, v6;
	v62 =	vcombine.low v10, v2  }
0x1e: {  	s7 =	sadd.s32 $0xB8600, s31;
	s8 =	sadd.s32 $0x65000, s31;
	s9 =	sadd.s32 $0x11C00, s31;
	v2 =	vcombine.low v4, v3;
	v3 =	vcombine.low v6, v5;
	v4 =	vand.u32 $0xFF, v7  }
0x1f: {  	s5 =	sadd.s32 $0xB8400, s5;
	s10 =	sadd.s32 $0x7800, s12;
	s12 =	simm.s32 $0x10;
	v5 =	vand.u32 $0xFF, v8;
	v7 =	vand.u32 $0xFF, v63;
	v6 =	vand.u32 $0xFF, v62  }
.LBB2_1:
0x20: {  	[tilespmem:s3], [sflag:$0x1] =	stream.linear.gather [hbm4b:s10+s3], $0x10, $0x38;
	[tilespmem:$0x520] =	vst v63  }
0x21: {  	_ =	swait.ge [sflag:s11], $0x10  }
0x22: {  	[sflag:s11] =	ssyncset.done $0x0  }
0x23: {  	s19 =	sadd.s32 $0x0, s9;
	[sflag:s11] =	ssyncadd.s32 $0xFFFFFFF0  }
0x24: {  	[tilespmem:s12], [sflag:$0x1] =	stream.linear.gather [hbm4b:s19+s3], $0x100, $0x38;
	[tilespmem:$0x520] =	vst v63  }
0x25: {  	_ =	swait.ge [sflag:s11], $0x100  }
0x26: {  	[sflag:s11] =	ssyncset.done $0x0  }
0x27: {  	s31 =	sadd.s32 $0x0, s8;
	[sflag:s11] =	ssyncadd.s32 $0xFFFFFF00  }
0x28: {  	[tilespmem:s13], [sflag:$0x1] =	stream.linear.gather [hbm4b:s31+s3], $0x100, $0x38;
	[tilespmem:$0x520] =	vst v63  }
0x29: {  	_ =	swait.ge [sflag:s11], $0x100  }
0x2a: {  	[sflag:s11] =	ssyncset.done $0x0  }
0x2b: {  	[sflag:s11] =	ssyncadd.s32 $0xFFFFFF00  }
0x2c: {  	[tilespmem:s14], [sflag:$0x1] =	stream.indirect.gather [hbm4b:s0+s12], $0x10, s3, s12, $0xb8;
	[tilespmem:$0x520] =	vst v63  }
0x2d: {  	_ =	swait.ge [sflag:s11], $0x100  }
0x2e: {  	[sflag:s11] =	ssyncset.done $0x0  }
0x2f: {  	[sflag:s11] =	ssyncadd.s32 $0xFFFFFF00  }
0x30: {  	[tilespmem:s15], [sflag:$0x1] =	stream.indirect.gather [hbm4b:s4+s12], $0x10, s3, s12, $0xb8;
	[tilespmem:$0x520] =	vst v63  }
0x31: {  	_ =	swait.ge [sflag:s11], $0x100  }
0x32: {  	[sflag:s11] =	ssyncset.done $0x0  }
0x33: {  	[sflag:s11] =	ssyncadd.s32 $0xFFFFFF00  }
0x34: {  	v8 =	vld.idx.msk [tilespmem:v0+s14+$0x0], $0xffff  }
0x35: {  	v9 =	vld.idx.msk [tilespmem:v0+s15+$0x0], $0xffff;
	_ =	sdelay $0x4  }
0x36: {  	v8 =	vadd.f32 v9, v8;
	_ =	sdelay $0x1  }
0x37: {  	v8 =	vadd.f32 $1.000000020e-16, v8;
	_ =	sdelay $0x1  }
0x38: {  	(erf) = vrcp.f32 v8;
	_ =	sdelay $0x4  }
0x39: {  	v8 =	vld.idx.msk [tilespmem:v0+s12+$0x0], $0xffff;
	_ =	sdelay $0x3  }
0x3a: {  	v9 =	vpop (erf)  }
0x3b: {  	v8 =	vmul.f32 v9, v8;
	_ =	sdelay $0x1  }
0x3c: {  	v9 =	vld.idx.msk [tilespmem:v0+s13+$0x0], $0xffff;
	[tilespmem:v0+s16+$0x0] =	vst.idx.msk $0xffff, v8  }
0x3d: {  	v10 =	vld.idx.msk [tilespmem:v1+s14+$0x0], $0xffff  }
0x3e: {  	v11 =	vld.idx.msk [tilespmem:v1+s15+$0x0], $0xffff;
	_ =	sdelay $0x4  }
0x3f: {  	v10 =	vadd.f32 v11, v10;
	_ =	sdelay $0x1  }
0x40: {  	v10 =	vadd.f32 $1.000000020e-16, v10;
	_ =	sdelay $0x1  }
0x41: {  	(erf) = vrcp.f32 v10;
	_ =	sdelay $0x4  }
0x42: {  	v10 =	vld.idx.msk [tilespmem:v1+s12+$0x0], $0xffff;
	_ =	sdelay $0x3  }
0x43: {  	v11 =	vpop (erf)  }
0x44: {  	v10 =	vmul.f32 v11, v10;
	_ =	sdelay $0x1  }
0x45: {  	v11 =	vld.idx.msk [tilespmem:v1+s13+$0x0], $0xffff;
	[tilespmem:v1+s16+$0x0] =	vst.idx.msk $0xffff, v10  }
0x46: {  	v12 =	vld.idx.msk [tilespmem:v2+s14+$0x0], $0xffff  }
0x47: {  	v13 =	vld.idx.msk [tilespmem:v2+s15+$0x0], $0xffff;
	_ =	sdelay $0x4  }
0x48: {  	v12 =	vadd.f32 v13, v12;
	_ =	sdelay $0x1  }
0x49: {  	v12 =	vadd.f32 $1.000000020e-16, v12;
	_ =	sdelay $0x1  }
0x4a: {  	(erf) = vrcp.f32 v12;
	_ =	sdelay $0x4  }
0x4b: {  	v12 =	vld.idx.msk [tilespmem:v2+s12+$0x0], $0xffff;
	_ =	sdelay $0x3  }
0x4c: {  	v13 =	vpop (erf)  }
0x4d: {  	v12 =	vmul.f32 v13, v12;
	_ =	sdelay $0x1  }
0x4e: {  	v13 =	vld.idx.msk [tilespmem:v2+s13+$0x0], $0xffff;
	[tilespmem:v2+s16+$0x0] =	vst.idx.msk $0xffff, v12  }
0x4f: {  	v14 =	vld.idx.msk [tilespmem:v3+s14+$0x0], $0xffff  }
0x50: {  	v15 =	vld.idx.msk [tilespmem:v3+s15+$0x0], $0xffff;
	_ =	sdelay $0x4  }
0x51: {  	v14 =	vadd.f32 v15, v14;
	_ =	sdelay $0x1  }
0x52: {  	v14 =	vadd.f32 $1.000000020e-16, v14;
	_ =	sdelay $0x1  }
0x53: {  	(erf) = vrcp.f32 v14;
	_ =	sdelay $0x4  }
0x54: {  	v14 =	vld.idx.msk [tilespmem:v3+s12+$0x0], $0xffff;
	_ =	sdelay $0x3  }
0x55: {  	v15 =	vpop (erf)  }
0x56: {  	v14 =	vmul.f32 v15, v14;
	_ =	sdelay $0x1  }
0x57: {  	v15 =	vld.idx.msk [tilespmem:v3+s13+$0x0], $0xffff;
	[tilespmem:v3+s16+$0x0] =	vst.idx.msk $0xffff, v14  }
0x58: {  	v16 =	vld.idx.msk [tilespmem:v4+s14+$0x0], $0xffff  }
0x59: {  	v17 =	vld.idx.msk [tilespmem:v4+s15+$0x0], $0xffff;
	_ =	sdelay $0x4  }
0x5a: {  	v16 =	vadd.f32 v17, v16;
	_ =	sdelay $0x1  }
0x5b: {  	v16 =	vadd.f32 $1.000000020e-16, v16;
	_ =	sdelay $0x1  }
0x5c: {  	(erf) = vrcp.f32 v16;
	_ =	sdelay $0x4  }
0x5d: {  	v56 =	vld.idx.msk [tilespmem:v4+s12+$0x0], $0xffff;
	_ =	sdelay $0x3  }
0x5e: {  	v57 =	vpop (erf)  }
0x5f: {  	v16 =	vmul.f32 v57, v56;
	_ =	sdelay $0x1  }
0x60: {  	v58 =	vld.idx.msk [tilespmem:v4+s13+$0x0], $0xffff;
	[tilespmem:v4+s16+$0x0] =	vst.idx.msk $0xffff, v16  }
0x61: {  	v18 =	vld.idx.msk [tilespmem:v5+s14+$0x0], $0xffff  }
0x62: {  	v19 =	vld.idx.msk [tilespmem:v5+s15+$0x0], $0xffff;
	_ =	sdelay $0x4  }
0x63: {  	v18 =	vadd.f32 v19, v18;
	_ =	sdelay $0x1  }
0x64: {  	v18 =	vadd.f32 $1.000000020e-16, v18;
	_ =	sdelay $0x1  }
0x65: {  	(erf) = vrcp.f32 v18;
	_ =	sdelay $0x4  }
0x66: {  	v59 =	vld.idx.msk [tilespmem:v5+s12+$0x0], $0xffff;
	_ =	sdelay $0x3  }
0x67: {  	v60 =	vpop (erf)  }
0x68: {  	v18 =	vmul.f32 v60, v59;
	_ =	sdelay $0x1  }
0x69: {  	v61 =	vld.idx.msk [tilespmem:v5+s13+$0x0], $0xffff;
	[tilespmem:v5+s16+$0x0] =	vst.idx.msk $0xffff, v18  }
0x6a: {  	v20 =	vld.idx.msk [tilespmem:v6+s14+$0x0], $0xffff  }
0x6b: {  	v21 =	vld.idx.msk [tilespmem:v6+s15+$0x0], $0xffff;
	_ =	sdelay $0x4  }
0x6c: {  	v20 =	vadd.f32 v21, v20;
	_ =	sdelay $0x1  }
0x6d: {  	v20 =	vadd.f32 $1.000000020e-16, v20;
	_ =	sdelay $0x1  }
0x6e: {  	(erf) = vrcp.f32 v20;
	_ =	sdelay $0x4  }
0x6f: {  	v62 =	vld.idx.msk [tilespmem:v6+s12+$0x0], $0xffff;
	_ =	sdelay $0x3  }
0x70: {  	v8 =	vmul.f32 v8, v9;
	v9 =	vpop (erf)  }
0x71: {  	v9 =	vmul.f32 v9, v62  }
0x72: {  	v63 =	vimm.f32 $0.0e+00  }
0x73: {  	v8 =	vadd.f32 v8, v63;
	v10 =	vmul.f32 v10, v11;
	v11 =	vld.idx.msk [tilespmem:v6+s13+$0x0], $0xffff;
	[tilespmem:v6+s16+$0x0] =	vst.idx.msk $0xffff, v9  }
0x74: {  	v12 =	vmul.f32 v12, v13;
	v13 =	vld.idx.msk [tilespmem:v7+s14+$0x0], $0xffff  }
0x75: {  	v8 =	vadd.f32 v10, v8;
	v10 =	vld.idx.msk [tilespmem:v7+s15+$0x0], $0xffff;
	_ =	sdelay $0x4  }
0x76: {  	v10 =	vadd.f32 v10, v13;
	_ =	sdelay $0x1  }
0x77: {  	v8 =	vadd.f32 v12, v8;
	v14 =	vmul.f32 v14, v15;
	v10 =	vadd.f32 $1.000000020e-16, v10;
	_ =	sdelay $0x1  }
0x78: {  	v8 =	vadd.f32 v14, v8;
	v12 =	vmul.f32 v16, v58;
	(erf) = vrcp.f32 v10;
	_ =	sdelay $0x1  }
0x79: {  	v8 =	vadd.f32 v12, v8;
	v14 =	vmul.f32 v18, v61;
	_ =	sdelay $0x1  }
0x7a: {  	v8 =	vadd.f32 v14, v8;
	v9 =	vmul.f32 v9, v11  }
0x7b: {  	v13 =	vld.idx.msk [tilespmem:v7+s12+$0x0], $0xffff  }
0x7c: {  	s22 =	sadd.s32 $0x0, s7;
	s20 =	smov.u32 s10;
	s19 =	simm.s32 $0x20;
	v12 =	vld.idx.msk [tilespmem:v7+s13+$0x0], $0xffff;
	v8 =	vadd.f32 v9, v8  }
.LBB2_2:
0x7d: {  	p0 =	sne.s32 s19, $0x2980  }
0x7e: {  	s20 =	sadd.s32 $0x2, s20;
	s21 =	smov.u32 s19;
	s19 =	sadd.s32 $0x20, s19  }
0x7f: {  	v9 =	vpop (erf)  }
0x80: {  	v9 =	vmul.f32 v9, v13;
	_ =	sdelay $0x1  }
0x81: {  	[tilespmem:v7+s16+$0x0] =	vst.idx.msk $0xffff, v9;
	v9 =	vmul.f32 v9, v12  }
0x82: {  	[hbm4b:s22+s3] =	stream.linear.scatter [tilespmem:s16], [sflag:$0x1], $0x100, $0x38;
	[tilespmem:$0x520] =	vst v63  }
0x83: {  	v8 =	vadd.f32 v9, v8;
	_ =	swait.ge [sflag:s11], $0x100  }
0x84: {  	[sflag:s11] =	ssyncset.done $0x0  }
0x85: {  	[sflag:s11] =	ssyncadd.s32 $0xFFFFFF00  }
0x86: {  	[tilespmem:s3], [sflag:$0x1] =	stream.linear.gather [hbm4b:s20+s3], $0x10, $0x38;
	[tilespmem:$0x520] =	vst v63  }
0x87: {  	_ =	swait.ge [sflag:s11], $0x10  }
0x88: {  	[sflag:s11] =	ssyncset.done $0x0  }
0x89: {  	s22 =	sadd.s32 s21, s9;
	[sflag:s11] =	ssyncadd.s32 $0xFFFFFFF0  }
0x8a: {  	[tilespmem:s12], [sflag:$0x1] =	stream.linear.gather [hbm4b:s22+s3], $0x100, $0x38;
	[tilespmem:$0x520] =	vst v63  }
0x8b: {  	_ =	swait.ge [sflag:s11], $0x100  }
0x8c: {  	[sflag:s11] =	ssyncset.done $0x0  }
0x8d: {  	s22 =	sadd.s32 s21, s8;
	[sflag:s11] =	ssyncadd.s32 $0xFFFFFF00  }
0x8e: {  	[tilespmem:s13], [sflag:$0x1] =	stream.linear.gather [hbm4b:s22+s3], $0x100, $0x38;
	[tilespmem:$0x520] =	vst v63  }
0x8f: {  	_ =	swait.ge [sflag:s11], $0x100  }
0x90: {  	[sflag:s11] =	ssyncset.done $0x0  }
0x91: {  	[sflag:s11] =	ssyncadd.s32 $0xFFFFFF00  }
0x92: {  	[tilespmem:s14], [sflag:$0x1] =	stream.indirect.gather [hbm4b:s0+s12], $0x10, s3, s12, $0xb8;
	[tilespmem:$0x520] =	vst v63  }
0x93: {  	_ =	swait.ge [sflag:s11], $0x100  }
0x94: {  	[sflag:s11] =	ssyncset.done $0x0  }
0x95: {  	[sflag:s11] =	ssyncadd.s32 $0xFFFFFF00  }
0x96: {  	[tilespmem:s15], [sflag:$0x1] =	stream.indirect.gather [hbm4b:s4+s12], $0x10, s3, s12, $0xb8;
	[tilespmem:$0x520] =	vst v63  }
0x97: {  	_ =	swait.ge [sflag:s11], $0x100  }
0x98: {  	[sflag:s11] =	ssyncset.done $0x0  }
0x99: {  	[sflag:s11] =	ssyncadd.s32 $0xFFFFFF00  }
0x9a: {  	v9 =	vld.idx.msk [tilespmem:v0+s14+$0x0], $0xffff  }
0x9b: {  	v10 =	vld.idx.msk [tilespmem:v0+s15+$0x0], $0xffff;
	_ =	sdelay $0x5  }
0x9c: {  	v9 =	vadd.f32 v10, v9;
	_ =	sdelay $0x1  }
0x9d: {  	v9 =	vadd.f32 $1.000000020e-16, v9;
	_ =	sdelay $0x1  }
0x9e: {  	(erf) = vrcp.f32 v9;
	_ =	sdelay $0x2  }
0x9f: {  	v9 =	vld.idx.msk [tilespmem:v0+s12+$0x0], $0xffff;
	_ =	sdelay $0x5  }
0xa0: {  	v10 =	vpop (erf)  }
0xa1: {  	v11 =	vld.idx.msk [tilespmem:v0+s13+$0x0], $0xffff;
	v9 =	vmul.f32 v10, v9;
	_ =	sdelay $0x1  }
0xa2: {  	[tilespmem:v0+s16+$0x0] =	vst.idx.msk $0xffff, v9  }
0xa3: {  	v10 =	vld.idx.msk [tilespmem:v1+s14+$0x0], $0xffff  }
0xa4: {  	v12 =	vld.idx.msk [tilespmem:v1+s15+$0x0], $0xffff;
	_ =	sdelay $0x1  }
0xa5: {  	v9 =	vmul.f32 v9, v11;
	_ =	sdelay $0x3  }
0xa6: {  	v10 =	vadd.f32 v12, v10;
	_ =	sdelay $0x1  }
0xa7: {  	v10 =	vadd.f32 $1.000000020e-16, v10;
	_ =	sdelay $0x1  }
0xa8: {  	(erf) = vrcp.f32 v10;
	_ =	sdelay $0x1  }
0xa9: {  	v10 =	vld.idx.msk [tilespmem:v1+s12+$0x0], $0xffff;
	_ =	sdelay $0x6  }
0xaa: {  	v11 =	vld.idx.msk [tilespmem:v1+s13+$0x0], $0xffff;
	v12 =	vpop (erf)  }
0xab: {  	v10 =	vmul.f32 v12, v10;
	_ =	sdelay $0x1  }
0xac: {  	[tilespmem:v1+s16+$0x0] =	vst.idx.msk $0xffff, v10  }
0xad: {  	v12 =	vld.idx.msk [tilespmem:v2+s14+$0x0], $0xffff  }
0xae: {  	v13 =	vld.idx.msk [tilespmem:v2+s15+$0x0], $0xffff  }
0xaf: {  	v10 =	vmul.f32 v10, v11;
	_ =	sdelay $0x4  }
0xb0: {  	v11 =	vadd.f32 v13, v12;
	_ =	sdelay $0x1  }
0xb1: {  	v11 =	vadd.f32 $1.000000020e-16, v11;
	_ =	sdelay $0x1  }
0xb2: {  	(erf) = vrcp.f32 v11  }
0xb3: {  	v11 =	vld.idx.msk [tilespmem:v2+s12+$0x0], $0xffff;
	_ =	sdelay $0x6  }
0xb4: {  	v12 =	vld.idx.msk [tilespmem:v2+s13+$0x0], $0xffff  }
0xb5: {  	v13 =	vpop (erf)  }
0xb6: {  	v11 =	vmul.f32 v13, v11;
	_ =	sdelay $0x1  }
0xb7: {  	[tilespmem:v2+s16+$0x0] =	vst.idx.msk $0xffff, v11  }
0xb8: {  	v13 =	vld.idx.msk [tilespmem:v3+s14+$0x0], $0xffff  }
0xb9: {  	v11 =	vmul.f32 v11, v12;
	v14 =	vld.idx.msk [tilespmem:v3+s15+$0x0], $0xffff;
	_ =	sdelay $0x5  }
0xba: {  	v12 =	vadd.f32 v14, v13;
	_ =	sdelay $0x1  }
0xbb: {  	v12 =	vadd.f32 $1.000000020e-16, v12;
	_ =	sdelay $0x1  }
0xbc: {  	v13 =	vld.idx.msk [tilespmem:v3+s12+$0x0], $0xffff;
	(erf) = vrcp.f32 v12;
	_ =	sdelay $0x6  }
0xbd: {  	v12 =	vld.idx.msk [tilespmem:v3+s13+$0x0], $0xffff;
	_ =	sdelay $0x1  }
0xbe: {  	v14 =	vpop (erf)  }
0xbf: {  	v13 =	vmul.f32 v14, v13;
	_ =	sdelay $0x1  }
0xc0: {  	[tilespmem:v3+s16+$0x0] =	vst.idx.msk $0xffff, v13  }
0xc1: {  	v15 =	vmul.f32 v13, v12;
	v14 =	vld.idx.msk [tilespmem:v4+s14+$0x0], $0xffff  }
0xc2: {  	v12 =	vld.idx.msk [tilespmem:v4+s15+$0x0], $0xffff  }
0xc3: {  	v13 =	vld.idx.msk [tilespmem:v4+s13+$0x0], $0xffff;
	_ =	sdelay $0x4  }
0xc4: {  	v12 =	vadd.f32 v12, v14;
	_ =	sdelay $0x1  }
0xc5: {  	v12 =	vadd.f32 $1.000000020e-16, v12  }
0xc6: {  	v14 =	vld.idx.msk [tilespmem:v4+s12+$0x0], $0xffff  }
0xc7: {  	(erf) = vrcp.f32 v12;
	_ =	sdelay $0x8  }
0xc8: {  	v12 =	vpop (erf)  }
0xc9: {  	v12 =	vmul.f32 v12, v14;
	_ =	sdelay $0x1  }
0xca: {  	[tilespmem:v4+s16+$0x0] =	vst.idx.msk $0xffff, v12;
	v14 =	vmul.f32 v12, v13  }
0xcb: {  	v12 =	vld.idx.msk [tilespmem:v5+s14+$0x0], $0xffff  }
0xcc: {  	v13 =	vld.idx.msk [tilespmem:v5+s15+$0x0], $0xffff  }
0xcd: {  	v16 =	vld.idx.msk [tilespmem:v5+s12+$0x0], $0xffff  }
0xce: {  	v17 =	vld.idx.msk [tilespmem:v5+s13+$0x0], $0xffff;
	_ =	sdelay $0x3  }
0xcf: {  	v12 =	vadd.f32 v13, v12;
	_ =	sdelay $0x1  }
0xd0: {  	v12 =	vadd.f32 $1.000000020e-16, v12;
	_ =	sdelay $0x1  }
0xd1: {  	(erf) = vrcp.f32 v12;
	_ =	sdelay $0x8  }
0xd2: {  	v12 =	vpop (erf)  }
0xd3: {  	v12 =	vmul.f32 v12, v16;
	_ =	sdelay $0x1  }
0xd4: {  	[tilespmem:v5+s16+$0x0] =	vst.idx.msk $0xffff, v12;
	v16 =	vmul.f32 v12, v17  }
0xd5: {  	v12 =	vld.idx.msk [tilespmem:v6+s14+$0x0], $0xffff  }
0xd6: {  	v13 =	vld.idx.msk [tilespmem:v6+s15+$0x0], $0xffff  }
0xd7: {  	v17 =	vld.idx.msk [tilespmem:v6+s12+$0x0], $0xffff  }
0xd8: {  	v18 =	vld.idx.msk [tilespmem:v6+s13+$0x0], $0xffff;
	_ =	sdelay $0x3  }
0xd9: {  	v12 =	vadd.f32 v13, v12;
	_ =	sdelay $0x1  }
0xda: {  	v12 =	vadd.f32 $1.000000020e-16, v12;
	_ =	sdelay $0x1  }
0xdb: {  	(erf) = vrcp.f32 v12;
	_ =	sdelay $0x8  }
0xdc: {  	v12 =	vpop (erf)  }
0xdd: {  	v12 =	vmul.f32 v12, v17;
	_ =	sdelay $0x1  }
0xde: {  	[tilespmem:v6+s16+$0x0] =	vst.idx.msk $0xffff, v12;
	v17 =	vmul.f32 v12, v18  }
0xdf: {  	v18 =	vld.idx.msk [tilespmem:v7+s14+$0x0], $0xffff  }
0xe0: {  	v19 =	vld.idx.msk [tilespmem:v7+s15+$0x0], $0xffff  }
0xe1: {  	v13 =	vld.idx.msk [tilespmem:v7+s12+$0x0], $0xffff  }
0xe2: {  	v12 =	vld.idx.msk [tilespmem:v7+s13+$0x0], $0xffff;
	_ =	sdelay $0x1  }
0xe3: {  	v8 =	vadd.f32 v9, v8;
	_ =	sdelay $0x1  }
0xe4: {  	v8 =	vadd.f32 v10, v8;
	v9 =	vadd.f32 v19, v18;
	_ =	sdelay $0x1  }
0xe5: {  	v8 =	vadd.f32 v11, v8;
	v9 =	vadd.f32 $1.000000020e-16, v9;
	_ =	sdelay $0x1  }
0xe6: {  	v8 =	vadd.f32 v15, v8;
	(erf) = vrcp.f32 v9;
	_ =	sdelay $0x1  }
.Ltmp0:
0xe7: {  	v8 =	vadd.f32 v14, v8;
	(pc) =	sbr.rel @p0 .LBB2_2-.Ltmp0, $3  }
0xe8: {  	_ = 	snop  }
0xe9: {  	s22 =	sadd.s32 s21, s7;
	v8 =	vadd.f32 v16, v8;
	_ =	sdelay $0x1  }
0xea: {  	v8 =	vadd.f32 v17, v8  }
0xeb: {  	_ =	sdelay $0x1  }
0xec: {  	v9 =	vpop (erf)  }
0xed: {  	v9 =	vmul.f32 v9, v13;
	_ =	sdelay $0x1  }
0xee: {  	[tilespmem:v7+s16+$0x0] =	vst.idx.msk $0xffff, v9  }
0xef: {  	v9 =	vmul.f32 v9, v12;
	[hbm4b:s22+s3] =	stream.linear.scatter [tilespmem:s16], [sflag:$0x1], $0x100, $0x38;
	[tilespmem:$0x520] =	vst v63  }
0xf0: {  	_ =	swait.ge [sflag:s11], $0x100  }
0xf1: {  	s18 =	sadd.s32 $0x1, s18;
	v8 =	vadd.f32 v9, v8;
	[sflag:s11] =	ssyncset.done $0x0  }
0xf2: {  	p0 =	sne.s32 s18, s6;
	[sflag:s11] =	ssyncadd.s32 $0xFFFFFF00  }
.Ltmp1:
0xf3: {  	[tilespmem:$0x510] =	vst v8;
	(pc) =	sbr.rel @p0 .LBB2_1-.Ltmp1, $4  }
0xf4: {  	[hbm4b:s5+s3] =	stream.linear.scatter [tilespmem:s17], [sflag:$0x1], $0x10, $0x38;
	[tilespmem:$0x520] =	vst v63  }
0xf5: {  	_ =	swait.ge [sflag:s11], $0x10  }
0xf6: {  	[sflag:s11] =	ssyncset.done $0x0  }
0xf7: {  	[sflag:s11] =	ssyncadd.s32 $0xFFFFFFF0  }
0xf8: {  	_ =	sfence.sel $0x180000  }
0xf9: {  	[bflag:$0x0] =	sbarrier.arrive $0xFFFF  }
0xfa: {  	p0 =	sne.s32 s1, $0x0;
	_ =	strace $0x90000050  }
0xfb: {  	s0 =	sadd.s32 @!p0 $0x100000, s2;
	[bflag:$0x2] =	sbarrier.arrive $0xFFFF  }
0xfc: {  	[sflag:s0] =	ssyncadd.tile.s32 @!p0 $0x1;
	_ =	shalt  }
.Lfunc_end2:
_tile_overlayer_lowered:
.L_overlay_start_2:
0xfd: {  	(tag) =	ssettag $0x2  }
0xfe: {  	s0 =	rddreg [dreg:$0x0];
	s2 =	stileid.u32  }
0xff: {  	s1 =	rddreg [dreg:$0x1];
	p0 =	sne.s32 s2, $0x0  }
0x100: {  	s3 =	rddreg [dreg:$0x2];
	[bflag:$0x3] =	sbarrier.arrive $0xFFFF;
	s2 =	simm.s32 @!p0 $0x1C01  }
0x101: {  	[timem:s3], [sflag:s2] =	dma.local @!p0 [hbm:s0], s1  }
0x102: {  	s0 =	simm.s32 @!p0 $0x1  }
0x103: {  	_ =	swait.ge @!p0 [sflag:s0], s1  }
0x104: {  	s1 =	ssub.s32 @!p0 $0x0, s1;
	[sflag:s0] =	ssyncset.done @!p0 $0x0  }
0x105: {  	[sflag:s0] =	ssyncadd.s32 @!p0 s1  }
0x106: {  	[bflag:$0x3] =	sbarrier.arrive $0xFFFF  }
0x107: {  	_ =	shalt  }

// kernel: kernel.13.cloned.1.call-start
scs
__scs_entry_jumppad:
0x0: {  	(pc) =	sbr.rel $0x88, $3  }
0x1: {  	(tag) =	ssettag $0x0;
	lr =	simm.s32 $0x1  }
0x2: {  	[smem:$0x3F97] =	sst lr;
	_ =	strace $0xD0000000  }
0x3: {  	_ = 	snop  }
0x4: {  	_ = 	snop  }
0x5: {  	_ = 	snop  }
0x6: {  	_ = 	snop  }
0x7: {  	_ = 	snop  }
__scs_overlays_trampoline_lowered:
0x8: {  	[smem:$0x3FA6] =	sst s0  }
0x9: {  	[smem:$0x3FA7] =	sst s1  }
0xa: {  	[smem:$0x3FA8] =	sst s2  }
0xb: {  	[smem:$0x3FA9] =	sst s3  }
0xc: {  	[smem:$0x3FAA] =	sst s4  }
0xd: {  	[smem:$0x3FAB] =	sst s5  }
0xe: {  	[smem:$0x3FAC] =	sst s6  }
0xf: {  	[smem:$0x3FAD] =	sst s7  }
0x10: {  	[smem:$0x3FAE] =	sst s8  }
0x11: {  	[smem:$0x3FAF] =	sst s9;
	s0 =	simm.s32 @!p0 $0x0  }
0x12: {  	s1 =	sld [smem:$0x3F95];
	s0 =	simm.s32 @p0 $0x1  }
0x13: {  	[smem:$0x3FB0] =	sst s0;
	s0 =	simm.s32 @!p1 $0x0  }
0x14: {  	s2 =	sld [smem:$0x3F94];
	s0 =	simm.s32 @p1 $0x1  }
0x15: {  	[smem:$0x3FB1] =	sst s0;
	s0 =	simm.s32 @!p2 $0x0  }
0x16: {  	s3 =	sld [smem:$0x3FDB];
	s0 =	simm.s32 @p2 $0x1  }
0x17: {  	s4 =	simm.s32 $0x1BF5;
	[smem:$0x3FB3] =	sst s0  }
0x18: {  	s0 =	sld [smem:$0x3F96];
	_ =	swait.ge [sflag:s4], $0x0  }
0x19: {  	s7 =	sld [smem:$0x3F97]  }
0x1a: {  	s8 =	sadd.s32 $0xFFFFE003, lr  }
0x1b: {  	s9 =	sadd.s32 $0xFFFFFEF7, lr;
	s5 =	simm.s32 $0xFFFFFFFF;
	p2 =	slt.u32 s8, $0xFFFFF086  }
0x1c: {  	p1 =	slt.u32 s9, $0xF7A;
	s5 =	simm.s32 @!p2 $0x0  }
0x1d: {  	s5 =	simm.s32 @p1 $0x1;
	p0 =	seq.s32 s7, s2  }
0x1e: {  	s7 =	smul.u32 @!p0 $0xF7A, s2;
	p2 =	seq.s32 @!p0 s5, $0x0  }
0x1f: {  	s9 =	smul.u32 $0xF7A, s1;
	s8 =	simm.s32 @!p0 $0x1BF5;
	p2 =	por !p2, p0  }
0x20: {  	[sflag:s8] =	ssyncset.s32 @!p0 $0xFFFFF086;
	s6 =	sadd.s32 @!p0 s3, s7;
	s7 =	simm.s32 @!p0 $0x108  }
0x21: {  	s3 =	sadd.s32 s3, s9;
	s6 =	sadd.s32 @!p0 $0x88, s6;
	s7 =	simm.s32 @p2 $0x1082  }
0x22: {  	[simem:s7], [sflag:s8] =	dma.local @!p0 [hbm:s6], $0xF7A  }
0x23: {  	s9 =	sor.u32 $0xD0000000, s2;
	s6 =	simm.s32 $0x108;
	_ =	swait.ge @!p0 [sflag:s8], $0x0  }
0x24: {  	s3 =	sadd.s32 $0x88, s3;
	s6 =	simm.s32 @!p1 $0x1082;
	[sflag:s4] =	ssyncset.s32 $0xFFFFF086  }
0x25: {  	[simem:s6], [sflag:s4] =	dma.local [hbm:s3], $0xF7A  }
0x26: {  	[smem:$0x3F97] =	sst s1;
	(tag) =	ssettag s2;
	_ =	strace s9  }
0x27: {  	s1 =	sld [smem:$0x3FA7]  }
0x28: {  	s2 =	sld [smem:$0x3FA8]  }
0x29: {  	s4 =	sld [smem:$0x3FAA]  }
0x2a: {  	p0 =	seq.s32 s5, $0x0;
	s5 =	sld [smem:$0x3FAB]  }
0x2b: {  	s6 =	sld [smem:$0x3FAC]  }
0x2c: {  	s7 =	sld [smem:$0x3FAD]  }
0x2d: {  	s3 =	simm.s32 $0x108;
	s8 =	sld [smem:$0x3FAE]  }
0x2e: {  	s3 =	simm.s32 @!p0 $0x1082;
	s9 =	sld [smem:$0x3FAF]  }
0x2f: {  	lr =	sadd.s32 s0, s3;
	s0 =	sld [smem:$0x3FA6]  }
0x30: {  	s3 =	sld [smem:$0x3FA9]  }
0x31: {  	[smem:$0x3FB2] =	sst s10  }
0x32: {  	s10 =	sld [smem:$0x3FB0];
	_ =	sdelay $0x3  }
0x33: {  	p0 =	seq.s32 s10, $0x1;
	s10 =	sld [smem:$0x3FB2];
	_ =	sdelay $0x3  }
0x34: {  	[smem:$0x3FB2] =	sst s10  }
0x35: {  	s10 =	sld [smem:$0x3FB1];
	_ =	sdelay $0x3  }
0x36: {  	p1 =	seq.s32 s10, $0x1;
	s10 =	sld [smem:$0x3FB2];
	_ =	sdelay $0x3  }
0x37: {  	[smem:$0x3FB2] =	sst s10  }
0x38: {  	s10 =	sld [smem:$0x3FB3]  }
0x39: {  	_ = 	snop;
	(pc) =	sbr.ind lr, $3  }
0x3a: {  	_ = 	snop  }
0x3b: {  	_ = 	snop  }
0x3c: {  	p2 =	seq.s32 s10, $0x1;
	s10 =	sld [smem:$0x3FB2]  }
0x3d: {  	_ =	shalt  }
0x3e: {  	_ =	shalt  }
0x3f: {  	_ =	shalt  }
0x40: {  	_ =	shalt  }
0x41: {  	_ =	shalt  }
0x42: {  	_ =	shalt  }
0x43: {  	_ =	shalt  }
0x44: {  	_ =	shalt  }
0x45: {  	_ =	shalt  }
0x46: {  	_ =	shalt  }
0x47: {  	_ =	shalt  }
0x48: {  	_ =	shalt  }
0x49: {  	_ =	shalt  }
0x4a: {  	_ =	shalt  }
0x4b: {  	_ =	shalt  }
0x4c: {  	_ =	shalt  }
0x4d: {  	_ =	shalt  }
0x4e: {  	_ =	shalt  }
0x4f: {  	_ =	shalt  }
0x50: {  	_ =	shalt  }
0x51: {  	_ =	shalt  }
0x52: {  	_ =	shalt  }
0x53: {  	_ =	shalt  }
0x54: {  	_ =	shalt  }
0x55: {  	_ =	shalt  }
0x56: {  	_ =	shalt  }
0x57: {  	_ =	shalt  }
0x58: {  	_ =	shalt  }
0x59: {  	_ =	shalt  }
0x5a: {  	_ =	shalt  }
0x5b: {  	_ =	shalt  }
0x5c: {  	_ =	shalt  }
0x5d: {  	_ =	shalt  }
0x5e: {  	_ =	shalt  }
0x5f: {  	_ =	shalt  }
0x60: {  	_ =	shalt  }
0x61: {  	_ =	shalt  }
0x62: {  	_ =	shalt  }
0x63: {  	_ =	shalt  }
0x64: {  	_ =	shalt  }
0x65: {  	_ =	shalt  }
0x66: {  	_ =	shalt  }
0x67: {  	_ =	shalt  }
0x68: {  	_ =	shalt  }
0x69: {  	_ =	shalt  }
0x6a: {  	_ =	shalt  }
0x6b: {  	_ =	shalt  }
0x6c: {  	_ =	shalt  }
0x6d: {  	_ =	shalt  }
0x6e: {  	_ =	shalt  }
0x6f: {  	_ =	shalt  }
0x70: {  	_ =	shalt  }
0x71: {  	_ =	shalt  }
0x72: {  	_ =	shalt  }
0x73: {  	_ =	shalt  }
0x74: {  	_ =	shalt  }
0x75: {  	_ =	shalt  }
0x76: {  	_ =	shalt  }
0x77: {  	_ =	shalt  }
0x78: {  	_ =	shalt  }
0x79: {  	_ =	shalt  }
0x7a: {  	_ =	shalt  }
0x7b: {  	_ =	shalt  }
0x7c: {  	_ =	shalt  }
0x7d: {  	_ =	shalt  }
0x7e: {  	_ =	shalt  }
0x7f: {  	_ =	shalt  }
0x80: {  	_ =	shalt  }
0x81: {  	_ =	shalt  }
0x82: {  	_ =	shalt  }
0x83: {  	_ =	shalt  }
0x84: {  	_ =	shalt  }
0x85: {  	_ =	shalt  }
0x86: {  	_ =	shalt  }
0x87: {  	_ =	shalt  }
.Lfunc_end0:
.L_simem_size_0:
called_computation.4_lowered:
.L_overlay_start_0:
0x88: {  	s2 =	sld [smem:$0x3FD9]  }
0x89: {  	s3 =	sld [smem:$0x3FFE];
	_ =	sdelay $0x1  }
0x8a: {  	s1 =	srdreg.scid  }
0x8b: {  	s0 =	sand.u32 $0x1, s1  }
0x8c: {  	s17 =	sshll.u32 s0, $0xA;
	s2 =	sadd.s32 s3, s2  }
0x8d: {  	s2 =	sadd.s32 s2, s17  }
0x8e: {  	[smem:$0x3FBE] =	sst s2  }
0x8f: {  	_ = 	snop  }
0x90: {  	s2 =	sld [smem:$0x3FD0];
	(tm) =	ssettm $0x1  }
0x91: {  	s18 =	sld [smem:$0x3FFB];
	_ =	sdelay $0x3  }
0x92: {  	_ =	strace s18  }
0x93: {  	s3 =	sld [smem:$0x3FFC];
	_ =	sdelay $0x3  }
0x94: {  	_ =	strace s3  }
0x95: {  	s3 =	sld [smem:$0x3FFD];
	_ =	sdelay $0x3  }
0x96: {  	_ =	strace s3  }
0x97: {  	_ =	strace $0x8FFFFFFF  }
0x98: {  	s19 =	sld [smem:$0x3FDB];
	_ =	sdelay $0x1  }
0x99: {  	s4 =	simm.s32 $_scs_section_size  }
0x9a: {  	s5 =	simm.s32 $_size__tile_overlayer_lowered;
	s6 =	simm.s32 $_tile_overlayer_lowered  }
0x9b: {  	s22 =	simm.s32 $0x1BFF;
	s21 =	sshll.u32 s6, $0x1;
	s3 =	sadd.s32 s4, s19  }
0x9c: {  	s7 =	simm.s32 $0x0;
	s20 =	sshll.u32 s5, $0x1;
	s5 =	sadd.s32 s21, s3  }
0x9d: {  	[timem:s7], [sflag:s22] =	dma.local [hbm:s5], s20  }
0x9e: {  	_ =	swait.ge [sflag:s22], s20  }
0x9f: {  	s4 =	ssub.s32 $0x0, s20;
	[sflag:s22] =	ssyncset.done $0x0  }
0xa0: {  	[sflag:s22] =	ssyncadd.s32 s4;
	_ =	sdelay $0x1  }
0xa1: {  	s23 =	simm.s32 $0x1B8B  }
0xa2: {  	_ =	swait.ge [sflag:s23], $0x1  }
0xa3: {  	[sflag:s23] =	ssyncset.done $0x0  }
0xa4: {  	s25 =	simm.s32 $0x1B8E;
	s24 =	sld [smem:$0x3FFE];
	[sflag:s23] =	ssyncadd.s32 $0xFFFFFFFF  }
0xa5: {  	s26 =	simm.s32 $execute0_lowered;
	[smem:$0x3FD2] =	sst s25  }
0xa6: {  	s5 =	sshll.u32 s26, $0x1;
	_ =	strace $0x80000052;
	[dreg:$0x1] =	wrdreg $0xFFFFFFFF  }
0xa7: {  	s28 =	simm.s32 $_size_execute0_lowered;
	s3 =	sadd.s32 s3, s5;
	[dreg:$0x0] =	wrdreg $0x0  }
0xa8: {  	s5 =	sshll.u32 s28, $0x1;
	[dreg:$0x2] =	wrdreg s3  }
0xa9: {  	[dreg:$0x3] =	wrdreg s5  }
0xaa: {  	[dreg:$0x4] =	wrdreg $0xC0  }
0xab: {  	_ =	task [dreg:s7], $0x5FFFF  }
0xac: {  	[dreg:$0x1] =	wrdreg $0xFFFFFFFF  }
0xad: {  	[dreg:$0x0] =	wrdreg $0x60  }
0xae: {  	[dreg:$0x2] =	wrdreg s24  }
0xaf: {  	[dreg:$0x3] =	wrdreg s2  }
0xb0: {  	[dreg:$0x4] =	wrdreg $0x9  }
0xb1: {  	_ =	task.clear_ibuf [dreg:s7], $0x5FFFF;
	_ =	strace $0x90000052  }
0xb2: {  	s29 =	simm.s32 $0x9;
	_ =	strace $0x80000054  }
0xb3: {  	_ =	swait.ge [sflag:s29], $0x1  }
0xb4: {  	[sflag:s29] =	ssyncadd.s32 $0xFFFFFFFF  }
0xb5: {  	_ =	strace $0x90000054  }
0xb6: {  	_ =	sfence  }
0xb7: {  	s30 =	sld [smem:$0x0];
	_ =	sdelay $0x2  }
0xb8: {  	s31 =	sshll.u32 s1, $0xD;
	s1 =	sshrl.u32 s1, $0x2  }
0xb9: {  	s3 =	sand.u32 $0x4000, s31;
	s1 =	sadd.s32 s1, s30  }
0xba: {  	s0 =	sor.u32 s3, s0;
	s1 =	sshll.u32 s1, $0x11  }
0xbb: {  	s0 =	sor.u32 s1, s0  }
0xbc: {  	s0 =	sadd.s32 $0x8F2B, s0  }
0xbd: {  	[sflag:s0] =	ssyncadd.remote.s32 $0x1  }
0xbe: {  	_ =	sfence.sel $0xFFFF  }
0xbf: {  	[dreg:$0x0] =	wrdreg $0xFFFFFFFF;
	(pc) =	sbr.abs _section_cstart, $3  }
0xc0: {  	[dreg:$0x1] =	wrdreg $0xFFFFFFFF  }
0xc1: {  	_ =	task.clear_ibuf [dreg:s7], $0x2FFFF;
	_ =	strace $0x9FFFFFFF  }
0xc2: {  	(tm) =	ssettm $0x7FFFFFFF  }
0xc3: {  	_ =	shalt  }
tec
execute0_lowered:
.L_overlay_start_1:
0x0: {  	(tag) =	ssettag $0x1  }
0x1: {  	s0 =	srdreg.scid;
	s7 =	rddreg [dreg:$0x0]  }
0x2: {  	s2 =	rddreg [dreg:$0x1];
	s1 =	stileid.u32;
	s3 =	simm.s32 $0x0  }
0x3: {  	s11 =	simm.s32 $0x2;
	s12 =	simm.s32 $0x100;
	s13 =	simm.s32 $0x200  }
0x4: {  	s14 =	simm.s32 $0x4200;
	s15 =	simm.s32 $0x1;
	s6 =	sand.u32 $0x1, s0  }
0x5: {  	s16 =	simm.s32 $0x5280;
	s0 =	rddreg [dreg:$0x2];
	s4 =	sshll.u32 s6, $0x4  }
0x6: {  	s17 =	simm.s32 $0x0;
	[smem:$0x7FF] =	sst s3;
	s5 =	sor.u32 s1, s4  }
0x7: {  	_ =	strace $0x80000053;
	s10 =	ssub.s32 $0x2, s6;
	s8 =	smul.u32 $0x5340, s5  }
0x8: {  	v9 =	vlaneseq.u32;
	v1 =	vimm.f32 $0.0e+00;
	s6 =	sadd.s32 $0x1B2200, s7;
	s4 =	sadd.s32 $0xB8600, s7;
	s9 =	smul.u32 $0x2710, s5  }
0x9: {  	v0 =	vand.u32 $0x7, v9;
	v2 =	vshrl.u32 v9, $0x3;
	v9 =	vor.u32 $0x38, v9;
	s31 =	sshrl.u32 s10, $0x1;
	s5 =	sadd.s32 $0x7800, s7;
	s8 =	sadd.s32 s8, s7  }
0xa: {  	v3 =	vor.u32 $0x8, v0;
	v4 =	vor.u32 $0x10, v0;
	v5 =	vor.u32 $0x18, v0;
	s10 =	ssub.s32 s10, s31;
	s9 =	sadd.s32 s9, s7;
	s7 =	sadd.s32 $0x10BA00, s8  }
0xb: {  	v6 =	vor.u32 $0x20, v0;
	v7 =	vor.u32 $0x28, v0;
	v8 =	vor.u32 $0x30, v0;
	s8 =	sadd.s32 $0xCC00, s9;
	s9 =	smax.u32 s10, $0x1;
	s10 =	simm.s32 $0x5200  }
.LBB2_1:
0xc: {  	[tilespmem:s10], [sflag:$0x2] =	stream.linear.gather [hbm4b:s2+s3], $0x80, $0x38;
	[tilespmem:$0x18B00] =	vst v63  }
0xd: {  	_ =	swait.ge [sflag:s11], $0x80  }
0xe: {  	[sflag:s11] =	ssyncset.done $0x0  }
0xf: {  	s18 =	simm.s32 $0x40;
	s19 =	simm.s32 $0x0;
	[sflag:s11] =	ssyncadd.s32 $0xFFFFFF80  }
.LBB2_2:
0x10: {  	p0 =	sne.s32 s18, $0x4E1C0;
	[tilespmem:s19+$0x5280] =	vst v1;
	s19 =	smov.u32 s18;
	s18 =	sadd.s32 $0x40, s18  }
.Ltmp0:
0x11: {  	(pc) =	sbr.rel @p0 .LBB2_2-.Ltmp0, $2  }
0x12: {  	_ =	sdelay $0x2  }
0x13: {  	s19 =	sshra.s32 s19, $0x2  }
0x14: {  	[tilespmem:s19+$0x5280] =	vst v1  }
0x15: {  	v10 =	vld [tilespmem:$0x5200]  }
0x16: {  	v11 =	vld [tilespmem:$0x5210]  }
0x17: {  	v12 =	vld [tilespmem:$0x5220]  }
0x18: {  	v13 =	vld [tilespmem:$0x5230]  }
0x19: {  	v14 =	vld [tilespmem:$0x5240]  }
0x1a: {  	v15 =	vld [tilespmem:$0x5250]  }
0x1b: {  	v16 =	vld [tilespmem:$0x5260]  }
0x1c: {  	s18 =	simm.s32 $0x0;
	v17 =	vld [tilespmem:$0x5270]  }
.LBB2_4:
0x1d: {  	s19 =	sshll.u32 s18, $0x5  }
0x1e: {  	s20 =	sadd.s32 s19, s7  }
0x1f: {  	[tilespmem:s3], [sflag:$0x2] =	stream.linear.gather [hbm4b:s20+s3], $0x100, $0x38;
	[tilespmem:$0x18B00] =	vst v63  }
0x20: {  	_ =	swait.ge [sflag:s11], $0x100  }
0x21: {  	[sflag:s11] =	ssyncset.done $0x0  }
0x22: {  	s19 =	sadd.s32 s5, s19;
	[sflag:s11] =	ssyncadd.s32 $0xFFFFFF00  }
0x23: {  	[tilespmem:s12], [sflag:$0x2] =	stream.linear.gather [hbm4b:s19+s3], $0x100, $0x38;
	[tilespmem:$0x18B00] =	vst v63  }
0x24: {  	_ =	swait.ge [sflag:s11], $0x100  }
0x25: {  	[sflag:s11] =	ssyncset.done $0x0  }
0x26: {  	s31 =	sshll.u32 s18, $0x9;
	[sflag:s11] =	ssyncadd.s32 $0xFFFFFF00  }
0x27: {  	[tilespmem:s13], [sflag:$0x1] =	stream.indirect.gather [hbm4b:s6+s12], $0x40, s3, s12, $0xb8;
	[tilespmem:$0x18B00] =	vst v63  }
0x28: {  	s19 =	sadd.s32 s4, s31  }
0x29: {  	[tilespmem:s14], [sflag:$0x2] =	stream.linear.gather [hbm4b:s19+s3], $0x1000, $0x38;
	[tilespmem:$0x18B00] =	vst v63  }
0x2a: {  	_ =	swait.ge [sflag:s11], $0x1000  }
0x2b: {  	[sflag:s11] =	ssyncset.done $0x0  }
0x2c: {  	[sflag:s11] =	ssyncadd.s32 $0xFFFFF000  }
0x2d: {  	_ =	swait.ge [sflag:s15], $0x4000  }
0x2e: {  	[sflag:s15] =	ssyncset.done $0x0  }
0x2f: {  	s19 =	simm.s32 $0xE;
	[sflag:s15] =	ssyncadd.s32 $0xFFFFC000  }
.LBB2_5:
0x30: {  	s20 =	sadd.s32 $0xFFFFFFF2, s19  }
0x31: {  	v18 =	vor.u32 s20, v2  }
0x32: {  	v19 =	vshll.u32 v18, $0x4  }
0x33: {  	v20 =	vshll.u32 v18, $0x6;
	v21 =	vor.u32 $0x1, v19  }
0x34: {  	v22 =	vor.u32 v0, v20  }
0x35: {  	v23 =	vor.u32 v3, v20  }
0x36: {  	v24 =	vor.u32 $0x2, v19;
	v18 =	vld.idx.msk [tilespmem:v18+s12+$0x0], $0xffff  }
0x37: {  	v26 =	vor.u32 v4, v20;
	v25 =	vld.idx.msk [tilespmem:v19+s14+$0x0], $0xffff  }
0x38: {  	v27 =	vor.u32 $0x3, v19;
	v21 =	vld.idx.msk [tilespmem:v21+s14+$0x0], $0xffff  }
0x39: {  	v28 =	vor.u32 v5, v20;
	v22 =	vld.idx.msk [tilespmem:v22+s13+$0x0], $0xffff  }
0x3a: {  	v29 =	vor.u32 $0x4, v19;
	v23 =	vld.idx.msk [tilespmem:v23+s13+$0x0], $0xffff  }
0x3b: {  	v30 =	vor.u32 v6, v20;
	v24 =	vld.idx.msk [tilespmem:v24+s14+$0x0], $0xffff  }
0x3c: {  	v31 =	vor.u32 $0x5, v19;
	v26 =	vld.idx.msk [tilespmem:v26+s13+$0x0], $0xffff;
	v25 =	vmul.f32 v25, v10  }
0x3d: {  	v32 =	vor.u32 v7, v20;
	v27 =	vld.idx.msk [tilespmem:v27+s14+$0x0], $0xffff  }
0x3e: {  	v61 =	vor.u32 $0x6, v19;
	v60 =	vld.idx.msk [tilespmem:v28+s13+$0x0], $0xffff;
	v21 =	vmul.f32 v21, v11;
	v22 =	vmul.f32 v22, v25  }
0x3f: {  	v63 =	vor.u32 v8, v20;
	v19 =	vor.u32 $0x7, v19;
	v62 =	vld.idx.msk [tilespmem:v29+s14+$0x0], $0xffff  }
0x40: {  	v30 =	vld.idx.msk [tilespmem:v30+s13+$0x0], $0xffff;
	v24 =	vmul.f32 v24, v12;
	v21 =	vmul.f32 v23, v21;
	v22 =	vadd.f32 $0.0e+00, v22  }
0x41: {  	v20 =	vor.u32 v9, v20;
	v31 =	vld.idx.msk [tilespmem:v31+s14+$0x0], $0xffff  }
0x42: {  	v35 =	vld.idx.msk [tilespmem:v32+s13+$0x0], $0xffff;
	v34 =	vmul.f32 v27, v13;
	v33 =	vmul.f32 v26, v24;
	v21 =	vadd.f32 v21, v22  }
0x43: {  	v36 =	vld.idx.msk [tilespmem:v61+s14+$0x0], $0xffff  }
0x44: {  	v38 =	vld.idx.msk [tilespmem:v63+s13+$0x0], $0xffff;
	v37 =	vmul.f32 v60, v34;
	v23 =	vmul.f32 v62, v14;
	v21 =	vadd.f32 v33, v21  }
0x45: {  	v19 =	vld.idx.msk [tilespmem:v19+s14+$0x0], $0xffff  }
0x46: {  	v40 =	vmul.f32 v31, v15;
	v39 =	vmul.f32 v30, v23;
	v21 =	vadd.f32 v37, v21  }
0x47: {  	v20 =	vld.idx.msk [tilespmem:v20+s13+$0x0], $0xffff  }
0x48: {  	v42 =	vmul.f32 v36, v16;
	v41 =	vmul.f32 v35, v40;
	v21 =	vadd.f32 v39, v21  }
0x49: {  	v18 =	vshll.u32 v18, $0x3  }
0x4a: {  	s25 =	sadd.s32 $0xFFFFFFF4, s19;
	v43 =	vmul.f32 v38, v42;
	v19 =	vmul.f32 v19, v17;
	v21 =	vadd.f32 v41, v21  }
0x4b: {  	v44 =	vor.u32 s25, v2;
	v18 =	vor.u32 v0, v18  }
0x4c: {  	v45 =	vshll.u32 v44, $0x4;
	v19 =	vmul.f32 v20, v19;
	v21 =	vadd.f32 v43, v21  }
0x4d: {  	v46 =	vshll.u32 v44, $0x6;
	v47 =	vor.u32 $0x1, v45  }
0x4e: {  	v48 =	vor.u32 v0, v46;
	v19 =	vadd.f32 v19, v21  }
0x4f: {  	v49 =	vor.u32 v3, v46  }
0x50: {  	v50 =	vor.u32 v4, v46;
	[tilespmem:v18+s16+$0x0] =	vst.idx.add.f32.msk $0xffff, v19  }
0x51: {  	v18 =	vor.u32 $0x2, v45;
	v19 =	vld.idx.msk [tilespmem:v45+s14+$0x0], $0xffff  }
0x52: {  	v51 =	vor.u32 $0x3, v45;
	v24 =	vld.idx.msk [tilespmem:v47+s14+$0x0], $0xffff  }
0x53: {  	v52 =	vor.u32 v5, v46;
	v21 =	vld.idx.msk [tilespmem:v48+s13+$0x0], $0xffff  }
0x54: {  	v53 =	vor.u32 $0x4, v45;
	v25 =	vld.idx.msk [tilespmem:v49+s13+$0x0], $0xffff  }
0x55: {  	v54 =	vor.u32 v6, v46;
	v26 =	vld.idx.msk [tilespmem:v50+s13+$0x0], $0xffff  }
0x56: {  	v55 =	vor.u32 $0x5, v45;
	v18 =	vld.idx.msk [tilespmem:v18+s14+$0x0], $0xffff  }
0x57: {  	v56 =	vor.u32 v7, v46;
	v27 =	vld.idx.msk [tilespmem:v51+s14+$0x0], $0xffff;
	v19 =	vmul.f32 v19, v10  }
0x58: {  	v58 =	vor.u32 $0x6, v45;
	v57 =	vld.idx.msk [tilespmem:v52+s13+$0x0], $0xffff  }
0x59: {  	v60 =	vor.u32 v8, v46;
	v59 =	vld.idx.msk [tilespmem:v53+s14+$0x0], $0xffff;
	v24 =	vmul.f32 v24, v11;
	v19 =	vmul.f32 v21, v19  }
0x5a: {  	v20 =	vor.u32 $0x7, v45;
	v30 =	vld.idx.msk [tilespmem:v54+s13+$0x0], $0xffff  }
0x5b: {  	v31 =	vld.idx.msk [tilespmem:v55+s14+$0x0], $0xffff;
	v24 =	vmul.f32 v25, v24;
	v19 =	vadd.f32 $0.0e+00, v19;
	v18 =	vmul.f32 v18, v12  }
0x5c: {  	v22 =	vor.u32 v9, v46;
	v62 =	vld.idx.msk [tilespmem:v56+s13+$0x0], $0xffff  }
0x5d: {  	v63 =	vld.idx.msk [tilespmem:v58+s14+$0x0], $0xffff;
	v61 =	vmul.f32 v27, v13;
	v19 =	vadd.f32 v24, v19;
	v18 =	vmul.f32 v26, v18  }
0x5e: {  	v32 =	vld.idx.msk [tilespmem:v60+s13+$0x0], $0xffff  }
0x5f: {  	v20 =	vld.idx.msk [tilespmem:v20+s14+$0x0], $0xffff;
	v28 =	vmul.f32 v59, v14;
	v18 =	vadd.f32 v18, v19;
	v19 =	vmul.f32 v57, v61  }
0x60: {  	v23 =	vld.idx.msk [tilespmem:v44+s12+$0x0], $0xffff  }
0x61: {  	v33 =	vmul.f32 v31, v15;
	v18 =	vadd.f32 v19, v18;
	v19 =	vmul.f32 v30, v28  }
0x62: {  	v34 =	vld.idx.msk [tilespmem:v22+s13+$0x0], $0xffff  }
0x63: {  	v35 =	vmul.f32 v63, v16;
	v18 =	vadd.f32 v19, v18;
	v19 =	vmul.f32 v62, v33  }
0x64: {  	v20 =	vmul.f32 v20, v17  }
0x65: {  	s26 =	sadd.s32 $0xFFFFFFF6, s19;
	v36 =	vshll.u32 v23, $0x3;
	v18 =	vadd.f32 v19, v18;
	v19 =	vmul.f32 v32, v35  }
0x66: {  	v37 =	vor.u32 s26, v2;
	v22 =	vor.u32 v0, v36  }
0x67: {  	v38 =	vshll.u32 v37, $0x4;
	v18 =	vadd.f32 v19, v18;
	v19 =	vmul.f32 v34, v20  }
0x68: {  	v39 =	vshll.u32 v37, $0x6;
	v40 =	vor.u32 $0x1, v38  }
0x69: {  	v41 =	vor.u32 v3, v39;
	v18 =	vadd.f32 v19, v18  }
0x6a: {  	v19 =	vor.u32 v0, v39  }
0x6b: {  	v42 =	vor.u32 v4, v39;
	[tilespmem:v22+s16+$0x0] =	vst.idx.add.f32.msk $0xffff, v18  }
0x6c: {  	v18 =	vor.u32 $0x2, v38;
	v22 =	vld.idx.msk [tilespmem:v38+s14+$0x0], $0xffff  }
0x6d: {  	v43 =	vor.u32 $0x3, v38;
	v24 =	vld.idx.msk [tilespmem:v40+s14+$0x0], $0xffff  }
0x6e: {  	v44 =	vor.u32 v5, v39;
	v25 =	vld.idx.msk [tilespmem:v41+s13+$0x0], $0xffff  }
0x6f: {  	v45 =	vor.u32 $0x4, v38;
	v19 =	vld.idx.msk [tilespmem:v19+s13+$0x0], $0xffff  }
0x70: {  	v46 =	vor.u32 v6, v39;
	v26 =	vld.idx.msk [tilespmem:v42+s13+$0x0], $0xffff  }
0x71: {  	v47 =	vor.u32 $0x5, v38;
	v18 =	vld.idx.msk [tilespmem:v18+s14+$0x0], $0xffff  }
0x72: {  	v48 =	vor.u32 v7, v39;
	v27 =	vld.idx.msk [tilespmem:v43+s14+$0x0], $0xffff;
	v22 =	vmul.f32 v22, v10  }
0x73: {  	v50 =	vor.u32 $0x6, v38;
	v49 =	vld.idx.msk [tilespmem:v44+s13+$0x0], $0xffff  }
0x74: {  	v52 =	vor.u32 v8, v39;
	v51 =	vld.idx.msk [tilespmem:v45+s14+$0x0], $0xffff;
	v24 =	vmul.f32 v24, v11;
	v19 =	vmul.f32 v19, v22  }
0x75: {  	v20 =	vor.u32 $0x7, v38;
	v30 =	vld.idx.msk [tilespmem:v46+s13+$0x0], $0xffff  }
0x76: {  	v31 =	vld.idx.msk [tilespmem:v47+s14+$0x0], $0xffff;
	v24 =	vmul.f32 v25, v24;
	v19 =	vadd.f32 $0.0e+00, v19;
	v18 =	vmul.f32 v18, v12  }
0x77: {  	v21 =	vor.u32 v9, v39;
	v54 =	vld.idx.msk [tilespmem:v48+s13+$0x0], $0xffff  }
0x78: {  	v55 =	vld.idx.msk [tilespmem:v50+s14+$0x0], $0xffff;
	v53 =	vmul.f32 v27, v13;
	v19 =	vadd.f32 v24, v19;
	v18 =	vmul.f32 v26, v18  }
0x79: {  	v57 =	vld.idx.msk [tilespmem:v52+s13+$0x0], $0xffff  }
0x7a: {  	v20 =	vld.idx.msk [tilespmem:v20+s14+$0x0], $0xffff;
	v56 =	vmul.f32 v51, v14;
	v18 =	vadd.f32 v18, v19;
	v19 =	vmul.f32 v49, v53  }
0x7b: {  	v23 =	vld.idx.msk [tilespmem:v37+s12+$0x0], $0xffff  }
0x7c: {  	v58 =	vmul.f32 v31, v15;
	v18 =	vadd.f32 v19, v18;
	v19 =	vmul.f32 v30, v56  }
0x7d: {  	v21 =	vld.idx.msk [tilespmem:v21+s13+$0x0], $0xffff  }
0x7e: {  	v59 =	vmul.f32 v55, v16;
	v18 =	vadd.f32 v19, v18;
	v19 =	vmul.f32 v54, v58  }
0x7f: {  	v20 =	vmul.f32 v20, v17  }
0x80: {  	s28 =	sadd.s32 $0xFFFFFFF8, s19;
	v60 =	vshll.u32 v23, $0x3;
	v18 =	vadd.f32 v19, v18;
	v19 =	vmul.f32 v57, v59  }
0x81: {  	v61 =	vor.u32 s28, v2;
	v22 =	vor.u32 v0, v60  }
0x82: {  	v62 =	vshll.u32 v61, $0x4;
	v18 =	vadd.f32 v19, v18;
	v19 =	vmul.f32 v21, v20  }
0x83: {  	v63 =	vshll.u32 v61, $0x6;
	v35 =	vor.u32 $0x1, v62  }
0x84: {  	v36 =	vor.u32 v3, v63;
	v18 =	vadd.f32 v19, v18  }
0x85: {  	v19 =	vor.u32 v0, v63  }
0x86: {  	v37 =	vor.u32 v4, v63;
	[tilespmem:v22+s16+$0x0] =	vst.idx.add.f32.msk $0xffff, v18  }
0x87: {  	v18 =	vor.u32 $0x2, v62;
	v22 =	vld.idx.msk [tilespmem:v62+s14+$0x0], $0xffff  }
0x88: {  	v38 =	vor.u32 $0x3, v62;
	v24 =	vld.idx.msk [tilespmem:v35+s14+$0x0], $0xffff  }
0x89: {  	v39 =	vor.u32 v5, v63;
	v25 =	vld.idx.msk [tilespmem:v36+s13+$0x0], $0xffff  }
0x8a: {  	v40 =	vor.u32 $0x4, v62;
	v19 =	vld.idx.msk [tilespmem:v19+s13+$0x0], $0xffff  }
0x8b: {  	v41 =	vor.u32 v6, v63;
	v26 =	vld.idx.msk [tilespmem:v37+s13+$0x0], $0xffff  }
0x8c: {  	v42 =	vor.u32 $0x5, v62;
	v18 =	vld.idx.msk [tilespmem:v18+s14+$0x0], $0xffff  }
0x8d: {  	v43 =	vor.u32 v7, v63;
	v27 =	vld.idx.msk [tilespmem:v38+s14+$0x0], $0xffff;
	v22 =	vmul.f32 v22, v10  }
0x8e: {  	v45 =	vor.u32 $0x6, v62;
	v44 =	vld.idx.msk [tilespmem:v39+s13+$0x0], $0xffff  }
0x8f: {  	v47 =	vor.u32 v8, v63;
	v46 =	vld.idx.msk [tilespmem:v40+s14+$0x0], $0xffff;
	v24 =	vmul.f32 v24, v11;
	v19 =	vmul.f32 v19, v22  }
0x90: {  	v20 =	vor.u32 $0x7, v62;
	v30 =	vld.idx.msk [tilespmem:v41+s13+$0x0], $0xffff  }
0x91: {  	v31 =	vld.idx.msk [tilespmem:v42+s14+$0x0], $0xffff;
	v24 =	vmul.f32 v25, v24;
	v19 =	vadd.f32 $0.0e+00, v19;
	v18 =	vmul.f32 v18, v12  }
0x92: {  	v21 =	vor.u32 v9, v63;
	v49 =	vld.idx.msk [tilespmem:v43+s13+$0x0], $0xffff  }
0x93: {  	v50 =	vld.idx.msk [tilespmem:v45+s14+$0x0], $0xffff;
	v48 =	vmul.f32 v27, v13;
	v19 =	vadd.f32 v24, v19;
	v18 =	vmul.f32 v26, v18  }
0x94: {  	v52 =	vld.idx.msk [tilespmem:v47+s13+$0x0], $0xffff  }
0x95: {  	v20 =	vld.idx.msk [tilespmem:v20+s14+$0x0], $0xffff;
	v51 =	vmul.f32 v46, v14;
	v18 =	vadd.f32 v18, v19;
	v19 =	vmul.f32 v44, v48  }
0x96: {  	v23 =	vld.idx.msk [tilespmem:v61+s12+$0x0], $0xffff  }
0x97: {  	v53 =	vmul.f32 v31, v15;
	v18 =	vadd.f32 v19, v18;
	v19 =	vmul.f32 v30, v51  }
0x98: {  	v21 =	vld.idx.msk [tilespmem:v21+s13+$0x0], $0xffff  }
0x99: {  	v54 =	vmul.f32 v50, v16;
	v18 =	vadd.f32 v19, v18;
	v19 =	vmul.f32 v49, v53  }
0x9a: {  	v20 =	vmul.f32 v20, v17  }
0x9b: {  	s29 =	sadd.s32 $0xFFFFFFFA, s19;
	v55 =	vshll.u32 v23, $0x3;
	v18 =	vadd.f32 v19, v18;
	v19 =	vmul.f32 v52, v54  }
0x9c: {  	v56 =	vor.u32 s29, v2;
	v22 =	vor.u32 v0, v55  }
0x9d: {  	v57 =	vshll.u32 v56, $0x4;
	v18 =	vadd.f32 v19, v18;
	v19 =	vmul.f32 v21, v20  }
0x9e: {  	v58 =	vshll.u32 v56, $0x6;
	v59 =	vor.u32 $0x1, v57  }
0x9f: {  	v60 =	vor.u32 v3, v58;
	v18 =	vadd.f32 v19, v18  }
0xa0: {  	v19 =	vor.u32 v0, v58  }
0xa1: {  	v61 =	vor.u32 v4, v58;
	[tilespmem:v22+s16+$0x0] =	vst.idx.add.f32.msk $0xffff, v18  }
0xa2: {  	v18 =	vor.u32 $0x2, v57;
	v22 =	vld.idx.msk [tilespmem:v57+s14+$0x0], $0xffff  }
0xa3: {  	v62 =	vor.u32 $0x3, v57;
	v24 =	vld.idx.msk [tilespmem:v59+s14+$0x0], $0xffff  }
0xa4: {  	v63 =	vor.u32 v5, v58;
	v25 =	vld.idx.msk [tilespmem:v60+s13+$0x0], $0xffff  }
0xa5: {  	v36 =	vor.u32 $0x4, v57;
	v19 =	vld.idx.msk [tilespmem:v19+s13+$0x0], $0xffff  }
0xa6: {  	v37 =	vor.u32 v6, v58;
	v26 =	vld.idx.msk [tilespmem:v61+s13+$0x0], $0xffff  }
0xa7: {  	v38 =	vor.u32 $0x5, v57;
	v18 =	vld.idx.msk [tilespmem:v18+s14+$0x0], $0xffff  }
0xa8: {  	v39 =	vor.u32 v7, v58;
	v27 =	vld.idx.msk [tilespmem:v62+s14+$0x0], $0xffff;
	v22 =	vmul.f32 v22, v10  }
0xa9: {  	v41 =	vor.u32 $0x6, v57;
	v40 =	vld.idx.msk [tilespmem:v63+s13+$0x0], $0xffff  }
0xaa: {  	v43 =	vor.u32 v8, v58;
	v42 =	vld.idx.msk [tilespmem:v36+s14+$0x0], $0xffff;
	v24 =	vmul.f32 v24, v11;
	v19 =	vmul.f32 v19, v22  }
0xab: {  	v20 =	vor.u32 $0x7, v57;
	v30 =	vld.idx.msk [tilespmem:v37+s13+$0x0], $0xffff  }
0xac: {  	v31 =	vld.idx.msk [tilespmem:v38+s14+$0x0], $0xffff;
	v24 =	vmul.f32 v25, v24;
	v19 =	vadd.f32 $0.0e+00, v19;
	v18 =	vmul.f32 v18, v12  }
0xad: {  	v21 =	vor.u32 v9, v58;
	v45 =	vld.idx.msk [tilespmem:v39+s13+$0x0], $0xffff  }
0xae: {  	v46 =	vld.idx.msk [tilespmem:v41+s14+$0x0], $0xffff;
	v44 =	vmul.f32 v27, v13;
	v19 =	vadd.f32 v24, v19;
	v18 =	vmul.f32 v26, v18  }
0xaf: {  	v48 =	vld.idx.msk [tilespmem:v43+s13+$0x0], $0xffff  }
0xb0: {  	v20 =	vld.idx.msk [tilespmem:v20+s14+$0x0], $0xffff;
	v47 =	vmul.f32 v42, v14;
	v18 =	vadd.f32 v18, v19;
	v19 =	vmul.f32 v40, v44  }
0xb1: {  	v23 =	vld.idx.msk [tilespmem:v56+s12+$0x0], $0xffff  }
0xb2: {  	v49 =	vmul.f32 v31, v15;
	v18 =	vadd.f32 v19, v18;
	v19 =	vmul.f32 v30, v47  }
0xb3: {  	v21 =	vld.idx.msk [tilespmem:v21+s13+$0x0], $0xffff  }
0xb4: {  	v50 =	vmul.f32 v46, v16;
	v18 =	vadd.f32 v19, v18;
	v19 =	vmul.f32 v45, v49  }
0xb5: {  	v20 =	vmul.f32 v20, v17  }
0xb6: {  	s30 =	sadd.s32 $0xFFFFFFFC, s19;
	v51 =	vshll.u32 v23, $0x3;
	v18 =	vadd.f32 v19, v18;
	v19 =	vmul.f32 v48, v50  }
0xb7: {  	v52 =	vor.u32 s30, v2;
	v22 =	vor.u32 v0, v51  }
0xb8: {  	v53 =	vshll.u32 v52, $0x4;
	v18 =	vadd.f32 v19, v18;
	v19 =	vmul.f32 v21, v20  }
0xb9: {  	v54 =	vshll.u32 v52, $0x6;
	v55 =	vor.u32 $0x1, v53  }
0xba: {  	v56 =	vor.u32 v3, v54;
	v18 =	vadd.f32 v19, v18  }
0xbb: {  	v19 =	vor.u32 v0, v54  }
0xbc: {  	v57 =	vor.u32 v4, v54;
	[tilespmem:v22+s16+$0x0] =	vst.idx.add.f32.msk $0xffff, v18  }
0xbd: {  	v18 =	vor.u32 $0x2, v53;
	v22 =	vld.idx.msk [tilespmem:v53+s14+$0x0], $0xffff  }
0xbe: {  	v58 =	vor.u32 $0x3, v53;
	v24 =	vld.idx.msk [tilespmem:v55+s14+$0x0], $0xffff  }
0xbf: {  	v59 =	vor.u32 v5, v54;
	v25 =	vld.idx.msk [tilespmem:v56+s13+$0x0], $0xffff  }
0xc0: {  	v60 =	vor.u32 $0x4, v53;
	v19 =	vld.idx.msk [tilespmem:v19+s13+$0x0], $0xffff  }
0xc1: {  	v61 =	vor.u32 v6, v54;
	v26 =	vld.idx.msk [tilespmem:v57+s13+$0x0], $0xffff  }
0xc2: {  	v62 =	vor.u32 $0x5, v53;
	v18 =	vld.idx.msk [tilespmem:v18+s14+$0x0], $0xffff  }
0xc3: {  	v63 =	vor.u32 v7, v54;
	v27 =	vld.idx.msk [tilespmem:v58+s14+$0x0], $0xffff;
	v22 =	vmul.f32 v22, v10  }
0xc4: {  	v36 =	vor.u32 $0x6, v53;
	v35 =	vld.idx.msk [tilespmem:v59+s13+$0x0], $0xffff  }
0xc5: {  	v38 =	vor.u32 v8, v54;
	v37 =	vld.idx.msk [tilespmem:v60+s14+$0x0], $0xffff;
	v24 =	vmul.f32 v24, v11;
	v19 =	vmul.f32 v19, v22  }
0xc6: {  	v20 =	vor.u32 $0x7, v53;
	v30 =	vld.idx.msk [tilespmem:v61+s13+$0x0], $0xffff  }
0xc7: {  	v31 =	vld.idx.msk [tilespmem:v62+s14+$0x0], $0xffff;
	v24 =	vmul.f32 v25, v24;
	v19 =	vadd.f32 $0.0e+00, v19;
	v18 =	vmul.f32 v18, v12  }
0xc8: {  	v21 =	vor.u32 v9, v54;
	v40 =	vld.idx.msk [tilespmem:v63+s13+$0x0], $0xffff  }
0xc9: {  	v41 =	vld.idx.msk [tilespmem:v36+s14+$0x0], $0xffff;
	v39 =	vmul.f32 v27, v13;
	v19 =	vadd.f32 v24, v19;
	v18 =	vmul.f32 v26, v18  }
0xca: {  	v43 =	vld.idx.msk [tilespmem:v38+s13+$0x0], $0xffff  }
0xcb: {  	v20 =	vld.idx.msk [tilespmem:v20+s14+$0x0], $0xffff;
	v42 =	vmul.f32 v37, v14;
	v18 =	vadd.f32 v18, v19;
	v19 =	vmul.f32 v35, v39  }
0xcc: {  	v23 =	vld.idx.msk [tilespmem:v52+s12+$0x0], $0xffff  }
0xcd: {  	v44 =	vmul.f32 v31, v15;
	v18 =	vadd.f32 v19, v18;
	v19 =	vmul.f32 v30, v42  }
0xce: {  	v21 =	vld.idx.msk [tilespmem:v21+s13+$0x0], $0xffff  }
0xcf: {  	v45 =	vmul.f32 v41, v16;
	v18 =	vadd.f32 v19, v18;
	v19 =	vmul.f32 v40, v44  }
0xd0: {  	v20 =	vmul.f32 v20, v17  }
0xd1: {  	s31 =	sadd.s32 $0xFFFFFFFE, s19;
	v46 =	vshll.u32 v23, $0x3;
	v18 =	vadd.f32 v19, v18;
	v19 =	vmul.f32 v43, v45  }
0xd2: {  	v47 =	vor.u32 s31, v2;
	v22 =	vor.u32 v0, v46  }
0xd3: {  	v48 =	vshll.u32 v47, $0x4;
	v18 =	vadd.f32 v19, v18;
	v19 =	vmul.f32 v21, v20  }
0xd4: {  	v49 =	vshll.u32 v47, $0x6;
	v50 =	vor.u32 $0x1, v48  }
0xd5: {  	v51 =	vor.u32 v3, v49;
	v18 =	vadd.f32 v19, v18  }
0xd6: {  	v19 =	vor.u32 v0, v49  }
0xd7: {  	v52 =	vor.u32 v4, v49;
	[tilespmem:v22+s16+$0x0] =	vst.idx.add.f32.msk $0xffff, v18  }
0xd8: {  	v18 =	vor.u32 $0x2, v48;
	v22 =	vld.idx.msk [tilespmem:v48+s14+$0x0], $0xffff  }
0xd9: {  	v53 =	vor.u32 $0x3, v48;
	v24 =	vld.idx.msk [tilespmem:v50+s14+$0x0], $0xffff  }
0xda: {  	v54 =	vor.u32 v5, v49;
	v25 =	vld.idx.msk [tilespmem:v51+s13+$0x0], $0xffff  }
0xdb: {  	v55 =	vor.u32 $0x4, v48;
	v19 =	vld.idx.msk [tilespmem:v19+s13+$0x0], $0xffff  }
0xdc: {  	v56 =	vor.u32 v6, v49;
	v26 =	vld.idx.msk [tilespmem:v52+s13+$0x0], $0xffff  }
0xdd: {  	v57 =	vor.u32 $0x5, v48;
	v18 =	vld.idx.msk [tilespmem:v18+s14+$0x0], $0xffff  }
0xde: {  	v58 =	vor.u32 v7, v49;
	v27 =	vld.idx.msk [tilespmem:v53+s14+$0x0], $0xffff;
	v22 =	vmul.f32 v22, v10  }
0xdf: {  	v60 =	vor.u32 $0x6, v48;
	v59 =	vld.idx.msk [tilespmem:v54+s13+$0x0], $0xffff  }
0xe0: {  	v62 =	vor.u32 v8, v49;
	v61 =	vld.idx.msk [tilespmem:v55+s14+$0x0], $0xffff;
	v24 =	vmul.f32 v24, v11;
	v19 =	vmul.f32 v19, v22  }
0xe1: {  	v20 =	vor.u32 $0x7, v48;
	v30 =	vld.idx.msk [tilespmem:v56+s13+$0x0], $0xffff  }
0xe2: {  	v31 =	vld.idx.msk [tilespmem:v57+s14+$0x0], $0xffff;
	v24 =	vmul.f32 v25, v24;
	v19 =	vadd.f32 $0.0e+00, v19;
	v18 =	vmul.f32 v18, v12  }
0xe3: {  	v21 =	vor.u32 v9, v49;
	v33 =	vld.idx.msk [tilespmem:v58+s13+$0x0], $0xffff  }
0xe4: {  	v34 =	vld.idx.msk [tilespmem:v60+s14+$0x0], $0xffff;
	v63 =	vmul.f32 v27, v13;
	v19 =	vadd.f32 v24, v19;
	v18 =	vmul.f32 v26, v18  }
0xe5: {  	v36 =	vld.idx.msk [tilespmem:v62+s13+$0x0], $0xffff  }
0xe6: {  	v20 =	vld.idx.msk [tilespmem:v20+s14+$0x0], $0xffff;
	v35 =	vmul.f32 v61, v14;
	v18 =	vadd.f32 v18, v19;
	v19 =	vmul.f32 v59, v63  }
0xe7: {  	v23 =	vld.idx.msk [tilespmem:v47+s12+$0x0], $0xffff  }
0xe8: {  	v37 =	vmul.f32 v31, v15;
	v18 =	vadd.f32 v19, v18;
	v19 =	vmul.f32 v30, v35  }
0xe9: {  	v21 =	vld.idx.msk [tilespmem:v21+s13+$0x0], $0xffff  }
0xea: {  	v38 =	vmul.f32 v34, v16;
	v18 =	vadd.f32 v19, v18;
	v19 =	vmul.f32 v33, v37  }
0xeb: {  	v20 =	vmul.f32 v20, v17  }
0xec: {  	v39 =	vshll.u32 v23, $0x3;
	v18 =	vadd.f32 v19, v18;
	v19 =	vmul.f32 v36, v38  }
0xed: {  	v40 =	vor.u32 s19, v2;
	v22 =	vor.u32 v0, v39  }
0xee: {  	v41 =	vshll.u32 v40, $0x4;
	v18 =	vadd.f32 v19, v18;
	v19 =	vmul.f32 v21, v20  }
0xef: {  	v42 =	vshll.u32 v40, $0x6;
	v43 =	vor.u32 $0x1, v41  }
0xf0: {  	v44 =	vor.u32 v3, v42;
	v18 =	vadd.f32 v19, v18  }
0xf1: {  	v19 =	vor.u32 v0, v42  }
0xf2: {  	v45 =	vor.u32 v4, v42;
	[tilespmem:v22+s16+$0x0] =	vst.idx.add.f32.msk $0xffff, v18  }
0xf3: {  	v18 =	vor.u32 $0x2, v41;
	v22 =	vld.idx.msk [tilespmem:v41+s14+$0x0], $0xffff  }
0xf4: {  	v46 =	vor.u32 $0x3, v41;
	v24 =	vld.idx.msk [tilespmem:v43+s14+$0x0], $0xffff  }
0xf5: {  	v47 =	vor.u32 v5, v42;
	v25 =	vld.idx.msk [tilespmem:v44+s13+$0x0], $0xffff  }
0xf6: {  	v48 =	vor.u32 $0x4, v41;
	v19 =	vld.idx.msk [tilespmem:v19+s13+$0x0], $0xffff  }
0xf7: {  	v49 =	vor.u32 v6, v42;
	v26 =	vld.idx.msk [tilespmem:v45+s13+$0x0], $0xffff  }
0xf8: {  	v50 =	vor.u32 $0x5, v41;
	v18 =	vld.idx.msk [tilespmem:v18+s14+$0x0], $0xffff  }
0xf9: {  	v51 =	vor.u32 v7, v42;
	v27 =	vld.idx.msk [tilespmem:v46+s14+$0x0], $0xffff;
	v22 =	vmul.f32 v22, v10  }
0xfa: {  	v53 =	vor.u32 $0x6, v41;
	v52 =	vld.idx.msk [tilespmem:v47+s13+$0x0], $0xffff  }
0xfb: {  	v55 =	vor.u32 v8, v42;
	v54 =	vld.idx.msk [tilespmem:v48+s14+$0x0], $0xffff;
	v24 =	vmul.f32 v24, v11;
	v19 =	vmul.f32 v19, v22  }
0xfc: {  	v20 =	vor.u32 $0x7, v41;
	v30 =	vld.idx.msk [tilespmem:v49+s13+$0x0], $0xffff  }
0xfd: {  	v31 =	vld.idx.msk [tilespmem:v50+s14+$0x0], $0xffff;
	v24 =	vmul.f32 v25, v24;
	v19 =	vadd.f32 $0.0e+00, v19;
	v18 =	vmul.f32 v18, v12  }
0xfe: {  	v21 =	vor.u32 v9, v42;
	v57 =	vld.idx.msk [tilespmem:v51+s13+$0x0], $0xffff  }
0xff: {  	v58 =	vld.idx.msk [tilespmem:v53+s14+$0x0], $0xffff;
	v56 =	vmul.f32 v27, v13;
	v19 =	vadd.f32 v24, v19;
	v18 =	vmul.f32 v26, v18  }
0x100: {  	v60 =	vld.idx.msk [tilespmem:v55+s13+$0x0], $0xffff  }
0x101: {  	v20 =	vld.idx.msk [tilespmem:v20+s14+$0x0], $0xffff;
	v59 =	vmul.f32 v54, v14;
	v18 =	vadd.f32 v18, v19;
	v19 =	vmul.f32 v52, v56  }
0x102: {  	v23 =	vld.idx.msk [tilespmem:v40+s12+$0x0], $0xffff  }
0x103: {  	v61 =	vmul.f32 v31, v15;
	v18 =	vadd.f32 v19, v18;
	v19 =	vmul.f32 v30, v59  }
0x104: {  	v21 =	vld.idx.msk [tilespmem:v21+s13+$0x0], $0xffff  }
0x105: {  	v62 =	vmul.f32 v58, v16;
	v18 =	vadd.f32 v19, v18;
	v19 =	vmul.f32 v57, v61  }
0x106: {  	v20 =	vmul.f32 v20, v17  }
0x107: {  	v63 =	vshll.u32 v23, $0x3;
	v18 =	vadd.f32 v19, v18;
	v19 =	vmul.f32 v60, v62  }
0x108: {  	p0 =	sne.s32 s19, $0xFE;
	v22 =	vor.u32 v0, v63  }
.Ltmp1:
0x109: {  	v18 =	vadd.f32 v19, v18;
	v19 =	vmul.f32 v21, v20;
	(pc) =	sbr.rel @p0 .LBB2_5-.Ltmp1, $3  }
0x10a: {  	_ = 	snop  }
0x10b: {  	v18 =	vadd.f32 v19, v18;
	_ =	sdelay $0x1  }
0x10c: {  	s19 =	sadd.s32 $0x10, s19;
	[tilespmem:v22+s16+$0x0] =	vst.idx.add.f32.msk $0xffff, v18  }
0x10d: {  	s18 =	sadd.s32 $0x1, s18  }
0x10e: {  	p0 =	sne.s32 s18, $0x29A  }
.Ltmp2:
0x10f: {  	_ = 	snop;
	(pc) =	sbr.rel @p0 .LBB2_4-.Ltmp2, $1  }
0x110: {  	_ =	sdelay $0x3  }
0x111: {  	s17 =	sadd.s32 $0x1, s17  }
0x112: {  	p0 =	sne.s32 s17, s9  }
.Ltmp3:
0x113: {  	_ = 	snop;
	(pc) =	sbr.rel @p0 .LBB2_1-.Ltmp3, $4  }
0x114: {  	[hbm4b:s8+s3] =	stream.linear.scatter [tilespmem:s16], [sflag:$0x2], $0x13880, $0x38;
	[tilespmem:$0x18B00] =	vst v63  }
0x115: {  	_ =	swait.ge [sflag:s11], $0x13880  }
0x116: {  	[sflag:s11] =	ssyncset.done $0x0  }
0x117: {  	[sflag:s11] =	ssyncadd.s32 $0xFFFEC780  }
0x118: {  	_ =	sfence.sel $0x180000  }
0x119: {  	[bflag:$0x0] =	sbarrier.arrive $0xFFFF  }
0x11a: {  	p0 =	sne.s32 s1, $0x0;
	_ =	strace $0x90000053  }
0x11b: {  	s0 =	sadd.s32 @!p0 $0x100000, s0;
	[bflag:$0x2] =	sbarrier.arrive $0xFFFF  }
0x11c: {  	[sflag:s0] =	ssyncadd.tile.s32 @!p0 $0x1;
	_ =	shalt  }
.Lfunc_end2:
_tile_overlayer_lowered:
.L_overlay_start_2:
0x11d: {  	(tag) =	ssettag $0x2  }
0x11e: {  	s0 =	rddreg [dreg:$0x0];
	s2 =	stileid.u32  }
0x11f: {  	s1 =	rddreg [dreg:$0x1];
	p0 =	sne.s32 s2, $0x0  }
0x120: {  	s3 =	rddreg [dreg:$0x2];
	[bflag:$0x3] =	sbarrier.arrive $0xFFFF;
	s2 =	simm.s32 @!p0 $0x1C02  }
0x121: {  	[timem:s3], [sflag:s2] =	dma.local @!p0 [hbm:s0], s1  }
0x122: {  	s0 =	simm.s32 @!p0 $0x2  }
0x123: {  	_ =	swait.ge @!p0 [sflag:s0], s1  }
0x124: {  	s1 =	ssub.s32 @!p0 $0x0, s1;
	[sflag:s0] =	ssyncset.done @!p0 $0x0  }
0x125: {  	[sflag:s0] =	ssyncadd.s32 @!p0 s1  }
0x126: {  	[bflag:$0x3] =	sbarrier.arrive $0xFFFF  }
0x127: {  	_ =	shalt  }

// kernel: kernel.7.cloned.1.call-start
scs
__scs_entry_jumppad:
0x0: {  	(pc) =	sbr.rel $0x88, $3  }
0x1: {  	(tag) =	ssettag $0x0;
	lr =	simm.s32 $0x1  }
0x2: {  	[smem:$0x3F97] =	sst lr;
	_ =	strace $0xD0000000  }
0x3: {  	_ = 	snop  }
0x4: {  	_ = 	snop  }
0x5: {  	_ = 	snop  }
0x6: {  	_ = 	snop  }
0x7: {  	_ = 	snop  }
__scs_overlays_trampoline_lowered:
0x8: {  	[smem:$0x3FA6] =	sst s0  }
0x9: {  	[smem:$0x3FA7] =	sst s1  }
0xa: {  	[smem:$0x3FA8] =	sst s2  }
0xb: {  	[smem:$0x3FA9] =	sst s3  }
0xc: {  	[smem:$0x3FAA] =	sst s4  }
0xd: {  	[smem:$0x3FAB] =	sst s5  }
0xe: {  	[smem:$0x3FAC] =	sst s6  }
0xf: {  	[smem:$0x3FAD] =	sst s7  }
0x10: {  	[smem:$0x3FAE] =	sst s8  }
0x11: {  	[smem:$0x3FAF] =	sst s9;
	s0 =	simm.s32 @!p0 $0x0  }
0x12: {  	s1 =	sld [smem:$0x3F95];
	s0 =	simm.s32 @p0 $0x1  }
0x13: {  	[smem:$0x3FB0] =	sst s0;
	s0 =	simm.s32 @!p1 $0x0  }
0x14: {  	s2 =	sld [smem:$0x3F94];
	s0 =	simm.s32 @p1 $0x1  }
0x15: {  	[smem:$0x3FB1] =	sst s0;
	s0 =	simm.s32 @!p2 $0x0  }
0x16: {  	s3 =	sld [smem:$0x3FDB];
	s0 =	simm.s32 @p2 $0x1  }
0x17: {  	s4 =	simm.s32 $0x1BF5;
	[smem:$0x3FB3] =	sst s0  }
0x18: {  	s0 =	sld [smem:$0x3F96];
	_ =	swait.ge [sflag:s4], $0x0  }
0x19: {  	s7 =	sld [smem:$0x3F97]  }
0x1a: {  	s8 =	sadd.s32 $0xFFFFE003, lr  }
0x1b: {  	s9 =	sadd.s32 $0xFFFFFEF7, lr;
	s5 =	simm.s32 $0xFFFFFFFF;
	p2 =	slt.u32 s8, $0xFFFFF086  }
0x1c: {  	p1 =	slt.u32 s9, $0xF7A;
	s5 =	simm.s32 @!p2 $0x0  }
0x1d: {  	s5 =	simm.s32 @p1 $0x1;
	p0 =	seq.s32 s7, s2  }
0x1e: {  	s7 =	smul.u32 @!p0 $0xF7A, s2;
	p2 =	seq.s32 @!p0 s5, $0x0  }
0x1f: {  	s9 =	smul.u32 $0xF7A, s1;
	s8 =	simm.s32 @!p0 $0x1BF5;
	p2 =	por !p2, p0  }
0x20: {  	[sflag:s8] =	ssyncset.s32 @!p0 $0xFFFFF086;
	s6 =	sadd.s32 @!p0 s3, s7;
	s7 =	simm.s32 @!p0 $0x108  }
0x21: {  	s3 =	sadd.s32 s3, s9;
	s6 =	sadd.s32 @!p0 $0x88, s6;
	s7 =	simm.s32 @p2 $0x1082  }
0x22: {  	[simem:s7], [sflag:s8] =	dma.local @!p0 [hbm:s6], $0xF7A  }
0x23: {  	s9 =	sor.u32 $0xD0000000, s2;
	s6 =	simm.s32 $0x108;
	_ =	swait.ge @!p0 [sflag:s8], $0x0  }
0x24: {  	s3 =	sadd.s32 $0x88, s3;
	s6 =	simm.s32 @!p1 $0x1082;
	[sflag:s4] =	ssyncset.s32 $0xFFFFF086  }
0x25: {  	[simem:s6], [sflag:s4] =	dma.local [hbm:s3], $0xF7A  }
0x26: {  	[smem:$0x3F97] =	sst s1;
	(tag) =	ssettag s2;
	_ =	strace s9  }
0x27: {  	s1 =	sld [smem:$0x3FA7]  }
0x28: {  	s2 =	sld [smem:$0x3FA8]  }
0x29: {  	s4 =	sld [smem:$0x3FAA]  }
0x2a: {  	p0 =	seq.s32 s5, $0x0;
	s5 =	sld [smem:$0x3FAB]  }
0x2b: {  	s6 =	sld [smem:$0x3FAC]  }
0x2c: {  	s7 =	sld [smem:$0x3FAD]  }
0x2d: {  	s3 =	simm.s32 $0x108;
	s8 =	sld [smem:$0x3FAE]  }
0x2e: {  	s3 =	simm.s32 @!p0 $0x1082;
	s9 =	sld [smem:$0x3FAF]  }
0x2f: {  	lr =	sadd.s32 s0, s3;
	s0 =	sld [smem:$0x3FA6]  }
0x30: {  	s3 =	sld [smem:$0x3FA9]  }
0x31: {  	[smem:$0x3FB2] =	sst s10  }
0x32: {  	s10 =	sld [smem:$0x3FB0];
	_ =	sdelay $0x3  }
0x33: {  	p0 =	seq.s32 s10, $0x1;
	s10 =	sld [smem:$0x3FB2];
	_ =	sdelay $0x3  }
0x34: {  	[smem:$0x3FB2] =	sst s10  }
0x35: {  	s10 =	sld [smem:$0x3FB1];
	_ =	sdelay $0x3  }
0x36: {  	p1 =	seq.s32 s10, $0x1;
	s10 =	sld [smem:$0x3FB2];
	_ =	sdelay $0x3  }
0x37: {  	[smem:$0x3FB2] =	sst s10  }
0x38: {  	s10 =	sld [smem:$0x3FB3]  }
0x39: {  	_ = 	snop;
	(pc) =	sbr.ind lr, $3  }
0x3a: {  	_ = 	snop  }
0x3b: {  	_ = 	snop  }
0x3c: {  	p2 =	seq.s32 s10, $0x1;
	s10 =	sld [smem:$0x3FB2]  }
0x3d: {  	_ =	shalt  }
0x3e: {  	_ =	shalt  }
0x3f: {  	_ =	shalt  }
0x40: {  	_ =	shalt  }
0x41: {  	_ =	shalt  }
0x42: {  	_ =	shalt  }
0x43: {  	_ =	shalt  }
0x44: {  	_ =	shalt  }
0x45: {  	_ =	shalt  }
0x46: {  	_ =	shalt  }
0x47: {  	_ =	shalt  }
0x48: {  	_ =	shalt  }
0x49: {  	_ =	shalt  }
0x4a: {  	_ =	shalt  }
0x4b: {  	_ =	shalt  }
0x4c: {  	_ =	shalt  }
0x4d: {  	_ =	shalt  }
0x4e: {  	_ =	shalt  }
0x4f: {  	_ =	shalt  }
0x50: {  	_ =	shalt  }
0x51: {  	_ =	shalt  }
0x52: {  	_ =	shalt  }
0x53: {  	_ =	shalt  }
0x54: {  	_ =	shalt  }
0x55: {  	_ =	shalt  }
0x56: {  	_ =	shalt  }
0x57: {  	_ =	shalt  }
0x58: {  	_ =	shalt  }
0x59: {  	_ =	shalt  }
0x5a: {  	_ =	shalt  }
0x5b: {  	_ =	shalt  }
0x5c: {  	_ =	shalt  }
0x5d: {  	_ =	shalt  }
0x5e: {  	_ =	shalt  }
0x5f: {  	_ =	shalt  }
0x60: {  	_ =	shalt  }
0x61: {  	_ =	shalt  }
0x62: {  	_ =	shalt  }
0x63: {  	_ =	shalt  }
0x64: {  	_ =	shalt  }
0x65: {  	_ =	shalt  }
0x66: {  	_ =	shalt  }
0x67: {  	_ =	shalt  }
0x68: {  	_ =	shalt  }
0x69: {  	_ =	shalt  }
0x6a: {  	_ =	shalt  }
0x6b: {  	_ =	shalt  }
0x6c: {  	_ =	shalt  }
0x6d: {  	_ =	shalt  }
0x6e: {  	_ =	shalt  }
0x6f: {  	_ =	shalt  }
0x70: {  	_ =	shalt  }
0x71: {  	_ =	shalt  }
0x72: {  	_ =	shalt  }
0x73: {  	_ =	shalt  }
0x74: {  	_ =	shalt  }
0x75: {  	_ =	shalt  }
0x76: {  	_ =	shalt  }
0x77: {  	_ =	shalt  }
0x78: {  	_ =	shalt  }
0x79: {  	_ =	shalt  }
0x7a: {  	_ =	shalt  }
0x7b: {  	_ =	shalt  }
0x7c: {  	_ =	shalt  }
0x7d: {  	_ =	shalt  }
0x7e: {  	_ =	shalt  }
0x7f: {  	_ =	shalt  }
0x80: {  	_ =	shalt  }
0x81: {  	_ =	shalt  }
0x82: {  	_ =	shalt  }
0x83: {  	_ =	shalt  }
0x84: {  	_ =	shalt  }
0x85: {  	_ =	shalt  }
0x86: {  	_ =	shalt  }
0x87: {  	_ =	shalt  }
.Lfunc_end0:
.L_simem_size_0:
called_computation.2_lowered:
.L_overlay_start_0:
0x88: {  	s2 =	sld [smem:$0x3FD9]  }
0x89: {  	s3 =	sld [smem:$0x3FFE];
	_ =	sdelay $0x1  }
0x8a: {  	s1 =	srdreg.scid  }
0x8b: {  	s0 =	sand.u32 $0x1, s1  }
0x8c: {  	s17 =	sshll.u32 s0, $0xA;
	s2 =	sadd.s32 s3, s2  }
0x8d: {  	s2 =	sadd.s32 s2, s17  }
0x8e: {  	[smem:$0x3FBE] =	sst s2  }
0x8f: {  	_ = 	snop  }
0x90: {  	s18 =	sld [smem:$0x3FD0];
	(tm) =	ssettm $0x1  }
0x91: {  	s19 =	sld [smem:$0x3FFB];
	_ =	sdelay $0x3  }
0x92: {  	_ =	strace s19  }
0x93: {  	s2 =	sld [smem:$0x3FFC];
	_ =	sdelay $0x3  }
0x94: {  	_ =	strace s2  }
0x95: {  	s2 =	sld [smem:$0x3FFD];
	_ =	sdelay $0x3  }
0x96: {  	_ =	strace s2  }
0x97: {  	_ =	strace $0x8FFFFFFF  }
0x98: {  	s20 =	sld [smem:$0x3FDB];
	_ =	sdelay $0x1  }
0x99: {  	s4 =	simm.s32 $_scs_section_size  }
0x9a: {  	s5 =	simm.s32 $_size__tile_overlayer_lowered;
	s6 =	simm.s32 $_tile_overlayer_lowered  }
0x9b: {  	s7 =	simm.s32 $0x1BFF;
	s21 =	sshll.u32 s6, $0x1;
	s4 =	sadd.s32 s4, s20  }
0x9c: {  	s22 =	simm.s32 $0x0;
	s5 =	sshll.u32 s5, $0x1;
	s6 =	sadd.s32 s21, s4  }
0x9d: {  	[timem:s22], [sflag:s7] =	dma.local [hbm:s6], s5  }
0x9e: {  	_ =	swait.ge [sflag:s7], s5  }
0x9f: {  	s5 =	ssub.s32 $0x0, s5;
	[sflag:s7] =	ssyncset.done $0x0  }
0xa0: {  	[sflag:s7] =	ssyncadd.s32 s5;
	_ =	sdelay $0x1  }
0xa1: {  	s23 =	simm.s32 $0x1B8B  }
0xa2: {  	_ =	swait.ge [sflag:s23], $0x1  }
0xa3: {  	[sflag:s23] =	ssyncset.done $0x0  }
0xa4: {  	[sflag:s23] =	ssyncadd.s32 $0xFFFFFFFF  }
0xa5: {  	s5 =	sld [smem:$0x0]  }
0xa6: {  	s6 =	sand.u32 $0xFFFFFFFE, s1  }
0xa7: {  	p0 =	sne.s32 s1, s6  }
0xa8: {  	s6 =	sshll.u32 @p0 s6, $0xE  }
0xa9: {  	s6 =	sadd.s32 @p0 $0x11B8D, s6;
	s7 =	sshll.u32 @p0 s5, $0x11  }
0xaa: {  	s6 =	sor.u32 @p0 s7, s6  }
0xab: {  	[sflag:s6] =	ssyncadd.remote.s32 @p0 $0x1;
	_ =	sdelay $0x1  }
0xac: {  	s6 =	simm.s32 @p0 $0x1B8D  }
0xad: {  	_ =	swait.eq @p0 [sflag:s6], $0x1  }
0xae: {  	[sflag:s6] =	ssyncadd.s32 @p0 $0xFFFFFFFF  }
0xaf: {  	s7 =	sshll.u32 @!p0 s1, $0xE  }
0xb0: {  	s7 =	sor.u32 @!p0 $0x4000, s7;
	s6 =	simm.s32 @!p0 $0x1B8D  }
0xb1: {  	s5 =	sshll.u32 @!p0 s5, $0x11;
	s7 =	sadd.s32 @!p0 $0x11B8D, s7;
	_ =	swait.eq @!p0 [sflag:s6], $0x1  }
0xb2: {  	s5 =	sor.u32 @!p0 s5, s7;
	[sflag:s6] =	ssyncadd.s32 @!p0 $0xFFFFFFFF  }
0xb3: {  	s25 =	simm.s32 $0x1B8E;
	s24 =	sld [smem:$0x3FFE];
	[sflag:s5] =	ssyncadd.remote.s32 @!p0 $0x1  }
0xb4: {  	s26 =	simm.s32 $execute0_lowered;
	[smem:$0x3FD2] =	sst s25  }
0xb5: {  	s6 =	sshll.u32 s26, $0x1;
	_ =	strace $0x80000049;
	[dreg:$0x1] =	wrdreg $0xFFFFFFFF  }
0xb6: {  	s28 =	simm.s32 $_size_execute0_lowered;
	s4 =	sadd.s32 s4, s6;
	[dreg:$0x0] =	wrdreg $0x0  }
0xb7: {  	s6 =	sshll.u32 s28, $0x1;
	[dreg:$0x2] =	wrdreg s4  }
0xb8: {  	[dreg:$0x3] =	wrdreg s6  }
0xb9: {  	[dreg:$0x4] =	wrdreg $0xC0  }
0xba: {  	_ =	task [dreg:s22], $0x5FFFF  }
0xbb: {  	[dreg:$0x1] =	wrdreg $0xFFFFFFFF  }
0xbc: {  	[dreg:$0x0] =	wrdreg $0x60  }
0xbd: {  	[dreg:$0x2] =	wrdreg s24  }
0xbe: {  	[dreg:$0x3] =	wrdreg s18  }
0xbf: {  	[dreg:$0x4] =	wrdreg $0x4200  }
0xc0: {  	[dreg:$0x5] =	wrdreg $0xA  }
0xc1: {  	_ =	task.clear_ibuf [dreg:s22], $0x6FFFF;
	_ =	strace $0x90000049  }
0xc2: {  	s29 =	simm.s32 $0xA;
	_ =	strace $0x8000004B  }
0xc3: {  	_ =	swait.ge [sflag:s29], $0x1  }
0xc4: {  	[sflag:s29] =	ssyncadd.s32 $0xFFFFFFFF  }
0xc5: {  	_ =	strace $0x9000004B  }
0xc6: {  	_ =	sfence  }
0xc7: {  	s30 =	sld [smem:$0x0];
	_ =	sdelay $0x2  }
0xc8: {  	s31 =	sshll.u32 s1, $0xD;
	s1 =	sshrl.u32 s1, $0x2  }
0xc9: {  	s4 =	sand.u32 $0x4000, s31;
	s1 =	sadd.s32 s1, s30  }
0xca: {  	s0 =	sor.u32 s4, s0;
	s1 =	sshll.u32 s1, $0x11  }
0xcb: {  	s0 =	sor.u32 s1, s0  }
0xcc: {  	s0 =	sadd.s32 $0x8F2B, s0  }
0xcd: {  	[sflag:s0] =	ssyncadd.remote.s32 $0x1  }
0xce: {  	_ =	sfence.sel $0xFFFF  }
0xcf: {  	[dreg:$0x0] =	wrdreg $0xFFFFFFFF;
	(pc) =	sbr.abs _section_cstart, $3  }
0xd0: {  	[dreg:$0x1] =	wrdreg $0xFFFFFFFF  }
0xd1: {  	_ =	task.clear_ibuf [dreg:s22], $0x2FFFF;
	_ =	strace $0x9FFFFFFF  }
0xd2: {  	(tm) =	ssettm $0x7FFFFFFF  }
0xd3: {  	_ =	shalt  }
tec
execute0_lowered:
.L_overlay_start_1:
0x0: {  	(tag) =	ssettag $0x1  }
0x1: {  	v0 =	vimm.s32 $0x13121110;
	v1 =	vimm.s32 $0x17161514;
	v2 =	vimm.s32 $0x76543210  }
0x2: {  	v3 =	vimm.s32 $0x33323130;
	vm0 =	vcmask $0x1F10;
	v4 =	vimm.s32 $0x37363534  }
0x3: {  	v5 =	vimm.s32 $0x23222120;
	v6 =	vimm.s32 $0x27262524;
	v7 =	vimm.s32 $0x77767574  }
0x4: {  	v8 =	vimm.s32 $0x63626160;
	v9 =	vimm.s32 $0x67666564;
	v10 =	vimm.s32 $0x93929190  }
0x5: {  	v11 =	vimm.s32 $0x97969594;
	v12 =	vimm.s32 $0xA7A6A5A4;
	v62 =	vimm.s32 $0xD7D6D5D4  }
0x6: {  	v63 =	vimm.s32 $0xC3C2C1C0;
	v13 =	vimm.s32 $0xC7C6C5C4;
	v14 =	vimm.s32 $0xF3F2F1F0  }
0x7: {  	v15 =	vimm.s32 $0xF7F6F5F4;
	v16 =	vimm.s32 $0xE3E2E1E0;
	v17 =	vimm.s32 $0xE7E6E5E4  }
0x8: {  	v0 =	vunpack.c.0.s8.s32 v0;
	v1 =	vunpack.c.0.s8.s32 v1;
	v2 =	vunpack.c.l.s4.s8 v2  }
0x9: {  	v3 =	vunpack.c.0.s8.s32 v3;
	v4 =	vunpack.c.0.s8.s32 v4;
	v5 =	vunpack.c.0.s8.s32 v5  }
0xa: {  	v6 =	vunpack.c.0.s8.s32 v6;
	v7 =	vunpack.c.0.s8.s32 v7;
	v8 =	vunpack.c.0.s8.s32 v8  }
0xb: {  	v9 =	vunpack.c.0.s8.s32 v9;
	v10 =	vunpack.c.0.s8.s32 v10;
	v11 =	vunpack.c.0.s8.s32 v11  }
0xc: {  	v13 =	vunpack.c.0.s8.s32 v13;
	v14 =	vunpack.c.0.s8.s32 v14;
	v0 =	vsel vm0, v1, v0  }
0xd: {  	v1 =	vunpack.c.0.s8.s32 v2;
	v2 =	vsel vm0, v4, v3;
	v3 =	vsel vm0, v6, v5  }
0xe: {  	v4 =	vimm.s32 $0x53525150;
	v5 =	vimm.s32 $0x47464544;
	v6 =	vimm.s32 $0x73727170  }
0xf: {  	s7 =	rddreg [dreg:$0x0];
	v5 =	vunpack.c.0.s8.s32 v5;
	v0 =	vcombine.low v1, v0;
	v1 =	vcombine.low v3, v2  }
0x10: {  	s0 =	rddreg [dreg:$0x1];
	v2 =	vunpack.c.0.s8.s32 v4;
	v3 =	vimm.s32 $0x57565554;
	v4 =	vimm.s32 $0x43424140  }
0x11: {  	s1 =	rddreg [dreg:$0x2];
	v6 =	vunpack.c.0.s8.s32 v6;
	v3 =	vunpack.c.0.s8.s32 v3;
	v4 =	vunpack.c.0.s8.s32 v4  }
0x12: {  	s2 =	srdreg.scid;
	s13 =	stileid.u32;
	v15 =	vunpack.c.0.s8.s32 v15;
	v16 =	vunpack.c.0.s8.s32 v16;
	v17 =	vunpack.c.0.s8.s32 v17  }
0x13: {  	s15 =	simm.s32 $0x1;
	s18 =	simm.s32 $0x120;
	s4 =	smul.u32 $0x14D0, s13;
	v3 =	vsel vm0, v3, v2;
	v4 =	vsel vm0, v5, v4;
	v5 =	vsel vm0, v7, v6  }
0x14: {  	s19 =	simm.s32 $0x220;
	s20 =	simm.s32 $0x320;
	s12 =	smul.u32 $0x29A0, s13;
	v6 =	vsel vm0, v9, v8;
	v2 =	vsel vm0, v11, v10;
	v7 =	vimm.s32 $0x83828180  }
0x15: {  	s16 =	simm.s32 $0x10;
	s17 =	simm.s32 $0x20;
	s8 =	sand.u32 $0x1, s2;
	v8 =	vimm.s32 $0x87868584;
	v9 =	vimm.s32 $0xB3B2B1B0;
	v10 =	vimm.s32 $0xB7B6B5B4  }
0x16: {  	s21 =	simm.s32 $0x0;
	s5 =	sadd.s32 $0x29A600, s7;
	s3 =	smul.u32 $0x14D00, s8;
	v11 =	vimm.s32 $0xA3A2A1A0;
	v7 =	vunpack.c.0.s8.s32 v7;
	v8 =	vunpack.c.0.s8.s32 v8  }
0x17: {  	s2 =	simm.s32 $0x0;
	s6 =	sadd.s32 $0x29F600, s7;
	s9 =	smul.u32 $0x29A00, s8;
	v9 =	vunpack.c.0.s8.s32 v9;
	v10 =	vunpack.c.0.s8.s32 v10;
	v3 =	vcombine.low v4, v3  }
0x18: {  	[smem:$0x7FF] =	sst s2;
	s10 =	smul.u32 $0x4E20, s8;
	s8 =	ssub.s32 $0x2, s8;
	v7 =	vsel vm0, v8, v7;
	v8 =	vunpack.c.0.s8.s32 v11;
	v11 =	vunpack.c.0.s8.s32 v12  }
0x19: {  	p0 =	sne.s32 s13, $0x0;
	_ =	strace $0x8000004A;
	s28 =	sshrl.u32 s8, $0x1;
	v9 =	vsel vm0, v10, v9;
	v10 =	vimm.s32 $0xD3D2D1D0;
	v12 =	vunpack.c.0.s8.s32 v63  }
0x1a: {  	s3 =	sadd.s32 s4, s3;
	s4 =	sadd.s32 $0xCC00, s7;
	s9 =	sadd.s32 s9, s7;
	v10 =	vunpack.c.0.s8.s32 v10;
	v8 =	vsel vm0, v11, v8;
	v11 =	vunpack.c.0.s8.s32 v62  }
0x1b: {  	s29 =	ssub.s32 s8, s28;
	s0 =	sadd.s32 s0, s10;
	s11 =	sshrl.u32 s3, $0x3;
	v7 =	vcombine.low v7, v2;
	v8 =	vcombine.low v8, v9;
	v9 =	vsel vm0, v13, v12  }
0x1c: {  	s30 =	sadd.s32 s12, s9;
	[dreg:$0x5] =	wrdreg s0;
	s31 =	smax.u32 s29, $0x1;
	v2 =	vsel vm0, v11, v10;
	v10 =	vsel vm0, v15, v14;
	v11 =	vsel vm0, v17, v16  }
0x1d: {  	s14 =	sadd.s32 s11, s7;
	s7 =	sadd.s32 $0x2A4600, s7;
	[dreg:$0x6] =	wrdreg s31;
	v9 =	vcombine.low v9, v2;
	v10 =	vcombine.low v11, v10  }
0x1e: {  	s10 =	sadd.s32 $0x65000, s30;
	s11 =	sadd.s32 $0x11C00, s30;
	[dreg:$0x4] =	wrdreg s7;
	v4 =	vcombine.low v6, v5;
	v5 =	vand.u32 $0xFF, v7;
	v2 =	vimm.f32 $0.0e+00  }
0x1f: {  	s12 =	sadd.s32 $0x7800, s14;
	s13 =	sadd.s32 $0x2400, s14;
	s14 =	sshrl.u32 @!p0 s1, $0x3;
	v6 =	vand.u32 $0xFF, v8;
	v7 =	vand.u32 $0xFF, v9;
	v8 =	vand.u32 $0xFF, v10  }
.LBB2_1:
0x20: {  	s0 =	simm.s32 @!p0 $0x1C01;
	s7 =	rddreg [dreg:$0x4]  }
0x21: {  	[spmem:s14], [sflag:s0] =	dma.local @!p0 [hbm:s7], $0x4E20  }
0x22: {  	s0 =	simm.s32 @!p0 $0x1  }
0x23: {  	_ =	swait.ge @!p0 [sflag:s0], $0x4E20  }
0x24: {  	[sflag:s0] =	ssyncset.done @!p0 $0x0  }
0x25: {  	[sflag:s0] =	ssyncadd.s32 @!p0 $0xFFFFB1E0  }
0x26: {  	[tilespmem:$0x320] =	vst v2  }
0x27: {  	[tilespmem:$0x330] =	vst v2  }
0x28: {  	[tilespmem:$0x340] =	vst v2  }
0x29: {  	[tilespmem:$0x350] =	vst v2  }
0x2a: {  	[tilespmem:$0x360] =	vst v2  }
0x2b: {  	[tilespmem:$0x370] =	vst v2  }
0x2c: {  	[tilespmem:$0x380] =	vst v2  }
0x2d: {  	[tilespmem:$0x390] =	vst v2  }
0x2e: {  	[tilespmem:$0x3A0] =	vst v2  }
0x2f: {  	[tilespmem:$0x3B0] =	vst v2  }
0x30: {  	[tilespmem:$0x3C0] =	vst v2  }
0x31: {  	[tilespmem:$0x3D0] =	vst v2  }
0x32: {  	[tilespmem:$0x3E0] =	vst v2  }
0x33: {  	[tilespmem:$0x3F0] =	vst v2  }
0x34: {  	[tilespmem:$0x400] =	vst v2  }
0x35: {  	[tilespmem:$0x410] =	vst v2  }
0x36: {  	[bflag:$0x0] =	sbarrier.arrive $0xFFFF  }
0x37: {  	[tilespmem:s2], [sflag:$0x1] =	stream.linear.gather [hbm4b:s13+s2], $0x10, $0x38;
	[tilespmem:$0x2B30] =	vst v63  }
0x38: {  	_ =	swait.ge [sflag:s15], $0x10  }
0x39: {  	[sflag:s15] =	ssyncset.done $0x0  }
0x3a: {  	[sflag:s15] =	ssyncadd.s32 $0xFFFFFFF0  }
0x3b: {  	[tilespmem:s16], [sflag:$0x1] =	stream.linear.gather [hbm4b:s12+s2], $0x10, $0x38;
	[tilespmem:$0x2B30] =	vst v63  }
0x3c: {  	_ =	swait.ge [sflag:s15], $0x10  }
0x3d: {  	[sflag:s15] =	ssyncset.done $0x0  }
0x3e: {  	[sflag:s15] =	ssyncadd.s32 $0xFFFFFFF0  }
0x3f: {  	[tilespmem:s17], [sflag:$0x1] =	stream.indirect.gather [hbm4b:s4+s16], $0x10, s2, s16, $0xb8;
	[tilespmem:$0x2B30] =	vst v63  }
0x40: {  	_ =	swait.ge [sflag:s15], $0x100  }
0x41: {  	[sflag:s15] =	ssyncset.done $0x0  }
0x42: {  	[sflag:s15] =	ssyncadd.s32 $0xFFFFFF00  }
0x43: {  	[tilespmem:s18], [sflag:$0x1] =	stream.indirect.gather [hbm4b:s5+s16], $0x10, s16, s16, $0xb8;
	[tilespmem:$0x2B30] =	vst v63  }
0x44: {  	_ =	swait.ge [sflag:s15], $0x100  }
0x45: {  	[sflag:s15] =	ssyncset.done $0x0  }
0x46: {  	[sflag:s15] =	ssyncadd.s32 $0xFFFFFF00  }
0x47: {  	[tilespmem:s19], [sflag:$0x1] =	stream.indirect.gather [hbm4b:s6+s16], $0x10, s2, s16, $0xb8;
	[tilespmem:$0x2B30] =	vst v63  }
0x48: {  	_ =	swait.ge [sflag:s15], $0x100  }
0x49: {  	[sflag:s15] =	ssyncset.done $0x0  }
0x4a: {  	[sflag:s15] =	ssyncadd.s32 $0xFFFFFF00  }
0x4b: {  	v9 =	vld.idx.msk [tilespmem:v0+s17+$0x0], $0xffff  }
0x4c: {  	v10 =	vld.idx.msk [tilespmem:v0+s18+$0x0], $0xffff;
	_ =	sdelay $0x4  }
0x4d: {  	v9 =	vadd.f32 v10, v9;
	_ =	sdelay $0x1  }
0x4e: {  	v10 =	vmul.f32 $2.000000030e-01, v9;
	_ =	sdelay $0x1  }
0x4f: {  	v9 =	vmax.f32 v9, v10  }
0x50: {  	v9 =	vmul.f32 $1.442695020e+00, v9;
	_ =	sdelay $0x1  }
0x51: {  	(erf) = vpow2.f32 v9;
	_ =	sdelay $0x7  }
0x52: {  	s23 =	sadd.s32 $0x0, s3  }
0x53: {  	p1 =	slt.u32 s23, $0x29810;
	v9 =	vpop (erf)  }
0x54: {  	v9 =	vpsel !p1, $0x0, v9  }
0x55: {  	[tilespmem:v0+s20+$0x0] =	vst.idx.msk $0xffff, v9  }
0x56: {  	v9 =	vld.idx.msk [tilespmem:v1+s17+$0x0], $0xffff  }
0x57: {  	v10 =	vld.idx.msk [tilespmem:v1+s18+$0x0], $0xffff;
	_ =	sdelay $0x4  }
0x58: {  	v9 =	vadd.f32 v10, v9;
	_ =	sdelay $0x1  }
0x59: {  	v10 =	vmul.f32 $2.000000030e-01, v9;
	_ =	sdelay $0x1  }
0x5a: {  	v9 =	vmax.f32 v9, v10  }
0x5b: {  	v9 =	vmul.f32 $1.442695020e+00, v9;
	_ =	sdelay $0x1  }
0x5c: {  	(erf) = vpow2.f32 v9;
	_ =	sdelay $0x7  }
0x5d: {  	s24 =	sadd.s32 $0x2, s23  }
0x5e: {  	p5 =	slt.u32 s24, $0x29810;
	v9 =	vpop (erf)  }
0x5f: {  	v9 =	vpsel !p5, $0x0, v9  }
0x60: {  	[tilespmem:v1+s20+$0x0] =	vst.idx.msk $0xffff, v9  }
0x61: {  	v9 =	vld.idx.msk [tilespmem:v3+s17+$0x0], $0xffff  }
0x62: {  	v10 =	vld.idx.msk [tilespmem:v3+s18+$0x0], $0xffff;
	_ =	sdelay $0x4  }
0x63: {  	v9 =	vadd.f32 v10, v9;
	_ =	sdelay $0x1  }
0x64: {  	v10 =	vmul.f32 $2.000000030e-01, v9;
	_ =	sdelay $0x1  }
0x65: {  	v9 =	vmax.f32 v9, v10  }
0x66: {  	v9 =	vmul.f32 $1.442695020e+00, v9;
	_ =	sdelay $0x1  }
0x67: {  	(erf) = vpow2.f32 v9;
	_ =	sdelay $0x7  }
0x68: {  	s25 =	sadd.s32 $0x4, s23  }
0x69: {  	p6 =	slt.u32 s25, $0x29810;
	v9 =	vpop (erf)  }
0x6a: {  	v9 =	vpsel !p6, $0x0, v9  }
0x6b: {  	[tilespmem:v3+s20+$0x0] =	vst.idx.msk $0xffff, v9  }
0x6c: {  	v9 =	vld.idx.msk [tilespmem:v4+s17+$0x0], $0xffff  }
0x6d: {  	v10 =	vld.idx.msk [tilespmem:v4+s18+$0x0], $0xffff;
	_ =	sdelay $0x4  }
0x6e: {  	v9 =	vadd.f32 v10, v9;
	_ =	sdelay $0x1  }
0x6f: {  	v10 =	vmul.f32 $2.000000030e-01, v9;
	_ =	sdelay $0x1  }
0x70: {  	v9 =	vmax.f32 v9, v10  }
0x71: {  	v9 =	vmul.f32 $1.442695020e+00, v9;
	_ =	sdelay $0x1  }
0x72: {  	(erf) = vpow2.f32 v9;
	_ =	sdelay $0x7  }
0x73: {  	s26 =	sadd.s32 $0x6, s23  }
0x74: {  	p2 =	slt.u32 s26, $0x29810;
	v9 =	vpop (erf)  }
0x75: {  	v9 =	vpsel !p2, $0x0, v9  }
0x76: {  	[tilespmem:v4+s20+$0x0] =	vst.idx.msk $0xffff, v9  }
0x77: {  	v9 =	vld.idx.msk [tilespmem:v5+s17+$0x0], $0xffff  }
0x78: {  	v10 =	vld.idx.msk [tilespmem:v5+s18+$0x0], $0xffff;
	_ =	sdelay $0x4  }
0x79: {  	v9 =	vadd.f32 v10, v9;
	_ =	sdelay $0x1  }
0x7a: {  	v10 =	vmul.f32 $2.000000030e-01, v9;
	_ =	sdelay $0x1  }
0x7b: {  	v9 =	vmax.f32 v9, v10  }
0x7c: {  	v9 =	vmul.f32 $1.442695020e+00, v9;
	_ =	sdelay $0x1  }
0x7d: {  	(erf) = vpow2.f32 v9;
	_ =	sdelay $0x7  }
0x7e: {  	s29 =	sadd.s32 $0x8, s23  }
0x7f: {  	p3 =	slt.u32 s29, $0x29810;
	v9 =	vpop (erf)  }
0x80: {  	v9 =	vpsel !p3, $0x0, v9  }
0x81: {  	[tilespmem:v5+s20+$0x0] =	vst.idx.msk $0xffff, v9  }
0x82: {  	v9 =	vld.idx.msk [tilespmem:v6+s17+$0x0], $0xffff  }
0x83: {  	v10 =	vld.idx.msk [tilespmem:v6+s18+$0x0], $0xffff;
	_ =	sdelay $0x4  }
0x84: {  	v9 =	vadd.f32 v10, v9;
	_ =	sdelay $0x1  }
0x85: {  	v10 =	vmul.f32 $2.000000030e-01, v9;
	_ =	sdelay $0x1  }
0x86: {  	v9 =	vmax.f32 v9, v10  }
0x87: {  	v9 =	vmul.f32 $1.442695020e+00, v9;
	_ =	sdelay $0x1  }
0x88: {  	(erf) = vpow2.f32 v9;
	_ =	sdelay $0x7  }
0x89: {  	s30 =	sadd.s32 $0xA, s23  }
0x8a: {  	p4 =	slt.u32 s30, $0x29810;
	v9 =	vpop (erf)  }
0x8b: {  	v9 =	vpsel !p4, $0x0, v9  }
0x8c: {  	[tilespmem:v6+s20+$0x0] =	vst.idx.msk $0xffff, v9  }
0x8d: {  	v9 =	vld.idx.msk [tilespmem:v7+s17+$0x0], $0xffff  }
0x8e: {  	v10 =	vld.idx.msk [tilespmem:v7+s18+$0x0], $0xffff;
	_ =	sdelay $0x4  }
0x8f: {  	v9 =	vadd.f32 v10, v9;
	_ =	sdelay $0x1  }
0x90: {  	v10 =	vmul.f32 $2.000000030e-01, v9;
	_ =	sdelay $0x1  }
0x91: {  	v9 =	vmax.f32 v9, v10  }
0x92: {  	v9 =	vmul.f32 $1.442695020e+00, v9;
	_ =	sdelay $0x1  }
0x93: {  	(erf) = vpow2.f32 v9;
	_ =	sdelay $0x7  }
0x94: {  	s31 =	sadd.s32 $0xC, s23  }
0x95: {  	p5 =	slt.u32 s31, $0x29810;
	v9 =	vpop (erf)  }
0x96: {  	v9 =	vpsel !p5, $0x0, v9  }
0x97: {  	[tilespmem:v7+s20+$0x0] =	vst.idx.msk $0xffff, v9  }
0x98: {  	v9 =	vld.idx.msk [tilespmem:v8+s17+$0x0], $0xffff  }
0x99: {  	v10 =	vld.idx.msk [tilespmem:v8+s18+$0x0], $0xffff;
	_ =	sdelay $0x4  }
0x9a: {  	v9 =	vadd.f32 v10, v9;
	_ =	sdelay $0x1  }
0x9b: {  	v10 =	vmul.f32 $2.000000030e-01, v9;
	_ =	sdelay $0x1  }
0x9c: {  	v9 =	vmax.f32 v9, v10  }
0x9d: {  	v9 =	vmul.f32 $1.442695020e+00, v9;
	_ =	sdelay $0x1  }
0x9e: {  	(erf) = vpow2.f32 v9;
	_ =	sdelay $0x7  }
0x9f: {  	s0 =	sadd.s32 $0xE, s23  }
0xa0: {  	p6 =	slt.u32 s0, $0x29810;
	v9 =	vpop (erf)  }
0xa1: {  	v9 =	vpsel !p6, $0x0, v9  }
0xa2: {  	s22 =	simm.s32 $0x10;
	s28 =	smov.u32 s10;
	[tilespmem:v8+s20+$0x0] =	vst.idx.msk $0xffff, v9  }
0xa3: {  	[hbm4b:s11+s2] =	stream.linear.scatter [tilespmem:s20], [sflag:$0x1], $0x100, $0x38;
	[tilespmem:$0x2B30] =	vst v63  }
0xa4: {  	s24 =	sadd.s32 $0x2, s13;
	s25 =	smov.u32 s10;
	_ =	swait.ge [sflag:s15], $0x100  }
0xa5: {  	s26 =	smov.u32 s11;
	s23 =	sadd.s32 $0x2, s12;
	[sflag:s15] =	ssyncset.done $0x0  }
.LBB2_2:
0xa6: {  	[sflag:s15] =	ssyncadd.s32 $0xFFFFFF00  }
0xa7: {  	s25 =	sadd.s32 $0x20, s25;
	s26 =	sadd.s32 $0x20, s26;
	s0 =	smov.u32 s22  }
0xa8: {  	[hbm4b:s28+s2] =	stream.linear.scatter [tilespmem:s19], [sflag:$0x1], $0x100, $0x38;
	[tilespmem:$0x2B30] =	vst v63  }
0xa9: {  	p1 =	sne.s32 s22, $0x14C0;
	s22 =	sadd.s32 $0x10, s22;
	_ =	swait.ge [sflag:s15], $0x100  }
0xaa: {  	s28 =	smov.u32 s25;
	[sflag:s15] =	ssyncset.done $0x0  }
0xab: {  	[sflag:s15] =	ssyncadd.s32 $0xFFFFFF00  }
0xac: {  	[spmem:s1] =	stream.indirect.scatter.add.f32 [tilespmem:s20], [sflag:$0x1], $0x10, s16, s16, $0xb8;
	[tilespmem:$0x2B30] =	vst v63  }
0xad: {  	_ =	swait.ge [sflag:s15], $0x100  }
0xae: {  	[sflag:s15] =	ssyncset.done $0x0  }
0xaf: {  	[sflag:s15] =	ssyncadd.s32 $0xFFFFFF00  }
0xb0: {  	[tilespmem:s2], [sflag:$0x1] =	stream.linear.gather [hbm4b:s24+s2], $0x10, $0x38;
	[tilespmem:$0x2B30] =	vst v63  }
0xb1: {  	_ =	swait.ge [sflag:s15], $0x10  }
0xb2: {  	[sflag:s15] =	ssyncset.done $0x0  }
0xb3: {  	[sflag:s15] =	ssyncadd.s32 $0xFFFFFFF0  }
0xb4: {  	[tilespmem:s16], [sflag:$0x1] =	stream.linear.gather [hbm4b:s23+s2], $0x10, $0x38;
	[tilespmem:$0x2B30] =	vst v63  }
0xb5: {  	_ =	swait.ge [sflag:s15], $0x10  }
0xb6: {  	[sflag:s15] =	ssyncset.done $0x0  }
0xb7: {  	[sflag:s15] =	ssyncadd.s32 $0xFFFFFFF0  }
0xb8: {  	[tilespmem:s17], [sflag:$0x1] =	stream.indirect.gather [hbm4b:s4+s16], $0x10, s2, s16, $0xb8;
	[tilespmem:$0x2B30] =	vst v63  }
0xb9: {  	_ =	swait.ge [sflag:s15], $0x100  }
0xba: {  	[sflag:s15] =	ssyncset.done $0x0  }
0xbb: {  	[sflag:s15] =	ssyncadd.s32 $0xFFFFFF00  }
0xbc: {  	[tilespmem:s18], [sflag:$0x1] =	stream.indirect.gather [hbm4b:s5+s16], $0x10, s16, s16, $0xb8;
	[tilespmem:$0x2B30] =	vst v63  }
0xbd: {  	_ =	swait.ge [sflag:s15], $0x100  }
0xbe: {  	[sflag:s15] =	ssyncset.done $0x0  }
0xbf: {  	[sflag:s15] =	ssyncadd.s32 $0xFFFFFF00  }
0xc0: {  	[tilespmem:s19], [sflag:$0x1] =	stream.indirect.gather [hbm4b:s6+s16], $0x10, s2, s16, $0xb8;
	[tilespmem:$0x2B30] =	vst v63  }
0xc1: {  	_ =	swait.ge [sflag:s15], $0x100  }
0xc2: {  	[sflag:s15] =	ssyncset.done $0x0  }
0xc3: {  	[sflag:s15] =	ssyncadd.s32 $0xFFFFFF00  }
0xc4: {  	v9 =	vld.idx.msk [tilespmem:v0+s17+$0x0], $0xffff  }
0xc5: {  	v10 =	vld.idx.msk [tilespmem:v0+s18+$0x0], $0xffff;
	_ =	sdelay $0x5  }
0xc6: {  	v9 =	vadd.f32 v10, v9;
	_ =	sdelay $0x1  }
0xc7: {  	v10 =	vmul.f32 $2.000000030e-01, v9;
	_ =	sdelay $0x1  }
0xc8: {  	v9 =	vmax.f32 v9, v10  }
0xc9: {  	v9 =	vmul.f32 $1.442695020e+00, v9;
	_ =	sdelay $0x1  }
0xca: {  	(erf) = vpow2.f32 v9;
	_ =	sdelay $0x6  }
0xcb: {  	s29 =	sadd.s32 s0, s3  }
0xcc: {  	p2 =	slt.u32 s29, $0x29810;
	s9 =	sadd.s32 $0x2, s29;
	s8 =	sadd.s32 $0x4, s29  }
0xcd: {  	s7 =	sadd.s32 $0x6, s29;
	s0 =	sadd.s32 $0x8, s29;
	s31 =	sadd.s32 $0xA, s29;
	v9 =	vpop (erf)  }
0xce: {  	s30 =	sadd.s32 $0xC, s29;
	s29 =	sadd.s32 $0xE, s29;
	v9 =	vpsel !p2, $0x0, v9  }
0xcf: {  	[tilespmem:v0+s20+$0x0] =	vst.idx.msk $0xffff, v9  }
0xd0: {  	v9 =	vld.idx.msk [tilespmem:v1+s17+$0x0], $0xffff  }
0xd1: {  	v10 =	vld.idx.msk [tilespmem:v1+s18+$0x0], $0xffff;
	_ =	sdelay $0x5  }
0xd2: {  	v9 =	vadd.f32 v10, v9;
	_ =	sdelay $0x1  }
0xd3: {  	v10 =	vmul.f32 $2.000000030e-01, v9;
	_ =	sdelay $0x1  }
0xd4: {  	v9 =	vmax.f32 v9, v10  }
0xd5: {  	v9 =	vmul.f32 $1.442695020e+00, v9;
	_ =	sdelay $0x1  }
0xd6: {  	(erf) = vpow2.f32 v9;
	_ =	sdelay $0x6  }
0xd7: {  	p2 =	slt.u32 s9, $0x29810;
	_ =	sdelay $0x1  }
0xd8: {  	v9 =	vpop (erf)  }
0xd9: {  	v9 =	vpsel !p2, $0x0, v9  }
0xda: {  	[tilespmem:v1+s20+$0x0] =	vst.idx.msk $0xffff, v9  }
0xdb: {  	v9 =	vld.idx.msk [tilespmem:v3+s17+$0x0], $0xffff  }
0xdc: {  	v10 =	vld.idx.msk [tilespmem:v3+s18+$0x0], $0xffff;
	_ =	sdelay $0x5  }
0xdd: {  	v9 =	vadd.f32 v10, v9;
	_ =	sdelay $0x1  }
0xde: {  	v10 =	vmul.f32 $2.000000030e-01, v9;
	_ =	sdelay $0x1  }
0xdf: {  	v9 =	vmax.f32 v9, v10  }
0xe0: {  	v9 =	vmul.f32 $1.442695020e+00, v9;
	_ =	sdelay $0x1  }
0xe1: {  	(erf) = vpow2.f32 v9;
	_ =	sdelay $0x5  }
0xe2: {  	p2 =	slt.u32 s8, $0x29810;
	_ =	sdelay $0x2  }
0xe3: {  	v9 =	vpop (erf)  }
0xe4: {  	v9 =	vpsel !p2, $0x0, v9  }
0xe5: {  	[tilespmem:v3+s20+$0x0] =	vst.idx.msk $0xffff, v9  }
0xe6: {  	v9 =	vld.idx.msk [tilespmem:v4+s17+$0x0], $0xffff  }
0xe7: {  	v10 =	vld.idx.msk [tilespmem:v4+s18+$0x0], $0xffff;
	_ =	sdelay $0x5  }
0xe8: {  	v9 =	vadd.f32 v10, v9;
	_ =	sdelay $0x1  }
0xe9: {  	v10 =	vmul.f32 $2.000000030e-01, v9;
	_ =	sdelay $0x1  }
0xea: {  	v9 =	vmax.f32 v9, v10  }
0xeb: {  	v9 =	vmul.f32 $1.442695020e+00, v9;
	_ =	sdelay $0x1  }
0xec: {  	(erf) = vpow2.f32 v9;
	_ =	sdelay $0x4  }
0xed: {  	p2 =	slt.u32 s7, $0x29810;
	_ =	sdelay $0x3  }
0xee: {  	v9 =	vpop (erf)  }
0xef: {  	v9 =	vpsel !p2, $0x0, v9  }
0xf0: {  	[tilespmem:v4+s20+$0x0] =	vst.idx.msk $0xffff, v9  }
0xf1: {  	v9 =	vld.idx.msk [tilespmem:v5+s17+$0x0], $0xffff  }
0xf2: {  	v10 =	vld.idx.msk [tilespmem:v5+s18+$0x0], $0xffff;
	_ =	sdelay $0x5  }
0xf3: {  	v9 =	vadd.f32 v10, v9;
	_ =	sdelay $0x1  }
0xf4: {  	v10 =	vmul.f32 $2.000000030e-01, v9;
	_ =	sdelay $0x1  }
0xf5: {  	v9 =	vmax.f32 v9, v10  }
0xf6: {  	v9 =	vmul.f32 $1.442695020e+00, v9;
	_ =	sdelay $0x1  }
0xf7: {  	(erf) = vpow2.f32 v9;
	_ =	sdelay $0x3  }
0xf8: {  	p2 =	slt.u32 s0, $0x29810;
	_ =	sdelay $0x4  }
0xf9: {  	v9 =	vpop (erf)  }
0xfa: {  	v9 =	vpsel !p2, $0x0, v9  }
0xfb: {  	[tilespmem:v5+s20+$0x0] =	vst.idx.msk $0xffff, v9  }
0xfc: {  	v9 =	vld.idx.msk [tilespmem:v6+s17+$0x0], $0xffff  }
0xfd: {  	v10 =	vld.idx.msk [tilespmem:v6+s18+$0x0], $0xffff;
	_ =	sdelay $0x5  }
0xfe: {  	v9 =	vadd.f32 v10, v9;
	_ =	sdelay $0x1  }
0xff: {  	v10 =	vmul.f32 $2.000000030e-01, v9;
	_ =	sdelay $0x1  }
0x100: {  	v9 =	vmax.f32 v9, v10  }
0x101: {  	v9 =	vmul.f32 $1.442695020e+00, v9;
	_ =	sdelay $0x1  }
0x102: {  	(erf) = vpow2.f32 v9;
	_ =	sdelay $0x2  }
0x103: {  	p2 =	slt.u32 s31, $0x29810;
	_ =	sdelay $0x5  }
0x104: {  	v9 =	vpop (erf)  }
0x105: {  	v9 =	vpsel !p2, $0x0, v9  }
0x106: {  	[tilespmem:v6+s20+$0x0] =	vst.idx.msk $0xffff, v9  }
0x107: {  	v9 =	vld.idx.msk [tilespmem:v7+s17+$0x0], $0xffff  }
0x108: {  	v10 =	vld.idx.msk [tilespmem:v7+s18+$0x0], $0xffff;
	_ =	sdelay $0x5  }
0x109: {  	v9 =	vadd.f32 v10, v9;
	_ =	sdelay $0x1  }
0x10a: {  	v10 =	vmul.f32 $2.000000030e-01, v9;
	_ =	sdelay $0x1  }
0x10b: {  	v9 =	vmax.f32 v9, v10  }
0x10c: {  	v9 =	vmul.f32 $1.442695020e+00, v9;
	_ =	sdelay $0x1  }
0x10d: {  	(erf) = vpow2.f32 v9;
	_ =	sdelay $0x1  }
0x10e: {  	p2 =	slt.u32 s30, $0x29810;
	_ =	sdelay $0x6  }
0x10f: {  	v9 =	vpop (erf)  }
0x110: {  	v9 =	vpsel !p2, $0x0, v9  }
0x111: {  	[tilespmem:v7+s20+$0x0] =	vst.idx.msk $0xffff, v9  }
0x112: {  	v9 =	vld.idx.msk [tilespmem:v8+s17+$0x0], $0xffff  }
0x113: {  	v10 =	vld.idx.msk [tilespmem:v8+s18+$0x0], $0xffff;
	_ =	sdelay $0x5  }
0x114: {  	v9 =	vadd.f32 v10, v9;
	_ =	sdelay $0x1  }
0x115: {  	v10 =	vmul.f32 $2.000000030e-01, v9;
	_ =	sdelay $0x1  }
0x116: {  	v9 =	vmax.f32 v9, v10  }
0x117: {  	v9 =	vmul.f32 $1.442695020e+00, v9;
	_ =	sdelay $0x1  }
0x118: {  	(erf) = vpow2.f32 v9  }
0x119: {  	p2 =	slt.u32 s29, $0x29810;
	_ =	sdelay $0x7  }
0x11a: {  	v9 =	vpop (erf)  }
.Ltmp0:
0x11b: {  	v9 =	vpsel !p2, $0x0, v9;
	(pc) =	sbr.rel @p1 .LBB2_2-.Ltmp0, $4  }
0x11c: {  	[tilespmem:v8+s20+$0x0] =	vst.idx.msk $0xffff, v9  }
0x11d: {  	[hbm4b:s26+s2] =	stream.linear.scatter [tilespmem:s20], [sflag:$0x1], $0x100, $0x38;
	[tilespmem:$0x2B30] =	vst v63  }
0x11e: {  	_ =	swait.ge [sflag:s15], $0x100  }
0x11f: {  	s24 =	sadd.s32 $0x2, s24;
	s23 =	sadd.s32 $0x2, s23;
	[sflag:s15] =	ssyncset.done $0x0  }
0x120: {  	[sflag:s15] =	ssyncadd.s32 $0xFFFFFF00  }
0x121: {  	[hbm4b:s28+s2] =	stream.linear.scatter [tilespmem:s19], [sflag:$0x1], $0x100, $0x38;
	[tilespmem:$0x2B30] =	vst v63  }
0x122: {  	_ =	swait.ge [sflag:s15], $0x100  }
0x123: {  	[sflag:s15] =	ssyncset.done $0x0  }
0x124: {  	[sflag:s15] =	ssyncadd.s32 $0xFFFFFF00  }
0x125: {  	[spmem:s1] =	stream.indirect.scatter.add.f32 [tilespmem:s20], [sflag:$0x1], $0x10, s16, s16, $0xb8;
	[tilespmem:$0x2B30] =	vst v63  }
0x126: {  	_ =	swait.ge [sflag:s15], $0x100  }
0x127: {  	[sflag:s15] =	ssyncset.done $0x0  }
0x128: {  	[sflag:s15] =	ssyncadd.s32 $0xFFFFFF00  }
0x129: {  	[bflag:$0x0] =	sbarrier.arrive $0xFFFF  }
0x12a: {  	s0 =	simm.s32 @!p0 $0x1C01;
	s7 =	rddreg [dreg:$0x5]  }
0x12b: {  	[hbm:s7], [sflag:s0] =	dma.local @!p0 [spmem:s14], $0x4E20  }
0x12c: {  	s0 =	simm.s32 @!p0 $0x1  }
0x12d: {  	_ =	swait.ge @!p0 [sflag:s0], $0x4E20  }
0x12e: {  	s21 =	sadd.s32 $0x1, s21;
	s31 =	rddreg [dreg:$0x6]  }
0x12f: {  	p1 =	sne.s32 s21, s31  }
.Ltmp1:
0x130: {  	_ = 	snop;
	(pc) =	sbr.rel @p1 .LBB2_1-.Ltmp1, $3  }
0x131: {  	_ =	sdelay $0x1  }
0x132: {  	[sflag:s0] =	ssyncset.done @!p0 $0x0  }
0x133: {  	[sflag:s0] =	ssyncadd.s32 @!p0 $0xFFFFB1E0  }
0x134: {  	_ =	sfence.sel $0x180000  }
0x135: {  	[bflag:$0x0] =	sbarrier.arrive $0xFFFF  }
0x136: {  	_ =	strace $0x9000004A  }
0x137: {  	[bflag:$0x2] =	sbarrier.arrive $0xFFFF  }
0x138: {  	s0 =	rddreg [dreg:$0x3]  }
0x139: {  	s0 =	sadd.s32 @!p0 $0x100000, s0  }
0x13a: {  	[sflag:s0] =	ssyncadd.tile.s32 @!p0 $0x1;
	_ =	shalt  }
.Lfunc_end2:
_tile_overlayer_lowered:
.L_overlay_start_2:
0x13b: {  	(tag) =	ssettag $0x2  }
0x13c: {  	s0 =	rddreg [dreg:$0x0];
	s2 =	stileid.u32  }
0x13d: {  	s1 =	rddreg [dreg:$0x1];
	p0 =	sne.s32 s2, $0x0  }
0x13e: {  	s3 =	rddreg [dreg:$0x2];
	[bflag:$0x3] =	sbarrier.arrive $0xFFFF;
	s2 =	simm.s32 @!p0 $0x1C01  }
0x13f: {  	[timem:s3], [sflag:s2] =	dma.local @!p0 [hbm:s0], s1  }
0x140: {  	s0 =	simm.s32 @!p0 $0x1  }
0x141: {  	_ =	swait.ge @!p0 [sflag:s0], s1  }
0x142: {  	s1 =	ssub.s32 @!p0 $0x0, s1;
	[sflag:s0] =	ssyncset.done @!p0 $0x0  }
0x143: {  	[sflag:s0] =	ssyncadd.s32 @!p0 s1  }
0x144: {  	[bflag:$0x3] =	sbarrier.arrive $0xFFFF  }
0x145: {  	_ =	shalt  }

// kernel: sparse-core-data-format-call.1.cloned.1.call-start
scs
called_computation.1_lowered:
.L_overlay_start_0:
0x0: {  	s1 =	sld [smem:$0x3FD9]  }
0x1: {  	s2 =	sld [smem:$0x3FFE];
	_ =	sdelay $0x1  }
0x2: {  	s3 =	srdreg.scid  }
0x3: {  	s0 =	sand.u32 $0x1, s3  }
0x4: {  	s17 =	sshll.u32 s0, $0xA;
	s1 =	sadd.s32 s2, s1  }
0x5: {  	s1 =	sadd.s32 s1, s17  }
0x6: {  	[smem:$0x3FBE] =	sst s1  }
0x7: {  	_ = 	snop  }
0x8: {  	(tm) =	ssettm $0x1  }
0x9: {  	s18 =	sld [smem:$0x3FFB];
	_ =	sdelay $0x3  }
0xa: {  	_ =	strace s18  }
0xb: {  	s1 =	sld [smem:$0x3FFC];
	_ =	sdelay $0x3  }
0xc: {  	_ =	strace s1  }
0xd: {  	s1 =	sld [smem:$0x3FFD];
	_ =	sdelay $0x3  }
0xe: {  	_ =	strace s1  }
0xf: {  	_ =	strace $0x8FFFFFFF  }
0x10: {  	s19 =	sld [smem:$0x3FDB];
	_ =	sdelay $0x1  }
0x11: {  	s20 =	simm.s32 $_scs_section_size  }
0x12: {  	s4 =	simm.s32 $_size__tile_overlayer_lowered;
	s5 =	simm.s32 $_tile_overlayer_lowered  }
0x13: {  	s23 =	simm.s32 $0x1BFF;
	s22 =	sshll.u32 s5, $0x1;
	s1 =	sadd.s32 s20, s19  }
0x14: {  	s6 =	simm.s32 $0x0;
	s21 =	sshll.u32 s4, $0x1;
	s4 =	sadd.s32 s22, s1  }
0x15: {  	[timem:s6], [sflag:s23] =	dma.local [hbm:s4], s21  }
0x16: {  	_ =	swait.ge [sflag:s23], s21  }
0x17: {  	s2 =	ssub.s32 $0x0, s21;
	[sflag:s23] =	ssyncset.done $0x0  }
0x18: {  	[sflag:s23] =	ssyncadd.s32 s2;
	_ =	sdelay $0x1  }
0x19: {  	s24 =	simm.s32 $0x1B8B  }
0x1a: {  	_ =	swait.ge [sflag:s24], $0x1  }
0x1b: {  	[sflag:s24] =	ssyncset.done $0x0  }
0x1c: {  	s26 =	simm.s32 $0x1B8E;
	s25 =	sld [smem:$0x3FFE];
	[sflag:s24] =	ssyncadd.s32 $0xFFFFFFFF  }
0x1d: {  	s27 =	simm.s32 $execute0_lowered;
	[smem:$0x3FD2] =	sst s26  }
0x1e: {  	s4 =	sshll.u32 s27, $0x1;
	_ =	strace $0x80000046;
	[dreg:$0x1] =	wrdreg $0xFFFFFFFF  }
0x1f: {  	s28 =	simm.s32 $_size_execute0_lowered;
	s1 =	sadd.s32 s1, s4;
	[dreg:$0x0] =	wrdreg $0x0  }
0x20: {  	s4 =	sshll.u32 s28, $0x1;
	[dreg:$0x2] =	wrdreg s1  }
0x21: {  	[dreg:$0x3] =	wrdreg s4  }
0x22: {  	[dreg:$0x4] =	wrdreg $0xC0  }
0x23: {  	_ =	task [dreg:s6], $0x5FFFF  }
0x24: {  	[dreg:$0x1] =	wrdreg $0xFFFFFFFF  }
0x25: {  	[dreg:$0x0] =	wrdreg $0x60  }
0x26: {  	[dreg:$0x2] =	wrdreg s25  }
0x27: {  	[dreg:$0x3] =	wrdreg $0x9  }
0x28: {  	_ =	task.clear_ibuf [dreg:s6], $0x4FFFF;
	_ =	strace $0x90000046  }
0x29: {  	s29 =	simm.s32 $0x9;
	_ =	strace $0x80000048  }
0x2a: {  	_ =	swait.ge [sflag:s29], $0x1  }
0x2b: {  	[sflag:s29] =	ssyncadd.s32 $0xFFFFFFFF  }
0x2c: {  	_ =	strace $0x90000048  }
0x2d: {  	_ =	sfence  }
0x2e: {  	s30 =	sld [smem:$0x0];
	_ =	sdelay $0x2  }
0x2f: {  	s31 =	sshll.u32 s3, $0xD;
	s3 =	sshrl.u32 s3, $0x2  }
0x30: {  	s2 =	sand.u32 $0x4000, s31;
	s1 =	sadd.s32 s3, s30  }
0x31: {  	s0 =	sor.u32 s2, s0;
	s1 =	sshll.u32 s1, $0x11  }
0x32: {  	s0 =	sor.u32 s1, s0  }
0x33: {  	s0 =	sadd.s32 $0x8F2B, s0  }
0x34: {  	[sflag:s0] =	ssyncadd.remote.s32 $0x1  }
0x35: {  	_ =	sfence.sel $0xFFFF  }
0x36: {  	[dreg:$0x0] =	wrdreg $0xFFFFFFFF;
	(pc) =	sbr.abs _section_cstart, $3  }
0x37: {  	[dreg:$0x1] =	wrdreg $0xFFFFFFFF  }
0x38: {  	_ =	task.clear_ibuf [dreg:s6], $0x2FFFF;
	_ =	strace $0x9FFFFFFF  }
0x39: {  	(tm) =	ssettm $0x7FFFFFFF  }
tec
execute0_lowered:
.L_overlay_start_1:
0x0: {  	(tag) =	ssettag $0x1  }
0x1: {  	s0 =	stileid.u32;
	s7 =	rddreg [dreg:$0x0]  }
0x2: {  	s3 =	srdreg.scid;
	s1 =	rddreg [dreg:$0x1];
	_ =	strace $0x80000047  }
0x3: {  	s31 =	simm.s32 $0x2;
	s18 =	simm.s32 $0x0;
	s10 =	simm.s32 $0x13C00  }
0x4: {  	s11 =	simm.s32 $0x0;
	s17 =	simm.s32 $0x0;
	s20 =	simm.s32 $0x0  }
0x5: {  	s19 =	simm.s32 $0x0;
	s14 =	simm.s32 $0x0;
	s2 =	sshrl.u32 s0, $0x1  }
0x6: {  	s16 =	simm.s32 $0x0;
	s3 =	sshll.u32 s3, $0x7;
	s2 =	sand.u32 $0x4, s2  }
0x7: {  	s4 =	sadd.s32 $0x2C1800, s7;
	s3 =	sand.u32 $0x80, s3;
	s5 =	ssub.s32 $0x8, s2  }
0x8: {  	s8 =	ssub.s32 $0x2700, s3;
	s6 =	sshrl.u32 s5, $0x2;
	s9 =	sshrl.u32 s5, $0x3  }
.Ltmp0:
0x9: {  	s8 =	sshrl.u32 s8, $0x8;
	s6 =	sand.u32 $0x1, s6;
	(pc) =	sbr.rel .LBB1_1-.Ltmp0, $4  }
0xa: {  	s7 =	sadd.s32 $0x539800, s7;
	s8 =	sadd.s32 $0x1, s8;
	s6 =	sadd.s32 s9, s6  }
0xb: {  	s12 =	smov.u32 s3;
	s5 =	simm.s32 $0x1;
	s6 =	smul.u32 s8, s6  }
0xc: {  	s13 =	smov.u32 s2;
	[sflag:s5] =	ssyncpa.u1 $0x0;
	s8 =	sand.u32 $0x7, s0  }
0xd: {  	[sflag:s31] =	ssyncpa.u1 $0x0;
	s15 =	smov.u32 s8;
	s9 =	sadd.s32 $0x1, s6  }
.LBB1_7:
0xe: {  	s21 =	sadd.s32 $0x100, s12  }
0xf: {  	s17 =	sadd.s32 $0x8, s13;
	s22 =	smov.u32 s13;
	p1 =	sgt.s32 s21, $0x270F  }
0x10: {  	s22 =	smov.u32 @p1 s17  }
0x11: {  	s23 =	smov.u32 s14;
	s17 =	sadd.s32 $0x20, s14;
	p2 =	sgt.s32 s22, $0x7  }
0x12: {  	s23 =	smov.u32 @p2 s17  }
0x13: {  	s24 =	smov.u32 s15;
	s17 =	sadd.s32 $0x8, s15;
	p3 =	sgt.s32 s23, $0x1F  }
0x14: {  	p0 =	slt.u32 s16, $0x2;
	s24 =	smov.u32 @p3 s17  }
0x15: {  	s18 =	smov.u32 s12;
	s21 =	smov.u32 @p1 s3;
	p1 =	sgt.s32 s24, $0x7  }
0x16: {  	s25 =	simm.s32 @!p0 $0x2;
	s24 =	smov.u32 @p1 s8;
	p1 =	sne.s32 s16, s9  }
.Ltmp1:
0x17: {  	s20 =	smov.u32 s14;
	_ =	swait.ge @!p0 [sflag:s25], $0x4000;
	(pc) =	sbr.rel @!p1 .LBB1_8-.Ltmp1, $4  }
0x18: {  	s19 =	smov.u32 s15;
	s11 =	sadd.s32 $0x4000, s11;
	[sflag:s25] =	ssyncset.done @!p0 $0x0  }
0x19: {  	s12 =	smov.u32 s21;
	s22 =	smov.u32 @p2 s2;
	[sflag:s25] =	ssyncadd.s32 @!p0 $0xFFFFC000  }
0x1a: {  	s23 =	simm.s32 @p3 $0x0;
	s17 =	smov.u32 s13;
	s13 =	smov.u32 s22  }
0x1b: {  	s14 =	smov.u32 s23;
	s16 =	sadd.s32 $0x1, s16;
	s15 =	smov.u32 s24  }
.LBB1_1:
0x1c: {  	p0 =	sge.u32 s16, s6  }
0x1d: {  	s21 =	sshrl.u32 @!p0 s13, $0x3  }
0x1e: {  	s22 =	sshll.u32 @!p0 s12, $0x3;
	s21 =	smul.u32 @!p0 $0x13C00, s21  }
0x1f: {  	s23 =	sshll.u32 @!p0 s13, $0x7;
	s22 =	sand.u32 @!p0 $0xFFFFFC00, s22  }
0x20: {  	s21 =	sadd.s32 @!p0 s21, s22;
	s22 =	sand.u32 @!p0 $0x380, s23  }
0x21: {  	s23 =	sand.u32 @!p0 $0x7F, s12;
	s21 =	sor.u32 @!p0 s22, s21  }
0x22: {  	s22 =	sor.u32 @!p0 s23, s21  }
0x23: {  	s23 =	smulhi.u32 @!p0 $0xCF6474A9, s22  }
0x24: {  	s21 =	smulhi.u32 @!p0 $0xCF6474A9, s21  }
0x25: {  	s31 =	sadd.s32 $0xFFFFFFFF, s16;
	s25 =	smul.u32 @!p0 $0x4F000, s15;
	s23 =	sshrl.u32 @!p0 s23, $0xD  }
0x26: {  	s24 =	sxor.u32 @!p0 $0xFFFFFFFF, s16;
	s21 =	sshrl.u32 @!p0 s21, $0xD;
	s23 =	smul.u32 @!p0 $0x2780, s23  }
0x27: {  	s26 =	smul.u32 @!p0 $0x2780, s14;
	s24 =	sshll.u32 @!p0 s24, $0xE;
	s21 =	sand.u32 @!p0 $0x7, s21  }
0x28: {  	s21 =	smul.u32 @!p0 $0x4F0, s21;
	s22 =	ssub.s32 @!p0 s22, s23;
	s23 =	sadd.s32 @!p0 s4, s25  }
0x29: {  	s24 =	sand.u32 @!p0 $0x4000, s24;
	s23 =	sadd.s32 @!p0 s26, s23;
	s25 =	sand.u32 @!p0 $0x7, s22  }
0x2a: {  	s22 =	sshrl.u32 @!p0 s22, $0x3;
	s21 =	sadd.s32 @!p0 s21, s23;
	s23 =	sshll.u32 @!p0 s25, $0x12  }
0x2b: {  	s21 =	sadd.s32 @!p0 s22, s21;
	s22 =	sor.u32 @!p0 $0x200, s23;
	s23 =	simm.s32 @!p0 $0x13C00  }
0x2c: {  	[tilespmem:s24], [sflag:$0x1] =	stream.strided.gather @!p0 [hbm4b:s21+s22], $0x4000, s23, s22, $0x38;
	[tilespmem:$0x10000] =	vst v63  }
0x2d: {  	p0 =	sge.u32 s31, s6  }
.Ltmp2:
0x2e: {  	_ = 	snop;
	(pc) =	sbr.rel @p0 .LBB1_7-.Ltmp2, $1  }
0x2f: {  	_ =	sdelay $0x3  }
0x30: {  	s21 =	sand.u32 $0x4000, s11  }
0x31: {  	_ =	swait.ge [sflag:s5], $0x4000;
	s24 =	sshll.u32 s16, $0xE;
	s22 =	sor.u32 $0x8040, s21  }
0x32: {  	s23 =	sor.u32 $0x40, s21;
	[sflag:s5] =	ssyncset.done $0x0;
	s31 =	sand.u32 $0x4000, s24  }
0x33: {  	s24 =	simm.s32 $0x0;
	[sflag:s5] =	ssyncadd.s32 $0xFFFFC000;
	s21 =	sor.u32 $0x8000, s31  }
.LBB1_3:
0x34: {  	v0 =	vmov s23;
	_ =	sdelay $0x3  }
0x35: {  	s26 =	simm.s32 $0x0  }
0x36: {  	v6 =	vld.idx.msk [tilespmem:v0+s26+$0x30 ss:$0x1], $0xffff  }
0x37: {  	v7 =	vld.idx.msk [tilespmem:v0+s26+$0xFFFFFFC0 ss:$0x1], $0xffff  }
0x38: {  	v5 =	vld.idx.msk [tilespmem:v0+s26+$0xFFFFFFD0 ss:$0x1], $0xffff  }
0x39: {  	v4 =	vld.idx.msk [tilespmem:v0+s26+$0xFFFFFFE0 ss:$0x1], $0xffff  }
0x3a: {  	v3 =	vld.idx.msk [tilespmem:v0+s26+$0xFFFFFFF0 ss:$0x1], $0xffff  }
0x3b: {  	v1 =	vld.idx.msk [tilespmem:v0+s26+$0x0 ss:$0x1], $0xffff  }
0x3c: {  	v2 =	vld.idx.msk [tilespmem:v0+s26+$0x10 ss:$0x1], $0xffff;
	[tilespmem:s22+$0x30] =	vst v6  }
0x3d: {  	s25 =	simm.s32 $0x80;
	s27 =	simm.s32 $0x400;
	[tilespmem:s22+$0xFFFFFFC0] =	vst v7;
	v6 =	vld.idx.msk [tilespmem:v0+s26+$0x20 ss:$0x1], $0xffff;
	s26 =	smov.u32 s22  }
.LBB1_4:
0x3e: {  	p0 =	sne.s32 s27, $0x600;
	v7 =	vld.idx.msk [tilespmem:v0+s25+$0x30 ss:$0x1], $0xffff;
	[tilespmem:s26+$0xFFFFFFD0] =	vst v5  }
0x3f: {  	v8 =	vld.idx.msk [tilespmem:v0+s25+$0xFFFFFFC0 ss:$0x1], $0xffff;
	[tilespmem:s26+$0xFFFFFFE0] =	vst v4  }
0x40: {  	v5 =	vld.idx.msk [tilespmem:v0+s25+$0xFFFFFFD0 ss:$0x1], $0xffff;
	[tilespmem:s26+$0xFFFFFFF0] =	vst v3  }
.Ltmp3:
0x41: {  	v4 =	vld.idx.msk [tilespmem:v0+s25+$0xFFFFFFE0 ss:$0x1], $0xffff;
	[tilespmem:s26+$0x0] =	vst v1;
	(pc) =	sbr.rel @p0 .LBB1_4-.Ltmp3, $4  }
0x42: {  	v3 =	vld.idx.msk [tilespmem:v0+s25+$0xFFFFFFF0 ss:$0x1], $0xffff;
	[tilespmem:s26+$0x10] =	vst v2  }
0x43: {  	v1 =	vld.idx.msk [tilespmem:v0+s25+$0x0 ss:$0x1], $0xffff;
	[tilespmem:s26+$0x20] =	vst v6;
	s26 =	sadd.s32 $0x1000, s26  }
0x44: {  	v2 =	vld.idx.msk [tilespmem:v0+s25+$0x10 ss:$0x1], $0xffff;
	[tilespmem:s26+$0x30] =	vst v7  }
0x45: {  	[tilespmem:s26+$0xFFFFFFC0] =	vst v8;
	v6 =	vld.idx.msk [tilespmem:v0+s25+$0x20 ss:$0x1], $0xffff;
	s25 =	sshra.s32 s27, $0x2;
	s27 =	sadd.s32 $0x200, s27  }
0x46: {  	_ =	sdelay $0x2  }
0x47: {  	[tilespmem:s26+$0xFFFFFFD0] =	vst v5  }
0x48: {  	v56 =	vld.idx.msk [tilespmem:v0+s25+$0x30 ss:$0x1], $0xffff;
	[tilespmem:s26+$0xFFFFFFE0] =	vst v4  }
0x49: {  	v57 =	vld.idx.msk [tilespmem:v0+s25+$0xFFFFFFC0 ss:$0x1], $0xffff;
	[tilespmem:s26+$0xFFFFFFF0] =	vst v3  }
0x4a: {  	v58 =	vld.idx.msk [tilespmem:v0+s25+$0xFFFFFFD0 ss:$0x1], $0xffff;
	[tilespmem:s26+$0x0] =	vst v1  }
0x4b: {  	v59 =	vld.idx.msk [tilespmem:v0+s25+$0xFFFFFFE0 ss:$0x1], $0xffff;
	[tilespmem:s26+$0x10] =	vst v2  }
0x4c: {  	v60 =	vld.idx.msk [tilespmem:v0+s25+$0xFFFFFFF0 ss:$0x1], $0xffff;
	s31 =	sadd.s32 $0x1000, s26;
	[tilespmem:s26+$0x20] =	vst v6  }
0x4d: {  	v61 =	vld.idx.msk [tilespmem:v0+s25+$0x0 ss:$0x1], $0xffff;
	[tilespmem:s31+$0x30] =	vst v56  }
0x4e: {  	v62 =	vld.idx.msk [tilespmem:v0+s25+$0x10 ss:$0x1], $0xffff;
	s24 =	sadd.s32 $0x1, s24;
	[tilespmem:s31+$0xFFFFFFC0] =	vst v57  }
0x4f: {  	v63 =	vld.idx.msk [tilespmem:v0+s25+$0x20 ss:$0x1], $0xffff;
	p0 =	sne.s32 s24, $0x20;
	[tilespmem:s31+$0xFFFFFFD0] =	vst v58  }
.Ltmp4:
0x50: {  	[tilespmem:s31+$0xFFFFFFE0] =	vst v59;
	(pc) =	sbr.rel @p0 .LBB1_3-.Ltmp4, $4  }
0x51: {  	[tilespmem:s31+$0xFFFFFFF0] =	vst v60  }
0x52: {  	[tilespmem:s31+$0x0] =	vst v61  }
0x53: {  	[tilespmem:s31+$0x10] =	vst v62  }
0x54: {  	s22 =	sadd.s32 $0x80, s22;
	s23 =	sadd.s32 $0x200, s23;
	[tilespmem:s31+$0x20] =	vst v63  }
0x55: {  	s22 =	sshrl.u32 s20, $0x3  }
0x56: {  	s23 =	sshll.u32 s18, $0x3;
	s22 =	smul.u32 $0x13C00, s22  }
0x57: {  	s27 =	sshll.u32 s20, $0x7;
	s23 =	sand.u32 $0xFFFFFC00, s23  }
0x58: {  	s20 =	sand.u32 $0x380, s27;
	s22 =	sadd.s32 s22, s23  }
0x59: {  	s28 =	sand.u32 $0x7F, s18;
	s20 =	sor.u32 s20, s22  }
0x5a: {  	s18 =	sor.u32 s28, s20;
	s20 =	smulhi.u32 $0xCF6474A9, s20  }
0x5b: {  	s29 =	smulhi.u32 $0xCF6474A9, s18  }
0x5c: {  	s19 =	smul.u32 $0x4F000, s19  }
0x5d: {  	s17 =	smul.u32 $0x9E00, s17;
	s20 =	sshrl.u32 s20, $0xD;
	s22 =	sshrl.u32 s29, $0xD  }
0x5e: {  	s20 =	sand.u32 $0x1F, s20;
	s22 =	smul.u32 $0x2780, s22  }
0x5f: {  	s20 =	smul.u32 $0x4F0, s20  }
.Ltmp5:
0x60: {  	s19 =	sadd.s32 s7, s19;
	s18 =	ssub.s32 s18, s22;
	(pc) =	sbr.rel .LBB1_7-.Ltmp5, $4  }
0x61: {  	s17 =	sadd.s32 s17, s19;
	s30 =	sand.u32 $0x7, s18  }
0x62: {  	s17 =	sadd.s32 s20, s17;
	s18 =	sshrl.u32 s18, $0x3;
	s19 =	sshll.u32 s30, $0x12  }
0x63: {  	s17 =	sadd.s32 s18, s17;
	s31 =	sor.u32 $0x400, s19  }
0x64: {  	[hbm4b:s17+s31] =	stream.strided.scatter [tilespmem:s21], [sflag:$0x2], $0x4000, s10, s31, $0x38;
	[tilespmem:$0x10000] =	vst v63  }
.LBB1_8:
0x65: {  	_ =	sfence.sel $0x180000  }
0x66: {  	s2 =	simm.s32 $0x1;
	[bflag:$0x0] =	sbarrier.arrive $0xFFFF  }
0x67: {  	s31 =	simm.s32 $0x2;
	[sflag:s2] =	ssyncpa.u1 $0x1  }
0x68: {  	[sflag:s31] =	ssyncpa.u1 $0x1  }
0x69: {  	p0 =	sne.s32 s0, $0x0;
	_ =	strace $0x90000047  }
0x6a: {  	s0 =	sadd.s32 @!p0 $0x100000, s1;
	[bflag:$0x2] =	sbarrier.arrive $0xFFFF  }
0x6b: {  	[sflag:s0] =	ssyncadd.tile.s32 @!p0 $0x1;
	_ =	shalt  }
.Lfunc_end1:
_tile_overlayer_lowered:
.L_overlay_start_2:
0x6c: {  	(tag) =	ssettag $0x2  }
0x6d: {  	s0 =	rddreg [dreg:$0x0];
	s2 =	stileid.u32  }
0x6e: {  	s1 =	rddreg [dreg:$0x1];
	p0 =	sne.s32 s2, $0x0  }
0x6f: {  	s3 =	rddreg [dreg:$0x2];
	[bflag:$0x3] =	sbarrier.arrive $0xFFFF;
	s2 =	simm.s32 @!p0 $0x1C01  }
0x70: {  	[timem:s3], [sflag:s2] =	dma.local @!p0 [hbm:s0], s1  }
0x71: {  	s0 =	simm.s32 @!p0 $0x1  }
0x72: {  	_ =	swait.ge @!p0 [sflag:s0], s1  }
0x73: {  	s1 =	ssub.s32 @!p0 $0x0, s1;
	[sflag:s0] =	ssyncset.done @!p0 $0x0  }
0x74: {  	[sflag:s0] =	ssyncadd.s32 @!p0 s1  }
0x75: {  	[bflag:$0x3] =	sbarrier.arrive $0xFFFF  }
0x76: {  	_ =	shalt  }

// kernel: sparse-core-data-format-call.cloned.1.call-start
scs
called_computation_lowered:
.L_overlay_start_0:
0x0: {  	s2 =	sld [smem:$0x3FD9]  }
0x1: {  	s3 =	sld [smem:$0x3FFE];
	_ =	sdelay $0x1  }
0x2: {  	s1 =	srdreg.scid  }
0x3: {  	s0 =	sand.u32 $0x1, s1  }
0x4: {  	s18 =	sshll.u32 s0, $0xA;
	s2 =	sadd.s32 s3, s2  }
0x5: {  	s2 =	sadd.s32 s2, s18  }
0x6: {  	[smem:$0x3FBE] =	sst s2  }
0x7: {  	_ = 	snop  }
0x8: {  	(tm) =	ssettm $0x1  }
0x9: {  	s19 =	sld [smem:$0x3FFB];
	_ =	sdelay $0x3  }
0xa: {  	_ =	strace s19  }
0xb: {  	s2 =	sld [smem:$0x3FFC];
	_ =	sdelay $0x3  }
0xc: {  	_ =	strace s2  }
0xd: {  	s2 =	sld [smem:$0x3FFD];
	_ =	sdelay $0x3  }
0xe: {  	_ =	strace s2  }
0xf: {  	_ =	strace $0x8FFFFFFF  }
0x10: {  	s20 =	sld [smem:$0x3FDB];
	_ =	sdelay $0x1  }
0x11: {  	s21 =	simm.s32 $_scs_section_size  }
0x12: {  	s4 =	simm.s32 $_size__tile_overlayer_lowered;
	s5 =	simm.s32 $_tile_overlayer_lowered  }
0x13: {  	s6 =	simm.s32 $0x1BFF;
	s22 =	sshll.u32 s5, $0x1;
	s3 =	sadd.s32 s21, s20  }
0x14: {  	s23 =	simm.s32 $0x0;
	s4 =	sshll.u32 s4, $0x1;
	s5 =	sadd.s32 s22, s3  }
0x15: {  	[timem:s23], [sflag:s6] =	dma.local [hbm:s5], s4  }
0x16: {  	_ =	swait.ge [sflag:s6], s4  }
0x17: {  	s4 =	ssub.s32 $0x0, s4;
	[sflag:s6] =	ssyncset.done $0x0  }
0x18: {  	[sflag:s6] =	ssyncadd.s32 s4;
	_ =	sdelay $0x1  }
0x19: {  	s24 =	simm.s32 $0x1B8B  }
0x1a: {  	_ =	swait.ge [sflag:s24], $0x1  }
0x1b: {  	[sflag:s24] =	ssyncset.done $0x0  }
0x1c: {  	[sflag:s24] =	ssyncadd.s32 $0xFFFFFFFF  }
0x1d: {  	s4 =	sld [smem:$0x0]  }
0x1e: {  	s5 =	sand.u32 $0xFFFFFFFE, s1  }
0x1f: {  	p0 =	sne.s32 s1, s5  }
0x20: {  	s5 =	sshll.u32 @p0 s5, $0xE  }
0x21: {  	s5 =	sadd.s32 @p0 $0x11B8D, s5;
	s6 =	sshll.u32 @p0 s4, $0x11  }
0x22: {  	s5 =	sor.u32 @p0 s6, s5  }
0x23: {  	[sflag:s5] =	ssyncadd.remote.s32 @p0 $0x1;
	_ =	sdelay $0x1  }
0x24: {  	s5 =	simm.s32 @p0 $0x1B8D  }
0x25: {  	_ =	swait.eq @p0 [sflag:s5], $0x1  }
0x26: {  	[sflag:s5] =	ssyncadd.s32 @p0 $0xFFFFFFFF  }
0x27: {  	s6 =	sshll.u32 @!p0 s1, $0xE  }
0x28: {  	s6 =	sor.u32 @!p0 $0x4000, s6;
	s5 =	simm.s32 @!p0 $0x1B8D  }
0x29: {  	s4 =	sshll.u32 @!p0 s4, $0x11;
	s6 =	sadd.s32 @!p0 $0x11B8D, s6;
	_ =	swait.eq @!p0 [sflag:s5], $0x1  }
0x2a: {  	s4 =	sor.u32 @!p0 s4, s6;
	[sflag:s5] =	ssyncadd.s32 @!p0 $0xFFFFFFFF  }
0x2b: {  	s26 =	simm.s32 $0x1B8E;
	s25 =	sld [smem:$0x3FFE];
	[sflag:s4] =	ssyncadd.remote.s32 @!p0 $0x1  }
0x2c: {  	s27 =	simm.s32 $execute0_lowered;
	[smem:$0x3FD2] =	sst s26  }
0x2d: {  	s5 =	sshll.u32 s27, $0x1;
	_ =	strace $0x8000004C;
	[dreg:$0x1] =	wrdreg $0xFFFFFFFF  }
0x2e: {  	s28 =	simm.s32 $_size_execute0_lowered;
	s3 =	sadd.s32 s3, s5;
	[dreg:$0x0] =	wrdreg $0x0  }
0x2f: {  	s5 =	sshll.u32 s28, $0x1;
	[dreg:$0x2] =	wrdreg s3  }
0x30: {  	[dreg:$0x3] =	wrdreg s5  }
0x31: {  	[dreg:$0x4] =	wrdreg $0xC0  }
0x32: {  	_ =	task [dreg:s23], $0x5FFFF  }
0x33: {  	[dreg:$0x1] =	wrdreg $0xFFFFFFFF  }
0x34: {  	[dreg:$0x0] =	wrdreg $0x60  }
0x35: {  	[dreg:$0x2] =	wrdreg s25  }
0x36: {  	[dreg:$0x3] =	wrdreg $0x9  }
0x37: {  	_ =	task.clear_ibuf [dreg:s23], $0x4FFFF;
	_ =	strace $0x9000004C  }
0x38: {  	s29 =	simm.s32 $0x9;
	_ =	strace $0x8000004E  }
0x39: {  	_ =	swait.ge [sflag:s29], $0x1  }
0x3a: {  	[sflag:s29] =	ssyncadd.s32 $0xFFFFFFFF  }
0x3b: {  	_ =	strace $0x9000004E  }
0x3c: {  	_ =	sfence  }
0x3d: {  	s30 =	sld [smem:$0x0];
	_ =	sdelay $0x2  }
0x3e: {  	s31 =	sshll.u32 s1, $0xD;
	s1 =	sshrl.u32 s1, $0x2  }
0x3f: {  	s4 =	sand.u32 $0x4000, s31;
	s1 =	sadd.s32 s1, s30  }
0x40: {  	s0 =	sor.u32 s4, s0;
	s1 =	sshll.u32 s1, $0x11  }
0x41: {  	s0 =	sor.u32 s1, s0  }
0x42: {  	s0 =	sadd.s32 $0x8F2B, s0  }
0x43: {  	[sflag:s0] =	ssyncadd.remote.s32 $0x1  }
0x44: {  	_ =	sfence.sel $0xFFFF  }
0x45: {  	[dreg:$0x0] =	wrdreg $0xFFFFFFFF;
	(pc) =	sbr.abs _section_cstart, $3  }
0x46: {  	[dreg:$0x1] =	wrdreg $0xFFFFFFFF  }
0x47: {  	_ =	task.clear_ibuf [dreg:s23], $0x2FFFF;
	_ =	strace $0x9FFFFFFF  }
0x48: {  	(tm) =	ssettm $0x7FFFFFFF  }
0x49: {  	_ =	shalt  }
tec
execute0_lowered:
.L_overlay_start_1:
0x0: {  	(tag) =	ssettag $0x1  }
0x1: {  	s0 =	srdreg.scid  }
0x2: {  	s6 =	rddreg [dreg:$0x0];
	s7 =	simm.s32 $0x1;
	s1 =	sshll.u32 s0, $0x4  }
0x3: {  	s8 =	simm.s32 $0x2;
	s0 =	stileid.u32;
	s1 =	sand.u32 $0x10, s1  }
0x4: {  	s13 =	simm.s32 $0x0;
	s12 =	simm.s32 $0x0;
	s1 =	sor.u32 s0, s1  }
0x5: {  	s10 =	simm.s32 $0x0;
	s3 =	sadd.s32 $0x2A9600, s6;
	s2 =	sshll.u32 s1, $0x8  }
0x6: {  	s11 =	simm.s32 $0x0;
	s6 =	sadd.s32 $0x51A600, s6;
	s5 =	ssub.s32 $0x4E200, s2  }
.Ltmp0:
0x7: {  	s1 =	rddreg [dreg:$0x1];
	s4 =	sand.u32 $0x1F00, s5;
	(pc) =	sbr.rel .LBB1_1-.Ltmp0, $4  }
0x8: {  	_ =	strace $0x8000004D;
	s9 =	smov.u32 s2;
	p0 =	sne.s32 s4, $0x0  }
0x9: {  	s5 =	sshrl.u32 s5, $0xD;
	s4 =	simm.s32 $0x1;
	s7 =	simm.s32 @!p0 $0x0  }
0xa: {  	[sflag:s4] =	ssyncpa.u1 $0x0;
	p0 =	por $0x0, $0x0;
	s5 =	sadd.s32 s7, s5  }
0xb: {  	[sflag:s8] =	ssyncpa.u1 $0x0;
	s8 =	simm.s32 $0x80;
	s7 =	sadd.s32 $0x1, s5  }
.LBB1_4:
0xc: {  	_ =	sdelay $0x3  }
0xd: {  	s21 =	sor.u32 s24, s23;
	v47 =	vld.idx.msk [tilespmem:v0+s16+$0x470 ss:$0x1], $0xffff  }
0xe: {  	v57 =	vld.idx.msk [tilespmem:v0+s21+$0x410 ss:$0x1], $0xffff  }
0xf: {  	v58 =	vld.idx.msk [tilespmem:v0+s21+$0x420 ss:$0x1], $0xffff  }
0x10: {  	[tilespmem:s18+$0x1860 ss:$0x41] =	vst.msk $0xffff, v8;
	v59 =	vld.idx.msk [tilespmem:v0+s21+$0x430 ss:$0x1], $0xffff  }
0x11: {  	[tilespmem:s18+$0x1C70 ss:$0x41] =	vst.msk $0xffff, v7;
	v60 =	vld.idx.msk [tilespmem:v0+s21+$0x440 ss:$0x1], $0xffff  }
0x12: {  	[tilespmem:s18+$0x2490 ss:$0x41] =	vst.msk $0xffff, v1;
	s22 =	sand.u32 $0x3B00, s21;
	v61 =	vld.idx.msk [tilespmem:v0+s21+$0x450 ss:$0x1], $0xffff  }
0x13: {  	s20 =	sand.u32 $0x80, s20;
	[tilespmem:s18+$0x28A0 ss:$0x41] =	vst.msk $0xffff, v2;
	v62 =	vld.idx.msk [tilespmem:v0+s21+$0x460 ss:$0x1], $0xffff;
	s15 =	sadd.s32 s22, s15  }
0x14: {  	[tilespmem:s18+$0x2CB0 ss:$0x41] =	vst.msk $0xffff, v3;
	v63 =	vld.idx.msk [tilespmem:v0+s21+$0x470 ss:$0x1], $0xffff;
	s15 =	sadd.s32 s20, s15  }
0x15: {  	[tilespmem:s18+$0x30C0 ss:$0x41] =	vst.msk $0xffff, v4;
	v48 =	vld [tilespmem:s15+$0x400]  }
0x16: {  	[tilespmem:s18+$0x34D0 ss:$0x41] =	vst.msk $0xffff, v5;
	v49 =	vld [tilespmem:s15+$0x0]  }
0x17: {  	s25 =	sshra.s32 s19, $0x2;
	[tilespmem:s18+$0x38E0 ss:$0x41] =	vst.msk $0xffff, v6;
	v50 =	vld [tilespmem:s15+$0x10]  }
0x18: {  	s16 =	sadd.s32 s25, s17;
	v51 =	vld [tilespmem:s15+$0x20];
	[tilespmem:s18+$0x3CF0 ss:$0x41] =	vst.msk $0xffff, v47  }
0x19: {  	v52 =	vld [tilespmem:s15+$0x30];
	[tilespmem:s16+$0x2490 ss:$0x41] =	vst.msk $0xffff, v57  }
0x1a: {  	v53 =	vld [tilespmem:s15+$0x40];
	[tilespmem:s16+$0x28A0 ss:$0x41] =	vst.msk $0xffff, v58  }
0x1b: {  	v54 =	vld [tilespmem:s15+$0x50];
	[tilespmem:s16+$0x2CB0 ss:$0x41] =	vst.msk $0xffff, v59  }
0x1c: {  	s13 =	sshll.u32 s13, $0x7;
	s26 =	sshll.u32 s12, $0x3;
	v55 =	vld [tilespmem:s15+$0x60];
	[tilespmem:s16+$0x30C0 ss:$0x41] =	vst.msk $0xffff, v60  }
0x1d: {  	s27 =	sand.u32 $0xFFFFFC00, s13;
	v56 =	vld [tilespmem:s15+$0x70];
	s15 =	sand.u32 $0xFFFFFC00, s26;
	[tilespmem:s16+$0x34D0 ss:$0x41] =	vst.msk $0xffff, v61  }
0x1e: {  	s13 =	sand.u32 $0x380, s13;
	s15 =	sadd.s32 s15, s27;
	[tilespmem:s16+$0x38E0 ss:$0x41] =	vst.msk $0xffff, v62  }
0x1f: {  	s13 =	sor.u32 s13, s15;
	[tilespmem:s16+$0x3CF0 ss:$0x41] =	vst.msk $0xffff, v63  }
0x20: {  	s13 =	sshrl.u32 s13, $0x7;
	[tilespmem:s16+$0x2080 ss:$0x41] =	vst.msk $0xffff, v48  }
0x21: {  	s28 =	smulhi.u32 $0x1A36E2F, s13;
	[tilespmem:s16+$0x0 ss:$0x41] =	vst.msk $0xffff, v49  }
0x22: {  	[tilespmem:s16+$0x410 ss:$0x41] =	vst.msk $0xffff, v50  }
0x23: {  	[tilespmem:s16+$0x820 ss:$0x41] =	vst.msk $0xffff, v51;
	s15 =	sshrl.u32 s28, $0xB  }
0x24: {  	[tilespmem:s16+$0xC30 ss:$0x41] =	vst.msk $0xffff, v52;
	s15 =	smul.u32 $0x4E200, s15  }
0x25: {  	s29 =	sshrl.u32 s12, $0x3;
	[tilespmem:s16+$0x1040 ss:$0x41] =	vst.msk $0xffff, v53  }
0x26: {  	s31 =	sand.u32 $0x7, s12;
	s30 =	sand.u32 $0xF, s29;
	[tilespmem:s16+$0x1450 ss:$0x41] =	vst.msk $0xffff, v54;
	s13 =	ssub.s32 s13, s15  }
0x27: {  	s12 =	sshll.u32 s31, $0x12;
	[tilespmem:s16+$0x1860 ss:$0x41] =	vst.msk $0xffff, v55;
	s15 =	sadd.s32 s6, s30;
	s13 =	sshll.u32 s13, $0x4  }
0x28: {  	s12 =	sor.u32 $0x40, s12;
	[tilespmem:s16+$0x1C70 ss:$0x41] =	vst.msk $0xffff, v56;
	s13 =	sadd.s32 s13, s15  }
0x29: {  	[hbm4b:s13+s12] =	stream.strided.scatter [tilespmem:s14], [sflag:$0x2], $0x4000, s8, s12, $0x18;
	[tilespmem:$0x10200] =	vst v63  }
.LBB1_5:
0x2a: {  	s14 =	sadd.s32 $0x2000, s9  }
0x2b: {  	s12 =	sadd.s32 $0x40, s10;
	s16 =	smov.u32 s10;
	p2 =	sgt.s32 s14, $0x4E1FF  }
0x2c: {  	s16 =	smov.u32 @p2 s12  }
0x2d: {  	s14 =	smov.u32 @p2 s2;
	p2 =	sgt.s32 s16, $0x3F  }
0x2e: {  	s16 =	simm.s32 @p2 $0x0;
	p2 =	sne.s32 s11, s7  }
.Ltmp1:
0x2f: {  	p1 =	slt.u32 s11, $0x2;
	(pc) =	sbr.rel @!p2 .LBB1_6-.Ltmp1, $4  }
0x30: {  	s15 =	simm.s32 @!p1 $0x2  }
0x31: {  	s13 =	smov.u32 s9;
	p0 =	por !p0, !p0;
	_ =	swait.ge @!p1 [sflag:s15], $0x4000  }
0x32: {  	s12 =	smov.u32 s10;
	[sflag:s15] =	ssyncset.done @!p1 $0x0;
	s9 =	smov.u32 s14  }
0x33: {  	s11 =	sadd.s32 $0x1, s11;
	[sflag:s15] =	ssyncadd.s32 @!p1 $0xFFFFC000;
	s10 =	smov.u32 s16  }
.LBB1_1:
0x34: {  	p1 =	sge.u32 s11, s5  }
0x35: {  	s14 =	sshrl.u32 @!p1 s10, $0x3  }
0x36: {  	s15 =	sshll.u32 @!p1 s9, $0x3;
	s14 =	smul.u32 @!p1 $0x271000, s14  }
0x37: {  	s16 =	sshll.u32 @!p1 s10, $0x7;
	s15 =	sand.u32 @!p1 $0xFFFFFC00, s15  }
0x38: {  	s14 =	sadd.s32 @!p1 s14, s15;
	s15 =	sand.u32 @!p1 $0x380, s16  }
0x39: {  	s16 =	sand.u32 @!p1 $0x7F, s9;
	s14 =	sor.u32 @!p1 s15, s14  }
0x3a: {  	s15 =	sor.u32 @!p1 s16, s14  }
0x3b: {  	s16 =	smulhi.u32 @!p1 $0xD1B71759, s15;
	_ =	sdelay $0x1  }
0x3c: {  	s14 =	smulhi.u32 @!p1 $0xD1B71759, s14;
	s16 =	sshrl.u32 @!p1 s16, $0x12  }
0x3d: {  	s16 =	smul.u32 @!p1 $0x4E200, s16  }
0x3e: {  	s31 =	sadd.s32 $0xFFFFFFFF, s11;
	s17 =	sxor.u32 @!p1 $0xFFFFFFFF, s11;
	s14 =	sshrl.u32 @!p1 s14, $0x12  }
0x3f: {  	s17 =	sshll.u32 @!p1 s17, $0xE;
	s14 =	sand.u32 @!p1 $0x3F, s14;
	s15 =	ssub.s32 @!p1 s15, s16  }
0x40: {  	s14 =	smul.u32 @!p1 $0x9C40, s14;
	s16 =	sshrl.u32 @!p1 s15, $0x3;
	s15 =	sand.u32 @!p1 $0x7, s15  }
0x41: {  	s17 =	sand.u32 @!p1 $0x4000, s17;
	s16 =	sadd.s32 @!p1 s3, s16;
	s15 =	sshll.u32 @!p1 s15, $0x12  }
0x42: {  	s14 =	sadd.s32 @!p1 s14, s16;
	s15 =	sor.u32 @!p1 $0x800, s15;
	s16 =	simm.s32 @!p1 $0x271000  }
0x43: {  	[tilespmem:s17], [sflag:$0x1] =	stream.strided.gather @!p1 [hbm4b:s14+s15], $0x4000, s16, s15, $0x38;
	[tilespmem:$0x10200] =	vst v63  }
0x44: {  	p1 =	sge.u32 s31, s5  }
.Ltmp2:
0x45: {  	_ = 	snop;
	(pc) =	sbr.rel @p1 .LBB1_5-.Ltmp2, $1  }
0x46: {  	_ =	sdelay $0x3  }
0x47: {  	s17 =	simm.s32 $0x0  }
0x48: {  	s16 =	sand.u32 $0x3800, s17;
	s18 =	sand.u32 $0x380, s17  }
0x49: {  	s14 =	sand.u32 $0x1, s11;
	s16 =	sor.u32 s18, s16  }
0x4a: {  	_ =	swait.ge [sflag:s4], $0x4000;
	s15 =	sshll.u32 s14, $0xE;
	s18 =	sand.u32 $0x3B00, s16  }
0x4b: {  	[sflag:s4] =	ssyncset.done $0x0;
	s17 =	sand.u32 $0x80, s17;
	s18 =	sadd.s32 s18, s15  }
0x4c: {  	[sflag:s4] =	ssyncadd.s32 $0xFFFFC000;
	s20 =	sadd.s32 s17, s18  }
0x4d: {  	v4 =	vld [tilespmem:s20+$0x400]  }
0x4e: {  	s19 =	simm.s32 $0x1;
	v5 =	vld [tilespmem:s20+$0x0]  }
0x4f: {  	s19 =	simm.s32 @!p0 $0x0;
	v6 =	vld [tilespmem:s20+$0x10]  }
0x50: {  	v0 =	vmov s15;
	s31 =	smul.u32 $0x10400, s19;
	v7 =	vld [tilespmem:s20+$0x20]  }
0x51: {  	v9 =	vld [tilespmem:s20+$0x30]  }
0x52: {  	s17 =	sshrl.u32 s31, $0x2;
	v10 =	vld [tilespmem:s20+$0x40]  }
0x53: {  	s17 =	sor.u32 $0x8000, s17;
	v11 =	vld [tilespmem:s20+$0x50]  }
0x54: {  	v8 =	vld [tilespmem:s20+$0x60];
	s18 =	sadd.s32 $0x0, s17  }
0x55: {  	v1 =	vld.idx.msk [tilespmem:v0+s16+$0x410 ss:$0x1], $0xffff;
	[tilespmem:s18+$0x2080 ss:$0x41] =	vst.msk $0xffff, v4  }
0x56: {  	v2 =	vld.idx.msk [tilespmem:v0+s16+$0x420 ss:$0x1], $0xffff;
	[tilespmem:s18+$0x0 ss:$0x41] =	vst.msk $0xffff, v5  }
0x57: {  	v3 =	vld.idx.msk [tilespmem:v0+s16+$0x430 ss:$0x1], $0xffff;
	[tilespmem:s18+$0x410 ss:$0x41] =	vst.msk $0xffff, v6  }
0x58: {  	s14 =	smul.u32 $0x10400, s14;
	[tilespmem:s18+$0x820 ss:$0x41] =	vst.msk $0xffff, v7;
	v7 =	vld [tilespmem:s20+$0x70]  }
0x59: {  	s21 =	simm.s32 $0x100;
	s22 =	simm.s32 $0x8;
	[tilespmem:s18+$0xC30 ss:$0x41] =	vst.msk $0xffff, v9;
	v4 =	vld.idx.msk [tilespmem:v0+s16+$0x440 ss:$0x1], $0xffff  }
0x5a: {  	s23 =	sand.u32 $0x3800, s21;
	s14 =	sshrl.u32 s14, $0x2;
	[tilespmem:s18+$0x1040 ss:$0x41] =	vst.msk $0xffff, v10;
	v5 =	vld.idx.msk [tilespmem:v0+s16+$0x450 ss:$0x1], $0xffff;
	s20 =	simm.s32 $0x80  }
0x5b: {  	s19 =	simm.s32 $0x4;
	s14 =	sor.u32 $0x8000, s14;
	[tilespmem:s18+$0x1450 ss:$0x41] =	vst.msk $0xffff, v11;
	v6 =	vld.idx.msk [tilespmem:v0+s16+$0x460 ss:$0x1], $0xffff;
	s24 =	sand.u32 $0x380, s20  }
.LBB1_3:
0x5c: {  	p1 =	sne.s32 s22, $0xFC;
	[tilespmem:s18+$0x1860 ss:$0x41] =	vst.msk $0xffff, v8;
	v8 =	vld.idx.msk [tilespmem:v0+s16+$0x470 ss:$0x1], $0xffff;
	s16 =	sor.u32 s24, s23  }
0x5d: {  	s23 =	sand.u32 $0x3B00, s16;
	v9 =	vld.idx.msk [tilespmem:v0+s16+$0x410 ss:$0x1], $0xffff;
	[tilespmem:s18+$0x1C70 ss:$0x41] =	vst.msk $0xffff, v7  }
0x5e: {  	s24 =	sand.u32 $0x80, s20;
	s23 =	sadd.s32 s23, s15;
	v7 =	vld.idx.msk [tilespmem:v0+s16+$0x420 ss:$0x1], $0xffff;
	[tilespmem:s18+$0x2490 ss:$0x41] =	vst.msk $0xffff, v1  }
0x5f: {  	s23 =	sadd.s32 s24, s23;
	v10 =	vld.idx.msk [tilespmem:v0+s16+$0x430 ss:$0x1], $0xffff;
	[tilespmem:s18+$0x28A0 ss:$0x41] =	vst.msk $0xffff, v2  }
0x60: {  	v11 =	vld [tilespmem:s23+$0x400];
	[tilespmem:s18+$0x2CB0 ss:$0x41] =	vst.msk $0xffff, v3  }
0x61: {  	v12 =	vld [tilespmem:s23+$0x0];
	[tilespmem:s18+$0x30C0 ss:$0x41] =	vst.msk $0xffff, v4  }
0x62: {  	v4 =	vld [tilespmem:s23+$0x10];
	[tilespmem:s18+$0x34D0 ss:$0x41] =	vst.msk $0xffff, v5  }
0x63: {  	s24 =	sshra.s32 s19, $0x2;
	s19 =	smov.u32 s22;
	v1 =	vmov v9;
	v5 =	vld [tilespmem:s23+$0x20];
	[tilespmem:s18+$0x38E0 ss:$0x41] =	vst.msk $0xffff, v6  }
0x64: {  	v2 =	vmov v7;
	v6 =	vld [tilespmem:s23+$0x30];
	[tilespmem:s18+$0x3CF0 ss:$0x41] =	vst.msk $0xffff, v8;
	s18 =	sadd.s32 s24, s17  }
0x65: {  	v3 =	vmov v10;
	v9 =	vld [tilespmem:s23+$0x40];
	[tilespmem:s18+$0x2080 ss:$0x41] =	vst.msk $0xffff, v11  }
0x66: {  	[tilespmem:s18+$0x0 ss:$0x41] =	vst.msk $0xffff, v12;
	v10 =	vld [tilespmem:s23+$0x50]  }
.Ltmp3:
0x67: {  	[tilespmem:s18+$0x410 ss:$0x41] =	vst.msk $0xffff, v4;
	v8 =	vld [tilespmem:s23+$0x60];
	(pc) =	sbr.rel @p1 .LBB1_3-.Ltmp3, $4  }
0x68: {  	[tilespmem:s18+$0x820 ss:$0x41] =	vst.msk $0xffff, v5;
	v7 =	vld [tilespmem:s23+$0x70]  }
0x69: {  	[tilespmem:s18+$0xC30 ss:$0x41] =	vst.msk $0xffff, v6;
	v4 =	vld.idx.msk [tilespmem:v0+s16+$0x440 ss:$0x1], $0xffff  }
0x6a: {  	s20 =	sadd.s32 $0x80, s20;
	s21 =	sadd.s32 $0x100, s21;
	[tilespmem:s18+$0x1040 ss:$0x41] =	vst.msk $0xffff, v9;
	v5 =	vld.idx.msk [tilespmem:v0+s16+$0x450 ss:$0x1], $0xffff  }
0x6b: {  	s22 =	sadd.s32 $0x4, s22;
	s24 =	sand.u32 $0x380, s20;
	s23 =	sand.u32 $0x3800, s21;
	[tilespmem:s18+$0x1450 ss:$0x41] =	vst.msk $0xffff, v10;
	v6 =	vld.idx.msk [tilespmem:v0+s16+$0x460 ss:$0x1], $0xffff  }
.Ltmp4:
0x6c: {  	_ = 	snop;
	(pc) =	sbr.rel .LBB1_4-.Ltmp4, $1  }
0x6d: {  	_ =	sdelay $0x3  }
.LBB1_6:
0x6e: {  	_ =	sfence.sel $0x180000  }
0x6f: {  	s2 =	simm.s32 $0x1;
	[bflag:$0x0] =	sbarrier.arrive $0xFFFF  }
0x70: {  	s31 =	simm.s32 $0x2;
	[sflag:s2] =	ssyncpa.u1 $0x1  }
0x71: {  	[sflag:s31] =	ssyncpa.u1 $0x1  }
0x72: {  	p0 =	sne.s32 s0, $0x0;
	_ =	strace $0x9000004D  }
0x73: {  	s0 =	sadd.s32 @!p0 $0x100000, s1;
	[bflag:$0x2] =	sbarrier.arrive $0xFFFF  }
0x74: {  	[sflag:s0] =	ssyncadd.tile.s32 @!p0 $0x1;
	_ =	shalt  }
.Lfunc_end1:
_tile_overlayer_lowered:
.L_overlay_start_2:
0x75: {  	(tag) =	ssettag $0x2  }
0x76: {  	s0 =	rddreg [dreg:$0x0];
	s2 =	stileid.u32  }
0x77: {  	s1 =	rddreg [dreg:$0x1];
	p0 =	sne.s32 s2, $0x0  }
0x78: {  	s3 =	rddreg [dreg:$0x2];
	[bflag:$0x3] =	sbarrier.arrive $0xFFFF;
	s2 =	simm.s32 @!p0 $0x1C01  }
0x79: {  	[timem:s3], [sflag:s2] =	dma.local @!p0 [hbm:s0], s1  }
0x7a: {  	s0 =	simm.s32 @!p0 $0x1  }
0x7b: {  	_ =	swait.ge @!p0 [sflag:s0], s1  }
0x7c: {  	s1 =	ssub.s32 @!p0 $0x0, s1;
	[sflag:s0] =	ssyncset.done @!p0 $0x0  }
0x7d: {  	[sflag:s0] =	ssyncadd.s32 @!p0 s1  }
0x7e: {  	[bflag:$0x3] =	sbarrier.arrive $0xFFFF  }
0x7f: {  	_ =	shalt  }

</sc_bundles>
